<compile_context>
chip_gen: v7x
topology: tpu7x:2x2x1
jax: 0.10.2.dev20260603
libtpu: 0.0.44.dev20260713+nightly
codegen_flags: <defaults>
</compile_context>

<pallas_src>
import functools

import jax
import jax.numpy as jnp
from jax import lax
from jax.experimental import pallas as pl
from jax.experimental.pallas import tpu as pltpu
from jax.experimental.pallas import tpu_sc as plsc

_NC, _NS = 2, 16
_NW = _NC * _NS
_GB = 10
_GBX = 10
_NJ = 6


def _mlp_msg_body(E, BE, ef_ref, xs_ref, W1_ref, b1_ref, W2_ref, b2_ref,
                  R_ref, S_ref, F_ref, out_ref):
    hid = jnp.maximum(
        jnp.dot(ef_ref[...].astype(jnp.bfloat16), W1_ref[...],
                preferred_element_type=jnp.float32) + b1_ref[...], 0.0)
    we = jnp.dot(hid.astype(jnp.bfloat16), W2_ref[...],
                 preferred_element_type=jnp.float32) + b2_ref[...]
    xr = jnp.dot(xs_ref[...].astype(jnp.bfloat16), R_ref[...],
                 preferred_element_type=jnp.float32)
    msg = jnp.dot((xr * we).astype(jnp.bfloat16), S_ref[...],
                  preferred_element_type=jnp.float32)
    row = pl.program_id(0) * BE + lax.broadcasted_iota(jnp.int32, (BE, 1), 0)
    valid = (row < E).astype(jnp.float32)
    out_ref[...] = (msg + F_ref[...]) * valid


def _xs_gather_body(n_groups, rows_pt, nf_h, src3, out, idx_v, buf_v, sem):
    cid = lax.axis_index("c")
    sid = lax.axis_index("s")
    wid = sid * _NC + cid
    pltpu.sync_copy(src3.at[wid], idx_v)

    def body(g, carry):
        handles = [
            pltpu.async_copy(nf_h.at[idx_v.at[g * _GBX + b]],
                             buf_v.at[pl.ds(b * 128, 128)], sem)
            for b in range(_GBX)
        ]
        for hnd in handles:
            hnd.wait()
        pltpu.sync_copy(
            buf_v, out.at[pl.ds(wid * rows_pt + g * (_GBX * 128), _GBX * 128)])
        return carry

    lax.fori_loop(0, n_groups, body, 0)


def _agg_body(n_groups, zrows_pt, rows_pt, nj, msgv, dst3, zrows, eidx3,
              src_h, dst_h, ef_h, out_s, out_d, out_e, idx_v, val_v, acc_sh,
              eidx_v, sidx_v, didx_v, efx_v, sbuf_v, dbuf_v, sem_i, sem_s,
              sem_r):
    cid = lax.axis_index("c")
    sid = lax.axis_index("s")
    wid = sid * _NC + cid
    pltpu.sync_copy(eidx3.at[sid], eidx_v)
    ih = []
    for j in range(nj):
        ih.append(pltpu.async_copy(src_h.at[eidx_v.at[j]], sidx_v.at[j], sem_i))
        ih.append(pltpu.async_copy(dst_h.at[eidx_v.at[j]], didx_v.at[j], sem_i))
        ih.append(pltpu.async_copy(ef_h.at[eidx_v.at[j]], efx_v.at[j], sem_i))
    pltpu.sync_copy(zrows, acc_sh.at[pl.ds(sid * zrows_pt, zrows_pt)])
    pltpu.sync_copy(dst3.at[wid], idx_v)
    plsc.subcore_barrier()

    def body(g, carry):
        pltpu.sync_copy(
            msgv.at[pl.ds(wid * rows_pt + g * (_GB * 128), _GB * 128)], val_v)
        handles = [
            pltpu.async_copy(val_v.at[pl.ds(b * 128, 128)],
                             acc_sh.at[idx_v.at[g * _GB + b]], sem_s, add=True)
            for b in range(_GB)
        ]
        for hnd in handles:
            hnd.wait()
        return carry

    lax.fori_loop(0, n_groups, body, 0)
    for hnd in ih:
        hnd.wait()
    plsc.subcore_barrier()

    for j in range(nj):
        h1 = pltpu.async_copy(acc_sh.at[sidx_v.at[j]], sbuf_v, sem_r)
        h2 = pltpu.async_copy(acc_sh.at[didx_v.at[j]], dbuf_v, sem_r)
        h1.wait()
        h2.wait()
        row0 = sid * (nj * 128) + j * 128
        pltpu.sync_copy(sbuf_v, out_s.at[pl.ds(row0, 128),
                                         pl.ds(cid * 32, 32)])
        pltpu.sync_copy(dbuf_v, out_d.at[pl.ds(row0, 128),
                                         pl.ds(cid * 32, 32)])

    @pl.when(cid == 0)
    def _():
        for j in range(nj):
            pltpu.sync_copy(efx_v.at[j],
                            out_e.at[pl.ds(sid * (nj * 128) + j * 128, 128)])


def _cls_body(sps_ref, spd_ref, ef_ref, A_ref, B_ref, C_ref, bias_ref,
              bc1_ref, Wc2_ref, bc2_ref, out_ref):
    def fin(sp):
        a = sp[:, :32] + sp[:, 32:]
        return jnp.maximum(
            a[:, :16] / jnp.maximum(a[:, 16:17], 1.0) + bias_ref[...], 0.0)

    sh = fin(sps_ref[...])
    dh = fin(spd_ref[...])
    z = jnp.maximum(
        jnp.dot(sh, A_ref[...], preferred_element_type=jnp.float32)
        + jnp.dot(dh, B_ref[...], preferred_element_type=jnp.float32)
        + jnp.dot(ef_ref[...], C_ref[...], preferred_element_type=jnp.float32)
        + bc1_ref[...], 0.0)
    out_ref[...] = jnp.dot(z, Wc2_ref[...],
                           preferred_element_type=jnp.float32) + bc2_ref[...]


def kernel(node_feats, edge_feats, edge_index, edge_indices, W1, b1, W2, b2,
           conv_bias, Wc1, bc1, Wc2, bc2):
    N, IN = node_feats.shape
    E, EF = edge_feats.shape
    H = conv_bias.shape[0]
    K = W1.shape[1]
    HI = W2.shape[1]
    NSUP = edge_indices.shape[0]
    OUT = Wc2.shape[1]
    HW = 32

    src = edge_index[0]
    dst = edge_index[1]

    BE = 960
    E_pad = ((E + _NW * 128 - 1) // (_NW * 128)) * (_NW * 128)
    assert E_pad % BE == 0
    rows_per_tile = E_pad // _NW
    n_chunks = rows_per_tile // 128

    R = (jnp.arange(HI)[None, :] // H == jnp.arange(IN)[:, None]).astype(jnp.bfloat16)
    S = (jnp.arange(HI)[:, None] % H == jnp.arange(H)[None, :]).astype(jnp.bfloat16)
    S = jnp.concatenate([S, jnp.zeros((HI, HW - H), jnp.bfloat16)], axis=1)
    F = (jnp.arange(HW)[None, :] == H).astype(jnp.float32)

    src3 = jnp.pad(src, (0, E_pad - E)).reshape(_NW, n_chunks, 128)
    xsgather = functools.partial(
        pl.kernel,
        mesh=plsc.VectorSubcoreMesh(core_axis_name="c", subcore_axis_name="s"),
        compiler_params=pltpu.CompilerParams(use_tc_tiling_on_sc=False),
        out_type=jax.ShapeDtypeStruct((E_pad, IN), jnp.float32),
        scratch_types=[
            pltpu.VMEM((n_chunks, 128), jnp.int32),
            pltpu.VMEM((_GBX * 128, IN), jnp.float32),
            pltpu.SemaphoreType.DMA,
        ],
    )(functools.partial(_xs_gather_body, n_chunks // _GBX, rows_per_tile))
    xs_p = xsgather(node_feats, src3)

    grid = (E_pad // BE,)
    msgv = pl.pallas_call(
        functools.partial(_mlp_msg_body, E, BE),
        grid=grid,
        in_specs=[
            pl.BlockSpec((BE, EF), lambda i: (i, 0)),
            pl.BlockSpec((BE, IN), lambda i: (i, 0)),
            pl.BlockSpec((EF, K), lambda i: (0, 0)),
            pl.BlockSpec((1, K), lambda i: (0, 0)),
            pl.BlockSpec((K, HI), lambda i: (0, 0)),
            pl.BlockSpec((1, HI), lambda i: (0, 0)),
            pl.BlockSpec((IN, HI), lambda i: (0, 0)),
            pl.BlockSpec((HI, HW), lambda i: (0, 0)),
            pl.BlockSpec((1, HW), lambda i: (0, 0)),
        ],
        out_specs=pl.BlockSpec((BE, HW), lambda i: (i, 0)),
        out_shape=jax.ShapeDtypeStruct((E_pad, HW), jnp.float32),
    )(edge_feats, xs_p, W1.astype(jnp.bfloat16), b1.reshape(1, K),
      W2.astype(jnp.bfloat16), b2.reshape(1, HI), R, S, F)

    N_pad = ((N + _NS * 8 - 1) // (_NS * 8)) * (_NS * 8)
    zrows_pt = N_pad // _NS
    dst3 = jnp.pad(dst, (0, E_pad - E),
                   constant_values=N).reshape(_NW, n_chunks, 128)
    zrows = jnp.zeros((zrows_pt, HW), jnp.float32)

    NS_pad = _NS * _NJ * 128
    eidx3 = jnp.pad(edge_indices, (0, NS_pad - NSUP)).reshape(_NS, _NJ, 128)
    agg = functools.partial(
        pl.kernel,
        mesh=plsc.VectorSubcoreMesh(core_axis_name="c", subcore_axis_name="s"),
        compiler_params=pltpu.CompilerParams(use_tc_tiling_on_sc=False),
        out_type=[
            jax.ShapeDtypeStruct((NS_pad, 2 * HW), jnp.float32),
            jax.ShapeDtypeStruct((NS_pad, 2 * HW), jnp.float32),
            jax.ShapeDtypeStruct((NS_pad, EF), jnp.float32),
        ],
        scratch_types=[
            pltpu.VMEM((n_chunks, 128), jnp.int32),
            pltpu.VMEM((_GB * 128, HW), jnp.float32),
            pltpu.VMEM_SHARED((N_pad, HW), jnp.float32),
            pltpu.VMEM((_NJ, 128), jnp.int32),
            pltpu.VMEM((_NJ, 128), jnp.int32),
            pltpu.VMEM((_NJ, 128), jnp.int32),
            pltpu.VMEM((_NJ, 128, EF), jnp.float32),
            pltpu.VMEM((128, HW), jnp.float32),
            pltpu.VMEM((128, HW), jnp.float32),
            pltpu.SemaphoreType.DMA,
            pltpu.SemaphoreType.DMA,
            pltpu.SemaphoreType.DMA,
        ],
    )(functools.partial(_agg_body, n_chunks // _GB, zrows_pt, rows_per_tile,
                        _NJ))
    sps, spd, efx = agg(msgv, dst3, zrows, eidx3, src, dst, edge_feats)

    logits_p = pl.pallas_call(
        _cls_body,
        in_specs=[
            pl.BlockSpec((NS_pad, 2 * HW), lambda: (0, 0)),
            pl.BlockSpec((NS_pad, 2 * HW), lambda: (0, 0)),
            pl.BlockSpec((NS_pad, EF), lambda: (0, 0)),
            pl.BlockSpec((H, H), lambda: (0, 0)),
            pl.BlockSpec((H, H), lambda: (0, 0)),
            pl.BlockSpec((EF, H), lambda: (0, 0)),
            pl.BlockSpec((1, H), lambda: (0, 0)),
            pl.BlockSpec((1, H), lambda: (0, 0)),
            pl.BlockSpec((H, OUT), lambda: (0, 0)),
            pl.BlockSpec((1, OUT), lambda: (0, 0)),
        ],
        out_specs=pl.BlockSpec((NS_pad, OUT), lambda: (0, 0)),
        out_shape=jax.ShapeDtypeStruct((NS_pad, OUT), jnp.float32),
    )(sps, spd, efx, Wc1[:H], Wc1[H:2 * H], Wc1[2 * H:],
      conv_bias.reshape(1, H), bc1.reshape(1, H), Wc2, bc2.reshape(1, OUT))
    return logits_p[:NSUP]

# --- scband reference (transcript-rebuilt; emitter-appended) ---
"""Pipeline reference for scband-nnconv-net-27419071218118 (READ-ONLY COPY).

The authoritative reference and input builder live on the scoring server;
editing this copy changes nothing except your own understanding.
"""

import jax, jax.numpy as jnp
import numpy as np

N, E, IN, EF, H, EMH, OUT, NSUP = 20000, 120000, 32, 16, 16, 16, 3, 10000


def setup_inputs(seed: int = 0) -> dict:
    key = jax.random.key(seed)
    ks = jax.random.split(key, 16)
    x = jax.random.normal(ks[0], (N, IN), dtype=jnp.float32)
    edge_feats = jax.random.normal(ks[1], (E, EF), dtype=jnp.float32)
    edge_index = jax.random.randint(ks[2], (2, E), 0, N, dtype=jnp.int32)
    edge_indices = jax.random.randint(ks[3], (NSUP,), 0, E, dtype=jnp.int32)
    s = 0.1
    W1 = jax.random.normal(ks[4], (EF, EMH * IN), dtype=jnp.float32) * s
    b1 = jnp.zeros((EMH * IN,), dtype=jnp.float32)
    W2 = jax.random.normal(ks[5], (EMH * IN, H * IN), dtype=jnp.float32) * s
    b2 = jnp.zeros((H * IN,), dtype=jnp.float32)
    conv_bias = jnp.zeros((H,), dtype=jnp.float32)
    Wc1 = jax.random.normal(ks[6], (2 * H + EF, H), dtype=jnp.float32) * s
    bc1 = jnp.zeros((H,), dtype=jnp.float32)
    Wc2 = jax.random.normal(ks[7], (H, OUT), dtype=jnp.float32) * s
    bc2 = jnp.zeros((OUT,), dtype=jnp.float32)
    return {"node_feats": x, "edge_feats": edge_feats, "edge_index": edge_index,
            "edge_indices": edge_indices, "W1": W1, "b1": b1, "W2": W2, "b2": b2,
            "conv_bias": conv_bias, "Wc1": Wc1, "bc1": bc1, "Wc2": Wc2, "bc2": bc2}


def reference(node_feats, edge_feats, edge_index, edge_indices, W1, b1, W2, b2,
              conv_bias, Wc1, bc1, Wc2, bc2):
    src = edge_index[0]
    dst = edge_index[1]
    # edge_network MLP -> per-edge weight matrix [E, IN, H] (DGL NNConv edge_func)
    we = jnp.maximum(edge_feats @ W1 + b1, 0.0) @ W2 + b2
    we = we.reshape(-1, node_feats.shape[1], conv_bias.shape[0])
    # message: m_e = h_src^T W_e  (u_mul_e then sum over in_feats)
    msg = jnp.einsum('ei,eih->eh', node_feats[src], we)
    # mean aggregation over incoming edges (DGL 'mean' reducer; isolated nodes -> 0)
    deg = jax.ops.segment_sum(jnp.ones((msg.shape[0],), dtype=jnp.float32), dst, num_segments=node_feats.shape[0])
    agg = jax.ops.segment_sum(msg, dst, num_segments=node_feats.shape[0])
    agg = agg / jnp.maximum(deg, 1.0)[:, None]
    h = jnp.maximum(agg + conv_bias, 0.0)  # relu; dropout is identity in eval mode
    s_idx = src[edge_indices]
    d_idx = dst[edge_indices]
    src_h = h[s_idx]
    dst_h = h[d_idx]
    e_feat = edge_feats[edge_indices]
    edge_input = jnp.concatenate([src_h, dst_h, e_feat], axis=1)
    logits = jnp.maximum(edge_input @ Wc1 + bc1, 0.0) @ Wc2 + bc2
    return logits

if __name__ == "__main__":
    import jax
    _d = setup_inputs()
    print(jax.jit(kernel)(*tuple(_d.values())))

</pallas_src>

<mosaic_0001>
#map = affine_map<(d0, d1) -> (0, 0)>
#map1 = affine_map<(d0, d1) -> (0, 0, 0)>
module attributes {stable_mosaic.version = 14 : i64} {
  func.func @_xs_gather_body(%arg0: i32, %arg1: i32, %arg2: memref<20000x32xf32, #tpu.memory_space<hbm>>, %arg3: memref<32x30x128xi32, #tpu.memory_space<hbm>>, %arg4: memref<122880x32xf32, #tpu.memory_space<hbm>>, %arg5: memref<30x128xi32, #tpu.memory_space<vmem>>, %arg6: memref<1280x32xf32, #tpu.memory_space<vmem>>, %arg7: memref<!tpu.dma_semaphore, #tpu.memory_space<semaphore_mem>>) attributes {dimension_semantics = [#tpu.dimension_semantics<core_parallel>, #tpu.dimension_semantics<subcore_parallel>], iteration_bounds = array<i64: 2, 16>, scalar_prefetch = 0 : i64, scratch_operands = 3 : i64, tpu.core_type = #tpu.core_type<sc_vector_subcore>, window_params = [{transform_indices = #map}, {transform_indices = #map1}, {transform_indices = #map}]} {
    %mul3A = arith.constant 2 : i32
    %mul3A_0 = arith.muli %arg1, %mul3A : i32
    %add3A = arith.addi %mul3A_0, %arg0 : i32
    "tpu.region"() ({
      %run_scoped3A = tpu.sem_alloc : memref<!tpu.dma_semaphore, #tpu.memory_space<semaphore_mem>>
      %dma_start3A = arith.constant 0 : i32
      %dma_start3A_6 = arith.constant 0 : i32
      %dma_start3A_7 = tpu.memref_slice %arg3[%add3A, %dma_start3A, %dma_start3A_6] : memref<32x30x128xi32, #tpu.memory_space<hbm>> -> memref<1x30x128xi32, #tpu.memory_space<hbm>>
      %dma_start3A_8 = tpu.memref_squeeze %dma_start3A_7 : memref<1x30x128xi32, #tpu.memory_space<hbm>> -> memref<30x128xi32, #tpu.memory_space<hbm>>
      %dma_start3A_9 = arith.constant 0 : i32
      %dma_start3A_10 = arith.constant 0 : i32
      %dma_start3A_11 = tpu.memref_slice %arg3[%add3A, %dma_start3A_9, %dma_start3A_10] : memref<32x30x128xi32, #tpu.memory_space<hbm>> -> memref<1x30x128xi32, #tpu.memory_space<hbm>>
      %dma_start3A_12 = tpu.memref_squeeze %dma_start3A_11 : memref<1x30x128xi32, #tpu.memory_space<hbm>> -> memref<30x128xi32, #tpu.memory_space<hbm>>
      tpu.enqueue_dma source(%dma_start3A_12 : memref<30x128xi32, #tpu.memory_space<hbm>>) target(%arg5 : memref<30x128xi32, #tpu.memory_space<vmem>>) target_semaphore(%run_scoped3A : memref<!tpu.dma_semaphore, #tpu.memory_space<semaphore_mem>>)
      %dma_wait3A = arith.constant 0 : i32
      %dma_wait3A_13 = arith.constant 0 : i32
      %dma_wait3A_14 = tpu.memref_slice %arg3[%add3A, %dma_wait3A, %dma_wait3A_13] : memref<32x30x128xi32, #tpu.memory_space<hbm>> -> memref<1x30x128xi32, #tpu.memory_space<hbm>>
      %dma_wait3A_15 = tpu.memref_squeeze %dma_wait3A_14 : memref<1x30x128xi32, #tpu.memory_space<hbm>> -> memref<30x128xi32, #tpu.memory_space<hbm>>
      %dma_wait3A_16 = arith.constant 0 : i32
      %dma_wait3A_17 = arith.constant 0 : i32
      %dma_wait3A_18 = tpu.memref_slice %arg3[%add3A, %dma_wait3A_16, %dma_wait3A_17] : memref<32x30x128xi32, #tpu.memory_space<hbm>> -> memref<1x30x128xi32, #tpu.memory_space<hbm>>
      %dma_wait3A_19 = tpu.memref_squeeze %dma_wait3A_18 : memref<1x30x128xi32, #tpu.memory_space<hbm>> -> memref<30x128xi32, #tpu.memory_space<hbm>>
      tpu.wait_dma2 semaphore(%run_scoped3A : memref<!tpu.dma_semaphore, #tpu.memory_space<semaphore_mem>>) src(%dma_wait3A_19 : memref<30x128xi32, #tpu.memory_space<hbm>>) dst(%arg5 : memref<30x128xi32, #tpu.memory_space<vmem>>)
      tpu.yield
    }) : () -> ()
    %scan3A = arith.constant 0 : i32
    %scan3A_1 = arith.constant 0 : i32
    %scan3A_2 = arith.constant 3 : i32
    %scan3A_3 = arith.addi %scan3A_1, %scan3A_2 : i32
    %scan3A_4 = arith.constant 1 : i32
    scf.for %scan3A_6 = %scan3A_1 to %scan3A_3 step %scan3A_4  : i32 {
      %mul3A_7 = arith.constant 10 : i32
      %mul3A_8 = arith.muli %scan3A_6, %mul3A_7 : i32
      %add3A_9 = arith.constant 0 : i32
      %add3A_10 = arith.addi %mul3A_8, %add3A_9 : i32
      %dma_start3A = arith.constant 0 : i32
      %dma_start3A_11 = arith.constant 0 : i32
      %dma_start3A_12 = tpu.memref_slice %arg6[%dma_start3A, %dma_start3A_11] : memref<1280x32xf32, #tpu.memory_space<vmem>> -> memref<128x32xf32, #tpu.memory_space<vmem>>
      %dma_start3A_13 = arith.constant 0 : i32
      %dma_start3A_14 = tpu.memref_slice %arg5[%add3A_10, %dma_start3A_13] : memref<30x128xi32, #tpu.memory_space<vmem>> -> memref<1x128xi32, #tpu.memory_space<vmem>>
      %dma_start3A_15 = tpu.memref_squeeze %dma_start3A_14 : memref<1x128xi32, #tpu.memory_space<vmem>> -> memref<128xi32, #tpu.memory_space<vmem>>
      %dma_start3A_16 = arith.constant 0 : i32
      %dma_start3A_17 = arith.constant 0 : i32
      %dma_start3A_18 = tpu.memref_slice %arg2[%dma_start3A_16, %dma_start3A_17] : memref<20000x32xf32, #tpu.memory_space<hbm>> -> memref<20000x32xf32, #tpu.memory_space<hbm>>
      tpu.enqueue_indirect_dma source(%dma_start3A_18 : memref<20000x32xf32, #tpu.memory_space<hbm>>) target(%dma_start3A_12 : memref<128x32xf32, #tpu.memory_space<vmem>>) offsets(%dma_start3A_15 : memref<128xi32, #tpu.memory_space<vmem>>) semaphore(%arg7 : memref<!tpu.dma_semaphore, #tpu.memory_space<semaphore_mem>>)
      %mul3A_19 = arith.constant 10 : i32
      %mul3A_20 = arith.muli %scan3A_6, %mul3A_19 : i32
      %add3A_21 = arith.constant 1 : i32
      %add3A_22 = arith.addi %mul3A_20, %add3A_21 : i32
      %dma_start3A_23 = arith.constant 128 : i32
      %dma_start3A_24 = arith.constant 0 : i32
      %dma_start3A_25 = tpu.memref_slice %arg6[%dma_start3A_23, %dma_start3A_24] : memref<1280x32xf32, #tpu.memory_space<vmem>> -> memref<128x32xf32, #tpu.memory_space<vmem>>
      %dma_start3A_26 = arith.constant 0 : i32
      %dma_start3A_27 = tpu.memref_slice %arg5[%add3A_22, %dma_start3A_26] : memref<30x128xi32, #tpu.memory_space<vmem>> -> memref<1x128xi32, #tpu.memory_space<vmem>>
      %dma_start3A_28 = tpu.memref_squeeze %dma_start3A_27 : memref<1x128xi32, #tpu.memory_space<vmem>> -> memref<128xi32, #tpu.memory_space<vmem>>
      %dma_start3A_29 = arith.constant 0 : i32
      %dma_start3A_30 = arith.constant 0 : i32
      %dma_start3A_31 = tpu.memref_slice %arg2[%dma_start3A_29, %dma_start3A_30] : memref<20000x32xf32, #tpu.memory_space<hbm>> -> memref<20000x32xf32, #tpu.memory_space<hbm>>
      tpu.enqueue_indirect_dma source(%dma_start3A_31 : memref<20000x32xf32, #tpu.memory_space<hbm>>) target(%dma_start3A_25 : memref<128x32xf32, #tpu.memory_space<vmem>>) offsets(%dma_start3A_28 : memref<128xi32, #tpu.memory_space<vmem>>) semaphore(%arg7 : memref<!tpu.dma_semaphore, #tpu.memory_space<semaphore_mem>>)
      %mul3A_32 = arith.constant 10 : i32
      %mul3A_33 = arith.muli %scan3A_6, %mul3A_32 : i32
      %add3A_34 = arith.constant 2 : i32
      %add3A_35 = arith.addi %mul3A_33, %add3A_34 : i32
      %dma_start3A_36 = arith.constant 256 : i32
      %dma_start3A_37 = arith.constant 0 : i32
      %dma_start3A_38 = tpu.memref_slice %arg6[%dma_start3A_36, %dma_start3A_37] : memref<1280x32xf32, #tpu.memory_space<vmem>> -> memref<128x32xf32, #tpu.memory_space<vmem>>
      %dma_start3A_39 = arith.constant 0 : i32
      %dma_start3A_40 = tpu.memref_slice %arg5[%add3A_35, %dma_start3A_39] : memref<30x128xi32, #tpu.memory_space<vmem>> -> memref<1x128xi32, #tpu.memory_space<vmem>>
      %dma_start3A_41 = tpu.memref_squeeze %dma_start3A_40 : memref<1x128xi32, #tpu.memory_space<vmem>> -> memref<128xi32, #tpu.memory_space<vmem>>
      %dma_start3A_42 = arith.constant 0 : i32
      %dma_start3A_43 = arith.constant 0 : i32
      %dma_start3A_44 = tpu.memref_slice %arg2[%dma_start3A_42, %dma_start3A_43] : memref<20000x32xf32, #tpu.memory_space<hbm>> -> memref<20000x32xf32, #tpu.memory_space<hbm>>
      tpu.enqueue_indirect_dma source(%dma_start3A_44 : memref<20000x32xf32, #tpu.memory_space<hbm>>) target(%dma_start3A_38 : memref<128x32xf32, #tpu.memory_space<vmem>>) offsets(%dma_start3A_41 : memref<128xi32, #tpu.memory_space<vmem>>) semaphore(%arg7 : memref<!tpu.dma_semaphore, #tpu.memory_space<semaphore_mem>>)
      %mul3A_45 = arith.constant 10 : i32
      %mul3A_46 = arith.muli %scan3A_6, %mul3A_45 : i32
      %add3A_47 = arith.constant 3 : i32
      %add3A_48 = arith.addi %mul3A_46, %add3A_47 : i32
      %dma_start3A_49 = arith.constant 384 : i32
      %dma_start3A_50 = arith.constant 0 : i32
      %dma_start3A_51 = tpu.memref_slice %arg6[%dma_start3A_49, %dma_start3A_50] : memref<1280x32xf32, #tpu.memory_space<vmem>> -> memref<128x32xf32, #tpu.memory_space<vmem>>
      %dma_start3A_52 = arith.constant 0 : i32
      %dma_start3A_53 = tpu.memref_slice %arg5[%add3A_48, %dma_start3A_52] : memref<30x128xi32, #tpu.memory_space<vmem>> -> memref<1x128xi32, #tpu.memory_space<vmem>>
      %dma_start3A_54 = tpu.memref_squeeze %dma_start3A_53 : memref<1x128xi32, #tpu.memory_space<vmem>> -> memref<128xi32, #tpu.memory_space<vmem>>
      %dma_start3A_55 = arith.constant 0 : i32
      %dma_start3A_56 = arith.constant 0 : i32
      %dma_start3A_57 = tpu.memref_slice %arg2[%dma_start3A_55, %dma_start3A_56] : memref<20000x32xf32, #tpu.memory_space<hbm>> -> memref<20000x32xf32, #tpu.memory_space<hbm>>
      tpu.enqueue_indirect_dma source(%dma_start3A_57 : memref<20000x32xf32, #tpu.memory_space<hbm>>) target(%dma_start3A_51 : memref<128x32xf32, #tpu.memory_space<vmem>>) offsets(%dma_start3A_54 : memref<128xi32, #tpu.memory_space<vmem>>) semaphore(%arg7 : memref<!tpu.dma_semaphore, #tpu.memory_space<semaphore_mem>>)
      %mul3A_58 = arith.constant 10 : i32
      %mul3A_59 = arith.muli %scan3A_6, %mul3A_58 : i32
      %add3A_60 = arith.constant 4 : i32
      %add3A_61 = arith.addi %mul3A_59, %add3A_60 : i32
      %dma_start3A_62 = arith.constant 512 : i32
      %dma_start3A_63 = arith.constant 0 : i32
      %dma_start3A_64 = tpu.memref_slice %arg6[%dma_start3A_62, %dma_start3A_63] : memref<1280x32xf32, #tpu.memory_space<vmem>> -> memref<128x32xf32, #tpu.memory_space<vmem>>
      %dma_start3A_65 = arith.constant 0 : i32
      %dma_start3A_66 = tpu.memref_slice %arg5[%add3A_61, %dma_start3A_65] : memref<30x128xi32, #tpu.memory_space<vmem>> -> memref<1x128xi32, #tpu.memory_space<vmem>>
      %dma_start3A_67 = tpu.memref_squeeze %dma_start3A_66 : memref<1x128xi32, #tpu.memory_space<vmem>> -> memref<128xi32, #tpu.memory_space<vmem>>
      %dma_start3A_68 = arith.constant 0 : i32
      %dma_start3A_69 = arith.constant 0 : i32
      %dma_start3A_70 = tpu.memref_slice %arg2[%dma_start3A_68, %dma_start3A_69] : memref<20000x32xf32, #tpu.memory_space<hbm>> -> memref<20000x32xf32, #tpu.memory_space<hbm>>
      tpu.enqueue_indirect_dma source(%dma_start3A_70 : memref<20000x32xf32, #tpu.memory_space<hbm>>) target(%dma_start3A_64 : memref<128x32xf32, #tpu.memory_space<vmem>>) offsets(%dma_start3A_67 : memref<128xi32, #tpu.memory_space<vmem>>) semaphore(%arg7 : memref<!tpu.dma_semaphore, #tpu.memory_space<semaphore_mem>>)
      %mul3A_71 = arith.constant 10 : i32
      %mul3A_72 = arith.muli %scan3A_6, %mul3A_71 : i32
      %add3A_73 = arith.constant 5 : i32
      %add3A_74 = arith.addi %mul3A_72, %add3A_73 : i32
      %dma_start3A_75 = arith.constant 640 : i32
      %dma_start3A_76 = arith.constant 0 : i32
      %dma_start3A_77 = tpu.memref_slice %arg6[%dma_start3A_75, %dma_start3A_76] : memref<1280x32xf32, #tpu.memory_space<vmem>> -> memref<128x32xf32, #tpu.memory_space<vmem>>
      %dma_start3A_78 = arith.constant 0 : i32
      %dma_start3A_79 = tpu.memref_slice %arg5[%add3A_74, %dma_start3A_78] : memref<30x128xi32, #tpu.memory_space<vmem>> -> memref<1x128xi32, #tpu.memory_space<vmem>>
      %dma_start3A_80 = tpu.memref_squeeze %dma_start3A_79 : memref<1x128xi32, #tpu.memory_space<vmem>> -> memref<128xi32, #tpu.memory_space<vmem>>
      %dma_start3A_81 = arith.constant 0 : i32
      %dma_start3A_82 = arith.constant 0 : i32
      %dma_start3A_83 = tpu.memref_slice %arg2[%dma_start3A_81, %dma_start3A_82] : memref<20000x32xf32, #tpu.memory_space<hbm>> -> memref<20000x32xf32, #tpu.memory_space<hbm>>
      tpu.enqueue_indirect_dma source(%dma_start3A_83 : memref<20000x32xf32, #tpu.memory_space<hbm>>) target(%dma_start3A_77 : memref<128x32xf32, #tpu.memory_space<vmem>>) offsets(%dma_start3A_80 : memref<128xi32, #tpu.memory_space<vmem>>) semaphore(%arg7 : memref<!tpu.dma_semaphore, #tpu.memory_space<semaphore_mem>>)
      %mul3A_84 = arith.constant 10 : i32
      %mul3A_85 = arith.muli %scan3A_6, %mul3A_84 : i32
      %add3A_86 = arith.constant 6 : i32
      %add3A_87 = arith.addi %mul3A_85, %add3A_86 : i32
      %dma_start3A_88 = arith.constant 768 : i32
      %dma_start3A_89 = arith.constant 0 : i32
      %dma_start3A_90 = tpu.memref_slice %arg6[%dma_start3A_88, %dma_start3A_89] : memref<1280x32xf32, #tpu.memory_space<vmem>> -> memref<128x32xf32, #tpu.memory_space<vmem>>
      %dma_start3A_91 = arith.constant 0 : i32
      %dma_start3A_92 = tpu.memref_slice %arg5[%add3A_87, %dma_start3A_91] : memref<30x128xi32, #tpu.memory_space<vmem>> -> memref<1x128xi32, #tpu.memory_space<vmem>>
      %dma_start3A_93 = tpu.memref_squeeze %dma_start3A_92 : memref<1x128xi32, #tpu.memory_space<vmem>> -> memref<128xi32, #tpu.memory_space<vmem>>
      %dma_start3A_94 = arith.constant 0 : i32
      %dma_start3A_95 = arith.constant 0 : i32
      %dma_start3A_96 = tpu.memref_slice %arg2[%dma_start3A_94, %dma_start3A_95] : memref<20000x32xf32, #tpu.memory_space<hbm>> -> memref<20000x32xf32, #tpu.memory_space<hbm>>
      tpu.enqueue_indirect_dma source(%dma_start3A_96 : memref<20000x32xf32, #tpu.memory_space<hbm>>) target(%dma_start3A_90 : memref<128x32xf32, #tpu.memory_space<vmem>>) offsets(%dma_start3A_93 : memref<128xi32, #tpu.memory_space<vmem>>) semaphore(%arg7 : memref<!tpu.dma_semaphore, #tpu.memory_space<semaphore_mem>>)
      %mul3A_97 = arith.constant 10 : i32
      %mul3A_98 = arith.muli %scan3A_6, %mul3A_97 : i32
      %add3A_99 = arith.constant 7 : i32
      %add3A_100 = arith.addi %mul3A_98, %add3A_99 : i32
      %dma_start3A_101 = arith.constant 896 : i32
      %dma_start3A_102 = arith.constant 0 : i32
      %dma_start3A_103 = tpu.memref_slice %arg6[%dma_start3A_101, %dma_start3A_102] : memref<1280x32xf32, #tpu.memory_space<vmem>> -> memref<128x32xf32, #tpu.memory_space<vmem>>
      %dma_start3A_104 = arith.constant 0 : i32
      %dma_start3A_105 = tpu.memref_slice %arg5[%add3A_100, %dma_start3A_104] : memref<30x128xi32, #tpu.memory_space<vmem>> -> memref<1x128xi32, #tpu.memory_space<vmem>>
      %dma_start3A_106 = tpu.memref_squeeze %dma_start3A_105 : memref<1x128xi32, #tpu.memory_space<vmem>> -> memref<128xi32, #tpu.memory_space<vmem>>
      %dma_start3A_107 = arith.constant 0 : i32
      %dma_start3A_108 = arith.constant 0 : i32
      %dma_start3A_109 = tpu.memref_slice %arg2[%dma_start3A_107, %dma_start3A_108] : memref<20000x32xf32, #tpu.memory_space<hbm>> -> memref<20000x32xf32, #tpu.memory_space<hbm>>
      tpu.enqueue_indirect_dma source(%dma_start3A_109 : memref<20000x32xf32, #tpu.memory_space<hbm>>) target(%dma_start3A_103 : memref<128x32xf32, #tpu.memory_space<vmem>>) offsets(%dma_start3A_106 : memref<128xi32, #tpu.memory_space<vmem>>) semaphore(%arg7 : memref<!tpu.dma_semaphore, #tpu.memory_space<semaphore_mem>>)
      %mul3A_110 = arith.constant 10 : i32
      %mul3A_111 = arith.muli %scan3A_6, %mul3A_110 : i32
      %add3A_112 = arith.constant 8 : i32
      %add3A_113 = arith.addi %mul3A_111, %add3A_112 : i32
      %dma_start3A_114 = arith.constant 1024 : i32
      %dma_start3A_115 = arith.constant 0 : i32
      %dma_start3A_116 = tpu.memref_slice %arg6[%dma_start3A_114, %dma_start3A_115] : memref<1280x32xf32, #tpu.memory_space<vmem>> -> memref<128x32xf32, #tpu.memory_space<vmem>>
      %dma_start3A_117 = arith.constant 0 : i32
      %dma_start3A_118 = tpu.memref_slice %arg5[%add3A_113, %dma_start3A_117] : memref<30x128xi32, #tpu.memory_space<vmem>> -> memref<1x128xi32, #tpu.memory_space<vmem>>
      %dma_start3A_119 = tpu.memref_squeeze %dma_start3A_118 : memref<1x128xi32, #tpu.memory_space<vmem>> -> memref<128xi32, #tpu.memory_space<vmem>>
      %dma_start3A_120 = arith.constant 0 : i32
      %dma_start3A_121 = arith.constant 0 : i32
      %dma_start3A_122 = tpu.memref_slice %arg2[%dma_start3A_120, %dma_start3A_121] : memref<20000x32xf32, #tpu.memory_space<hbm>> -> memref<20000x32xf32, #tpu.memory_space<hbm>>
      tpu.enqueue_indirect_dma source(%dma_start3A_122 : memref<20000x32xf32, #tpu.memory_space<hbm>>) target(%dma_start3A_116 : memref<128x32xf32, #tpu.memory_space<vmem>>) offsets(%dma_start3A_119 : memref<128xi32, #tpu.memory_space<vmem>>) semaphore(%arg7 : memref<!tpu.dma_semaphore, #tpu.memory_space<semaphore_mem>>)
      %mul3A_123 = arith.constant 10 : i32
      %mul3A_124 = arith.muli %scan3A_6, %mul3A_123 : i32
      %add3A_125 = arith.constant 9 : i32
      %add3A_126 = arith.addi %mul3A_124, %add3A_125 : i32
      %dma_start3A_127 = arith.constant 1152 : i32
      %dma_start3A_128 = arith.constant 0 : i32
      %dma_start3A_129 = tpu.memref_slice %arg6[%dma_start3A_127, %dma_start3A_128] : memref<1280x32xf32, #tpu.memory_space<vmem>> -> memref<128x32xf32, #tpu.memory_space<vmem>>
      %dma_start3A_130 = arith.constant 0 : i32
      %dma_start3A_131 = tpu.memref_slice %arg5[%add3A_126, %dma_start3A_130] : memref<30x128xi32, #tpu.memory_space<vmem>> -> memref<1x128xi32, #tpu.memory_space<vmem>>
      %dma_start3A_132 = tpu.memref_squeeze %dma_start3A_131 : memref<1x128xi32, #tpu.memory_space<vmem>> -> memref<128xi32, #tpu.memory_space<vmem>>
      %dma_start3A_133 = arith.constant 0 : i32
      %dma_start3A_134 = arith.constant 0 : i32
      %dma_start3A_135 = tpu.memref_slice %arg2[%dma_start3A_133, %dma_start3A_134] : memref<20000x32xf32, #tpu.memory_space<hbm>> -> memref<20000x32xf32, #tpu.memory_space<hbm>>
      tpu.enqueue_indirect_dma source(%dma_start3A_135 : memref<20000x32xf32, #tpu.memory_space<hbm>>) target(%dma_start3A_129 : memref<128x32xf32, #tpu.memory_space<vmem>>) offsets(%dma_start3A_132 : memref<128xi32, #tpu.memory_space<vmem>>) semaphore(%arg7 : memref<!tpu.dma_semaphore, #tpu.memory_space<semaphore_mem>>)
      %dma_wait3A = arith.constant 0 : i32
      %dma_wait3A_136 = arith.constant 0 : i32
      %dma_wait3A_137 = tpu.memref_slice %arg6[%dma_wait3A, %dma_wait3A_136] : memref<1280x32xf32, #tpu.memory_space<vmem>> -> memref<128x32xf32, #tpu.memory_space<vmem>>
      %dma_wait3A_138 = arith.constant 0 : i32
      %dma_wait3A_139 = tpu.memref_slice %arg5[%add3A_10, %dma_wait3A_138] : memref<30x128xi32, #tpu.memory_space<vmem>> -> memref<1x128xi32, #tpu.memory_space<vmem>>
      %dma_wait3A_140 = tpu.memref_squeeze %dma_wait3A_139 : memref<1x128xi32, #tpu.memory_space<vmem>> -> memref<128xi32, #tpu.memory_space<vmem>>
      %dma_wait3A_141 = arith.constant 0 : i32
      %dma_wait3A_142 = arith.constant 0 : i32
      %dma_wait3A_143 = tpu.memref_slice %arg2[%dma_wait3A_141, %dma_wait3A_142] : memref<20000x32xf32, #tpu.memory_space<hbm>> -> memref<20000x32xf32, #tpu.memory_space<hbm>>
      tpu.wait_indirect_dma semaphore(%arg7 : memref<!tpu.dma_semaphore, #tpu.memory_space<semaphore_mem>>) src(%dma_wait3A_143 : memref<20000x32xf32, #tpu.memory_space<hbm>>) dst(%dma_wait3A_137 : memref<128x32xf32, #tpu.memory_space<vmem>>)
      %dma_wait3A_144 = arith.constant 128 : i32
      %dma_wait3A_145 = arith.constant 0 : i32
      %dma_wait3A_146 = tpu.memref_slice %arg6[%dma_wait3A_144, %dma_wait3A_145] : memref<1280x32xf32, #tpu.memory_space<vmem>> -> memref<128x32xf32, #tpu.memory_space<vmem>>
      %dma_wait3A_147 = arith.constant 0 : i32
      %dma_wait3A_148 = tpu.memref_slice %arg5[%add3A_22, %dma_wait3A_147] : memref<30x128xi32, #tpu.memory_space<vmem>> -> memref<1x128xi32, #tpu.memory_space<vmem>>
      %dma_wait3A_149 = tpu.memref_squeeze %dma_wait3A_148 : memref<1x128xi32, #tpu.memory_space<vmem>> -> memref<128xi32, #tpu.memory_space<vmem>>
      %dma_wait3A_150 = arith.constant 0 : i32
      %dma_wait3A_151 = arith.constant 0 : i32
      %dma_wait3A_152 = tpu.memref_slice %arg2[%dma_wait3A_150, %dma_wait3A_151] : memref<20000x32xf32, #tpu.memory_space<hbm>> -> memref<20000x32xf32, #tpu.memory_space<hbm>>
      tpu.wait_indirect_dma semaphore(%arg7 : memref<!tpu.dma_semaphore, #tpu.memory_space<semaphore_mem>>) src(%dma_wait3A_152 : memref<20000x32xf32, #tpu.memory_space<hbm>>) dst(%dma_wait3A_146 : memref<128x32xf32, #tpu.memory_space<vmem>>)
      %dma_wait3A_153 = arith.constant 256 : i32
      %dma_wait3A_154 = arith.constant 0 : i32
      %dma_wait3A_155 = tpu.memref_slice %arg6[%dma_wait3A_153, %dma_wait3A_154] : memref<1280x32xf32, #tpu.memory_space<vmem>> -> memref<128x32xf32, #tpu.memory_space<vmem>>
      %dma_wait3A_156 = arith.constant 0 : i32
      %dma_wait3A_157 = tpu.memref_slice %arg5[%add3A_35, %dma_wait3A_156] : memref<30x128xi32, #tpu.memory_space<vmem>> -> memref<1x128xi32, #tpu.memory_space<vmem>>
      %dma_wait3A_158 = tpu.memref_squeeze %dma_wait3A_157 : memref<1x128xi32, #tpu.memory_space<vmem>> -> memref<128xi32, #tpu.memory_space<vmem>>
      %dma_wait3A_159 = arith.constant 0 : i32
      %dma_wait3A_160 = arith.constant 0 : i32
      %dma_wait3A_161 = tpu.memref_slice %arg2[%dma_wait3A_159, %dma_wait3A_160] : memref<20000x32xf32, #tpu.memory_space<hbm>> -> memref<20000x32xf32, #tpu.memory_space<hbm>>
      tpu.wait_indirect_dma semaphore(%arg7 : memref<!tpu.dma_semaphore, #tpu.memory_space<semaphore_mem>>) src(%dma_wait3A_161 : memref<20000x32xf32, #tpu.memory_space<hbm>>) dst(%dma_wait3A_155 : memref<128x32xf32, #tpu.memory_space<vmem>>)
      %dma_wait3A_162 = arith.constant 384 : i32
      %dma_wait3A_163 = arith.constant 0 : i32
      %dma_wait3A_164 = tpu.memref_slice %arg6[%dma_wait3A_162, %dma_wait3A_163] : memref<1280x32xf32, #tpu.memory_space<vmem>> -> memref<128x32xf32, #tpu.memory_space<vmem>>
      %dma_wait3A_165 = arith.constant 0 : i32
      %dma_wait3A_166 = tpu.memref_slice %arg5[%add3A_48, %dma_wait3A_165] : memref<30x128xi32, #tpu.memory_space<vmem>> -> memref<1x128xi32, #tpu.memory_space<vmem>>
      %dma_wait3A_167 = tpu.memref_squeeze %dma_wait3A_166 : memref<1x128xi32, #tpu.memory_space<vmem>> -> memref<128xi32, #tpu.memory_space<vmem>>
      %dma_wait3A_168 = arith.constant 0 : i32
      %dma_wait3A_169 = arith.constant 0 : i32
      %dma_wait3A_170 = tpu.memref_slice %arg2[%dma_wait3A_168, %dma_wait3A_169] : memref<20000x32xf32, #tpu.memory_space<hbm>> -> memref<20000x32xf32, #tpu.memory_space<hbm>>
      tpu.wait_indirect_dma semaphore(%arg7 : memref<!tpu.dma_semaphore, #tpu.memory_space<semaphore_mem>>) src(%dma_wait3A_170 : memref<20000x32xf32, #tpu.memory_space<hbm>>) dst(%dma_wait3A_164 : memref<128x32xf32, #tpu.memory_space<vmem>>)
      %dma_wait3A_171 = arith.constant 512 : i32
      %dma_wait3A_172 = arith.constant 0 : i32
      %dma_wait3A_173 = tpu.memref_slice %arg6[%dma_wait3A_171, %dma_wait3A_172] : memref<1280x32xf32, #tpu.memory_space<vmem>> -> memref<128x32xf32, #tpu.memory_space<vmem>>
      %dma_wait3A_174 = arith.constant 0 : i32
      %dma_wait3A_175 = tpu.memref_slice %arg5[%add3A_61, %dma_wait3A_174] : memref<30x128xi32, #tpu.memory_space<vmem>> -> memref<1x128xi32, #tpu.memory_space<vmem>>
      %dma_wait3A_176 = tpu.memref_squeeze %dma_wait3A_175 : memref<1x128xi32, #tpu.memory_space<vmem>> -> memref<128xi32, #tpu.memory_space<vmem>>
      %dma_wait3A_177 = arith.constant 0 : i32
      %dma_wait3A_178 = arith.constant 0 : i32
      %dma_wait3A_179 = tpu.memref_slice %arg2[%dma_wait3A_177, %dma_wait3A_178] : memref<20000x32xf32, #tpu.memory_space<hbm>> -> memref<20000x32xf32, #tpu.memory_space<hbm>>
      tpu.wait_indirect_dma semaphore(%arg7 : memref<!tpu.dma_semaphore, #tpu.memory_space<semaphore_mem>>) src(%dma_wait3A_179 : memref<20000x32xf32, #tpu.memory_space<hbm>>) dst(%dma_wait3A_173 : memref<128x32xf32, #tpu.memory_space<vmem>>)
      %dma_wait3A_180 = arith.constant 640 : i32
      %dma_wait3A_181 = arith.constant 0 : i32
      %dma_wait3A_182 = tpu.memref_slice %arg6[%dma_wait3A_180, %dma_wait3A_181] : memref<1280x32xf32, #tpu.memory_space<vmem>> -> memref<128x32xf32, #tpu.memory_space<vmem>>
      %dma_wait3A_183 = arith.constant 0 : i32
      %dma_wait3A_184 = tpu.memref_slice %arg5[%add3A_74, %dma_wait3A_183] : memref<30x128xi32, #tpu.memory_space<vmem>> -> memref<1x128xi32, #tpu.memory_space<vmem>>
      %dma_wait3A_185 = tpu.memref_squeeze %dma_wait3A_184 : memref<1x128xi32, #tpu.memory_space<vmem>> -> memref<128xi32, #tpu.memory_space<vmem>>
      %dma_wait3A_186 = arith.constant 0 : i32
      %dma_wait3A_187 = arith.constant 0 : i32
      %dma_wait3A_188 = tpu.memref_slice %arg2[%dma_wait3A_186, %dma_wait3A_187] : memref<20000x32xf32, #tpu.memory_space<hbm>> -> memref<20000x32xf32, #tpu.memory_space<hbm>>
      tpu.wait_indirect_dma semaphore(%arg7 : memref<!tpu.dma_semaphore, #tpu.memory_space<semaphore_mem>>) src(%dma_wait3A_188 : memref<20000x32xf32, #tpu.memory_space<hbm>>) dst(%dma_wait3A_182 : memref<128x32xf32, #tpu.memory_space<vmem>>)
      %dma_wait3A_189 = arith.constant 768 : i32
      %dma_wait3A_190 = arith.constant 0 : i32
      %dma_wait3A_191 = tpu.memref_slice %arg6[%dma_wait3A_189, %dma_wait3A_190] : memref<1280x32xf32, #tpu.memory_space<vmem>> -> memref<128x32xf32, #tpu.memory_space<vmem>>
      %dma_wait3A_192 = arith.constant 0 : i32
      %dma_wait3A_193 = tpu.memref_slice %arg5[%add3A_87, %dma_wait3A_192] : memref<30x128xi32, #tpu.memory_space<vmem>> -> memref<1x128xi32, #tpu.memory_space<vmem>>
      %dma_wait3A_194 = tpu.memref_squeeze %dma_wait3A_193 : memref<1x128xi32, #tpu.memory_space<vmem>> -> memref<128xi32, #tpu.memory_space<vmem>>
      %dma_wait3A_195 = arith.constant 0 : i32
      %dma_wait3A_196 = arith.constant 0 : i32
      %dma_wait3A_197 = tpu.memref_slice %arg2[%dma_wait3A_195, %dma_wait3A_196] : memref<20000x32xf32, #tpu.memory_space<hbm>> -> memref<20000x32xf32, #tpu.memory_space<hbm>>
      tpu.wait_indirect_dma semaphore(%arg7 : memref<!tpu.dma_semaphore, #tpu.memory_space<semaphore_mem>>) src(%dma_wait3A_197 : memref<20000x32xf32, #tpu.memory_space<hbm>>) dst(%dma_wait3A_191 : memref<128x32xf32, #tpu.memory_space<vmem>>)
      %dma_wait3A_198 = arith.constant 896 : i32
      %dma_wait3A_199 = arith.constant 0 : i32
      %dma_wait3A_200 = tpu.memref_slice %arg6[%dma_wait3A_198, %dma_wait3A_199] : memref<1280x32xf32, #tpu.memory_space<vmem>> -> memref<128x32xf32, #tpu.memory_space<vmem>>
      %dma_wait3A_201 = arith.constant 0 : i32
      %dma_wait3A_202 = tpu.memref_slice %arg5[%add3A_100, %dma_wait3A_201] : memref<30x128xi32, #tpu.memory_space<vmem>> -> memref<1x128xi32, #tpu.memory_space<vmem>>
      %dma_wait3A_203 = tpu.memref_squeeze %dma_wait3A_202 : memref<1x128xi32, #tpu.memory_space<vmem>> -> memref<128xi32, #tpu.memory_space<vmem>>
      %dma_wait3A_204 = arith.constant 0 : i32
      %dma_wait3A_205 = arith.constant 0 : i32
      %dma_wait3A_206 = tpu.memref_slice %arg2[%dma_wait3A_204, %dma_wait3A_205] : memref<20000x32xf32, #tpu.memory_space<hbm>> -> memref<20000x32xf32, #tpu.memory_space<hbm>>
      tpu.wait_indirect_dma semaphore(%arg7 : memref<!tpu.dma_semaphore, #tpu.memory_space<semaphore_mem>>) src(%dma_wait3A_206 : memref<20000x32xf32, #tpu.memory_space<hbm>>) dst(%dma_wait3A_200 : memref<128x32xf32, #tpu.memory_space<vmem>>)
      %dma_wait3A_207 = arith.constant 1024 : i32
      %dma_wait3A_208 = arith.constant 0 : i32
      %dma_wait3A_209 = tpu.memref_slice %arg6[%dma_wait3A_207, %dma_wait3A_208] : memref<1280x32xf32, #tpu.memory_space<vmem>> -> memref<128x32xf32, #tpu.memory_space<vmem>>
      %dma_wait3A_210 = arith.constant 0 : i32
      %dma_wait3A_211 = tpu.memref_slice %arg5[%add3A_113, %dma_wait3A_210] : memref<30x128xi32, #tpu.memory_space<vmem>> -> memref<1x128xi32, #tpu.memory_space<vmem>>
      %dma_wait3A_212 = tpu.memref_squeeze %dma_wait3A_211 : memref<1x128xi32, #tpu.memory_space<vmem>> -> memref<128xi32, #tpu.memory_space<vmem>>
      %dma_wait3A_213 = arith.constant 0 : i32
      %dma_wait3A_214 = arith.constant 0 : i32
      %dma_wait3A_215 = tpu.memref_slice %arg2[%dma_wait3A_213, %dma_wait3A_214] : memref<20000x32xf32, #tpu.memory_space<hbm>> -> memref<20000x32xf32, #tpu.memory_space<hbm>>
      tpu.wait_indirect_dma semaphore(%arg7 : memref<!tpu.dma_semaphore, #tpu.memory_space<semaphore_mem>>) src(%dma_wait3A_215 : memref<20000x32xf32, #tpu.memory_space<hbm>>) dst(%dma_wait3A_209 : memref<128x32xf32, #tpu.memory_space<vmem>>)
      %dma_wait3A_216 = arith.constant 1152 : i32
      %dma_wait3A_217 = arith.constant 0 : i32
      %dma_wait3A_218 = tpu.memref_slice %arg6[%dma_wait3A_216, %dma_wait3A_217] : memref<1280x32xf32, #tpu.memory_space<vmem>> -> memref<128x32xf32, #tpu.memory_space<vmem>>
      %dma_wait3A_219 = arith.constant 0 : i32
      %dma_wait3A_220 = tpu.memref_slice %arg5[%add3A_126, %dma_wait3A_219] : memref<30x128xi32, #tpu.memory_space<vmem>> -> memref<1x128xi32, #tpu.memory_space<vmem>>
      %dma_wait3A_221 = tpu.memref_squeeze %dma_wait3A_220 : memref<1x128xi32, #tpu.memory_space<vmem>> -> memref<128xi32, #tpu.memory_space<vmem>>
      %dma_wait3A_222 = arith.constant 0 : i32
      %dma_wait3A_223 = arith.constant 0 : i32
      %dma_wait3A_224 = tpu.memref_slice %arg2[%dma_wait3A_222, %dma_wait3A_223] : memref<20000x32xf32, #tpu.memory_space<hbm>> -> memref<20000x32xf32, #tpu.memory_space<hbm>>
      tpu.wait_indirect_dma semaphore(%arg7 : memref<!tpu.dma_semaphore, #tpu.memory_space<semaphore_mem>>) src(%dma_wait3A_224 : memref<20000x32xf32, #tpu.memory_space<hbm>>) dst(%dma_wait3A_218 : memref<128x32xf32, #tpu.memory_space<vmem>>)
      %mul3A_225 = arith.constant 3840 : i32
      %mul3A_226 = arith.muli %add3A, %mul3A_225 : i32
      %mul3A_227 = arith.constant 1280 : i32
      %mul3A_228 = arith.muli %scan3A_6, %mul3A_227 : i32
      %add3A_229 = arith.addi %mul3A_226, %mul3A_228 : i32
      "tpu.region"() ({
        %run_scoped3A = tpu.sem_alloc : memref<!tpu.dma_semaphore, #tpu.memory_space<semaphore_mem>>
        %dma_start3A_230 = arith.constant 0 : i32
        %dma_start3A_231 = tpu.memref_slice %arg4[%add3A_229, %dma_start3A_230] : memref<122880x32xf32, #tpu.memory_space<hbm>> -> memref<1280x32xf32, #tpu.memory_space<hbm>>
        %dma_start3A_232 = arith.constant 0 : i32
        %dma_start3A_233 = tpu.memref_slice %arg4[%add3A_229, %dma_start3A_232] : memref<122880x32xf32, #tpu.memory_space<hbm>> -> memref<1280x32xf32, #tpu.memory_space<hbm>>
        tpu.enqueue_dma source(%arg6 : memref<1280x32xf32, #tpu.memory_space<vmem>>) target(%dma_start3A_233 : memref<1280x32xf32, #tpu.memory_space<hbm>>) target_semaphore(%run_scoped3A : memref<!tpu.dma_semaphore, #tpu.memory_space<semaphore_mem>>)
        %dma_wait3A_234 = arith.constant 0 : i32
        %dma_wait3A_235 = tpu.memref_slice %arg4[%add3A_229, %dma_wait3A_234] : memref<122880x32xf32, #tpu.memory_space<hbm>> -> memref<1280x32xf32, #tpu.memory_space<hbm>>
        %dma_wait3A_236 = arith.constant 0 : i32
        %dma_wait3A_237 = tpu.memref_slice %arg4[%add3A_229, %dma_wait3A_236] : memref<122880x32xf32, #tpu.memory_space<hbm>> -> memref<1280x32xf32, #tpu.memory_space<hbm>>
        tpu.wait_dma2 semaphore(%run_scoped3A : memref<!tpu.dma_semaphore, #tpu.memory_space<semaphore_mem>>) src(%arg6 : memref<1280x32xf32, #tpu.memory_space<vmem>>) dst(%dma_wait3A_237 : memref<1280x32xf32, #tpu.memory_space<hbm>>)
        tpu.yield
      }) : () -> ()
    }
    %scan3A_5 = arith.constant 3 : i32
    return
  }
}

#map = affine_map<(d0, d1) -> (0, 0)>
#map1 = affine_map<(d0, d1) -> (0, 0, 0)>
#map2 = affine_map<(d0, d1) -> (0)>
module attributes {stable_mosaic.version = 14 : i64} {
  func.func @_agg_body(%arg0: i32, %arg1: i32, %arg2: memref<122880x32xf32, #tpu.memory_space<hbm>>, %arg3: memref<32x30x128xi32, #tpu.memory_space<hbm>>, %arg4: memref<1256x32xf32, #tpu.memory_space<hbm>>, %arg5: memref<16x6x128xi32, #tpu.memory_space<hbm>>, %arg6: memref<120000xi32, #tpu.memory_space<hbm>>, %arg7: memref<120000xi32, #tpu.memory_space<hbm>>, %arg8: memref<120000x16xf32, #tpu.memory_space<hbm>>, %arg9: memref<12288x64xf32, #tpu.memory_space<hbm>>, %arg10: memref<12288x64xf32, #tpu.memory_space<hbm>>, %arg11: memref<12288x16xf32, #tpu.memory_space<hbm>>, %arg12: memref<30x128xi32, #tpu.memory_space<vmem>>, %arg13: memref<1280x32xf32, #tpu.memory_space<vmem>>, %arg14: memref<20096x32xf32, #tpu.memory_space<vmem_shared>>, %arg15: memref<6x128xi32, #tpu.memory_space<vmem>>, %arg16: memref<6x128xi32, #tpu.memory_space<vmem>>, %arg17: memref<6x128xi32, #tpu.memory_space<vmem>>, %arg18: memref<6x128x16xf32, #tpu.memory_space<vmem>>, %arg19: memref<128x32xf32, #tpu.memory_space<vmem>>, %arg20: memref<128x32xf32, #tpu.memory_space<vmem>>, %arg21: memref<!tpu.dma_semaphore, #tpu.memory_space<semaphore_mem>>, %arg22: memref<!tpu.dma_semaphore, #tpu.memory_space<semaphore_mem>>, %arg23: memref<!tpu.dma_semaphore, #tpu.memory_space<semaphore_mem>>) attributes {dimension_semantics = [#tpu.dimension_semantics<core_parallel>, #tpu.dimension_semantics<subcore_parallel>], iteration_bounds = array<i64: 2, 16>, scalar_prefetch = 0 : i64, scratch_operands = 12 : i64, tpu.core_type = #tpu.core_type<sc_vector_subcore>, window_params = [{transform_indices = #map}, {transform_indices = #map1}, {transform_indices = #map}, {transform_indices = #map1}, {transform_indices = #map2}, {transform_indices = #map2}, {transform_indices = #map}, {transform_indices = #map}, {transform_indices = #map}, {transform_indices = #map}]} {
    %mul3A = arith.constant 2 : i32
    %mul3A_0 = arith.muli %arg1, %mul3A : i32
    %add3A = arith.addi %mul3A_0, %arg0 : i32
    "tpu.region"() ({
      %run_scoped3A = tpu.sem_alloc : memref<!tpu.dma_semaphore, #tpu.memory_space<semaphore_mem>>
      %dma_start3A_609 = arith.constant 0 : i32
      %dma_start3A_610 = arith.constant 0 : i32
      %dma_start3A_611 = tpu.memref_slice %arg5[%arg1, %dma_start3A_609, %dma_start3A_610] : memref<16x6x128xi32, #tpu.memory_space<hbm>> -> memref<1x6x128xi32, #tpu.memory_space<hbm>>
      %dma_start3A_612 = tpu.memref_squeeze %dma_start3A_611 : memref<1x6x128xi32, #tpu.memory_space<hbm>> -> memref<6x128xi32, #tpu.memory_space<hbm>>
      %dma_start3A_613 = arith.constant 0 : i32
      %dma_start3A_614 = arith.constant 0 : i32
      %dma_start3A_615 = tpu.memref_slice %arg5[%arg1, %dma_start3A_613, %dma_start3A_614] : memref<16x6x128xi32, #tpu.memory_space<hbm>> -> memref<1x6x128xi32, #tpu.memory_space<hbm>>
      %dma_start3A_616 = tpu.memref_squeeze %dma_start3A_615 : memref<1x6x128xi32, #tpu.memory_space<hbm>> -> memref<6x128xi32, #tpu.memory_space<hbm>>
      tpu.enqueue_dma source(%dma_start3A_616 : memref<6x128xi32, #tpu.memory_space<hbm>>) target(%arg15 : memref<6x128xi32, #tpu.memory_space<vmem>>) target_semaphore(%run_scoped3A : memref<!tpu.dma_semaphore, #tpu.memory_space<semaphore_mem>>)
      %dma_wait3A_617 = arith.constant 0 : i32
      %dma_wait3A_618 = arith.constant 0 : i32
      %dma_wait3A_619 = tpu.memref_slice %arg5[%arg1, %dma_wait3A_617, %dma_wait3A_618] : memref<16x6x128xi32, #tpu.memory_space<hbm>> -> memref<1x6x128xi32, #tpu.memory_space<hbm>>
      %dma_wait3A_620 = tpu.memref_squeeze %dma_wait3A_619 : memref<1x6x128xi32, #tpu.memory_space<hbm>> -> memref<6x128xi32, #tpu.memory_space<hbm>>
      %dma_wait3A_621 = arith.constant 0 : i32
      %dma_wait3A_622 = arith.constant 0 : i32
      %dma_wait3A_623 = tpu.memref_slice %arg5[%arg1, %dma_wait3A_621, %dma_wait3A_622] : memref<16x6x128xi32, #tpu.memory_space<hbm>> -> memref<1x6x128xi32, #tpu.memory_space<hbm>>
      %dma_wait3A_624 = tpu.memref_squeeze %dma_wait3A_623 : memref<1x6x128xi32, #tpu.memory_space<hbm>> -> memref<6x128xi32, #tpu.memory_space<hbm>>
      tpu.wait_dma2 semaphore(%run_scoped3A : memref<!tpu.dma_semaphore, #tpu.memory_space<semaphore_mem>>) src(%dma_wait3A_624 : memref<6x128xi32, #tpu.memory_space<hbm>>) dst(%arg15 : memref<6x128xi32, #tpu.memory_space<vmem>>)
      tpu.yield
    }) : () -> ()
    %dma_start3A = arith.constant 0 : i32
    %dma_start3A_1 = arith.constant 0 : i32
    %dma_start3A_2 = arith.constant 0 : i32
    %dma_start3A_3 = tpu.memref_slice %arg16[%dma_start3A_1, %dma_start3A_2] : memref<6x128xi32, #tpu.memory_space<vmem>> -> memref<1x128xi32, #tpu.memory_space<vmem>>
    %dma_start3A_4 = tpu.memref_squeeze %dma_start3A_3 : memref<1x128xi32, #tpu.memory_space<vmem>> -> memref<128xi32, #tpu.memory_space<vmem>>
    %dma_start3A_5 = arith.constant 0 : i32
    %dma_start3A_6 = tpu.memref_slice %arg15[%dma_start3A, %dma_start3A_5] : memref<6x128xi32, #tpu.memory_space<vmem>> -> memref<1x128xi32, #tpu.memory_space<vmem>>
    %dma_start3A_7 = tpu.memref_squeeze %dma_start3A_6 : memref<1x128xi32, #tpu.memory_space<vmem>> -> memref<128xi32, #tpu.memory_space<vmem>>
    %dma_start3A_8 = arith.constant 0 : i32
    %dma_start3A_9 = tpu.memref_slice %arg6[%dma_start3A_8] : memref<120000xi32, #tpu.memory_space<hbm>> -> memref<120000xi32, #tpu.memory_space<hbm>>
    tpu.enqueue_indirect_dma source(%dma_start3A_9 : memref<120000xi32, #tpu.memory_space<hbm>>) target(%dma_start3A_4 : memref<128xi32, #tpu.memory_space<vmem>>) offsets(%dma_start3A_7 : memref<128xi32, #tpu.memory_space<vmem>>) semaphore(%arg21 : memref<!tpu.dma_semaphore, #tpu.memory_space<semaphore_mem>>)
    %dma_start3A_10 = arith.constant 0 : i32
    %dma_start3A_11 = arith.constant 0 : i32
    %dma_start3A_12 = arith.constant 0 : i32
    %dma_start3A_13 = tpu.memref_slice %arg17[%dma_start3A_11, %dma_start3A_12] : memref<6x128xi32, #tpu.memory_space<vmem>> -> memref<1x128xi32, #tpu.memory_space<vmem>>
    %dma_start3A_14 = tpu.memref_squeeze %dma_start3A_13 : memref<1x128xi32, #tpu.memory_space<vmem>> -> memref<128xi32, #tpu.memory_space<vmem>>
    %dma_start3A_15 = arith.constant 0 : i32
    %dma_start3A_16 = tpu.memref_slice %arg15[%dma_start3A_10, %dma_start3A_15] : memref<6x128xi32, #tpu.memory_space<vmem>> -> memref<1x128xi32, #tpu.memory_space<vmem>>
    %dma_start3A_17 = tpu.memref_squeeze %dma_start3A_16 : memref<1x128xi32, #tpu.memory_space<vmem>> -> memref<128xi32, #tpu.memory_space<vmem>>
    %dma_start3A_18 = arith.constant 0 : i32
    %dma_start3A_19 = tpu.memref_slice %arg7[%dma_start3A_18] : memref<120000xi32, #tpu.memory_space<hbm>> -> memref<120000xi32, #tpu.memory_space<hbm>>
    tpu.enqueue_indirect_dma source(%dma_start3A_19 : memref<120000xi32, #tpu.memory_space<hbm>>) target(%dma_start3A_14 : memref<128xi32, #tpu.memory_space<vmem>>) offsets(%dma_start3A_17 : memref<128xi32, #tpu.memory_space<vmem>>) semaphore(%arg21 : memref<!tpu.dma_semaphore, #tpu.memory_space<semaphore_mem>>)
    %dma_start3A_20 = arith.constant 0 : i32
    %dma_start3A_21 = arith.constant 0 : i32
    %dma_start3A_22 = arith.constant 0 : i32
    %dma_start3A_23 = arith.constant 0 : i32
    %dma_start3A_24 = tpu.memref_slice %arg18[%dma_start3A_21, %dma_start3A_22, %dma_start3A_23] : memref<6x128x16xf32, #tpu.memory_space<vmem>> -> memref<1x128x16xf32, #tpu.memory_space<vmem>>
    %dma_start3A_25 = tpu.memref_squeeze %dma_start3A_24 : memref<1x128x16xf32, #tpu.memory_space<vmem>> -> memref<128x16xf32, #tpu.memory_space<vmem>>
    %dma_start3A_26 = arith.constant 0 : i32
    %dma_start3A_27 = tpu.memref_slice %arg15[%dma_start3A_20, %dma_start3A_26] : memref<6x128xi32, #tpu.memory_space<vmem>> -> memref<1x128xi32, #tpu.memory_space<vmem>>
    %dma_start3A_28 = tpu.memref_squeeze %dma_start3A_27 : memref<1x128xi32, #tpu.memory_space<vmem>> -> memref<128xi32, #tpu.memory_space<vmem>>
    %dma_start3A_29 = arith.constant 0 : i32
    %dma_start3A_30 = arith.constant 0 : i32
    %dma_start3A_31 = tpu.memref_slice %arg8[%dma_start3A_29, %dma_start3A_30] : memref<120000x16xf32, #tpu.memory_space<hbm>> -> memref<120000x16xf32, #tpu.memory_space<hbm>>
    tpu.enqueue_indirect_dma source(%dma_start3A_31 : memref<120000x16xf32, #tpu.memory_space<hbm>>) target(%dma_start3A_25 : memref<128x16xf32, #tpu.memory_space<vmem>>) offsets(%dma_start3A_28 : memref<128xi32, #tpu.memory_space<vmem>>) semaphore(%arg21 : memref<!tpu.dma_semaphore, #tpu.memory_space<semaphore_mem>>)
    %dma_start3A_32 = arith.constant 1 : i32
    %dma_start3A_33 = arith.constant 1 : i32
    %dma_start3A_34 = arith.constant 0 : i32
    %dma_start3A_35 = tpu.memref_slice %arg16[%dma_start3A_33, %dma_start3A_34] : memref<6x128xi32, #tpu.memory_space<vmem>> -> memref<1x128xi32, #tpu.memory_space<vmem>>
    %dma_start3A_36 = tpu.memref_squeeze %dma_start3A_35 : memref<1x128xi32, #tpu.memory_space<vmem>> -> memref<128xi32, #tpu.memory_space<vmem>>
    %dma_start3A_37 = arith.constant 0 : i32
    %dma_start3A_38 = tpu.memref_slice %arg15[%dma_start3A_32, %dma_start3A_37] : memref<6x128xi32, #tpu.memory_space<vmem>> -> memref<1x128xi32, #tpu.memory_space<vmem>>
    %dma_start3A_39 = tpu.memref_squeeze %dma_start3A_38 : memref<1x128xi32, #tpu.memory_space<vmem>> -> memref<128xi32, #tpu.memory_space<vmem>>
    %dma_start3A_40 = arith.constant 0 : i32
    %dma_start3A_41 = tpu.memref_slice %arg6[%dma_start3A_40] : memref<120000xi32, #tpu.memory_space<hbm>> -> memref<120000xi32, #tpu.memory_space<hbm>>
    tpu.enqueue_indirect_dma source(%dma_start3A_41 : memref<120000xi32, #tpu.memory_space<hbm>>) target(%dma_start3A_36 : memref<128xi32, #tpu.memory_space<vmem>>) offsets(%dma_start3A_39 : memref<128xi32, #tpu.memory_space<vmem>>) semaphore(%arg21 : memref<!tpu.dma_semaphore, #tpu.memory_space<semaphore_mem>>)
    %dma_start3A_42 = arith.constant 1 : i32
    %dma_start3A_43 = arith.constant 1 : i32
    %dma_start3A_44 = arith.constant 0 : i32
    %dma_start3A_45 = tpu.memref_slice %arg17[%dma_start3A_43, %dma_start3A_44] : memref<6x128xi32, #tpu.memory_space<vmem>> -> memref<1x128xi32, #tpu.memory_space<vmem>>
    %dma_start3A_46 = tpu.memref_squeeze %dma_start3A_45 : memref<1x128xi32, #tpu.memory_space<vmem>> -> memref<128xi32, #tpu.memory_space<vmem>>
    %dma_start3A_47 = arith.constant 0 : i32
    %dma_start3A_48 = tpu.memref_slice %arg15[%dma_start3A_42, %dma_start3A_47] : memref<6x128xi32, #tpu.memory_space<vmem>> -> memref<1x128xi32, #tpu.memory_space<vmem>>
    %dma_start3A_49 = tpu.memref_squeeze %dma_start3A_48 : memref<1x128xi32, #tpu.memory_space<vmem>> -> memref<128xi32, #tpu.memory_space<vmem>>
    %dma_start3A_50 = arith.constant 0 : i32
    %dma_start3A_51 = tpu.memref_slice %arg7[%dma_start3A_50] : memref<120000xi32, #tpu.memory_space<hbm>> -> memref<120000xi32, #tpu.memory_space<hbm>>
    tpu.enqueue_indirect_dma source(%dma_start3A_51 : memref<120000xi32, #tpu.memory_space<hbm>>) target(%dma_start3A_46 : memref<128xi32, #tpu.memory_space<vmem>>) offsets(%dma_start3A_49 : memref<128xi32, #tpu.memory_space<vmem>>) semaphore(%arg21 : memref<!tpu.dma_semaphore, #tpu.memory_space<semaphore_mem>>)
    %dma_start3A_52 = arith.constant 1 : i32
    %dma_start3A_53 = arith.constant 1 : i32
    %dma_start3A_54 = arith.constant 0 : i32
    %dma_start3A_55 = arith.constant 0 : i32
    %dma_start3A_56 = tpu.memref_slice %arg18[%dma_start3A_53, %dma_start3A_54, %dma_start3A_55] : memref<6x128x16xf32, #tpu.memory_space<vmem>> -> memref<1x128x16xf32, #tpu.memory_space<vmem>>
    %dma_start3A_57 = tpu.memref_squeeze %dma_start3A_56 : memref<1x128x16xf32, #tpu.memory_space<vmem>> -> memref<128x16xf32, #tpu.memory_space<vmem>>
    %dma_start3A_58 = arith.constant 0 : i32
    %dma_start3A_59 = tpu.memref_slice %arg15[%dma_start3A_52, %dma_start3A_58] : memref<6x128xi32, #tpu.memory_space<vmem>> -> memref<1x128xi32, #tpu.memory_space<vmem>>
    %dma_start3A_60 = tpu.memref_squeeze %dma_start3A_59 : memref<1x128xi32, #tpu.memory_space<vmem>> -> memref<128xi32, #tpu.memory_space<vmem>>
    %dma_start3A_61 = arith.constant 0 : i32
    %dma_start3A_62 = arith.constant 0 : i32
    %dma_start3A_63 = tpu.memref_slice %arg8[%dma_start3A_61, %dma_start3A_62] : memref<120000x16xf32, #tpu.memory_space<hbm>> -> memref<120000x16xf32, #tpu.memory_space<hbm>>
    tpu.enqueue_indirect_dma source(%dma_start3A_63 : memref<120000x16xf32, #tpu.memory_space<hbm>>) target(%dma_start3A_57 : memref<128x16xf32, #tpu.memory_space<vmem>>) offsets(%dma_start3A_60 : memref<128xi32, #tpu.memory_space<vmem>>) semaphore(%arg21 : memref<!tpu.dma_semaphore, #tpu.memory_space<semaphore_mem>>)
    %dma_start3A_64 = arith.constant 2 : i32
    %dma_start3A_65 = arith.constant 2 : i32
    %dma_start3A_66 = arith.constant 0 : i32
    %dma_start3A_67 = tpu.memref_slice %arg16[%dma_start3A_65, %dma_start3A_66] : memref<6x128xi32, #tpu.memory_space<vmem>> -> memref<1x128xi32, #tpu.memory_space<vmem>>
    %dma_start3A_68 = tpu.memref_squeeze %dma_start3A_67 : memref<1x128xi32, #tpu.memory_space<vmem>> -> memref<128xi32, #tpu.memory_space<vmem>>
    %dma_start3A_69 = arith.constant 0 : i32
    %dma_start3A_70 = tpu.memref_slice %arg15[%dma_start3A_64, %dma_start3A_69] : memref<6x128xi32, #tpu.memory_space<vmem>> -> memref<1x128xi32, #tpu.memory_space<vmem>>
    %dma_start3A_71 = tpu.memref_squeeze %dma_start3A_70 : memref<1x128xi32, #tpu.memory_space<vmem>> -> memref<128xi32, #tpu.memory_space<vmem>>
    %dma_start3A_72 = arith.constant 0 : i32
    %dma_start3A_73 = tpu.memref_slice %arg6[%dma_start3A_72] : memref<120000xi32, #tpu.memory_space<hbm>> -> memref<120000xi32, #tpu.memory_space<hbm>>
    tpu.enqueue_indirect_dma source(%dma_start3A_73 : memref<120000xi32, #tpu.memory_space<hbm>>) target(%dma_start3A_68 : memref<128xi32, #tpu.memory_space<vmem>>) offsets(%dma_start3A_71 : memref<128xi32, #tpu.memory_space<vmem>>) semaphore(%arg21 : memref<!tpu.dma_semaphore, #tpu.memory_space<semaphore_mem>>)
    %dma_start3A_74 = arith.constant 2 : i32
    %dma_start3A_75 = arith.constant 2 : i32
    %dma_start3A_76 = arith.constant 0 : i32
    %dma_start3A_77 = tpu.memref_slice %arg17[%dma_start3A_75, %dma_start3A_76] : memref<6x128xi32, #tpu.memory_space<vmem>> -> memref<1x128xi32, #tpu.memory_space<vmem>>
    %dma_start3A_78 = tpu.memref_squeeze %dma_start3A_77 : memref<1x128xi32, #tpu.memory_space<vmem>> -> memref<128xi32, #tpu.memory_space<vmem>>
    %dma_start3A_79 = arith.constant 0 : i32
    %dma_start3A_80 = tpu.memref_slice %arg15[%dma_start3A_74, %dma_start3A_79] : memref<6x128xi32, #tpu.memory_space<vmem>> -> memref<1x128xi32, #tpu.memory_space<vmem>>
    %dma_start3A_81 = tpu.memref_squeeze %dma_start3A_80 : memref<1x128xi32, #tpu.memory_space<vmem>> -> memref<128xi32, #tpu.memory_space<vmem>>
    %dma_start3A_82 = arith.constant 0 : i32
    %dma_start3A_83 = tpu.memref_slice %arg7[%dma_start3A_82] : memref<120000xi32, #tpu.memory_space<hbm>> -> memref<120000xi32, #tpu.memory_space<hbm>>
    tpu.enqueue_indirect_dma source(%dma_start3A_83 : memref<120000xi32, #tpu.memory_space<hbm>>) target(%dma_start3A_78 : memref<128xi32, #tpu.memory_space<vmem>>) offsets(%dma_start3A_81 : memref<128xi32, #tpu.memory_space<vmem>>) semaphore(%arg21 : memref<!tpu.dma_semaphore, #tpu.memory_space<semaphore_mem>>)
    %dma_start3A_84 = arith.constant 2 : i32
    %dma_start3A_85 = arith.constant 2 : i32
    %dma_start3A_86 = arith.constant 0 : i32
    %dma_start3A_87 = arith.constant 0 : i32
    %dma_start3A_88 = tpu.memref_slice %arg18[%dma_start3A_85, %dma_start3A_86, %dma_start3A_87] : memref<6x128x16xf32, #tpu.memory_space<vmem>> -> memref<1x128x16xf32, #tpu.memory_space<vmem>>
    %dma_start3A_89 = tpu.memref_squeeze %dma_start3A_88 : memref<1x128x16xf32, #tpu.memory_space<vmem>> -> memref<128x16xf32, #tpu.memory_space<vmem>>
    %dma_start3A_90 = arith.constant 0 : i32
    %dma_start3A_91 = tpu.memref_slice %arg15[%dma_start3A_84, %dma_start3A_90] : memref<6x128xi32, #tpu.memory_space<vmem>> -> memref<1x128xi32, #tpu.memory_space<vmem>>
    %dma_start3A_92 = tpu.memref_squeeze %dma_start3A_91 : memref<1x128xi32, #tpu.memory_space<vmem>> -> memref<128xi32, #tpu.memory_space<vmem>>
    %dma_start3A_93 = arith.constant 0 : i32
    %dma_start3A_94 = arith.constant 0 : i32
    %dma_start3A_95 = tpu.memref_slice %arg8[%dma_start3A_93, %dma_start3A_94] : memref<120000x16xf32, #tpu.memory_space<hbm>> -> memref<120000x16xf32, #tpu.memory_space<hbm>>
    tpu.enqueue_indirect_dma source(%dma_start3A_95 : memref<120000x16xf32, #tpu.memory_space<hbm>>) target(%dma_start3A_89 : memref<128x16xf32, #tpu.memory_space<vmem>>) offsets(%dma_start3A_92 : memref<128xi32, #tpu.memory_space<vmem>>) semaphore(%arg21 : memref<!tpu.dma_semaphore, #tpu.memory_space<semaphore_mem>>)
    %dma_start3A_96 = arith.constant 3 : i32
    %dma_start3A_97 = arith.constant 3 : i32
    %dma_start3A_98 = arith.constant 0 : i32
    %dma_start3A_99 = tpu.memref_slice %arg16[%dma_start3A_97, %dma_start3A_98] : memref<6x128xi32, #tpu.memory_space<vmem>> -> memref<1x128xi32, #tpu.memory_space<vmem>>
    %dma_start3A_100 = tpu.memref_squeeze %dma_start3A_99 : memref<1x128xi32, #tpu.memory_space<vmem>> -> memref<128xi32, #tpu.memory_space<vmem>>
    %dma_start3A_101 = arith.constant 0 : i32
    %dma_start3A_102 = tpu.memref_slice %arg15[%dma_start3A_96, %dma_start3A_101] : memref<6x128xi32, #tpu.memory_space<vmem>> -> memref<1x128xi32, #tpu.memory_space<vmem>>
    %dma_start3A_103 = tpu.memref_squeeze %dma_start3A_102 : memref<1x128xi32, #tpu.memory_space<vmem>> -> memref<128xi32, #tpu.memory_space<vmem>>
    %dma_start3A_104 = arith.constant 0 : i32
    %dma_start3A_105 = tpu.memref_slice %arg6[%dma_start3A_104] : memref<120000xi32, #tpu.memory_space<hbm>> -> memref<120000xi32, #tpu.memory_space<hbm>>
    tpu.enqueue_indirect_dma source(%dma_start3A_105 : memref<120000xi32, #tpu.memory_space<hbm>>) target(%dma_start3A_100 : memref<128xi32, #tpu.memory_space<vmem>>) offsets(%dma_start3A_103 : memref<128xi32, #tpu.memory_space<vmem>>) semaphore(%arg21 : memref<!tpu.dma_semaphore, #tpu.memory_space<semaphore_mem>>)
    %dma_start3A_106 = arith.constant 3 : i32
    %dma_start3A_107 = arith.constant 3 : i32
    %dma_start3A_108 = arith.constant 0 : i32
    %dma_start3A_109 = tpu.memref_slice %arg17[%dma_start3A_107, %dma_start3A_108] : memref<6x128xi32, #tpu.memory_space<vmem>> -> memref<1x128xi32, #tpu.memory_space<vmem>>
    %dma_start3A_110 = tpu.memref_squeeze %dma_start3A_109 : memref<1x128xi32, #tpu.memory_space<vmem>> -> memref<128xi32, #tpu.memory_space<vmem>>
    %dma_start3A_111 = arith.constant 0 : i32
    %dma_start3A_112 = tpu.memref_slice %arg15[%dma_start3A_106, %dma_start3A_111] : memref<6x128xi32, #tpu.memory_space<vmem>> -> memref<1x128xi32, #tpu.memory_space<vmem>>
    %dma_start3A_113 = tpu.memref_squeeze %dma_start3A_112 : memref<1x128xi32, #tpu.memory_space<vmem>> -> memref<128xi32, #tpu.memory_space<vmem>>
    %dma_start3A_114 = arith.constant 0 : i32
    %dma_start3A_115 = tpu.memref_slice %arg7[%dma_start3A_114] : memref<120000xi32, #tpu.memory_space<hbm>> -> memref<120000xi32, #tpu.memory_space<hbm>>
    tpu.enqueue_indirect_dma source(%dma_start3A_115 : memref<120000xi32, #tpu.memory_space<hbm>>) target(%dma_start3A_110 : memref<128xi32, #tpu.memory_space<vmem>>) offsets(%dma_start3A_113 : memref<128xi32, #tpu.memory_space<vmem>>) semaphore(%arg21 : memref<!tpu.dma_semaphore, #tpu.memory_space<semaphore_mem>>)
    %dma_start3A_116 = arith.constant 3 : i32
    %dma_start3A_117 = arith.constant 3 : i32
    %dma_start3A_118 = arith.constant 0 : i32
    %dma_start3A_119 = arith.constant 0 : i32
    %dma_start3A_120 = tpu.memref_slice %arg18[%dma_start3A_117, %dma_start3A_118, %dma_start3A_119] : memref<6x128x16xf32, #tpu.memory_space<vmem>> -> memref<1x128x16xf32, #tpu.memory_space<vmem>>
    %dma_start3A_121 = tpu.memref_squeeze %dma_start3A_120 : memref<1x128x16xf32, #tpu.memory_space<vmem>> -> memref<128x16xf32, #tpu.memory_space<vmem>>
    %dma_start3A_122 = arith.constant 0 : i32
    %dma_start3A_123 = tpu.memref_slice %arg15[%dma_start3A_116, %dma_start3A_122] : memref<6x128xi32, #tpu.memory_space<vmem>> -> memref<1x128xi32, #tpu.memory_space<vmem>>
    %dma_start3A_124 = tpu.memref_squeeze %dma_start3A_123 : memref<1x128xi32, #tpu.memory_space<vmem>> -> memref<128xi32, #tpu.memory_space<vmem>>
    %dma_start3A_125 = arith.constant 0 : i32
    %dma_start3A_126 = arith.constant 0 : i32
    %dma_start3A_127 = tpu.memref_slice %arg8[%dma_start3A_125, %dma_start3A_126] : memref<120000x16xf32, #tpu.memory_space<hbm>> -> memref<120000x16xf32, #tpu.memory_space<hbm>>
    tpu.enqueue_indirect_dma source(%dma_start3A_127 : memref<120000x16xf32, #tpu.memory_space<hbm>>) target(%dma_start3A_121 : memref<128x16xf32, #tpu.memory_space<vmem>>) offsets(%dma_start3A_124 : memref<128xi32, #tpu.memory_space<vmem>>) semaphore(%arg21 : memref<!tpu.dma_semaphore, #tpu.memory_space<semaphore_mem>>)
    %dma_start3A_128 = arith.constant 4 : i32
    %dma_start3A_129 = arith.constant 4 : i32
    %dma_start3A_130 = arith.constant 0 : i32
    %dma_start3A_131 = tpu.memref_slice %arg16[%dma_start3A_129, %dma_start3A_130] : memref<6x128xi32, #tpu.memory_space<vmem>> -> memref<1x128xi32, #tpu.memory_space<vmem>>
    %dma_start3A_132 = tpu.memref_squeeze %dma_start3A_131 : memref<1x128xi32, #tpu.memory_space<vmem>> -> memref<128xi32, #tpu.memory_space<vmem>>
    %dma_start3A_133 = arith.constant 0 : i32
    %dma_start3A_134 = tpu.memref_slice %arg15[%dma_start3A_128, %dma_start3A_133] : memref<6x128xi32, #tpu.memory_space<vmem>> -> memref<1x128xi32, #tpu.memory_space<vmem>>
    %dma_start3A_135 = tpu.memref_squeeze %dma_start3A_134 : memref<1x128xi32, #tpu.memory_space<vmem>> -> memref<128xi32, #tpu.memory_space<vmem>>
    %dma_start3A_136 = arith.constant 0 : i32
    %dma_start3A_137 = tpu.memref_slice %arg6[%dma_start3A_136] : memref<120000xi32, #tpu.memory_space<hbm>> -> memref<120000xi32, #tpu.memory_space<hbm>>
    tpu.enqueue_indirect_dma source(%dma_start3A_137 : memref<120000xi32, #tpu.memory_space<hbm>>) target(%dma_start3A_132 : memref<128xi32, #tpu.memory_space<vmem>>) offsets(%dma_start3A_135 : memref<128xi32, #tpu.memory_space<vmem>>) semaphore(%arg21 : memref<!tpu.dma_semaphore, #tpu.memory_space<semaphore_mem>>)
    %dma_start3A_138 = arith.constant 4 : i32
    %dma_start3A_139 = arith.constant 4 : i32
    %dma_start3A_140 = arith.constant 0 : i32
    %dma_start3A_141 = tpu.memref_slice %arg17[%dma_start3A_139, %dma_start3A_140] : memref<6x128xi32, #tpu.memory_space<vmem>> -> memref<1x128xi32, #tpu.memory_space<vmem>>
    %dma_start3A_142 = tpu.memref_squeeze %dma_start3A_141 : memref<1x128xi32, #tpu.memory_space<vmem>> -> memref<128xi32, #tpu.memory_space<vmem>>
    %dma_start3A_143 = arith.constant 0 : i32
    %dma_start3A_144 = tpu.memref_slice %arg15[%dma_start3A_138, %dma_start3A_143] : memref<6x128xi32, #tpu.memory_space<vmem>> -> memref<1x128xi32, #tpu.memory_space<vmem>>
    %dma_start3A_145 = tpu.memref_squeeze %dma_start3A_144 : memref<1x128xi32, #tpu.memory_space<vmem>> -> memref<128xi32, #tpu.memory_space<vmem>>
    %dma_start3A_146 = arith.constant 0 : i32
    %dma_start3A_147 = tpu.memref_slice %arg7[%dma_start3A_146] : memref<120000xi32, #tpu.memory_space<hbm>> -> memref<120000xi32, #tpu.memory_space<hbm>>
    tpu.enqueue_indirect_dma source(%dma_start3A_147 : memref<120000xi32, #tpu.memory_space<hbm>>) target(%dma_start3A_142 : memref<128xi32, #tpu.memory_space<vmem>>) offsets(%dma_start3A_145 : memref<128xi32, #tpu.memory_space<vmem>>) semaphore(%arg21 : memref<!tpu.dma_semaphore, #tpu.memory_space<semaphore_mem>>)
    %dma_start3A_148 = arith.constant 4 : i32
    %dma_start3A_149 = arith.constant 4 : i32
    %dma_start3A_150 = arith.constant 0 : i32
    %dma_start3A_151 = arith.constant 0 : i32
    %dma_start3A_152 = tpu.memref_slice %arg18[%dma_start3A_149, %dma_start3A_150, %dma_start3A_151] : memref<6x128x16xf32, #tpu.memory_space<vmem>> -> memref<1x128x16xf32, #tpu.memory_space<vmem>>
    %dma_start3A_153 = tpu.memref_squeeze %dma_start3A_152 : memref<1x128x16xf32, #tpu.memory_space<vmem>> -> memref<128x16xf32, #tpu.memory_space<vmem>>
    %dma_start3A_154 = arith.constant 0 : i32
    %dma_start3A_155 = tpu.memref_slice %arg15[%dma_start3A_148, %dma_start3A_154] : memref<6x128xi32, #tpu.memory_space<vmem>> -> memref<1x128xi32, #tpu.memory_space<vmem>>
    %dma_start3A_156 = tpu.memref_squeeze %dma_start3A_155 : memref<1x128xi32, #tpu.memory_space<vmem>> -> memref<128xi32, #tpu.memory_space<vmem>>
    %dma_start3A_157 = arith.constant 0 : i32
    %dma_start3A_158 = arith.constant 0 : i32
    %dma_start3A_159 = tpu.memref_slice %arg8[%dma_start3A_157, %dma_start3A_158] : memref<120000x16xf32, #tpu.memory_space<hbm>> -> memref<120000x16xf32, #tpu.memory_space<hbm>>
    tpu.enqueue_indirect_dma source(%dma_start3A_159 : memref<120000x16xf32, #tpu.memory_space<hbm>>) target(%dma_start3A_153 : memref<128x16xf32, #tpu.memory_space<vmem>>) offsets(%dma_start3A_156 : memref<128xi32, #tpu.memory_space<vmem>>) semaphore(%arg21 : memref<!tpu.dma_semaphore, #tpu.memory_space<semaphore_mem>>)
    %dma_start3A_160 = arith.constant 5 : i32
    %dma_start3A_161 = arith.constant 5 : i32
    %dma_start3A_162 = arith.constant 0 : i32
    %dma_start3A_163 = tpu.memref_slice %arg16[%dma_start3A_161, %dma_start3A_162] : memref<6x128xi32, #tpu.memory_space<vmem>> -> memref<1x128xi32, #tpu.memory_space<vmem>>
    %dma_start3A_164 = tpu.memref_squeeze %dma_start3A_163 : memref<1x128xi32, #tpu.memory_space<vmem>> -> memref<128xi32, #tpu.memory_space<vmem>>
    %dma_start3A_165 = arith.constant 0 : i32
    %dma_start3A_166 = tpu.memref_slice %arg15[%dma_start3A_160, %dma_start3A_165] : memref<6x128xi32, #tpu.memory_space<vmem>> -> memref<1x128xi32, #tpu.memory_space<vmem>>
    %dma_start3A_167 = tpu.memref_squeeze %dma_start3A_166 : memref<1x128xi32, #tpu.memory_space<vmem>> -> memref<128xi32, #tpu.memory_space<vmem>>
    %dma_start3A_168 = arith.constant 0 : i32
    %dma_start3A_169 = tpu.memref_slice %arg6[%dma_start3A_168] : memref<120000xi32, #tpu.memory_space<hbm>> -> memref<120000xi32, #tpu.memory_space<hbm>>
    tpu.enqueue_indirect_dma source(%dma_start3A_169 : memref<120000xi32, #tpu.memory_space<hbm>>) target(%dma_start3A_164 : memref<128xi32, #tpu.memory_space<vmem>>) offsets(%dma_start3A_167 : memref<128xi32, #tpu.memory_space<vmem>>) semaphore(%arg21 : memref<!tpu.dma_semaphore, #tpu.memory_space<semaphore_mem>>)
    %dma_start3A_170 = arith.constant 5 : i32
    %dma_start3A_171 = arith.constant 5 : i32
    %dma_start3A_172 = arith.constant 0 : i32
    %dma_start3A_173 = tpu.memref_slice %arg17[%dma_start3A_171, %dma_start3A_172] : memref<6x128xi32, #tpu.memory_space<vmem>> -> memref<1x128xi32, #tpu.memory_space<vmem>>
    %dma_start3A_174 = tpu.memref_squeeze %dma_start3A_173 : memref<1x128xi32, #tpu.memory_space<vmem>> -> memref<128xi32, #tpu.memory_space<vmem>>
    %dma_start3A_175 = arith.constant 0 : i32
    %dma_start3A_176 = tpu.memref_slice %arg15[%dma_start3A_170, %dma_start3A_175] : memref<6x128xi32, #tpu.memory_space<vmem>> -> memref<1x128xi32, #tpu.memory_space<vmem>>
    %dma_start3A_177 = tpu.memref_squeeze %dma_start3A_176 : memref<1x128xi32, #tpu.memory_space<vmem>> -> memref<128xi32, #tpu.memory_space<vmem>>
    %dma_start3A_178 = arith.constant 0 : i32
    %dma_start3A_179 = tpu.memref_slice %arg7[%dma_start3A_178] : memref<120000xi32, #tpu.memory_space<hbm>> -> memref<120000xi32, #tpu.memory_space<hbm>>
    tpu.enqueue_indirect_dma source(%dma_start3A_179 : memref<120000xi32, #tpu.memory_space<hbm>>) target(%dma_start3A_174 : memref<128xi32, #tpu.memory_space<vmem>>) offsets(%dma_start3A_177 : memref<128xi32, #tpu.memory_space<vmem>>) semaphore(%arg21 : memref<!tpu.dma_semaphore, #tpu.memory_space<semaphore_mem>>)
    %dma_start3A_180 = arith.constant 5 : i32
    %dma_start3A_181 = arith.constant 5 : i32
    %dma_start3A_182 = arith.constant 0 : i32
    %dma_start3A_183 = arith.constant 0 : i32
    %dma_start3A_184 = tpu.memref_slice %arg18[%dma_start3A_181, %dma_start3A_182, %dma_start3A_183] : memref<6x128x16xf32, #tpu.memory_space<vmem>> -> memref<1x128x16xf32, #tpu.memory_space<vmem>>
    %dma_start3A_185 = tpu.memref_squeeze %dma_start3A_184 : memref<1x128x16xf32, #tpu.memory_space<vmem>> -> memref<128x16xf32, #tpu.memory_space<vmem>>
    %dma_start3A_186 = arith.constant 0 : i32
    %dma_start3A_187 = tpu.memref_slice %arg15[%dma_start3A_180, %dma_start3A_186] : memref<6x128xi32, #tpu.memory_space<vmem>> -> memref<1x128xi32, #tpu.memory_space<vmem>>
    %dma_start3A_188 = tpu.memref_squeeze %dma_start3A_187 : memref<1x128xi32, #tpu.memory_space<vmem>> -> memref<128xi32, #tpu.memory_space<vmem>>
    %dma_start3A_189 = arith.constant 0 : i32
    %dma_start3A_190 = arith.constant 0 : i32
    %dma_start3A_191 = tpu.memref_slice %arg8[%dma_start3A_189, %dma_start3A_190] : memref<120000x16xf32, #tpu.memory_space<hbm>> -> memref<120000x16xf32, #tpu.memory_space<hbm>>
    tpu.enqueue_indirect_dma source(%dma_start3A_191 : memref<120000x16xf32, #tpu.memory_space<hbm>>) target(%dma_start3A_185 : memref<128x16xf32, #tpu.memory_space<vmem>>) offsets(%dma_start3A_188 : memref<128xi32, #tpu.memory_space<vmem>>) semaphore(%arg21 : memref<!tpu.dma_semaphore, #tpu.memory_space<semaphore_mem>>)
    %mul3A_192 = arith.constant 1256 : i32
    %mul3A_193 = arith.muli %arg1, %mul3A_192 : i32
    "tpu.region"() ({
      %run_scoped3A = tpu.sem_alloc : memref<!tpu.dma_semaphore, #tpu.memory_space<semaphore_mem>>
      %dma_start3A_609 = arith.constant 0 : i32
      %dma_start3A_610 = tpu.memref_slice %arg14[%mul3A_193, %dma_start3A_609] : memref<20096x32xf32, #tpu.memory_space<vmem_shared>> -> memref<1256x32xf32, #tpu.memory_space<vmem_shared>>
      tpu.enqueue_dma source(%arg4 : memref<1256x32xf32, #tpu.memory_space<hbm>>) target(%dma_start3A_610 : memref<1256x32xf32, #tpu.memory_space<vmem_shared>>) target_semaphore(%run_scoped3A : memref<!tpu.dma_semaphore, #tpu.memory_space<semaphore_mem>>)
      %dma_wait3A_611 = arith.constant 0 : i32
      %dma_wait3A_612 = tpu.memref_slice %arg14[%mul3A_193, %dma_wait3A_611] : memref<20096x32xf32, #tpu.memory_space<vmem_shared>> -> memref<1256x32xf32, #tpu.memory_space<vmem_shared>>
      tpu.wait_dma2 semaphore(%run_scoped3A : memref<!tpu.dma_semaphore, #tpu.memory_space<semaphore_mem>>) src(%arg4 : memref<1256x32xf32, #tpu.memory_space<hbm>>) dst(%dma_wait3A_612 : memref<1256x32xf32, #tpu.memory_space<vmem_shared>>)
      tpu.yield
    }) : () -> ()
    "tpu.region"() ({
      %run_scoped3A = tpu.sem_alloc : memref<!tpu.dma_semaphore, #tpu.memory_space<semaphore_mem>>
      %dma_start3A_609 = arith.constant 0 : i32
      %dma_start3A_610 = arith.constant 0 : i32
      %dma_start3A_611 = tpu.memref_slice %arg3[%add3A, %dma_start3A_609, %dma_start3A_610] : memref<32x30x128xi32, #tpu.memory_space<hbm>> -> memref<1x30x128xi32, #tpu.memory_space<hbm>>
      %dma_start3A_612 = tpu.memref_squeeze %dma_start3A_611 : memref<1x30x128xi32, #tpu.memory_space<hbm>> -> memref<30x128xi32, #tpu.memory_space<hbm>>
      %dma_start3A_613 = arith.constant 0 : i32
      %dma_start3A_614 = arith.constant 0 : i32
      %dma_start3A_615 = tpu.memref_slice %arg3[%add3A, %dma_start3A_613, %dma_start3A_614] : memref<32x30x128xi32, #tpu.memory_space<hbm>> -> memref<1x30x128xi32, #tpu.memory_space<hbm>>
      %dma_start3A_616 = tpu.memref_squeeze %dma_start3A_615 : memref<1x30x128xi32, #tpu.memory_space<hbm>> -> memref<30x128xi32, #tpu.memory_space<hbm>>
      tpu.enqueue_dma source(%dma_start3A_616 : memref<30x128xi32, #tpu.memory_space<hbm>>) target(%arg12 : memref<30x128xi32, #tpu.memory_space<vmem>>) target_semaphore(%run_scoped3A : memref<!tpu.dma_semaphore, #tpu.memory_space<semaphore_mem>>)
      %dma_wait3A_617 = arith.constant 0 : i32
      %dma_wait3A_618 = arith.constant 0 : i32
      %dma_wait3A_619 = tpu.memref_slice %arg3[%add3A, %dma_wait3A_617, %dma_wait3A_618] : memref<32x30x128xi32, #tpu.memory_space<hbm>> -> memref<1x30x128xi32, #tpu.memory_space<hbm>>
      %dma_wait3A_620 = tpu.memref_squeeze %dma_wait3A_619 : memref<1x30x128xi32, #tpu.memory_space<hbm>> -> memref<30x128xi32, #tpu.memory_space<hbm>>
      %dma_wait3A_621 = arith.constant 0 : i32
      %dma_wait3A_622 = arith.constant 0 : i32
      %dma_wait3A_623 = tpu.memref_slice %arg3[%add3A, %dma_wait3A_621, %dma_wait3A_622] : memref<32x30x128xi32, #tpu.memory_space<hbm>> -> memref<1x30x128xi32, #tpu.memory_space<hbm>>
      %dma_wait3A_624 = tpu.memref_squeeze %dma_wait3A_623 : memref<1x30x128xi32, #tpu.memory_space<hbm>> -> memref<30x128xi32, #tpu.memory_space<hbm>>
      tpu.wait_dma2 semaphore(%run_scoped3A : memref<!tpu.dma_semaphore, #tpu.memory_space<semaphore_mem>>) src(%dma_wait3A_624 : memref<30x128xi32, #tpu.memory_space<hbm>>) dst(%arg12 : memref<30x128xi32, #tpu.memory_space<vmem>>)
      tpu.yield
    }) : () -> ()
    %barrier3A = arith.constant 0 : index
    tpu.barrier barrier_id(%barrier3A)
    %scan3A = arith.constant 0 : i32
    %scan3A_194 = arith.constant 0 : i32
    %scan3A_195 = arith.constant 3 : i32
    %scan3A_196 = arith.addi %scan3A_194, %scan3A_195 : i32
    %scan3A_197 = arith.constant 1 : i32
    scf.for %scan3A_609 = %scan3A_194 to %scan3A_196 step %scan3A_197  : i32 {
      %mul3A_610 = arith.constant 3840 : i32
      %mul3A_611 = arith.muli %add3A, %mul3A_610 : i32
      %mul3A_612 = arith.constant 1280 : i32
      %mul3A_613 = arith.muli %scan3A_609, %mul3A_612 : i32
      %add3A_614 = arith.addi %mul3A_611, %mul3A_613 : i32
      "tpu.region"() ({
        %run_scoped3A = tpu.sem_alloc : memref<!tpu.dma_semaphore, #tpu.memory_space<semaphore_mem>>
        %dma_start3A_835 = arith.constant 0 : i32
        %dma_start3A_836 = tpu.memref_slice %arg2[%add3A_614, %dma_start3A_835] : memref<122880x32xf32, #tpu.memory_space<hbm>> -> memref<1280x32xf32, #tpu.memory_space<hbm>>
        %dma_start3A_837 = arith.constant 0 : i32
        %dma_start3A_838 = tpu.memref_slice %arg2[%add3A_614, %dma_start3A_837] : memref<122880x32xf32, #tpu.memory_space<hbm>> -> memref<1280x32xf32, #tpu.memory_space<hbm>>
        tpu.enqueue_dma source(%dma_start3A_838 : memref<1280x32xf32, #tpu.memory_space<hbm>>) target(%arg13 : memref<1280x32xf32, #tpu.memory_space<vmem>>) target_semaphore(%run_scoped3A : memref<!tpu.dma_semaphore, #tpu.memory_space<semaphore_mem>>)
        %dma_wait3A_839 = arith.constant 0 : i32
        %dma_wait3A_840 = tpu.memref_slice %arg2[%add3A_614, %dma_wait3A_839] : memref<122880x32xf32, #tpu.memory_space<hbm>> -> memref<1280x32xf32, #tpu.memory_space<hbm>>
        %dma_wait3A_841 = arith.constant 0 : i32
        %dma_wait3A_842 = tpu.memref_slice %arg2[%add3A_614, %dma_wait3A_841] : memref<122880x32xf32, #tpu.memory_space<hbm>> -> memref<1280x32xf32, #tpu.memory_space<hbm>>
        tpu.wait_dma2 semaphore(%run_scoped3A : memref<!tpu.dma_semaphore, #tpu.memory_space<semaphore_mem>>) src(%dma_wait3A_842 : memref<1280x32xf32, #tpu.memory_space<hbm>>) dst(%arg13 : memref<1280x32xf32, #tpu.memory_space<vmem>>)
        tpu.yield
      }) : () -> ()
      %mul3A_615 = arith.constant 10 : i32
      %mul3A_616 = arith.muli %scan3A_609, %mul3A_615 : i32
      %add3A_617 = arith.constant 0 : i32
      %add3A_618 = arith.addi %mul3A_616, %add3A_617 : i32
      %dma_start3A_619 = arith.constant 0 : i32
      %dma_start3A_620 = arith.constant 0 : i32
      %dma_start3A_621 = tpu.memref_slice %arg13[%dma_start3A_619, %dma_start3A_620] : memref<1280x32xf32, #tpu.memory_space<vmem>> -> memref<128x32xf32, #tpu.memory_space<vmem>>
      %dma_start3A_622 = arith.constant 0 : i32
      %dma_start3A_623 = tpu.memref_slice %arg12[%add3A_618, %dma_start3A_622] : memref<30x128xi32, #tpu.memory_space<vmem>> -> memref<1x128xi32, #tpu.memory_space<vmem>>
      %dma_start3A_624 = tpu.memref_squeeze %dma_start3A_623 : memref<1x128xi32, #tpu.memory_space<vmem>> -> memref<128xi32, #tpu.memory_space<vmem>>
      %dma_start3A_625 = arith.constant 0 : i32
      %dma_start3A_626 = arith.constant 0 : i32
      %dma_start3A_627 = tpu.memref_slice %arg14[%dma_start3A_625, %dma_start3A_626] : memref<20096x32xf32, #tpu.memory_space<vmem_shared>> -> memref<20096x32xf32, #tpu.memory_space<vmem_shared>>
      tpu.enqueue_indirect_dma source(%dma_start3A_621 : memref<128x32xf32, #tpu.memory_space<vmem>>) target(%dma_start3A_627 : memref<20096x32xf32, #tpu.memory_space<vmem_shared>>) offsets(%dma_start3A_624 : memref<128xi32, #tpu.memory_space<vmem>>) semaphore(%arg22 : memref<!tpu.dma_semaphore, #tpu.memory_space<semaphore_mem>>) {add = true}
      %mul3A_628 = arith.constant 10 : i32
      %mul3A_629 = arith.muli %scan3A_609, %mul3A_628 : i32
      %add3A_630 = arith.constant 1 : i32
      %add3A_631 = arith.addi %mul3A_629, %add3A_630 : i32
      %dma_start3A_632 = arith.constant 128 : i32
      %dma_start3A_633 = arith.constant 0 : i32
      %dma_start3A_634 = tpu.memref_slice %arg13[%dma_start3A_632, %dma_start3A_633] : memref<1280x32xf32, #tpu.memory_space<vmem>> -> memref<128x32xf32, #tpu.memory_space<vmem>>
      %dma_start3A_635 = arith.constant 0 : i32
      %dma_start3A_636 = tpu.memref_slice %arg12[%add3A_631, %dma_start3A_635] : memref<30x128xi32, #tpu.memory_space<vmem>> -> memref<1x128xi32, #tpu.memory_space<vmem>>
      %dma_start3A_637 = tpu.memref_squeeze %dma_start3A_636 : memref<1x128xi32, #tpu.memory_space<vmem>> -> memref<128xi32, #tpu.memory_space<vmem>>
      %dma_start3A_638 = arith.constant 0 : i32
      %dma_start3A_639 = arith.constant 0 : i32
      %dma_start3A_640 = tpu.memref_slice %arg14[%dma_start3A_638, %dma_start3A_639] : memref<20096x32xf32, #tpu.memory_space<vmem_shared>> -> memref<20096x32xf32, #tpu.memory_space<vmem_shared>>
      tpu.enqueue_indirect_dma source(%dma_start3A_634 : memref<128x32xf32, #tpu.memory_space<vmem>>) target(%dma_start3A_640 : memref<20096x32xf32, #tpu.memory_space<vmem_shared>>) offsets(%dma_start3A_637 : memref<128xi32, #tpu.memory_space<vmem>>) semaphore(%arg22 : memref<!tpu.dma_semaphore, #tpu.memory_space<semaphore_mem>>) {add = true}
      %mul3A_641 = arith.constant 10 : i32
      %mul3A_642 = arith.muli %scan3A_609, %mul3A_641 : i32
      %add3A_643 = arith.constant 2 : i32
      %add3A_644 = arith.addi %mul3A_642, %add3A_643 : i32
      %dma_start3A_645 = arith.constant 256 : i32
      %dma_start3A_646 = arith.constant 0 : i32
      %dma_start3A_647 = tpu.memref_slice %arg13[%dma_start3A_645, %dma_start3A_646] : memref<1280x32xf32, #tpu.memory_space<vmem>> -> memref<128x32xf32, #tpu.memory_space<vmem>>
      %dma_start3A_648 = arith.constant 0 : i32
      %dma_start3A_649 = tpu.memref_slice %arg12[%add3A_644, %dma_start3A_648] : memref<30x128xi32, #tpu.memory_space<vmem>> -> memref<1x128xi32, #tpu.memory_space<vmem>>
      %dma_start3A_650 = tpu.memref_squeeze %dma_start3A_649 : memref<1x128xi32, #tpu.memory_space<vmem>> -> memref<128xi32, #tpu.memory_space<vmem>>
      %dma_start3A_651 = arith.constant 0 : i32
      %dma_start3A_652 = arith.constant 0 : i32
      %dma_start3A_653 = tpu.memref_slice %arg14[%dma_start3A_651, %dma_start3A_652] : memref<20096x32xf32, #tpu.memory_space<vmem_shared>> -> memref<20096x32xf32, #tpu.memory_space<vmem_shared>>
      tpu.enqueue_indirect_dma source(%dma_start3A_647 : memref<128x32xf32, #tpu.memory_space<vmem>>) target(%dma_start3A_653 : memref<20096x32xf32, #tpu.memory_space<vmem_shared>>) offsets(%dma_start3A_650 : memref<128xi32, #tpu.memory_space<vmem>>) semaphore(%arg22 : memref<!tpu.dma_semaphore, #tpu.memory_space<semaphore_mem>>) {add = true}
      %mul3A_654 = arith.constant 10 : i32
      %mul3A_655 = arith.muli %scan3A_609, %mul3A_654 : i32
      %add3A_656 = arith.constant 3 : i32
      %add3A_657 = arith.addi %mul3A_655, %add3A_656 : i32
      %dma_start3A_658 = arith.constant 384 : i32
      %dma_start3A_659 = arith.constant 0 : i32
      %dma_start3A_660 = tpu.memref_slice %arg13[%dma_start3A_658, %dma_start3A_659] : memref<1280x32xf32, #tpu.memory_space<vmem>> -> memref<128x32xf32, #tpu.memory_space<vmem>>
      %dma_start3A_661 = arith.constant 0 : i32
      %dma_start3A_662 = tpu.memref_slice %arg12[%add3A_657, %dma_start3A_661] : memref<30x128xi32, #tpu.memory_space<vmem>> -> memref<1x128xi32, #tpu.memory_space<vmem>>
      %dma_start3A_663 = tpu.memref_squeeze %dma_start3A_662 : memref<1x128xi32, #tpu.memory_space<vmem>> -> memref<128xi32, #tpu.memory_space<vmem>>
      %dma_start3A_664 = arith.constant 0 : i32
      %dma_start3A_665 = arith.constant 0 : i32
      %dma_start3A_666 = tpu.memref_slice %arg14[%dma_start3A_664, %dma_start3A_665] : memref<20096x32xf32, #tpu.memory_space<vmem_shared>> -> memref<20096x32xf32, #tpu.memory_space<vmem_shared>>
      tpu.enqueue_indirect_dma source(%dma_start3A_660 : memref<128x32xf32, #tpu.memory_space<vmem>>) target(%dma_start3A_666 : memref<20096x32xf32, #tpu.memory_space<vmem_shared>>) offsets(%dma_start3A_663 : memref<128xi32, #tpu.memory_space<vmem>>) semaphore(%arg22 : memref<!tpu.dma_semaphore, #tpu.memory_space<semaphore_mem>>) {add = true}
      %mul3A_667 = arith.constant 10 : i32
      %mul3A_668 = arith.muli %scan3A_609, %mul3A_667 : i32
      %add3A_669 = arith.constant 4 : i32
      %add3A_670 = arith.addi %mul3A_668, %add3A_669 : i32
      %dma_start3A_671 = arith.constant 512 : i32
      %dma_start3A_672 = arith.constant 0 : i32
      %dma_start3A_673 = tpu.memref_slice %arg13[%dma_start3A_671, %dma_start3A_672] : memref<1280x32xf32, #tpu.memory_space<vmem>> -> memref<128x32xf32, #tpu.memory_space<vmem>>
      %dma_start3A_674 = arith.constant 0 : i32
      %dma_start3A_675 = tpu.memref_slice %arg12[%add3A_670, %dma_start3A_674] : memref<30x128xi32, #tpu.memory_space<vmem>> -> memref<1x128xi32, #tpu.memory_space<vmem>>
      %dma_start3A_676 = tpu.memref_squeeze %dma_start3A_675 : memref<1x128xi32, #tpu.memory_space<vmem>> -> memref<128xi32, #tpu.memory_space<vmem>>
      %dma_start3A_677 = arith.constant 0 : i32
      %dma_start3A_678 = arith.constant 0 : i32
      %dma_start3A_679 = tpu.memref_slice %arg14[%dma_start3A_677, %dma_start3A_678] : memref<20096x32xf32, #tpu.memory_space<vmem_shared>> -> memref<20096x32xf32, #tpu.memory_space<vmem_shared>>
      tpu.enqueue_indirect_dma source(%dma_start3A_673 : memref<128x32xf32, #tpu.memory_space<vmem>>) target(%dma_start3A_679 : memref<20096x32xf32, #tpu.memory_space<vmem_shared>>) offsets(%dma_start3A_676 : memref<128xi32, #tpu.memory_space<vmem>>) semaphore(%arg22 : memref<!tpu.dma_semaphore, #tpu.memory_space<semaphore_mem>>) {add = true}
      %mul3A_680 = arith.constant 10 : i32
      %mul3A_681 = arith.muli %scan3A_609, %mul3A_680 : i32
      %add3A_682 = arith.constant 5 : i32
      %add3A_683 = arith.addi %mul3A_681, %add3A_682 : i32
      %dma_start3A_684 = arith.constant 640 : i32
      %dma_start3A_685 = arith.constant 0 : i32
      %dma_start3A_686 = tpu.memref_slice %arg13[%dma_start3A_684, %dma_start3A_685] : memref<1280x32xf32, #tpu.memory_space<vmem>> -> memref<128x32xf32, #tpu.memory_space<vmem>>
      %dma_start3A_687 = arith.constant 0 : i32
      %dma_start3A_688 = tpu.memref_slice %arg12[%add3A_683, %dma_start3A_687] : memref<30x128xi32, #tpu.memory_space<vmem>> -> memref<1x128xi32, #tpu.memory_space<vmem>>
      %dma_start3A_689 = tpu.memref_squeeze %dma_start3A_688 : memref<1x128xi32, #tpu.memory_space<vmem>> -> memref<128xi32, #tpu.memory_space<vmem>>
      %dma_start3A_690 = arith.constant 0 : i32
      %dma_start3A_691 = arith.constant 0 : i32
      %dma_start3A_692 = tpu.memref_slice %arg14[%dma_start3A_690, %dma_start3A_691] : memref<20096x32xf32, #tpu.memory_space<vmem_shared>> -> memref<20096x32xf32, #tpu.memory_space<vmem_shared>>
      tpu.enqueue_indirect_dma source(%dma_start3A_686 : memref<128x32xf32, #tpu.memory_space<vmem>>) target(%dma_start3A_692 : memref<20096x32xf32, #tpu.memory_space<vmem_shared>>) offsets(%dma_start3A_689 : memref<128xi32, #tpu.memory_space<vmem>>) semaphore(%arg22 : memref<!tpu.dma_semaphore, #tpu.memory_space<semaphore_mem>>) {add = true}
      %mul3A_693 = arith.constant 10 : i32
      %mul3A_694 = arith.muli %scan3A_609, %mul3A_693 : i32
      %add3A_695 = arith.constant 6 : i32
      %add3A_696 = arith.addi %mul3A_694, %add3A_695 : i32
      %dma_start3A_697 = arith.constant 768 : i32
      %dma_start3A_698 = arith.constant 0 : i32
      %dma_start3A_699 = tpu.memref_slice %arg13[%dma_start3A_697, %dma_start3A_698] : memref<1280x32xf32, #tpu.memory_space<vmem>> -> memref<128x32xf32, #tpu.memory_space<vmem>>
      %dma_start3A_700 = arith.constant 0 : i32
      %dma_start3A_701 = tpu.memref_slice %arg12[%add3A_696, %dma_start3A_700] : memref<30x128xi32, #tpu.memory_space<vmem>> -> memref<1x128xi32, #tpu.memory_space<vmem>>
      %dma_start3A_702 = tpu.memref_squeeze %dma_start3A_701 : memref<1x128xi32, #tpu.memory_space<vmem>> -> memref<128xi32, #tpu.memory_space<vmem>>
      %dma_start3A_703 = arith.constant 0 : i32
      %dma_start3A_704 = arith.constant 0 : i32
      %dma_start3A_705 = tpu.memref_slice %arg14[%dma_start3A_703, %dma_start3A_704] : memref<20096x32xf32, #tpu.memory_space<vmem_shared>> -> memref<20096x32xf32, #tpu.memory_space<vmem_shared>>
      tpu.enqueue_indirect_dma source(%dma_start3A_699 : memref<128x32xf32, #tpu.memory_space<vmem>>) target(%dma_start3A_705 : memref<20096x32xf32, #tpu.memory_space<vmem_shared>>) offsets(%dma_start3A_702 : memref<128xi32, #tpu.memory_space<vmem>>) semaphore(%arg22 : memref<!tpu.dma_semaphore, #tpu.memory_space<semaphore_mem>>) {add = true}
      %mul3A_706 = arith.constant 10 : i32
      %mul3A_707 = arith.muli %scan3A_609, %mul3A_706 : i32
      %add3A_708 = arith.constant 7 : i32
      %add3A_709 = arith.addi %mul3A_707, %add3A_708 : i32
      %dma_start3A_710 = arith.constant 896 : i32
      %dma_start3A_711 = arith.constant 0 : i32
      %dma_start3A_712 = tpu.memref_slice %arg13[%dma_start3A_710, %dma_start3A_711] : memref<1280x32xf32, #tpu.memory_space<vmem>> -> memref<128x32xf32, #tpu.memory_space<vmem>>
      %dma_start3A_713 = arith.constant 0 : i32
      %dma_start3A_714 = tpu.memref_slice %arg12[%add3A_709, %dma_start3A_713] : memref<30x128xi32, #tpu.memory_space<vmem>> -> memref<1x128xi32, #tpu.memory_space<vmem>>
      %dma_start3A_715 = tpu.memref_squeeze %dma_start3A_714 : memref<1x128xi32, #tpu.memory_space<vmem>> -> memref<128xi32, #tpu.memory_space<vmem>>
      %dma_start3A_716 = arith.constant 0 : i32
      %dma_start3A_717 = arith.constant 0 : i32
      %dma_start3A_718 = tpu.memref_slice %arg14[%dma_start3A_716, %dma_start3A_717] : memref<20096x32xf32, #tpu.memory_space<vmem_shared>> -> memref<20096x32xf32, #tpu.memory_space<vmem_shared>>
      tpu.enqueue_indirect_dma source(%dma_start3A_712 : memref<128x32xf32, #tpu.memory_space<vmem>>) target(%dma_start3A_718 : memref<20096x32xf32, #tpu.memory_space<vmem_shared>>) offsets(%dma_start3A_715 : memref<128xi32, #tpu.memory_space<vmem>>) semaphore(%arg22 : memref<!tpu.dma_semaphore, #tpu.memory_space<semaphore_mem>>) {add = true}
      %mul3A_719 = arith.constant 10 : i32
      %mul3A_720 = arith.muli %scan3A_609, %mul3A_719 : i32
      %add3A_721 = arith.constant 8 : i32
      %add3A_722 = arith.addi %mul3A_720, %add3A_721 : i32
      %dma_start3A_723 = arith.constant 1024 : i32
      %dma_start3A_724 = arith.constant 0 : i32
      %dma_start3A_725 = tpu.memref_slice %arg13[%dma_start3A_723, %dma_start3A_724] : memref<1280x32xf32, #tpu.memory_space<vmem>> -> memref<128x32xf32, #tpu.memory_space<vmem>>
      %dma_start3A_726 = arith.constant 0 : i32
      %dma_start3A_727 = tpu.memref_slice %arg12[%add3A_722, %dma_start3A_726] : memref<30x128xi32, #tpu.memory_space<vmem>> -> memref<1x128xi32, #tpu.memory_space<vmem>>
      %dma_start3A_728 = tpu.memref_squeeze %dma_start3A_727 : memref<1x128xi32, #tpu.memory_space<vmem>> -> memref<128xi32, #tpu.memory_space<vmem>>
      %dma_start3A_729 = arith.constant 0 : i32
      %dma_start3A_730 = arith.constant 0 : i32
      %dma_start3A_731 = tpu.memref_slice %arg14[%dma_start3A_729, %dma_start3A_730] : memref<20096x32xf32, #tpu.memory_space<vmem_shared>> -> memref<20096x32xf32, #tpu.memory_space<vmem_shared>>
      tpu.enqueue_indirect_dma source(%dma_start3A_725 : memref<128x32xf32, #tpu.memory_space<vmem>>) target(%dma_start3A_731 : memref<20096x32xf32, #tpu.memory_space<vmem_shared>>) offsets(%dma_start3A_728 : memref<128xi32, #tpu.memory_space<vmem>>) semaphore(%arg22 : memref<!tpu.dma_semaphore, #tpu.memory_space<semaphore_mem>>) {add = true}
      %mul3A_732 = arith.constant 10 : i32
      %mul3A_733 = arith.muli %scan3A_609, %mul3A_732 : i32
      %add3A_734 = arith.constant 9 : i32
      %add3A_735 = arith.addi %mul3A_733, %add3A_734 : i32
      %dma_start3A_736 = arith.constant 1152 : i32
      %dma_start3A_737 = arith.constant 0 : i32
      %dma_start3A_738 = tpu.memref_slice %arg13[%dma_start3A_736, %dma_start3A_737] : memref<1280x32xf32, #tpu.memory_space<vmem>> -> memref<128x32xf32, #tpu.memory_space<vmem>>
      %dma_start3A_739 = arith.constant 0 : i32
      %dma_start3A_740 = tpu.memref_slice %arg12[%add3A_735, %dma_start3A_739] : memref<30x128xi32, #tpu.memory_space<vmem>> -> memref<1x128xi32, #tpu.memory_space<vmem>>
      %dma_start3A_741 = tpu.memref_squeeze %dma_start3A_740 : memref<1x128xi32, #tpu.memory_space<vmem>> -> memref<128xi32, #tpu.memory_space<vmem>>
      %dma_start3A_742 = arith.constant 0 : i32
      %dma_start3A_743 = arith.constant 0 : i32
      %dma_start3A_744 = tpu.memref_slice %arg14[%dma_start3A_742, %dma_start3A_743] : memref<20096x32xf32, #tpu.memory_space<vmem_shared>> -> memref<20096x32xf32, #tpu.memory_space<vmem_shared>>
      tpu.enqueue_indirect_dma source(%dma_start3A_738 : memref<128x32xf32, #tpu.memory_space<vmem>>) target(%dma_start3A_744 : memref<20096x32xf32, #tpu.memory_space<vmem_shared>>) offsets(%dma_start3A_741 : memref<128xi32, #tpu.memory_space<vmem>>) semaphore(%arg22 : memref<!tpu.dma_semaphore, #tpu.memory_space<semaphore_mem>>) {add = true}
      %dma_wait3A_745 = arith.constant 0 : i32
      %dma_wait3A_746 = arith.constant 0 : i32
      %dma_wait3A_747 = tpu.memref_slice %arg13[%dma_wait3A_745, %dma_wait3A_746] : memref<1280x32xf32, #tpu.memory_space<vmem>> -> memref<128x32xf32, #tpu.memory_space<vmem>>
      %dma_wait3A_748 = arith.constant 0 : i32
      %dma_wait3A_749 = tpu.memref_slice %arg12[%add3A_618, %dma_wait3A_748] : memref<30x128xi32, #tpu.memory_space<vmem>> -> memref<1x128xi32, #tpu.memory_space<vmem>>
      %dma_wait3A_750 = tpu.memref_squeeze %dma_wait3A_749 : memref<1x128xi32, #tpu.memory_space<vmem>> -> memref<128xi32, #tpu.memory_space<vmem>>
      %dma_wait3A_751 = arith.constant 0 : i32
      %dma_wait3A_752 = arith.constant 0 : i32
      %dma_wait3A_753 = tpu.memref_slice %arg14[%dma_wait3A_751, %dma_wait3A_752] : memref<20096x32xf32, #tpu.memory_space<vmem_shared>> -> memref<20096x32xf32, #tpu.memory_space<vmem_shared>>
      tpu.wait_indirect_dma semaphore(%arg22 : memref<!tpu.dma_semaphore, #tpu.memory_space<semaphore_mem>>) src(%dma_wait3A_747 : memref<128x32xf32, #tpu.memory_space<vmem>>) dst(%dma_wait3A_753 : memref<20096x32xf32, #tpu.memory_space<vmem_shared>>)
      %dma_wait3A_754 = arith.constant 128 : i32
      %dma_wait3A_755 = arith.constant 0 : i32
      %dma_wait3A_756 = tpu.memref_slice %arg13[%dma_wait3A_754, %dma_wait3A_755] : memref<1280x32xf32, #tpu.memory_space<vmem>> -> memref<128x32xf32, #tpu.memory_space<vmem>>
      %dma_wait3A_757 = arith.constant 0 : i32
      %dma_wait3A_758 = tpu.memref_slice %arg12[%add3A_631, %dma_wait3A_757] : memref<30x128xi32, #tpu.memory_space<vmem>> -> memref<1x128xi32, #tpu.memory_space<vmem>>
      %dma_wait3A_759 = tpu.memref_squeeze %dma_wait3A_758 : memref<1x128xi32, #tpu.memory_space<vmem>> -> memref<128xi32, #tpu.memory_space<vmem>>
      %dma_wait3A_760 = arith.constant 0 : i32
      %dma_wait3A_761 = arith.constant 0 : i32
      %dma_wait3A_762 = tpu.memref_slice %arg14[%dma_wait3A_760, %dma_wait3A_761] : memref<20096x32xf32, #tpu.memory_space<vmem_shared>> -> memref<20096x32xf32, #tpu.memory_space<vmem_shared>>
      tpu.wait_indirect_dma semaphore(%arg22 : memref<!tpu.dma_semaphore, #tpu.memory_space<semaphore_mem>>) src(%dma_wait3A_756 : memref<128x32xf32, #tpu.memory_space<vmem>>) dst(%dma_wait3A_762 : memref<20096x32xf32, #tpu.memory_space<vmem_shared>>)
      %dma_wait3A_763 = arith.constant 256 : i32
      %dma_wait3A_764 = arith.constant 0 : i32
      %dma_wait3A_765 = tpu.memref_slice %arg13[%dma_wait3A_763, %dma_wait3A_764] : memref<1280x32xf32, #tpu.memory_space<vmem>> -> memref<128x32xf32, #tpu.memory_space<vmem>>
      %dma_wait3A_766 = arith.constant 0 : i32
      %dma_wait3A_767 = tpu.memref_slice %arg12[%add3A_644, %dma_wait3A_766] : memref<30x128xi32, #tpu.memory_space<vmem>> -> memref<1x128xi32, #tpu.memory_space<vmem>>
      %dma_wait3A_768 = tpu.memref_squeeze %dma_wait3A_767 : memref<1x128xi32, #tpu.memory_space<vmem>> -> memref<128xi32, #tpu.memory_space<vmem>>
      %dma_wait3A_769 = arith.constant 0 : i32
      %dma_wait3A_770 = arith.constant 0 : i32
      %dma_wait3A_771 = tpu.memref_slice %arg14[%dma_wait3A_769, %dma_wait3A_770] : memref<20096x32xf32, #tpu.memory_space<vmem_shared>> -> memref<20096x32xf32, #tpu.memory_space<vmem_shared>>
      tpu.wait_indirect_dma semaphore(%arg22 : memref<!tpu.dma_semaphore, #tpu.memory_space<semaphore_mem>>) src(%dma_wait3A_765 : memref<128x32xf32, #tpu.memory_space<vmem>>) dst(%dma_wait3A_771 : memref<20096x32xf32, #tpu.memory_space<vmem_shared>>)
      %dma_wait3A_772 = arith.constant 384 : i32
      %dma_wait3A_773 = arith.constant 0 : i32
      %dma_wait3A_774 = tpu.memref_slice %arg13[%dma_wait3A_772, %dma_wait3A_773] : memref<1280x32xf32, #tpu.memory_space<vmem>> -> memref<128x32xf32, #tpu.memory_space<vmem>>
      %dma_wait3A_775 = arith.constant 0 : i32
      %dma_wait3A_776 = tpu.memref_slice %arg12[%add3A_657, %dma_wait3A_775] : memref<30x128xi32, #tpu.memory_space<vmem>> -> memref<1x128xi32, #tpu.memory_space<vmem>>
      %dma_wait3A_777 = tpu.memref_squeeze %dma_wait3A_776 : memref<1x128xi32, #tpu.memory_space<vmem>> -> memref<128xi32, #tpu.memory_space<vmem>>
      %dma_wait3A_778 = arith.constant 0 : i32
      %dma_wait3A_779 = arith.constant 0 : i32
      %dma_wait3A_780 = tpu.memref_slice %arg14[%dma_wait3A_778, %dma_wait3A_779] : memref<20096x32xf32, #tpu.memory_space<vmem_shared>> -> memref<20096x32xf32, #tpu.memory_space<vmem_shared>>
      tpu.wait_indirect_dma semaphore(%arg22 : memref<!tpu.dma_semaphore, #tpu.memory_space<semaphore_mem>>) src(%dma_wait3A_774 : memref<128x32xf32, #tpu.memory_space<vmem>>) dst(%dma_wait3A_780 : memref<20096x32xf32, #tpu.memory_space<vmem_shared>>)
      %dma_wait3A_781 = arith.constant 512 : i32
      %dma_wait3A_782 = arith.constant 0 : i32
      %dma_wait3A_783 = tpu.memref_slice %arg13[%dma_wait3A_781, %dma_wait3A_782] : memref<1280x32xf32, #tpu.memory_space<vmem>> -> memref<128x32xf32, #tpu.memory_space<vmem>>
      %dma_wait3A_784 = arith.constant 0 : i32
      %dma_wait3A_785 = tpu.memref_slice %arg12[%add3A_670, %dma_wait3A_784] : memref<30x128xi32, #tpu.memory_space<vmem>> -> memref<1x128xi32, #tpu.memory_space<vmem>>
      %dma_wait3A_786 = tpu.memref_squeeze %dma_wait3A_785 : memref<1x128xi32, #tpu.memory_space<vmem>> -> memref<128xi32, #tpu.memory_space<vmem>>
      %dma_wait3A_787 = arith.constant 0 : i32
      %dma_wait3A_788 = arith.constant 0 : i32
      %dma_wait3A_789 = tpu.memref_slice %arg14[%dma_wait3A_787, %dma_wait3A_788] : memref<20096x32xf32, #tpu.memory_space<vmem_shared>> -> memref<20096x32xf32, #tpu.memory_space<vmem_shared>>
      tpu.wait_indirect_dma semaphore(%arg22 : memref<!tpu.dma_semaphore, #tpu.memory_space<semaphore_mem>>) src(%dma_wait3A_783 : memref<128x32xf32, #tpu.memory_space<vmem>>) dst(%dma_wait3A_789 : memref<20096x32xf32, #tpu.memory_space<vmem_shared>>)
      %dma_wait3A_790 = arith.constant 640 : i32
      %dma_wait3A_791 = arith.constant 0 : i32
      %dma_wait3A_792 = tpu.memref_slice %arg13[%dma_wait3A_790, %dma_wait3A_791] : memref<1280x32xf32, #tpu.memory_space<vmem>> -> memref<128x32xf32, #tpu.memory_space<vmem>>
      %dma_wait3A_793 = arith.constant 0 : i32
      %dma_wait3A_794 = tpu.memref_slice %arg12[%add3A_683, %dma_wait3A_793] : memref<30x128xi32, #tpu.memory_space<vmem>> -> memref<1x128xi32, #tpu.memory_space<vmem>>
      %dma_wait3A_795 = tpu.memref_squeeze %dma_wait3A_794 : memref<1x128xi32, #tpu.memory_space<vmem>> -> memref<128xi32, #tpu.memory_space<vmem>>
      %dma_wait3A_796 = arith.constant 0 : i32
      %dma_wait3A_797 = arith.constant 0 : i32
      %dma_wait3A_798 = tpu.memref_slice %arg14[%dma_wait3A_796, %dma_wait3A_797] : memref<20096x32xf32, #tpu.memory_space<vmem_shared>> -> memref<20096x32xf32, #tpu.memory_space<vmem_shared>>
      tpu.wait_indirect_dma semaphore(%arg22 : memref<!tpu.dma_semaphore, #tpu.memory_space<semaphore_mem>>) src(%dma_wait3A_792 : memref<128x32xf32, #tpu.memory_space<vmem>>) dst(%dma_wait3A_798 : memref<20096x32xf32, #tpu.memory_space<vmem_shared>>)
      %dma_wait3A_799 = arith.constant 768 : i32
      %dma_wait3A_800 = arith.constant 0 : i32
      %dma_wait3A_801 = tpu.memref_slice %arg13[%dma_wait3A_799, %dma_wait3A_800] : memref<1280x32xf32, #tpu.memory_space<vmem>> -> memref<128x32xf32, #tpu.memory_space<vmem>>
      %dma_wait3A_802 = arith.constant 0 : i32
      %dma_wait3A_803 = tpu.memref_slice %arg12[%add3A_696, %dma_wait3A_802] : memref<30x128xi32, #tpu.memory_space<vmem>> -> memref<1x128xi32, #tpu.memory_space<vmem>>
      %dma_wait3A_804 = tpu.memref_squeeze %dma_wait3A_803 : memref<1x128xi32, #tpu.memory_space<vmem>> -> memref<128xi32, #tpu.memory_space<vmem>>
      %dma_wait3A_805 = arith.constant 0 : i32
      %dma_wait3A_806 = arith.constant 0 : i32
      %dma_wait3A_807 = tpu.memref_slice %arg14[%dma_wait3A_805, %dma_wait3A_806] : memref<20096x32xf32, #tpu.memory_space<vmem_shared>> -> memref<20096x32xf32, #tpu.memory_space<vmem_shared>>
      tpu.wait_indirect_dma semaphore(%arg22 : memref<!tpu.dma_semaphore, #tpu.memory_space<semaphore_mem>>) src(%dma_wait3A_801 : memref<128x32xf32, #tpu.memory_space<vmem>>) dst(%dma_wait3A_807 : memref<20096x32xf32, #tpu.memory_space<vmem_shared>>)
      %dma_wait3A_808 = arith.constant 896 : i32
      %dma_wait3A_809 = arith.constant 0 : i32
      %dma_wait3A_810 = tpu.memref_slice %arg13[%dma_wait3A_808, %dma_wait3A_809] : memref<1280x32xf32, #tpu.memory_space<vmem>> -> memref<128x32xf32, #tpu.memory_space<vmem>>
      %dma_wait3A_811 = arith.constant 0 : i32
      %dma_wait3A_812 = tpu.memref_slice %arg12[%add3A_709, %dma_wait3A_811] : memref<30x128xi32, #tpu.memory_space<vmem>> -> memref<1x128xi32, #tpu.memory_space<vmem>>
      %dma_wait3A_813 = tpu.memref_squeeze %dma_wait3A_812 : memref<1x128xi32, #tpu.memory_space<vmem>> -> memref<128xi32, #tpu.memory_space<vmem>>
      %dma_wait3A_814 = arith.constant 0 : i32
      %dma_wait3A_815 = arith.constant 0 : i32
      %dma_wait3A_816 = tpu.memref_slice %arg14[%dma_wait3A_814, %dma_wait3A_815] : memref<20096x32xf32, #tpu.memory_space<vmem_shared>> -> memref<20096x32xf32, #tpu.memory_space<vmem_shared>>
      tpu.wait_indirect_dma semaphore(%arg22 : memref<!tpu.dma_semaphore, #tpu.memory_space<semaphore_mem>>) src(%dma_wait3A_810 : memref<128x32xf32, #tpu.memory_space<vmem>>) dst(%dma_wait3A_816 : memref<20096x32xf32, #tpu.memory_space<vmem_shared>>)
      %dma_wait3A_817 = arith.constant 1024 : i32
      %dma_wait3A_818 = arith.constant 0 : i32
      %dma_wait3A_819 = tpu.memref_slice %arg13[%dma_wait3A_817, %dma_wait3A_818] : memref<1280x32xf32, #tpu.memory_space<vmem>> -> memref<128x32xf32, #tpu.memory_space<vmem>>
      %dma_wait3A_820 = arith.constant 0 : i32
      %dma_wait3A_821 = tpu.memref_slice %arg12[%add3A_722, %dma_wait3A_820] : memref<30x128xi32, #tpu.memory_space<vmem>> -> memref<1x128xi32, #tpu.memory_space<vmem>>
      %dma_wait3A_822 = tpu.memref_squeeze %dma_wait3A_821 : memref<1x128xi32, #tpu.memory_space<vmem>> -> memref<128xi32, #tpu.memory_space<vmem>>
      %dma_wait3A_823 = arith.constant 0 : i32
      %dma_wait3A_824 = arith.constant 0 : i32
      %dma_wait3A_825 = tpu.memref_slice %arg14[%dma_wait3A_823, %dma_wait3A_824] : memref<20096x32xf32, #tpu.memory_space<vmem_shared>> -> memref<20096x32xf32, #tpu.memory_space<vmem_shared>>
      tpu.wait_indirect_dma semaphore(%arg22 : memref<!tpu.dma_semaphore, #tpu.memory_space<semaphore_mem>>) src(%dma_wait3A_819 : memref<128x32xf32, #tpu.memory_space<vmem>>) dst(%dma_wait3A_825 : memref<20096x32xf32, #tpu.memory_space<vmem_shared>>)
      %dma_wait3A_826 = arith.constant 1152 : i32
      %dma_wait3A_827 = arith.constant 0 : i32
      %dma_wait3A_828 = tpu.memref_slice %arg13[%dma_wait3A_826, %dma_wait3A_827] : memref<1280x32xf32, #tpu.memory_space<vmem>> -> memref<128x32xf32, #tpu.memory_space<vmem>>
      %dma_wait3A_829 = arith.constant 0 : i32
      %dma_wait3A_830 = tpu.memref_slice %arg12[%add3A_735, %dma_wait3A_829] : memref<30x128xi32, #tpu.memory_space<vmem>> -> memref<1x128xi32, #tpu.memory_space<vmem>>
      %dma_wait3A_831 = tpu.memref_squeeze %dma_wait3A_830 : memref<1x128xi32, #tpu.memory_space<vmem>> -> memref<128xi32, #tpu.memory_space<vmem>>
      %dma_wait3A_832 = arith.constant 0 : i32
      %dma_wait3A_833 = arith.constant 0 : i32
      %dma_wait3A_834 = tpu.memref_slice %arg14[%dma_wait3A_832, %dma_wait3A_833] : memref<20096x32xf32, #tpu.memory_space<vmem_shared>> -> memref<20096x32xf32, #tpu.memory_space<vmem_shared>>
      tpu.wait_indirect_dma semaphore(%arg22 : memref<!tpu.dma_semaphore, #tpu.memory_space<semaphore_mem>>) src(%dma_wait3A_828 : memref<128x32xf32, #tpu.memory_space<vmem>>) dst(%dma_wait3A_834 : memref<20096x32xf32, #tpu.memory_space<vmem_shared>>)
    }
    %scan3A_198 = arith.constant 3 : i32
    %dma_wait3A = arith.constant 0 : i32
    %dma_wait3A_199 = arith.constant 0 : i32
    %dma_wait3A_200 = arith.constant 0 : i32
    %dma_wait3A_201 = tpu.memref_slice %arg16[%dma_wait3A_199, %dma_wait3A_200] : memref<6x128xi32, #tpu.memory_space<vmem>> -> memref<1x128xi32, #tpu.memory_space<vmem>>
    %dma_wait3A_202 = tpu.memref_squeeze %dma_wait3A_201 : memref<1x128xi32, #tpu.memory_space<vmem>> -> memref<128xi32, #tpu.memory_space<vmem>>
    %dma_wait3A_203 = arith.constant 0 : i32
    %dma_wait3A_204 = tpu.memref_slice %arg15[%dma_wait3A, %dma_wait3A_203] : memref<6x128xi32, #tpu.memory_space<vmem>> -> memref<1x128xi32, #tpu.memory_space<vmem>>
    %dma_wait3A_205 = tpu.memref_squeeze %dma_wait3A_204 : memref<1x128xi32, #tpu.memory_space<vmem>> -> memref<128xi32, #tpu.memory_space<vmem>>
    %dma_wait3A_206 = arith.constant 0 : i32
    %dma_wait3A_207 = tpu.memref_slice %arg6[%dma_wait3A_206] : memref<120000xi32, #tpu.memory_space<hbm>> -> memref<120000xi32, #tpu.memory_space<hbm>>
    tpu.wait_indirect_dma semaphore(%arg21 : memref<!tpu.dma_semaphore, #tpu.memory_space<semaphore_mem>>) src(%dma_wait3A_207 : memref<120000xi32, #tpu.memory_space<hbm>>) dst(%dma_wait3A_202 : memref<128xi32, #tpu.memory_space<vmem>>)
    %dma_wait3A_208 = arith.constant 0 : i32
    %dma_wait3A_209 = arith.constant 0 : i32
    %dma_wait3A_210 = arith.constant 0 : i32
    %dma_wait3A_211 = tpu.memref_slice %arg17[%dma_wait3A_209, %dma_wait3A_210] : memref<6x128xi32, #tpu.memory_space<vmem>> -> memref<1x128xi32, #tpu.memory_space<vmem>>
    %dma_wait3A_212 = tpu.memref_squeeze %dma_wait3A_211 : memref<1x128xi32, #tpu.memory_space<vmem>> -> memref<128xi32, #tpu.memory_space<vmem>>
    %dma_wait3A_213 = arith.constant 0 : i32
    %dma_wait3A_214 = tpu.memref_slice %arg15[%dma_wait3A_208, %dma_wait3A_213] : memref<6x128xi32, #tpu.memory_space<vmem>> -> memref<1x128xi32, #tpu.memory_space<vmem>>
    %dma_wait3A_215 = tpu.memref_squeeze %dma_wait3A_214 : memref<1x128xi32, #tpu.memory_space<vmem>> -> memref<128xi32, #tpu.memory_space<vmem>>
    %dma_wait3A_216 = arith.constant 0 : i32
    %dma_wait3A_217 = tpu.memref_slice %arg7[%dma_wait3A_216] : memref<120000xi32, #tpu.memory_space<hbm>> -> memref<120000xi32, #tpu.memory_space<hbm>>
    tpu.wait_indirect_dma semaphore(%arg21 : memref<!tpu.dma_semaphore, #tpu.memory_space<semaphore_mem>>) src(%dma_wait3A_217 : memref<120000xi32, #tpu.memory_space<hbm>>) dst(%dma_wait3A_212 : memref<128xi32, #tpu.memory_space<vmem>>)
    %dma_wait3A_218 = arith.constant 0 : i32
    %dma_wait3A_219 = arith.constant 0 : i32
    %dma_wait3A_220 = arith.constant 0 : i32
    %dma_wait3A_221 = arith.constant 0 : i32
    %dma_wait3A_222 = tpu.memref_slice %arg18[%dma_wait3A_219, %dma_wait3A_220, %dma_wait3A_221] : memref<6x128x16xf32, #tpu.memory_space<vmem>> -> memref<1x128x16xf32, #tpu.memory_space<vmem>>
    %dma_wait3A_223 = tpu.memref_squeeze %dma_wait3A_222 : memref<1x128x16xf32, #tpu.memory_space<vmem>> -> memref<128x16xf32, #tpu.memory_space<vmem>>
    %dma_wait3A_224 = arith.constant 0 : i32
    %dma_wait3A_225 = tpu.memref_slice %arg15[%dma_wait3A_218, %dma_wait3A_224] : memref<6x128xi32, #tpu.memory_space<vmem>> -> memref<1x128xi32, #tpu.memory_space<vmem>>
    %dma_wait3A_226 = tpu.memref_squeeze %dma_wait3A_225 : memref<1x128xi32, #tpu.memory_space<vmem>> -> memref<128xi32, #tpu.memory_space<vmem>>
    %dma_wait3A_227 = arith.constant 0 : i32
    %dma_wait3A_228 = arith.constant 0 : i32
    %dma_wait3A_229 = tpu.memref_slice %arg8[%dma_wait3A_227, %dma_wait3A_228] : memref<120000x16xf32, #tpu.memory_space<hbm>> -> memref<120000x16xf32, #tpu.memory_space<hbm>>
    tpu.wait_indirect_dma semaphore(%arg21 : memref<!tpu.dma_semaphore, #tpu.memory_space<semaphore_mem>>) src(%dma_wait3A_229 : memref<120000x16xf32, #tpu.memory_space<hbm>>) dst(%dma_wait3A_223 : memref<128x16xf32, #tpu.memory_space<vmem>>)
    %dma_wait3A_230 = arith.constant 1 : i32
    %dma_wait3A_231 = arith.constant 1 : i32
    %dma_wait3A_232 = arith.constant 0 : i32
    %dma_wait3A_233 = tpu.memref_slice %arg16[%dma_wait3A_231, %dma_wait3A_232] : memref<6x128xi32, #tpu.memory_space<vmem>> -> memref<1x128xi32, #tpu.memory_space<vmem>>
    %dma_wait3A_234 = tpu.memref_squeeze %dma_wait3A_233 : memref<1x128xi32, #tpu.memory_space<vmem>> -> memref<128xi32, #tpu.memory_space<vmem>>
    %dma_wait3A_235 = arith.constant 0 : i32
    %dma_wait3A_236 = tpu.memref_slice %arg15[%dma_wait3A_230, %dma_wait3A_235] : memref<6x128xi32, #tpu.memory_space<vmem>> -> memref<1x128xi32, #tpu.memory_space<vmem>>
    %dma_wait3A_237 = tpu.memref_squeeze %dma_wait3A_236 : memref<1x128xi32, #tpu.memory_space<vmem>> -> memref<128xi32, #tpu.memory_space<vmem>>
    %dma_wait3A_238 = arith.constant 0 : i32
    %dma_wait3A_239 = tpu.memref_slice %arg6[%dma_wait3A_238] : memref<120000xi32, #tpu.memory_space<hbm>> -> memref<120000xi32, #tpu.memory_space<hbm>>
    tpu.wait_indirect_dma semaphore(%arg21 : memref<!tpu.dma_semaphore, #tpu.memory_space<semaphore_mem>>) src(%dma_wait3A_239 : memref<120000xi32, #tpu.memory_space<hbm>>) dst(%dma_wait3A_234 : memref<128xi32, #tpu.memory_space<vmem>>)
    %dma_wait3A_240 = arith.constant 1 : i32
    %dma_wait3A_241 = arith.constant 1 : i32
    %dma_wait3A_242 = arith.constant 0 : i32
    %dma_wait3A_243 = tpu.memref_slice %arg17[%dma_wait3A_241, %dma_wait3A_242] : memref<6x128xi32, #tpu.memory_space<vmem>> -> memref<1x128xi32, #tpu.memory_space<vmem>>
    %dma_wait3A_244 = tpu.memref_squeeze %dma_wait3A_243 : memref<1x128xi32, #tpu.memory_space<vmem>> -> memref<128xi32, #tpu.memory_space<vmem>>
    %dma_wait3A_245 = arith.constant 0 : i32
    %dma_wait3A_246 = tpu.memref_slice %arg15[%dma_wait3A_240, %dma_wait3A_245] : memref<6x128xi32, #tpu.memory_space<vmem>> -> memref<1x128xi32, #tpu.memory_space<vmem>>
    %dma_wait3A_247 = tpu.memref_squeeze %dma_wait3A_246 : memref<1x128xi32, #tpu.memory_space<vmem>> -> memref<128xi32, #tpu.memory_space<vmem>>
    %dma_wait3A_248 = arith.constant 0 : i32
    %dma_wait3A_249 = tpu.memref_slice %arg7[%dma_wait3A_248] : memref<120000xi32, #tpu.memory_space<hbm>> -> memref<120000xi32, #tpu.memory_space<hbm>>
    tpu.wait_indirect_dma semaphore(%arg21 : memref<!tpu.dma_semaphore, #tpu.memory_space<semaphore_mem>>) src(%dma_wait3A_249 : memref<120000xi32, #tpu.memory_space<hbm>>) dst(%dma_wait3A_244 : memref<128xi32, #tpu.memory_space<vmem>>)
    %dma_wait3A_250 = arith.constant 1 : i32
    %dma_wait3A_251 = arith.constant 1 : i32
    %dma_wait3A_252 = arith.constant 0 : i32
    %dma_wait3A_253 = arith.constant 0 : i32
    %dma_wait3A_254 = tpu.memref_slice %arg18[%dma_wait3A_251, %dma_wait3A_252, %dma_wait3A_253] : memref<6x128x16xf32, #tpu.memory_space<vmem>> -> memref<1x128x16xf32, #tpu.memory_space<vmem>>
    %dma_wait3A_255 = tpu.memref_squeeze %dma_wait3A_254 : memref<1x128x16xf32, #tpu.memory_space<vmem>> -> memref<128x16xf32, #tpu.memory_space<vmem>>
    %dma_wait3A_256 = arith.constant 0 : i32
    %dma_wait3A_257 = tpu.memref_slice %arg15[%dma_wait3A_250, %dma_wait3A_256] : memref<6x128xi32, #tpu.memory_space<vmem>> -> memref<1x128xi32, #tpu.memory_space<vmem>>
    %dma_wait3A_258 = tpu.memref_squeeze %dma_wait3A_257 : memref<1x128xi32, #tpu.memory_space<vmem>> -> memref<128xi32, #tpu.memory_space<vmem>>
    %dma_wait3A_259 = arith.constant 0 : i32
    %dma_wait3A_260 = arith.constant 0 : i32
    %dma_wait3A_261 = tpu.memref_slice %arg8[%dma_wait3A_259, %dma_wait3A_260] : memref<120000x16xf32, #tpu.memory_space<hbm>> -> memref<120000x16xf32, #tpu.memory_space<hbm>>
    tpu.wait_indirect_dma semaphore(%arg21 : memref<!tpu.dma_semaphore, #tpu.memory_space<semaphore_mem>>) src(%dma_wait3A_261 : memref<120000x16xf32, #tpu.memory_space<hbm>>) dst(%dma_wait3A_255 : memref<128x16xf32, #tpu.memory_space<vmem>>)
    %dma_wait3A_262 = arith.constant 2 : i32
    %dma_wait3A_263 = arith.constant 2 : i32
    %dma_wait3A_264 = arith.constant 0 : i32
    %dma_wait3A_265 = tpu.memref_slice %arg16[%dma_wait3A_263, %dma_wait3A_264] : memref<6x128xi32, #tpu.memory_space<vmem>> -> memref<1x128xi32, #tpu.memory_space<vmem>>
    %dma_wait3A_266 = tpu.memref_squeeze %dma_wait3A_265 : memref<1x128xi32, #tpu.memory_space<vmem>> -> memref<128xi32, #tpu.memory_space<vmem>>
    %dma_wait3A_267 = arith.constant 0 : i32
    %dma_wait3A_268 = tpu.memref_slice %arg15[%dma_wait3A_262, %dma_wait3A_267] : memref<6x128xi32, #tpu.memory_space<vmem>> -> memref<1x128xi32, #tpu.memory_space<vmem>>
    %dma_wait3A_269 = tpu.memref_squeeze %dma_wait3A_268 : memref<1x128xi32, #tpu.memory_space<vmem>> -> memref<128xi32, #tpu.memory_space<vmem>>
    %dma_wait3A_270 = arith.constant 0 : i32
    %dma_wait3A_271 = tpu.memref_slice %arg6[%dma_wait3A_270] : memref<120000xi32, #tpu.memory_space<hbm>> -> memref<120000xi32, #tpu.memory_space<hbm>>
    tpu.wait_indirect_dma semaphore(%arg21 : memref<!tpu.dma_semaphore, #tpu.memory_space<semaphore_mem>>) src(%dma_wait3A_271 : memref<120000xi32, #tpu.memory_space<hbm>>) dst(%dma_wait3A_266 : memref<128xi32, #tpu.memory_space<vmem>>)
    %dma_wait3A_272 = arith.constant 2 : i32
    %dma_wait3A_273 = arith.constant 2 : i32
    %dma_wait3A_274 = arith.constant 0 : i32
    %dma_wait3A_275 = tpu.memref_slice %arg17[%dma_wait3A_273, %dma_wait3A_274] : memref<6x128xi32, #tpu.memory_space<vmem>> -> memref<1x128xi32, #tpu.memory_space<vmem>>
    %dma_wait3A_276 = tpu.memref_squeeze %dma_wait3A_275 : memref<1x128xi32, #tpu.memory_space<vmem>> -> memref<128xi32, #tpu.memory_space<vmem>>
    %dma_wait3A_277 = arith.constant 0 : i32
    %dma_wait3A_278 = tpu.memref_slice %arg15[%dma_wait3A_272, %dma_wait3A_277] : memref<6x128xi32, #tpu.memory_space<vmem>> -> memref<1x128xi32, #tpu.memory_space<vmem>>
    %dma_wait3A_279 = tpu.memref_squeeze %dma_wait3A_278 : memref<1x128xi32, #tpu.memory_space<vmem>> -> memref<128xi32, #tpu.memory_space<vmem>>
    %dma_wait3A_280 = arith.constant 0 : i32
    %dma_wait3A_281 = tpu.memref_slice %arg7[%dma_wait3A_280] : memref<120000xi32, #tpu.memory_space<hbm>> -> memref<120000xi32, #tpu.memory_space<hbm>>
    tpu.wait_indirect_dma semaphore(%arg21 : memref<!tpu.dma_semaphore, #tpu.memory_space<semaphore_mem>>) src(%dma_wait3A_281 : memref<120000xi32, #tpu.memory_space<hbm>>) dst(%dma_wait3A_276 : memref<128xi32, #tpu.memory_space<vmem>>)
    %dma_wait3A_282 = arith.constant 2 : i32
    %dma_wait3A_283 = arith.constant 2 : i32
    %dma_wait3A_284 = arith.constant 0 : i32
    %dma_wait3A_285 = arith.constant 0 : i32
    %dma_wait3A_286 = tpu.memref_slice %arg18[%dma_wait3A_283, %dma_wait3A_284, %dma_wait3A_285] : memref<6x128x16xf32, #tpu.memory_space<vmem>> -> memref<1x128x16xf32, #tpu.memory_space<vmem>>
    %dma_wait3A_287 = tpu.memref_squeeze %dma_wait3A_286 : memref<1x128x16xf32, #tpu.memory_space<vmem>> -> memref<128x16xf32, #tpu.memory_space<vmem>>
    %dma_wait3A_288 = arith.constant 0 : i32
    %dma_wait3A_289 = tpu.memref_slice %arg15[%dma_wait3A_282, %dma_wait3A_288] : memref<6x128xi32, #tpu.memory_space<vmem>> -> memref<1x128xi32, #tpu.memory_space<vmem>>
    %dma_wait3A_290 = tpu.memref_squeeze %dma_wait3A_289 : memref<1x128xi32, #tpu.memory_space<vmem>> -> memref<128xi32, #tpu.memory_space<vmem>>
    %dma_wait3A_291 = arith.constant 0 : i32
    %dma_wait3A_292 = arith.constant 0 : i32
    %dma_wait3A_293 = tpu.memref_slice %arg8[%dma_wait3A_291, %dma_wait3A_292] : memref<120000x16xf32, #tpu.memory_space<hbm>> -> memref<120000x16xf32, #tpu.memory_space<hbm>>
    tpu.wait_indirect_dma semaphore(%arg21 : memref<!tpu.dma_semaphore, #tpu.memory_space<semaphore_mem>>) src(%dma_wait3A_293 : memref<120000x16xf32, #tpu.memory_space<hbm>>) dst(%dma_wait3A_287 : memref<128x16xf32, #tpu.memory_space<vmem>>)
    %dma_wait3A_294 = arith.constant 3 : i32
    %dma_wait3A_295 = arith.constant 3 : i32
    %dma_wait3A_296 = arith.constant 0 : i32
    %dma_wait3A_297 = tpu.memref_slice %arg16[%dma_wait3A_295, %dma_wait3A_296] : memref<6x128xi32, #tpu.memory_space<vmem>> -> memref<1x128xi32, #tpu.memory_space<vmem>>
    %dma_wait3A_298 = tpu.memref_squeeze %dma_wait3A_297 : memref<1x128xi32, #tpu.memory_space<vmem>> -> memref<128xi32, #tpu.memory_space<vmem>>
    %dma_wait3A_299 = arith.constant 0 : i32
    %dma_wait3A_300 = tpu.memref_slice %arg15[%dma_wait3A_294, %dma_wait3A_299] : memref<6x128xi32, #tpu.memory_space<vmem>> -> memref<1x128xi32, #tpu.memory_space<vmem>>
    %dma_wait3A_301 = tpu.memref_squeeze %dma_wait3A_300 : memref<1x128xi32, #tpu.memory_space<vmem>> -> memref<128xi32, #tpu.memory_space<vmem>>
    %dma_wait3A_302 = arith.constant 0 : i32
    %dma_wait3A_303 = tpu.memref_slice %arg6[%dma_wait3A_302] : memref<120000xi32, #tpu.memory_space<hbm>> -> memref<120000xi32, #tpu.memory_space<hbm>>
    tpu.wait_indirect_dma semaphore(%arg21 : memref<!tpu.dma_semaphore, #tpu.memory_space<semaphore_mem>>) src(%dma_wait3A_303 : memref<120000xi32, #tpu.memory_space<hbm>>) dst(%dma_wait3A_298 : memref<128xi32, #tpu.memory_space<vmem>>)
    %dma_wait3A_304 = arith.constant 3 : i32
    %dma_wait3A_305 = arith.constant 3 : i32
    %dma_wait3A_306 = arith.constant 0 : i32
    %dma_wait3A_307 = tpu.memref_slice %arg17[%dma_wait3A_305, %dma_wait3A_306] : memref<6x128xi32, #tpu.memory_space<vmem>> -> memref<1x128xi32, #tpu.memory_space<vmem>>
    %dma_wait3A_308 = tpu.memref_squeeze %dma_wait3A_307 : memref<1x128xi32, #tpu.memory_space<vmem>> -> memref<128xi32, #tpu.memory_space<vmem>>
    %dma_wait3A_309 = arith.constant 0 : i32
    %dma_wait3A_310 = tpu.memref_slice %arg15[%dma_wait3A_304, %dma_wait3A_309] : memref<6x128xi32, #tpu.memory_space<vmem>> -> memref<1x128xi32, #tpu.memory_space<vmem>>
    %dma_wait3A_311 = tpu.memref_squeeze %dma_wait3A_310 : memref<1x128xi32, #tpu.memory_space<vmem>> -> memref<128xi32, #tpu.memory_space<vmem>>
    %dma_wait3A_312 = arith.constant 0 : i32
    %dma_wait3A_313 = tpu.memref_slice %arg7[%dma_wait3A_312] : memref<120000xi32, #tpu.memory_space<hbm>> -> memref<120000xi32, #tpu.memory_space<hbm>>
    tpu.wait_indirect_dma semaphore(%arg21 : memref<!tpu.dma_semaphore, #tpu.memory_space<semaphore_mem>>) src(%dma_wait3A_313 : memref<120000xi32, #tpu.memory_space<hbm>>) dst(%dma_wait3A_308 : memref<128xi32, #tpu.memory_space<vmem>>)
    %dma_wait3A_314 = arith.constant 3 : i32
    %dma_wait3A_315 = arith.constant 3 : i32
    %dma_wait3A_316 = arith.constant 0 : i32
    %dma_wait3A_317 = arith.constant 0 : i32
    %dma_wait3A_318 = tpu.memref_slice %arg18[%dma_wait3A_315, %dma_wait3A_316, %dma_wait3A_317] : memref<6x128x16xf32, #tpu.memory_space<vmem>> -> memref<1x128x16xf32, #tpu.memory_space<vmem>>
    %dma_wait3A_319 = tpu.memref_squeeze %dma_wait3A_318 : memref<1x128x16xf32, #tpu.memory_space<vmem>> -> memref<128x16xf32, #tpu.memory_space<vmem>>
    %dma_wait3A_320 = arith.constant 0 : i32
    %dma_wait3A_321 = tpu.memref_slice %arg15[%dma_wait3A_314, %dma_wait3A_320] : memref<6x128xi32, #tpu.memory_space<vmem>> -> memref<1x128xi32, #tpu.memory_space<vmem>>
    %dma_wait3A_322 = tpu.memref_squeeze %dma_wait3A_321 : memref<1x128xi32, #tpu.memory_space<vmem>> -> memref<128xi32, #tpu.memory_space<vmem>>
    %dma_wait3A_323 = arith.constant 0 : i32
    %dma_wait3A_324 = arith.constant 0 : i32
    %dma_wait3A_325 = tpu.memref_slice %arg8[%dma_wait3A_323, %dma_wait3A_324] : memref<120000x16xf32, #tpu.memory_space<hbm>> -> memref<120000x16xf32, #tpu.memory_space<hbm>>
    tpu.wait_indirect_dma semaphore(%arg21 : memref<!tpu.dma_semaphore, #tpu.memory_space<semaphore_mem>>) src(%dma_wait3A_325 : memref<120000x16xf32, #tpu.memory_space<hbm>>) dst(%dma_wait3A_319 : memref<128x16xf32, #tpu.memory_space<vmem>>)
    %dma_wait3A_326 = arith.constant 4 : i32
    %dma_wait3A_327 = arith.constant 4 : i32
    %dma_wait3A_328 = arith.constant 0 : i32
    %dma_wait3A_329 = tpu.memref_slice %arg16[%dma_wait3A_327, %dma_wait3A_328] : memref<6x128xi32, #tpu.memory_space<vmem>> -> memref<1x128xi32, #tpu.memory_space<vmem>>
    %dma_wait3A_330 = tpu.memref_squeeze %dma_wait3A_329 : memref<1x128xi32, #tpu.memory_space<vmem>> -> memref<128xi32, #tpu.memory_space<vmem>>
    %dma_wait3A_331 = arith.constant 0 : i32
    %dma_wait3A_332 = tpu.memref_slice %arg15[%dma_wait3A_326, %dma_wait3A_331] : memref<6x128xi32, #tpu.memory_space<vmem>> -> memref<1x128xi32, #tpu.memory_space<vmem>>
    %dma_wait3A_333 = tpu.memref_squeeze %dma_wait3A_332 : memref<1x128xi32, #tpu.memory_space<vmem>> -> memref<128xi32, #tpu.memory_space<vmem>>
    %dma_wait3A_334 = arith.constant 0 : i32
    %dma_wait3A_335 = tpu.memref_slice %arg6[%dma_wait3A_334] : memref<120000xi32, #tpu.memory_space<hbm>> -> memref<120000xi32, #tpu.memory_space<hbm>>
    tpu.wait_indirect_dma semaphore(%arg21 : memref<!tpu.dma_semaphore, #tpu.memory_space<semaphore_mem>>) src(%dma_wait3A_335 : memref<120000xi32, #tpu.memory_space<hbm>>) dst(%dma_wait3A_330 : memref<128xi32, #tpu.memory_space<vmem>>)
    %dma_wait3A_336 = arith.constant 4 : i32
    %dma_wait3A_337 = arith.constant 4 : i32
    %dma_wait3A_338 = arith.constant 0 : i32
    %dma_wait3A_339 = tpu.memref_slice %arg17[%dma_wait3A_337, %dma_wait3A_338] : memref<6x128xi32, #tpu.memory_space<vmem>> -> memref<1x128xi32, #tpu.memory_space<vmem>>
    %dma_wait3A_340 = tpu.memref_squeeze %dma_wait3A_339 : memref<1x128xi32, #tpu.memory_space<vmem>> -> memref<128xi32, #tpu.memory_space<vmem>>
    %dma_wait3A_341 = arith.constant 0 : i32
    %dma_wait3A_342 = tpu.memref_slice %arg15[%dma_wait3A_336, %dma_wait3A_341] : memref<6x128xi32, #tpu.memory_space<vmem>> -> memref<1x128xi32, #tpu.memory_space<vmem>>
    %dma_wait3A_343 = tpu.memref_squeeze %dma_wait3A_342 : memref<1x128xi32, #tpu.memory_space<vmem>> -> memref<128xi32, #tpu.memory_space<vmem>>
    %dma_wait3A_344 = arith.constant 0 : i32
    %dma_wait3A_345 = tpu.memref_slice %arg7[%dma_wait3A_344] : memref<120000xi32, #tpu.memory_space<hbm>> -> memref<120000xi32, #tpu.memory_space<hbm>>
    tpu.wait_indirect_dma semaphore(%arg21 : memref<!tpu.dma_semaphore, #tpu.memory_space<semaphore_mem>>) src(%dma_wait3A_345 : memref<120000xi32, #tpu.memory_space<hbm>>) dst(%dma_wait3A_340 : memref<128xi32, #tpu.memory_space<vmem>>)
    %dma_wait3A_346 = arith.constant 4 : i32
    %dma_wait3A_347 = arith.constant 4 : i32
    %dma_wait3A_348 = arith.constant 0 : i32
    %dma_wait3A_349 = arith.constant 0 : i32
    %dma_wait3A_350 = tpu.memref_slice %arg18[%dma_wait3A_347, %dma_wait3A_348, %dma_wait3A_349] : memref<6x128x16xf32, #tpu.memory_space<vmem>> -> memref<1x128x16xf32, #tpu.memory_space<vmem>>
    %dma_wait3A_351 = tpu.memref_squeeze %dma_wait3A_350 : memref<1x128x16xf32, #tpu.memory_space<vmem>> -> memref<128x16xf32, #tpu.memory_space<vmem>>
    %dma_wait3A_352 = arith.constant 0 : i32
    %dma_wait3A_353 = tpu.memref_slice %arg15[%dma_wait3A_346, %dma_wait3A_352] : memref<6x128xi32, #tpu.memory_space<vmem>> -> memref<1x128xi32, #tpu.memory_space<vmem>>
    %dma_wait3A_354 = tpu.memref_squeeze %dma_wait3A_353 : memref<1x128xi32, #tpu.memory_space<vmem>> -> memref<128xi32, #tpu.memory_space<vmem>>
    %dma_wait3A_355 = arith.constant 0 : i32
    %dma_wait3A_356 = arith.constant 0 : i32
    %dma_wait3A_357 = tpu.memref_slice %arg8[%dma_wait3A_355, %dma_wait3A_356] : memref<120000x16xf32, #tpu.memory_space<hbm>> -> memref<120000x16xf32, #tpu.memory_space<hbm>>
    tpu.wait_indirect_dma semaphore(%arg21 : memref<!tpu.dma_semaphore, #tpu.memory_space<semaphore_mem>>) src(%dma_wait3A_357 : memref<120000x16xf32, #tpu.memory_space<hbm>>) dst(%dma_wait3A_351 : memref<128x16xf32, #tpu.memory_space<vmem>>)
    %dma_wait3A_358 = arith.constant 5 : i32
    %dma_wait3A_359 = arith.constant 5 : i32
    %dma_wait3A_360 = arith.constant 0 : i32
    %dma_wait3A_361 = tpu.memref_slice %arg16[%dma_wait3A_359, %dma_wait3A_360] : memref<6x128xi32, #tpu.memory_space<vmem>> -> memref<1x128xi32, #tpu.memory_space<vmem>>
    %dma_wait3A_362 = tpu.memref_squeeze %dma_wait3A_361 : memref<1x128xi32, #tpu.memory_space<vmem>> -> memref<128xi32, #tpu.memory_space<vmem>>
    %dma_wait3A_363 = arith.constant 0 : i32
    %dma_wait3A_364 = tpu.memref_slice %arg15[%dma_wait3A_358, %dma_wait3A_363] : memref<6x128xi32, #tpu.memory_space<vmem>> -> memref<1x128xi32, #tpu.memory_space<vmem>>
    %dma_wait3A_365 = tpu.memref_squeeze %dma_wait3A_364 : memref<1x128xi32, #tpu.memory_space<vmem>> -> memref<128xi32, #tpu.memory_space<vmem>>
    %dma_wait3A_366 = arith.constant 0 : i32
    %dma_wait3A_367 = tpu.memref_slice %arg6[%dma_wait3A_366] : memref<120000xi32, #tpu.memory_space<hbm>> -> memref<120000xi32, #tpu.memory_space<hbm>>
    tpu.wait_indirect_dma semaphore(%arg21 : memref<!tpu.dma_semaphore, #tpu.memory_space<semaphore_mem>>) src(%dma_wait3A_367 : memref<120000xi32, #tpu.memory_space<hbm>>) dst(%dma_wait3A_362 : memref<128xi32, #tpu.memory_space<vmem>>)
    %dma_wait3A_368 = arith.constant 5 : i32
    %dma_wait3A_369 = arith.constant 5 : i32
    %dma_wait3A_370 = arith.constant 0 : i32
    %dma_wait3A_371 = tpu.memref_slice %arg17[%dma_wait3A_369, %dma_wait3A_370] : memref<6x128xi32, #tpu.memory_space<vmem>> -> memref<1x128xi32, #tpu.memory_space<vmem>>
    %dma_wait3A_372 = tpu.memref_squeeze %dma_wait3A_371 : memref<1x128xi32, #tpu.memory_space<vmem>> -> memref<128xi32, #tpu.memory_space<vmem>>
    %dma_wait3A_373 = arith.constant 0 : i32
    %dma_wait3A_374 = tpu.memref_slice %arg15[%dma_wait3A_368, %dma_wait3A_373] : memref<6x128xi32, #tpu.memory_space<vmem>> -> memref<1x128xi32, #tpu.memory_space<vmem>>
    %dma_wait3A_375 = tpu.memref_squeeze %dma_wait3A_374 : memref<1x128xi32, #tpu.memory_space<vmem>> -> memref<128xi32, #tpu.memory_space<vmem>>
    %dma_wait3A_376 = arith.constant 0 : i32
    %dma_wait3A_377 = tpu.memref_slice %arg7[%dma_wait3A_376] : memref<120000xi32, #tpu.memory_space<hbm>> -> memref<120000xi32, #tpu.memory_space<hbm>>
    tpu.wait_indirect_dma semaphore(%arg21 : memref<!tpu.dma_semaphore, #tpu.memory_space<semaphore_mem>>) src(%dma_wait3A_377 : memref<120000xi32, #tpu.memory_space<hbm>>) dst(%dma_wait3A_372 : memref<128xi32, #tpu.memory_space<vmem>>)
    %dma_wait3A_378 = arith.constant 5 : i32
    %dma_wait3A_379 = arith.constant 5 : i32
    %dma_wait3A_380 = arith.constant 0 : i32
    %dma_wait3A_381 = arith.constant 0 : i32
    %dma_wait3A_382 = tpu.memref_slice %arg18[%dma_wait3A_379, %dma_wait3A_380, %dma_wait3A_381] : memref<6x128x16xf32, #tpu.memory_space<vmem>> -> memref<1x128x16xf32, #tpu.memory_space<vmem>>
    %dma_wait3A_383 = tpu.memref_squeeze %dma_wait3A_382 : memref<1x128x16xf32, #tpu.memory_space<vmem>> -> memref<128x16xf32, #tpu.memory_space<vmem>>
    %dma_wait3A_384 = arith.constant 0 : i32
    %dma_wait3A_385 = tpu.memref_slice %arg15[%dma_wait3A_378, %dma_wait3A_384] : memref<6x128xi32, #tpu.memory_space<vmem>> -> memref<1x128xi32, #tpu.memory_space<vmem>>
    %dma_wait3A_386 = tpu.memref_squeeze %dma_wait3A_385 : memref<1x128xi32, #tpu.memory_space<vmem>> -> memref<128xi32, #tpu.memory_space<vmem>>
    %dma_wait3A_387 = arith.constant 0 : i32
    %dma_wait3A_388 = arith.constant 0 : i32
    %dma_wait3A_389 = tpu.memref_slice %arg8[%dma_wait3A_387, %dma_wait3A_388] : memref<120000x16xf32, #tpu.memory_space<hbm>> -> memref<120000x16xf32, #tpu.memory_space<hbm>>
    tpu.wait_indirect_dma semaphore(%arg21 : memref<!tpu.dma_semaphore, #tpu.memory_space<semaphore_mem>>) src(%dma_wait3A_389 : memref<120000x16xf32, #tpu.memory_space<hbm>>) dst(%dma_wait3A_383 : memref<128x16xf32, #tpu.memory_space<vmem>>)
    %barrier3A_390 = arith.constant 0 : index
    tpu.barrier barrier_id(%barrier3A_390)
    %dma_start3A_391 = arith.constant 0 : i32
    %dma_start3A_392 = arith.constant 0 : i32
    %dma_start3A_393 = tpu.memref_slice %arg16[%dma_start3A_391, %dma_start3A_392] : memref<6x128xi32, #tpu.memory_space<vmem>> -> memref<1x128xi32, #tpu.memory_space<vmem>>
    %dma_start3A_394 = tpu.memref_squeeze %dma_start3A_393 : memref<1x128xi32, #tpu.memory_space<vmem>> -> memref<128xi32, #tpu.memory_space<vmem>>
    %dma_start3A_395 = arith.constant 0 : i32
    %dma_start3A_396 = arith.constant 0 : i32
    %dma_start3A_397 = tpu.memref_slice %arg14[%dma_start3A_395, %dma_start3A_396] : memref<20096x32xf32, #tpu.memory_space<vmem_shared>> -> memref<20096x32xf32, #tpu.memory_space<vmem_shared>>
    tpu.enqueue_indirect_dma source(%dma_start3A_397 : memref<20096x32xf32, #tpu.memory_space<vmem_shared>>) target(%arg19 : memref<128x32xf32, #tpu.memory_space<vmem>>) offsets(%dma_start3A_394 : memref<128xi32, #tpu.memory_space<vmem>>) semaphore(%arg23 : memref<!tpu.dma_semaphore, #tpu.memory_space<semaphore_mem>>)
    %dma_start3A_398 = arith.constant 0 : i32
    %dma_start3A_399 = arith.constant 0 : i32
    %dma_start3A_400 = tpu.memref_slice %arg17[%dma_start3A_398, %dma_start3A_399] : memref<6x128xi32, #tpu.memory_space<vmem>> -> memref<1x128xi32, #tpu.memory_space<vmem>>
    %dma_start3A_401 = tpu.memref_squeeze %dma_start3A_400 : memref<1x128xi32, #tpu.memory_space<vmem>> -> memref<128xi32, #tpu.memory_space<vmem>>
    %dma_start3A_402 = arith.constant 0 : i32
    %dma_start3A_403 = arith.constant 0 : i32
    %dma_start3A_404 = tpu.memref_slice %arg14[%dma_start3A_402, %dma_start3A_403] : memref<20096x32xf32, #tpu.memory_space<vmem_shared>> -> memref<20096x32xf32, #tpu.memory_space<vmem_shared>>
    tpu.enqueue_indirect_dma source(%dma_start3A_404 : memref<20096x32xf32, #tpu.memory_space<vmem_shared>>) target(%arg20 : memref<128x32xf32, #tpu.memory_space<vmem>>) offsets(%dma_start3A_401 : memref<128xi32, #tpu.memory_space<vmem>>) semaphore(%arg23 : memref<!tpu.dma_semaphore, #tpu.memory_space<semaphore_mem>>)
    %dma_wait3A_405 = arith.constant 0 : i32
    %dma_wait3A_406 = arith.constant 0 : i32
    %dma_wait3A_407 = tpu.memref_slice %arg16[%dma_wait3A_405, %dma_wait3A_406] : memref<6x128xi32, #tpu.memory_space<vmem>> -> memref<1x128xi32, #tpu.memory_space<vmem>>
    %dma_wait3A_408 = tpu.memref_squeeze %dma_wait3A_407 : memref<1x128xi32, #tpu.memory_space<vmem>> -> memref<128xi32, #tpu.memory_space<vmem>>
    %dma_wait3A_409 = arith.constant 0 : i32
    %dma_wait3A_410 = arith.constant 0 : i32
    %dma_wait3A_411 = tpu.memref_slice %arg14[%dma_wait3A_409, %dma_wait3A_410] : memref<20096x32xf32, #tpu.memory_space<vmem_shared>> -> memref<20096x32xf32, #tpu.memory_space<vmem_shared>>
    tpu.wait_indirect_dma semaphore(%arg23 : memref<!tpu.dma_semaphore, #tpu.memory_space<semaphore_mem>>) src(%dma_wait3A_411 : memref<20096x32xf32, #tpu.memory_space<vmem_shared>>) dst(%arg19 : memref<128x32xf32, #tpu.memory_space<vmem>>)
    %dma_wait3A_412 = arith.constant 0 : i32
    %dma_wait3A_413 = arith.constant 0 : i32
    %dma_wait3A_414 = tpu.memref_slice %arg17[%dma_wait3A_412, %dma_wait3A_413] : memref<6x128xi32, #tpu.memory_space<vmem>> -> memref<1x128xi32, #tpu.memory_space<vmem>>
    %dma_wait3A_415 = tpu.memref_squeeze %dma_wait3A_414 : memref<1x128xi32, #tpu.memory_space<vmem>> -> memref<128xi32, #tpu.memory_space<vmem>>
    %dma_wait3A_416 = arith.constant 0 : i32
    %dma_wait3A_417 = arith.constant 0 : i32
    %dma_wait3A_418 = tpu.memref_slice %arg14[%dma_wait3A_416, %dma_wait3A_417] : memref<20096x32xf32, #tpu.memory_space<vmem_shared>> -> memref<20096x32xf32, #tpu.memory_space<vmem_shared>>
    tpu.wait_indirect_dma semaphore(%arg23 : memref<!tpu.dma_semaphore, #tpu.memory_space<semaphore_mem>>) src(%dma_wait3A_418 : memref<20096x32xf32, #tpu.memory_space<vmem_shared>>) dst(%arg20 : memref<128x32xf32, #tpu.memory_space<vmem>>)
    %mul3A_419 = arith.constant 768 : i32
    %mul3A_420 = arith.muli %arg1, %mul3A_419 : i32
    %add3A_421 = arith.constant 0 : i32
    %add3A_422 = arith.addi %mul3A_420, %add3A_421 : i32
    %mul3A_423 = arith.constant 32 : i32
    %mul3A_424 = arith.muli %arg0, %mul3A_423 : i32
    "tpu.region"() ({
      %run_scoped3A = tpu.sem_alloc : memref<!tpu.dma_semaphore, #tpu.memory_space<semaphore_mem>>
      %dma_start3A_609 = tpu.memref_slice %arg9[%add3A_422, %mul3A_424] : memref<12288x64xf32, #tpu.memory_space<hbm>> -> memref<128x32xf32, #tpu.memory_space<hbm>>
      %dma_start3A_610 = tpu.memref_slice %arg9[%add3A_422, %mul3A_424] : memref<12288x64xf32, #tpu.memory_space<hbm>> -> memref<128x32xf32, #tpu.memory_space<hbm>>
      tpu.enqueue_dma source(%arg19 : memref<128x32xf32, #tpu.memory_space<vmem>>) target(%dma_start3A_610 : memref<128x32xf32, #tpu.memory_space<hbm>>) target_semaphore(%run_scoped3A : memref<!tpu.dma_semaphore, #tpu.memory_space<semaphore_mem>>)
      %dma_wait3A_611 = tpu.memref_slice %arg9[%add3A_422, %mul3A_424] : memref<12288x64xf32, #tpu.memory_space<hbm>> -> memref<128x32xf32, #tpu.memory_space<hbm>>
      %dma_wait3A_612 = tpu.memref_slice %arg9[%add3A_422, %mul3A_424] : memref<12288x64xf32, #tpu.memory_space<hbm>> -> memref<128x32xf32, #tpu.memory_space<hbm>>
      tpu.wait_dma2 semaphore(%run_scoped3A : memref<!tpu.dma_semaphore, #tpu.memory_space<semaphore_mem>>) src(%arg19 : memref<128x32xf32, #tpu.memory_space<vmem>>) dst(%dma_wait3A_612 : memref<128x32xf32, #tpu.memory_space<hbm>>)
      tpu.yield
    }) : () -> ()
    %mul3A_425 = arith.constant 32 : i32
    %mul3A_426 = arith.muli %arg0, %mul3A_425 : i32
    "tpu.region"() ({
      %run_scoped3A = tpu.sem_alloc : memref<!tpu.dma_semaphore, #tpu.memory_space<semaphore_mem>>
      %dma_start3A_609 = tpu.memref_slice %arg10[%add3A_422, %mul3A_426] : memref<12288x64xf32, #tpu.memory_space<hbm>> -> memref<128x32xf32, #tpu.memory_space<hbm>>
      %dma_start3A_610 = tpu.memref_slice %arg10[%add3A_422, %mul3A_426] : memref<12288x64xf32, #tpu.memory_space<hbm>> -> memref<128x32xf32, #tpu.memory_space<hbm>>
      tpu.enqueue_dma source(%arg20 : memref<128x32xf32, #tpu.memory_space<vmem>>) target(%dma_start3A_610 : memref<128x32xf32, #tpu.memory_space<hbm>>) target_semaphore(%run_scoped3A : memref<!tpu.dma_semaphore, #tpu.memory_space<semaphore_mem>>)
      %dma_wait3A_611 = tpu.memref_slice %arg10[%add3A_422, %mul3A_426] : memref<12288x64xf32, #tpu.memory_space<hbm>> -> memref<128x32xf32, #tpu.memory_space<hbm>>
      %dma_wait3A_612 = tpu.memref_slice %arg10[%add3A_422, %mul3A_426] : memref<12288x64xf32, #tpu.memory_space<hbm>> -> memref<128x32xf32, #tpu.memory_space<hbm>>
      tpu.wait_dma2 semaphore(%run_scoped3A : memref<!tpu.dma_semaphore, #tpu.memory_space<semaphore_mem>>) src(%arg20 : memref<128x32xf32, #tpu.memory_space<vmem>>) dst(%dma_wait3A_612 : memref<128x32xf32, #tpu.memory_space<hbm>>)
      tpu.yield
    }) : () -> ()
    %dma_start3A_427 = arith.constant 1 : i32
    %dma_start3A_428 = arith.constant 0 : i32
    %dma_start3A_429 = tpu.memref_slice %arg16[%dma_start3A_427, %dma_start3A_428] : memref<6x128xi32, #tpu.memory_space<vmem>> -> memref<1x128xi32, #tpu.memory_space<vmem>>
    %dma_start3A_430 = tpu.memref_squeeze %dma_start3A_429 : memref<1x128xi32, #tpu.memory_space<vmem>> -> memref<128xi32, #tpu.memory_space<vmem>>
    %dma_start3A_431 = arith.constant 0 : i32
    %dma_start3A_432 = arith.constant 0 : i32
    %dma_start3A_433 = tpu.memref_slice %arg14[%dma_start3A_431, %dma_start3A_432] : memref<20096x32xf32, #tpu.memory_space<vmem_shared>> -> memref<20096x32xf32, #tpu.memory_space<vmem_shared>>
    tpu.enqueue_indirect_dma source(%dma_start3A_433 : memref<20096x32xf32, #tpu.memory_space<vmem_shared>>) target(%arg19 : memref<128x32xf32, #tpu.memory_space<vmem>>) offsets(%dma_start3A_430 : memref<128xi32, #tpu.memory_space<vmem>>) semaphore(%arg23 : memref<!tpu.dma_semaphore, #tpu.memory_space<semaphore_mem>>)
    %dma_start3A_434 = arith.constant 1 : i32
    %dma_start3A_435 = arith.constant 0 : i32
    %dma_start3A_436 = tpu.memref_slice %arg17[%dma_start3A_434, %dma_start3A_435] : memref<6x128xi32, #tpu.memory_space<vmem>> -> memref<1x128xi32, #tpu.memory_space<vmem>>
    %dma_start3A_437 = tpu.memref_squeeze %dma_start3A_436 : memref<1x128xi32, #tpu.memory_space<vmem>> -> memref<128xi32, #tpu.memory_space<vmem>>
    %dma_start3A_438 = arith.constant 0 : i32
    %dma_start3A_439 = arith.constant 0 : i32
    %dma_start3A_440 = tpu.memref_slice %arg14[%dma_start3A_438, %dma_start3A_439] : memref<20096x32xf32, #tpu.memory_space<vmem_shared>> -> memref<20096x32xf32, #tpu.memory_space<vmem_shared>>
    tpu.enqueue_indirect_dma source(%dma_start3A_440 : memref<20096x32xf32, #tpu.memory_space<vmem_shared>>) target(%arg20 : memref<128x32xf32, #tpu.memory_space<vmem>>) offsets(%dma_start3A_437 : memref<128xi32, #tpu.memory_space<vmem>>) semaphore(%arg23 : memref<!tpu.dma_semaphore, #tpu.memory_space<semaphore_mem>>)
    %dma_wait3A_441 = arith.constant 1 : i32
    %dma_wait3A_442 = arith.constant 0 : i32
    %dma_wait3A_443 = tpu.memref_slice %arg16[%dma_wait3A_441, %dma_wait3A_442] : memref<6x128xi32, #tpu.memory_space<vmem>> -> memref<1x128xi32, #tpu.memory_space<vmem>>
    %dma_wait3A_444 = tpu.memref_squeeze %dma_wait3A_443 : memref<1x128xi32, #tpu.memory_space<vmem>> -> memref<128xi32, #tpu.memory_space<vmem>>
    %dma_wait3A_445 = arith.constant 0 : i32
    %dma_wait3A_446 = arith.constant 0 : i32
    %dma_wait3A_447 = tpu.memref_slice %arg14[%dma_wait3A_445, %dma_wait3A_446] : memref<20096x32xf32, #tpu.memory_space<vmem_shared>> -> memref<20096x32xf32, #tpu.memory_space<vmem_shared>>
    tpu.wait_indirect_dma semaphore(%arg23 : memref<!tpu.dma_semaphore, #tpu.memory_space<semaphore_mem>>) src(%dma_wait3A_447 : memref<20096x32xf32, #tpu.memory_space<vmem_shared>>) dst(%arg19 : memref<128x32xf32, #tpu.memory_space<vmem>>)
    %dma_wait3A_448 = arith.constant 1 : i32
    %dma_wait3A_449 = arith.constant 0 : i32
    %dma_wait3A_450 = tpu.memref_slice %arg17[%dma_wait3A_448, %dma_wait3A_449] : memref<6x128xi32, #tpu.memory_space<vmem>> -> memref<1x128xi32, #tpu.memory_space<vmem>>
    %dma_wait3A_451 = tpu.memref_squeeze %dma_wait3A_450 : memref<1x128xi32, #tpu.memory_space<vmem>> -> memref<128xi32, #tpu.memory_space<vmem>>
    %dma_wait3A_452 = arith.constant 0 : i32
    %dma_wait3A_453 = arith.constant 0 : i32
    %dma_wait3A_454 = tpu.memref_slice %arg14[%dma_wait3A_452, %dma_wait3A_453] : memref<20096x32xf32, #tpu.memory_space<vmem_shared>> -> memref<20096x32xf32, #tpu.memory_space<vmem_shared>>
    tpu.wait_indirect_dma semaphore(%arg23 : memref<!tpu.dma_semaphore, #tpu.memory_space<semaphore_mem>>) src(%dma_wait3A_454 : memref<20096x32xf32, #tpu.memory_space<vmem_shared>>) dst(%arg20 : memref<128x32xf32, #tpu.memory_space<vmem>>)
    %mul3A_455 = arith.constant 768 : i32
    %mul3A_456 = arith.muli %arg1, %mul3A_455 : i32
    %add3A_457 = arith.constant 128 : i32
    %add3A_458 = arith.addi %mul3A_456, %add3A_457 : i32
    %mul3A_459 = arith.constant 32 : i32
    %mul3A_460 = arith.muli %arg0, %mul3A_459 : i32
    "tpu.region"() ({
      %run_scoped3A = tpu.sem_alloc : memref<!tpu.dma_semaphore, #tpu.memory_space<semaphore_mem>>
      %dma_start3A_609 = tpu.memref_slice %arg9[%add3A_458, %mul3A_460] : memref<12288x64xf32, #tpu.memory_space<hbm>> -> memref<128x32xf32, #tpu.memory_space<hbm>>
      %dma_start3A_610 = tpu.memref_slice %arg9[%add3A_458, %mul3A_460] : memref<12288x64xf32, #tpu.memory_space<hbm>> -> memref<128x32xf32, #tpu.memory_space<hbm>>
      tpu.enqueue_dma source(%arg19 : memref<128x32xf32, #tpu.memory_space<vmem>>) target(%dma_start3A_610 : memref<128x32xf32, #tpu.memory_space<hbm>>) target_semaphore(%run_scoped3A : memref<!tpu.dma_semaphore, #tpu.memory_space<semaphore_mem>>)
      %dma_wait3A_611 = tpu.memref_slice %arg9[%add3A_458, %mul3A_460] : memref<12288x64xf32, #tpu.memory_space<hbm>> -> memref<128x32xf32, #tpu.memory_space<hbm>>
      %dma_wait3A_612 = tpu.memref_slice %arg9[%add3A_458, %mul3A_460] : memref<12288x64xf32, #tpu.memory_space<hbm>> -> memref<128x32xf32, #tpu.memory_space<hbm>>
      tpu.wait_dma2 semaphore(%run_scoped3A : memref<!tpu.dma_semaphore, #tpu.memory_space<semaphore_mem>>) src(%arg19 : memref<128x32xf32, #tpu.memory_space<vmem>>) dst(%dma_wait3A_612 : memref<128x32xf32, #tpu.memory_space<hbm>>)
      tpu.yield
    }) : () -> ()
    %mul3A_461 = arith.constant 32 : i32
    %mul3A_462 = arith.muli %arg0, %mul3A_461 : i32
    "tpu.region"() ({
      %run_scoped3A = tpu.sem_alloc : memref<!tpu.dma_semaphore, #tpu.memory_space<semaphore_mem>>
      %dma_start3A_609 = tpu.memref_slice %arg10[%add3A_458, %mul3A_462] : memref<12288x64xf32, #tpu.memory_space<hbm>> -> memref<128x32xf32, #tpu.memory_space<hbm>>
      %dma_start3A_610 = tpu.memref_slice %arg10[%add3A_458, %mul3A_462] : memref<12288x64xf32, #tpu.memory_space<hbm>> -> memref<128x32xf32, #tpu.memory_space<hbm>>
      tpu.enqueue_dma source(%arg20 : memref<128x32xf32, #tpu.memory_space<vmem>>) target(%dma_start3A_610 : memref<128x32xf32, #tpu.memory_space<hbm>>) target_semaphore(%run_scoped3A : memref<!tpu.dma_semaphore, #tpu.memory_space<semaphore_mem>>)
      %dma_wait3A_611 = tpu.memref_slice %arg10[%add3A_458, %mul3A_462] : memref<12288x64xf32, #tpu.memory_space<hbm>> -> memref<128x32xf32, #tpu.memory_space<hbm>>
      %dma_wait3A_612 = tpu.memref_slice %arg10[%add3A_458, %mul3A_462] : memref<12288x64xf32, #tpu.memory_space<hbm>> -> memref<128x32xf32, #tpu.memory_space<hbm>>
      tpu.wait_dma2 semaphore(%run_scoped3A : memref<!tpu.dma_semaphore, #tpu.memory_space<semaphore_mem>>) src(%arg20 : memref<128x32xf32, #tpu.memory_space<vmem>>) dst(%dma_wait3A_612 : memref<128x32xf32, #tpu.memory_space<hbm>>)
      tpu.yield
    }) : () -> ()
    %dma_start3A_463 = arith.constant 2 : i32
    %dma_start3A_464 = arith.constant 0 : i32
    %dma_start3A_465 = tpu.memref_slice %arg16[%dma_start3A_463, %dma_start3A_464] : memref<6x128xi32, #tpu.memory_space<vmem>> -> memref<1x128xi32, #tpu.memory_space<vmem>>
    %dma_start3A_466 = tpu.memref_squeeze %dma_start3A_465 : memref<1x128xi32, #tpu.memory_space<vmem>> -> memref<128xi32, #tpu.memory_space<vmem>>
    %dma_start3A_467 = arith.constant 0 : i32
    %dma_start3A_468 = arith.constant 0 : i32
    %dma_start3A_469 = tpu.memref_slice %arg14[%dma_start3A_467, %dma_start3A_468] : memref<20096x32xf32, #tpu.memory_space<vmem_shared>> -> memref<20096x32xf32, #tpu.memory_space<vmem_shared>>
    tpu.enqueue_indirect_dma source(%dma_start3A_469 : memref<20096x32xf32, #tpu.memory_space<vmem_shared>>) target(%arg19 : memref<128x32xf32, #tpu.memory_space<vmem>>) offsets(%dma_start3A_466 : memref<128xi32, #tpu.memory_space<vmem>>) semaphore(%arg23 : memref<!tpu.dma_semaphore, #tpu.memory_space<semaphore_mem>>)
    %dma_start3A_470 = arith.constant 2 : i32
    %dma_start3A_471 = arith.constant 0 : i32
    %dma_start3A_472 = tpu.memref_slice %arg17[%dma_start3A_470, %dma_start3A_471] : memref<6x128xi32, #tpu.memory_space<vmem>> -> memref<1x128xi32, #tpu.memory_space<vmem>>
    %dma_start3A_473 = tpu.memref_squeeze %dma_start3A_472 : memref<1x128xi32, #tpu.memory_space<vmem>> -> memref<128xi32, #tpu.memory_space<vmem>>
    %dma_start3A_474 = arith.constant 0 : i32
    %dma_start3A_475 = arith.constant 0 : i32
    %dma_start3A_476 = tpu.memref_slice %arg14[%dma_start3A_474, %dma_start3A_475] : memref<20096x32xf32, #tpu.memory_space<vmem_shared>> -> memref<20096x32xf32, #tpu.memory_space<vmem_shared>>
    tpu.enqueue_indirect_dma source(%dma_start3A_476 : memref<20096x32xf32, #tpu.memory_space<vmem_shared>>) target(%arg20 : memref<128x32xf32, #tpu.memory_space<vmem>>) offsets(%dma_start3A_473 : memref<128xi32, #tpu.memory_space<vmem>>) semaphore(%arg23 : memref<!tpu.dma_semaphore, #tpu.memory_space<semaphore_mem>>)
    %dma_wait3A_477 = arith.constant 2 : i32
    %dma_wait3A_478 = arith.constant 0 : i32
    %dma_wait3A_479 = tpu.memref_slice %arg16[%dma_wait3A_477, %dma_wait3A_478] : memref<6x128xi32, #tpu.memory_space<vmem>> -> memref<1x128xi32, #tpu.memory_space<vmem>>
    %dma_wait3A_480 = tpu.memref_squeeze %dma_wait3A_479 : memref<1x128xi32, #tpu.memory_space<vmem>> -> memref<128xi32, #tpu.memory_space<vmem>>
    %dma_wait3A_481 = arith.constant 0 : i32
    %dma_wait3A_482 = arith.constant 0 : i32
    %dma_wait3A_483 = tpu.memref_slice %arg14[%dma_wait3A_481, %dma_wait3A_482] : memref<20096x32xf32, #tpu.memory_space<vmem_shared>> -> memref<20096x32xf32, #tpu.memory_space<vmem_shared>>
    tpu.wait_indirect_dma semaphore(%arg23 : memref<!tpu.dma_semaphore, #tpu.memory_space<semaphore_mem>>) src(%dma_wait3A_483 : memref<20096x32xf32, #tpu.memory_space<vmem_shared>>) dst(%arg19 : memref<128x32xf32, #tpu.memory_space<vmem>>)
    %dma_wait3A_484 = arith.constant 2 : i32
    %dma_wait3A_485 = arith.constant 0 : i32
    %dma_wait3A_486 = tpu.memref_slice %arg17[%dma_wait3A_484, %dma_wait3A_485] : memref<6x128xi32, #tpu.memory_space<vmem>> -> memref<1x128xi32, #tpu.memory_space<vmem>>
    %dma_wait3A_487 = tpu.memref_squeeze %dma_wait3A_486 : memref<1x128xi32, #tpu.memory_space<vmem>> -> memref<128xi32, #tpu.memory_space<vmem>>
    %dma_wait3A_488 = arith.constant 0 : i32
    %dma_wait3A_489 = arith.constant 0 : i32
    %dma_wait3A_490 = tpu.memref_slice %arg14[%dma_wait3A_488, %dma_wait3A_489] : memref<20096x32xf32, #tpu.memory_space<vmem_shared>> -> memref<20096x32xf32, #tpu.memory_space<vmem_shared>>
    tpu.wait_indirect_dma semaphore(%arg23 : memref<!tpu.dma_semaphore, #tpu.memory_space<semaphore_mem>>) src(%dma_wait3A_490 : memref<20096x32xf32, #tpu.memory_space<vmem_shared>>) dst(%arg20 : memref<128x32xf32, #tpu.memory_space<vmem>>)
    %mul3A_491 = arith.constant 768 : i32
    %mul3A_492 = arith.muli %arg1, %mul3A_491 : i32
    %add3A_493 = arith.constant 256 : i32
    %add3A_494 = arith.addi %mul3A_492, %add3A_493 : i32
    %mul3A_495 = arith.constant 32 : i32
    %mul3A_496 = arith.muli %arg0, %mul3A_495 : i32
    "tpu.region"() ({
      %run_scoped3A = tpu.sem_alloc : memref<!tpu.dma_semaphore, #tpu.memory_space<semaphore_mem>>
      %dma_start3A_609 = tpu.memref_slice %arg9[%add3A_494, %mul3A_496] : memref<12288x64xf32, #tpu.memory_space<hbm>> -> memref<128x32xf32, #tpu.memory_space<hbm>>
      %dma_start3A_610 = tpu.memref_slice %arg9[%add3A_494, %mul3A_496] : memref<12288x64xf32, #tpu.memory_space<hbm>> -> memref<128x32xf32, #tpu.memory_space<hbm>>
      tpu.enqueue_dma source(%arg19 : memref<128x32xf32, #tpu.memory_space<vmem>>) target(%dma_start3A_610 : memref<128x32xf32, #tpu.memory_space<hbm>>) target_semaphore(%run_scoped3A : memref<!tpu.dma_semaphore, #tpu.memory_space<semaphore_mem>>)
      %dma_wait3A_611 = tpu.memref_slice %arg9[%add3A_494, %mul3A_496] : memref<12288x64xf32, #tpu.memory_space<hbm>> -> memref<128x32xf32, #tpu.memory_space<hbm>>
      %dma_wait3A_612 = tpu.memref_slice %arg9[%add3A_494, %mul3A_496] : memref<12288x64xf32, #tpu.memory_space<hbm>> -> memref<128x32xf32, #tpu.memory_space<hbm>>
      tpu.wait_dma2 semaphore(%run_scoped3A : memref<!tpu.dma_semaphore, #tpu.memory_space<semaphore_mem>>) src(%arg19 : memref<128x32xf32, #tpu.memory_space<vmem>>) dst(%dma_wait3A_612 : memref<128x32xf32, #tpu.memory_space<hbm>>)
      tpu.yield
    }) : () -> ()
    %mul3A_497 = arith.constant 32 : i32
    %mul3A_498 = arith.muli %arg0, %mul3A_497 : i32
    "tpu.region"() ({
      %run_scoped3A = tpu.sem_alloc : memref<!tpu.dma_semaphore, #tpu.memory_space<semaphore_mem>>
      %dma_start3A_609 = tpu.memref_slice %arg10[%add3A_494, %mul3A_498] : memref<12288x64xf32, #tpu.memory_space<hbm>> -> memref<128x32xf32, #tpu.memory_space<hbm>>
      %dma_start3A_610 = tpu.memref_slice %arg10[%add3A_494, %mul3A_498] : memref<12288x64xf32, #tpu.memory_space<hbm>> -> memref<128x32xf32, #tpu.memory_space<hbm>>
      tpu.enqueue_dma source(%arg20 : memref<128x32xf32, #tpu.memory_space<vmem>>) target(%dma_start3A_610 : memref<128x32xf32, #tpu.memory_space<hbm>>) target_semaphore(%run_scoped3A : memref<!tpu.dma_semaphore, #tpu.memory_space<semaphore_mem>>)
      %dma_wait3A_611 = tpu.memref_slice %arg10[%add3A_494, %mul3A_498] : memref<12288x64xf32, #tpu.memory_space<hbm>> -> memref<128x32xf32, #tpu.memory_space<hbm>>
      %dma_wait3A_612 = tpu.memref_slice %arg10[%add3A_494, %mul3A_498] : memref<12288x64xf32, #tpu.memory_space<hbm>> -> memref<128x32xf32, #tpu.memory_space<hbm>>
      tpu.wait_dma2 semaphore(%run_scoped3A : memref<!tpu.dma_semaphore, #tpu.memory_space<semaphore_mem>>) src(%arg20 : memref<128x32xf32, #tpu.memory_space<vmem>>) dst(%dma_wait3A_612 : memref<128x32xf32, #tpu.memory_space<hbm>>)
      tpu.yield
    }) : () -> ()
    %dma_start3A_499 = arith.constant 3 : i32
    %dma_start3A_500 = arith.constant 0 : i32
    %dma_start3A_501 = tpu.memref_slice %arg16[%dma_start3A_499, %dma_start3A_500] : memref<6x128xi32, #tpu.memory_space<vmem>> -> memref<1x128xi32, #tpu.memory_space<vmem>>
    %dma_start3A_502 = tpu.memref_squeeze %dma_start3A_501 : memref<1x128xi32, #tpu.memory_space<vmem>> -> memref<128xi32, #tpu.memory_space<vmem>>
    %dma_start3A_503 = arith.constant 0 : i32
    %dma_start3A_504 = arith.constant 0 : i32
    %dma_start3A_505 = tpu.memref_slice %arg14[%dma_start3A_503, %dma_start3A_504] : memref<20096x32xf32, #tpu.memory_space<vmem_shared>> -> memref<20096x32xf32, #tpu.memory_space<vmem_shared>>
    tpu.enqueue_indirect_dma source(%dma_start3A_505 : memref<20096x32xf32, #tpu.memory_space<vmem_shared>>) target(%arg19 : memref<128x32xf32, #tpu.memory_space<vmem>>) offsets(%dma_start3A_502 : memref<128xi32, #tpu.memory_space<vmem>>) semaphore(%arg23 : memref<!tpu.dma_semaphore, #tpu.memory_space<semaphore_mem>>)
    %dma_start3A_506 = arith.constant 3 : i32
    %dma_start3A_507 = arith.constant 0 : i32
    %dma_start3A_508 = tpu.memref_slice %arg17[%dma_start3A_506, %dma_start3A_507] : memref<6x128xi32, #tpu.memory_space<vmem>> -> memref<1x128xi32, #tpu.memory_space<vmem>>
    %dma_start3A_509 = tpu.memref_squeeze %dma_start3A_508 : memref<1x128xi32, #tpu.memory_space<vmem>> -> memref<128xi32, #tpu.memory_space<vmem>>
    %dma_start3A_510 = arith.constant 0 : i32
    %dma_start3A_511 = arith.constant 0 : i32
    %dma_start3A_512 = tpu.memref_slice %arg14[%dma_start3A_510, %dma_start3A_511] : memref<20096x32xf32, #tpu.memory_space<vmem_shared>> -> memref<20096x32xf32, #tpu.memory_space<vmem_shared>>
    tpu.enqueue_indirect_dma source(%dma_start3A_512 : memref<20096x32xf32, #tpu.memory_space<vmem_shared>>) target(%arg20 : memref<128x32xf32, #tpu.memory_space<vmem>>) offsets(%dma_start3A_509 : memref<128xi32, #tpu.memory_space<vmem>>) semaphore(%arg23 : memref<!tpu.dma_semaphore, #tpu.memory_space<semaphore_mem>>)
    %dma_wait3A_513 = arith.constant 3 : i32
    %dma_wait3A_514 = arith.constant 0 : i32
    %dma_wait3A_515 = tpu.memref_slice %arg16[%dma_wait3A_513, %dma_wait3A_514] : memref<6x128xi32, #tpu.memory_space<vmem>> -> memref<1x128xi32, #tpu.memory_space<vmem>>
    %dma_wait3A_516 = tpu.memref_squeeze %dma_wait3A_515 : memref<1x128xi32, #tpu.memory_space<vmem>> -> memref<128xi32, #tpu.memory_space<vmem>>
    %dma_wait3A_517 = arith.constant 0 : i32
    %dma_wait3A_518 = arith.constant 0 : i32
    %dma_wait3A_519 = tpu.memref_slice %arg14[%dma_wait3A_517, %dma_wait3A_518] : memref<20096x32xf32, #tpu.memory_space<vmem_shared>> -> memref<20096x32xf32, #tpu.memory_space<vmem_shared>>
    tpu.wait_indirect_dma semaphore(%arg23 : memref<!tpu.dma_semaphore, #tpu.memory_space<semaphore_mem>>) src(%dma_wait3A_519 : memref<20096x32xf32, #tpu.memory_space<vmem_shared>>) dst(%arg19 : memref<128x32xf32, #tpu.memory_space<vmem>>)
    %dma_wait3A_520 = arith.constant 3 : i32
    %dma_wait3A_521 = arith.constant 0 : i32
    %dma_wait3A_522 = tpu.memref_slice %arg17[%dma_wait3A_520, %dma_wait3A_521] : memref<6x128xi32, #tpu.memory_space<vmem>> -> memref<1x128xi32, #tpu.memory_space<vmem>>
    %dma_wait3A_523 = tpu.memref_squeeze %dma_wait3A_522 : memref<1x128xi32, #tpu.memory_space<vmem>> -> memref<128xi32, #tpu.memory_space<vmem>>
    %dma_wait3A_524 = arith.constant 0 : i32
    %dma_wait3A_525 = arith.constant 0 : i32
    %dma_wait3A_526 = tpu.memref_slice %arg14[%dma_wait3A_524, %dma_wait3A_525] : memref<20096x32xf32, #tpu.memory_space<vmem_shared>> -> memref<20096x32xf32, #tpu.memory_space<vmem_shared>>
    tpu.wait_indirect_dma semaphore(%arg23 : memref<!tpu.dma_semaphore, #tpu.memory_space<semaphore_mem>>) src(%dma_wait3A_526 : memref<20096x32xf32, #tpu.memory_space<vmem_shared>>) dst(%arg20 : memref<128x32xf32, #tpu.memory_space<vmem>>)
    %mul3A_527 = arith.constant 768 : i32
    %mul3A_528 = arith.muli %arg1, %mul3A_527 : i32
    %add3A_529 = arith.constant 384 : i32
    %add3A_530 = arith.addi %mul3A_528, %add3A_529 : i32
    %mul3A_531 = arith.constant 32 : i32
    %mul3A_532 = arith.muli %arg0, %mul3A_531 : i32
    "tpu.region"() ({
      %run_scoped3A = tpu.sem_alloc : memref<!tpu.dma_semaphore, #tpu.memory_space<semaphore_mem>>
      %dma_start3A_609 = tpu.memref_slice %arg9[%add3A_530, %mul3A_532] : memref<12288x64xf32, #tpu.memory_space<hbm>> -> memref<128x32xf32, #tpu.memory_space<hbm>>
      %dma_start3A_610 = tpu.memref_slice %arg9[%add3A_530, %mul3A_532] : memref<12288x64xf32, #tpu.memory_space<hbm>> -> memref<128x32xf32, #tpu.memory_space<hbm>>
      tpu.enqueue_dma source(%arg19 : memref<128x32xf32, #tpu.memory_space<vmem>>) target(%dma_start3A_610 : memref<128x32xf32, #tpu.memory_space<hbm>>) target_semaphore(%run_scoped3A : memref<!tpu.dma_semaphore, #tpu.memory_space<semaphore_mem>>)
      %dma_wait3A_611 = tpu.memref_slice %arg9[%add3A_530, %mul3A_532] : memref<12288x64xf32, #tpu.memory_space<hbm>> -> memref<128x32xf32, #tpu.memory_space<hbm>>
      %dma_wait3A_612 = tpu.memref_slice %arg9[%add3A_530, %mul3A_532] : memref<12288x64xf32, #tpu.memory_space<hbm>> -> memref<128x32xf32, #tpu.memory_space<hbm>>
      tpu.wait_dma2 semaphore(%run_scoped3A : memref<!tpu.dma_semaphore, #tpu.memory_space<semaphore_mem>>) src(%arg19 : memref<128x32xf32, #tpu.memory_space<vmem>>) dst(%dma_wait3A_612 : memref<128x32xf32, #tpu.memory_space<hbm>>)
      tpu.yield
    }) : () -> ()
    %mul3A_533 = arith.constant 32 : i32
    %mul3A_534 = arith.muli %arg0, %mul3A_533 : i32
    "tpu.region"() ({
      %run_scoped3A = tpu.sem_alloc : memref<!tpu.dma_semaphore, #tpu.memory_space<semaphore_mem>>
      %dma_start3A_609 = tpu.memref_slice %arg10[%add3A_530, %mul3A_534] : memref<12288x64xf32, #tpu.memory_space<hbm>> -> memref<128x32xf32, #tpu.memory_space<hbm>>
      %dma_start3A_610 = tpu.memref_slice %arg10[%add3A_530, %mul3A_534] : memref<12288x64xf32, #tpu.memory_space<hbm>> -> memref<128x32xf32, #tpu.memory_space<hbm>>
      tpu.enqueue_dma source(%arg20 : memref<128x32xf32, #tpu.memory_space<vmem>>) target(%dma_start3A_610 : memref<128x32xf32, #tpu.memory_space<hbm>>) target_semaphore(%run_scoped3A : memref<!tpu.dma_semaphore, #tpu.memory_space<semaphore_mem>>)
      %dma_wait3A_611 = tpu.memref_slice %arg10[%add3A_530, %mul3A_534] : memref<12288x64xf32, #tpu.memory_space<hbm>> -> memref<128x32xf32, #tpu.memory_space<hbm>>
      %dma_wait3A_612 = tpu.memref_slice %arg10[%add3A_530, %mul3A_534] : memref<12288x64xf32, #tpu.memory_space<hbm>> -> memref<128x32xf32, #tpu.memory_space<hbm>>
      tpu.wait_dma2 semaphore(%run_scoped3A : memref<!tpu.dma_semaphore, #tpu.memory_space<semaphore_mem>>) src(%arg20 : memref<128x32xf32, #tpu.memory_space<vmem>>) dst(%dma_wait3A_612 : memref<128x32xf32, #tpu.memory_space<hbm>>)
      tpu.yield
    }) : () -> ()
    %dma_start3A_535 = arith.constant 4 : i32
    %dma_start3A_536 = arith.constant 0 : i32
    %dma_start3A_537 = tpu.memref_slice %arg16[%dma_start3A_535, %dma_start3A_536] : memref<6x128xi32, #tpu.memory_space<vmem>> -> memref<1x128xi32, #tpu.memory_space<vmem>>
    %dma_start3A_538 = tpu.memref_squeeze %dma_start3A_537 : memref<1x128xi32, #tpu.memory_space<vmem>> -> memref<128xi32, #tpu.memory_space<vmem>>
    %dma_start3A_539 = arith.constant 0 : i32
    %dma_start3A_540 = arith.constant 0 : i32
    %dma_start3A_541 = tpu.memref_slice %arg14[%dma_start3A_539, %dma_start3A_540] : memref<20096x32xf32, #tpu.memory_space<vmem_shared>> -> memref<20096x32xf32, #tpu.memory_space<vmem_shared>>
    tpu.enqueue_indirect_dma source(%dma_start3A_541 : memref<20096x32xf32, #tpu.memory_space<vmem_shared>>) target(%arg19 : memref<128x32xf32, #tpu.memory_space<vmem>>) offsets(%dma_start3A_538 : memref<128xi32, #tpu.memory_space<vmem>>) semaphore(%arg23 : memref<!tpu.dma_semaphore, #tpu.memory_space<semaphore_mem>>)
    %dma_start3A_542 = arith.constant 4 : i32
    %dma_start3A_543 = arith.constant 0 : i32
    %dma_start3A_544 = tpu.memref_slice %arg17[%dma_start3A_542, %dma_start3A_543] : memref<6x128xi32, #tpu.memory_space<vmem>> -> memref<1x128xi32, #tpu.memory_space<vmem>>
    %dma_start3A_545 = tpu.memref_squeeze %dma_start3A_544 : memref<1x128xi32, #tpu.memory_space<vmem>> -> memref<128xi32, #tpu.memory_space<vmem>>
    %dma_start3A_546 = arith.constant 0 : i32
    %dma_start3A_547 = arith.constant 0 : i32
    %dma_start3A_548 = tpu.memref_slice %arg14[%dma_start3A_546, %dma_start3A_547] : memref<20096x32xf32, #tpu.memory_space<vmem_shared>> -> memref<20096x32xf32, #tpu.memory_space<vmem_shared>>
    tpu.enqueue_indirect_dma source(%dma_start3A_548 : memref<20096x32xf32, #tpu.memory_space<vmem_shared>>) target(%arg20 : memref<128x32xf32, #tpu.memory_space<vmem>>) offsets(%dma_start3A_545 : memref<128xi32, #tpu.memory_space<vmem>>) semaphore(%arg23 : memref<!tpu.dma_semaphore, #tpu.memory_space<semaphore_mem>>)
    %dma_wait3A_549 = arith.constant 4 : i32
    %dma_wait3A_550 = arith.constant 0 : i32
    %dma_wait3A_551 = tpu.memref_slice %arg16[%dma_wait3A_549, %dma_wait3A_550] : memref<6x128xi32, #tpu.memory_space<vmem>> -> memref<1x128xi32, #tpu.memory_space<vmem>>
    %dma_wait3A_552 = tpu.memref_squeeze %dma_wait3A_551 : memref<1x128xi32, #tpu.memory_space<vmem>> -> memref<128xi32, #tpu.memory_space<vmem>>
    %dma_wait3A_553 = arith.constant 0 : i32
    %dma_wait3A_554 = arith.constant 0 : i32
    %dma_wait3A_555 = tpu.memref_slice %arg14[%dma_wait3A_553, %dma_wait3A_554] : memref<20096x32xf32, #tpu.memory_space<vmem_shared>> -> memref<20096x32xf32, #tpu.memory_space<vmem_shared>>
    tpu.wait_indirect_dma semaphore(%arg23 : memref<!tpu.dma_semaphore, #tpu.memory_space<semaphore_mem>>) src(%dma_wait3A_555 : memref<20096x32xf32, #tpu.memory_space<vmem_shared>>) dst(%arg19 : memref<128x32xf32, #tpu.memory_space<vmem>>)
    %dma_wait3A_556 = arith.constant 4 : i32
    %dma_wait3A_557 = arith.constant 0 : i32
    %dma_wait3A_558 = tpu.memref_slice %arg17[%dma_wait3A_556, %dma_wait3A_557] : memref<6x128xi32, #tpu.memory_space<vmem>> -> memref<1x128xi32, #tpu.memory_space<vmem>>
    %dma_wait3A_559 = tpu.memref_squeeze %dma_wait3A_558 : memref<1x128xi32, #tpu.memory_space<vmem>> -> memref<128xi32, #tpu.memory_space<vmem>>
    %dma_wait3A_560 = arith.constant 0 : i32
    %dma_wait3A_561 = arith.constant 0 : i32
    %dma_wait3A_562 = tpu.memref_slice %arg14[%dma_wait3A_560, %dma_wait3A_561] : memref<20096x32xf32, #tpu.memory_space<vmem_shared>> -> memref<20096x32xf32, #tpu.memory_space<vmem_shared>>
    tpu.wait_indirect_dma semaphore(%arg23 : memref<!tpu.dma_semaphore, #tpu.memory_space<semaphore_mem>>) src(%dma_wait3A_562 : memref<20096x32xf32, #tpu.memory_space<vmem_shared>>) dst(%arg20 : memref<128x32xf32, #tpu.memory_space<vmem>>)
    %mul3A_563 = arith.constant 768 : i32
    %mul3A_564 = arith.muli %arg1, %mul3A_563 : i32
    %add3A_565 = arith.constant 512 : i32
    %add3A_566 = arith.addi %mul3A_564, %add3A_565 : i32
    %mul3A_567 = arith.constant 32 : i32
    %mul3A_568 = arith.muli %arg0, %mul3A_567 : i32
    "tpu.region"() ({
      %run_scoped3A = tpu.sem_alloc : memref<!tpu.dma_semaphore, #tpu.memory_space<semaphore_mem>>
      %dma_start3A_609 = tpu.memref_slice %arg9[%add3A_566, %mul3A_568] : memref<12288x64xf32, #tpu.memory_space<hbm>> -> memref<128x32xf32, #tpu.memory_space<hbm>>
      %dma_start3A_610 = tpu.memref_slice %arg9[%add3A_566, %mul3A_568] : memref<12288x64xf32, #tpu.memory_space<hbm>> -> memref<128x32xf32, #tpu.memory_space<hbm>>
      tpu.enqueue_dma source(%arg19 : memref<128x32xf32, #tpu.memory_space<vmem>>) target(%dma_start3A_610 : memref<128x32xf32, #tpu.memory_space<hbm>>) target_semaphore(%run_scoped3A : memref<!tpu.dma_semaphore, #tpu.memory_space<semaphore_mem>>)
      %dma_wait3A_611 = tpu.memref_slice %arg9[%add3A_566, %mul3A_568] : memref<12288x64xf32, #tpu.memory_space<hbm>> -> memref<128x32xf32, #tpu.memory_space<hbm>>
      %dma_wait3A_612 = tpu.memref_slice %arg9[%add3A_566, %mul3A_568] : memref<12288x64xf32, #tpu.memory_space<hbm>> -> memref<128x32xf32, #tpu.memory_space<hbm>>
      tpu.wait_dma2 semaphore(%run_scoped3A : memref<!tpu.dma_semaphore, #tpu.memory_space<semaphore_mem>>) src(%arg19 : memref<128x32xf32, #tpu.memory_space<vmem>>) dst(%dma_wait3A_612 : memref<128x32xf32, #tpu.memory_space<hbm>>)
      tpu.yield
    }) : () -> ()
    %mul3A_569 = arith.constant 32 : i32
    %mul3A_570 = arith.muli %arg0, %mul3A_569 : i32
    "tpu.region"() ({
      %run_scoped3A = tpu.sem_alloc : memref<!tpu.dma_semaphore, #tpu.memory_space<semaphore_mem>>
      %dma_start3A_609 = tpu.memref_slice %arg10[%add3A_566, %mul3A_570] : memref<12288x64xf32, #tpu.memory_space<hbm>> -> memref<128x32xf32, #tpu.memory_space<hbm>>
      %dma_start3A_610 = tpu.memref_slice %arg10[%add3A_566, %mul3A_570] : memref<12288x64xf32, #tpu.memory_space<hbm>> -> memref<128x32xf32, #tpu.memory_space<hbm>>
      tpu.enqueue_dma source(%arg20 : memref<128x32xf32, #tpu.memory_space<vmem>>) target(%dma_start3A_610 : memref<128x32xf32, #tpu.memory_space<hbm>>) target_semaphore(%run_scoped3A : memref<!tpu.dma_semaphore, #tpu.memory_space<semaphore_mem>>)
      %dma_wait3A_611 = tpu.memref_slice %arg10[%add3A_566, %mul3A_570] : memref<12288x64xf32, #tpu.memory_space<hbm>> -> memref<128x32xf32, #tpu.memory_space<hbm>>
      %dma_wait3A_612 = tpu.memref_slice %arg10[%add3A_566, %mul3A_570] : memref<12288x64xf32, #tpu.memory_space<hbm>> -> memref<128x32xf32, #tpu.memory_space<hbm>>
      tpu.wait_dma2 semaphore(%run_scoped3A : memref<!tpu.dma_semaphore, #tpu.memory_space<semaphore_mem>>) src(%arg20 : memref<128x32xf32, #tpu.memory_space<vmem>>) dst(%dma_wait3A_612 : memref<128x32xf32, #tpu.memory_space<hbm>>)
      tpu.yield
    }) : () -> ()
    %dma_start3A_571 = arith.constant 5 : i32
    %dma_start3A_572 = arith.constant 0 : i32
    %dma_start3A_573 = tpu.memref_slice %arg16[%dma_start3A_571, %dma_start3A_572] : memref<6x128xi32, #tpu.memory_space<vmem>> -> memref<1x128xi32, #tpu.memory_space<vmem>>
    %dma_start3A_574 = tpu.memref_squeeze %dma_start3A_573 : memref<1x128xi32, #tpu.memory_space<vmem>> -> memref<128xi32, #tpu.memory_space<vmem>>
    %dma_start3A_575 = arith.constant 0 : i32
    %dma_start3A_576 = arith.constant 0 : i32
    %dma_start3A_577 = tpu.memref_slice %arg14[%dma_start3A_575, %dma_start3A_576] : memref<20096x32xf32, #tpu.memory_space<vmem_shared>> -> memref<20096x32xf32, #tpu.memory_space<vmem_shared>>
    tpu.enqueue_indirect_dma source(%dma_start3A_577 : memref<20096x32xf32, #tpu.memory_space<vmem_shared>>) target(%arg19 : memref<128x32xf32, #tpu.memory_space<vmem>>) offsets(%dma_start3A_574 : memref<128xi32, #tpu.memory_space<vmem>>) semaphore(%arg23 : memref<!tpu.dma_semaphore, #tpu.memory_space<semaphore_mem>>)
    %dma_start3A_578 = arith.constant 5 : i32
    %dma_start3A_579 = arith.constant 0 : i32
    %dma_start3A_580 = tpu.memref_slice %arg17[%dma_start3A_578, %dma_start3A_579] : memref<6x128xi32, #tpu.memory_space<vmem>> -> memref<1x128xi32, #tpu.memory_space<vmem>>
    %dma_start3A_581 = tpu.memref_squeeze %dma_start3A_580 : memref<1x128xi32, #tpu.memory_space<vmem>> -> memref<128xi32, #tpu.memory_space<vmem>>
    %dma_start3A_582 = arith.constant 0 : i32
    %dma_start3A_583 = arith.constant 0 : i32
    %dma_start3A_584 = tpu.memref_slice %arg14[%dma_start3A_582, %dma_start3A_583] : memref<20096x32xf32, #tpu.memory_space<vmem_shared>> -> memref<20096x32xf32, #tpu.memory_space<vmem_shared>>
    tpu.enqueue_indirect_dma source(%dma_start3A_584 : memref<20096x32xf32, #tpu.memory_space<vmem_shared>>) target(%arg20 : memref<128x32xf32, #tpu.memory_space<vmem>>) offsets(%dma_start3A_581 : memref<128xi32, #tpu.memory_space<vmem>>) semaphore(%arg23 : memref<!tpu.dma_semaphore, #tpu.memory_space<semaphore_mem>>)
    %dma_wait3A_585 = arith.constant 5 : i32
    %dma_wait3A_586 = arith.constant 0 : i32
    %dma_wait3A_587 = tpu.memref_slice %arg16[%dma_wait3A_585, %dma_wait3A_586] : memref<6x128xi32, #tpu.memory_space<vmem>> -> memref<1x128xi32, #tpu.memory_space<vmem>>
    %dma_wait3A_588 = tpu.memref_squeeze %dma_wait3A_587 : memref<1x128xi32, #tpu.memory_space<vmem>> -> memref<128xi32, #tpu.memory_space<vmem>>
    %dma_wait3A_589 = arith.constant 0 : i32
    %dma_wait3A_590 = arith.constant 0 : i32
    %dma_wait3A_591 = tpu.memref_slice %arg14[%dma_wait3A_589, %dma_wait3A_590] : memref<20096x32xf32, #tpu.memory_space<vmem_shared>> -> memref<20096x32xf32, #tpu.memory_space<vmem_shared>>
    tpu.wait_indirect_dma semaphore(%arg23 : memref<!tpu.dma_semaphore, #tpu.memory_space<semaphore_mem>>) src(%dma_wait3A_591 : memref<20096x32xf32, #tpu.memory_space<vmem_shared>>) dst(%arg19 : memref<128x32xf32, #tpu.memory_space<vmem>>)
    %dma_wait3A_592 = arith.constant 5 : i32
    %dma_wait3A_593 = arith.constant 0 : i32
    %dma_wait3A_594 = tpu.memref_slice %arg17[%dma_wait3A_592, %dma_wait3A_593] : memref<6x128xi32, #tpu.memory_space<vmem>> -> memref<1x128xi32, #tpu.memory_space<vmem>>
    %dma_wait3A_595 = tpu.memref_squeeze %dma_wait3A_594 : memref<1x128xi32, #tpu.memory_space<vmem>> -> memref<128xi32, #tpu.memory_space<vmem>>
    %dma_wait3A_596 = arith.constant 0 : i32
    %dma_wait3A_597 = arith.constant 0 : i32
    %dma_wait3A_598 = tpu.memref_slice %arg14[%dma_wait3A_596, %dma_wait3A_597] : memref<20096x32xf32, #tpu.memory_space<vmem_shared>> -> memref<20096x32xf32, #tpu.memory_space<vmem_shared>>
    tpu.wait_indirect_dma semaphore(%arg23 : memref<!tpu.dma_semaphore, #tpu.memory_space<semaphore_mem>>) src(%dma_wait3A_598 : memref<20096x32xf32, #tpu.memory_space<vmem_shared>>) dst(%arg20 : memref<128x32xf32, #tpu.memory_space<vmem>>)
    %mul3A_599 = arith.constant 768 : i32
    %mul3A_600 = arith.muli %arg1, %mul3A_599 : i32
    %add3A_601 = arith.constant 640 : i32
    %add3A_602 = arith.addi %mul3A_600, %add3A_601 : i32
    %mul3A_603 = arith.constant 32 : i32
    %mul3A_604 = arith.muli %arg0, %mul3A_603 : i32
    "tpu.region"() ({
      %run_scoped3A = tpu.sem_alloc : memref<!tpu.dma_semaphore, #tpu.memory_space<semaphore_mem>>
      %dma_start3A_609 = tpu.memref_slice %arg9[%add3A_602, %mul3A_604] : memref<12288x64xf32, #tpu.memory_space<hbm>> -> memref<128x32xf32, #tpu.memory_space<hbm>>
      %dma_start3A_610 = tpu.memref_slice %arg9[%add3A_602, %mul3A_604] : memref<12288x64xf32, #tpu.memory_space<hbm>> -> memref<128x32xf32, #tpu.memory_space<hbm>>
      tpu.enqueue_dma source(%arg19 : memref<128x32xf32, #tpu.memory_space<vmem>>) target(%dma_start3A_610 : memref<128x32xf32, #tpu.memory_space<hbm>>) target_semaphore(%run_scoped3A : memref<!tpu.dma_semaphore, #tpu.memory_space<semaphore_mem>>)
      %dma_wait3A_611 = tpu.memref_slice %arg9[%add3A_602, %mul3A_604] : memref<12288x64xf32, #tpu.memory_space<hbm>> -> memref<128x32xf32, #tpu.memory_space<hbm>>
      %dma_wait3A_612 = tpu.memref_slice %arg9[%add3A_602, %mul3A_604] : memref<12288x64xf32, #tpu.memory_space<hbm>> -> memref<128x32xf32, #tpu.memory_space<hbm>>
      tpu.wait_dma2 semaphore(%run_scoped3A : memref<!tpu.dma_semaphore, #tpu.memory_space<semaphore_mem>>) src(%arg19 : memref<128x32xf32, #tpu.memory_space<vmem>>) dst(%dma_wait3A_612 : memref<128x32xf32, #tpu.memory_space<hbm>>)
      tpu.yield
    }) : () -> ()
    %mul3A_605 = arith.constant 32 : i32
    %mul3A_606 = arith.muli %arg0, %mul3A_605 : i32
    "tpu.region"() ({
      %run_scoped3A = tpu.sem_alloc : memref<!tpu.dma_semaphore, #tpu.memory_space<semaphore_mem>>
      %dma_start3A_609 = tpu.memref_slice %arg10[%add3A_602, %mul3A_606] : memref<12288x64xf32, #tpu.memory_space<hbm>> -> memref<128x32xf32, #tpu.memory_space<hbm>>
      %dma_start3A_610 = tpu.memref_slice %arg10[%add3A_602, %mul3A_606] : memref<12288x64xf32, #tpu.memory_space<hbm>> -> memref<128x32xf32, #tpu.memory_space<hbm>>
      tpu.enqueue_dma source(%arg20 : memref<128x32xf32, #tpu.memory_space<vmem>>) target(%dma_start3A_610 : memref<128x32xf32, #tpu.memory_space<hbm>>) target_semaphore(%run_scoped3A : memref<!tpu.dma_semaphore, #tpu.memory_space<semaphore_mem>>)
      %dma_wait3A_611 = tpu.memref_slice %arg10[%add3A_602, %mul3A_606] : memref<12288x64xf32, #tpu.memory_space<hbm>> -> memref<128x32xf32, #tpu.memory_space<hbm>>
      %dma_wait3A_612 = tpu.memref_slice %arg10[%add3A_602, %mul3A_606] : memref<12288x64xf32, #tpu.memory_space<hbm>> -> memref<128x32xf32, #tpu.memory_space<hbm>>
      tpu.wait_dma2 semaphore(%run_scoped3A : memref<!tpu.dma_semaphore, #tpu.memory_space<semaphore_mem>>) src(%arg20 : memref<128x32xf32, #tpu.memory_space<vmem>>) dst(%dma_wait3A_612 : memref<128x32xf32, #tpu.memory_space<hbm>>)
      tpu.yield
    }) : () -> ()
    %eq3A = arith.constant 0 : i32
    %eq3A_607 = arith.cmpi eq, %arg0, %eq3A : i32
    %convert_element_type3A = arith.extui %eq3A_607 : i1 to i32
    %cond3A = arith.constant 0 : i32
    %cond3A_608 = arith.cmpi ne, %convert_element_type3A, %cond3A : i32
    scf.if %cond3A_608 {
      %mul3A_609 = arith.constant 768 : i32
      %mul3A_610 = arith.muli %arg1, %mul3A_609 : i32
      %add3A_611 = arith.constant 0 : i32
      %add3A_612 = arith.addi %mul3A_610, %add3A_611 : i32
      %run_scoped3A = arith.constant 0 : i32
      "tpu.region"() ({
        %run_scoped3A_638 = tpu.sem_alloc : memref<!tpu.dma_semaphore, #tpu.memory_space<semaphore_mem>>
        %dma_start3A_639 = arith.constant 0 : i32
        %dma_start3A_640 = arith.constant 0 : i32
        %dma_start3A_641 = tpu.memref_slice %arg18[%run_scoped3A, %dma_start3A_639, %dma_start3A_640] : memref<6x128x16xf32, #tpu.memory_space<vmem>> -> memref<1x128x16xf32, #tpu.memory_space<vmem>>
        %dma_start3A_642 = tpu.memref_squeeze %dma_start3A_641 : memref<1x128x16xf32, #tpu.memory_space<vmem>> -> memref<128x16xf32, #tpu.memory_space<vmem>>
        %dma_start3A_643 = arith.constant 0 : i32
        %dma_start3A_644 = tpu.memref_slice %arg11[%add3A_612, %dma_start3A_643] : memref<12288x16xf32, #tpu.memory_space<hbm>> -> memref<128x16xf32, #tpu.memory_space<hbm>>
        %dma_start3A_645 = arith.constant 0 : i32
        %dma_start3A_646 = tpu.memref_slice %arg11[%add3A_612, %dma_start3A_645] : memref<12288x16xf32, #tpu.memory_space<hbm>> -> memref<128x16xf32, #tpu.memory_space<hbm>>
        %dma_start3A_647 = arith.constant 0 : i32
        %dma_start3A_648 = arith.constant 0 : i32
        %dma_start3A_649 = tpu.memref_slice %arg18[%run_scoped3A, %dma_start3A_647, %dma_start3A_648] : memref<6x128x16xf32, #tpu.memory_space<vmem>> -> memref<1x128x16xf32, #tpu.memory_space<vmem>>
        %dma_start3A_650 = tpu.memref_squeeze %dma_start3A_649 : memref<1x128x16xf32, #tpu.memory_space<vmem>> -> memref<128x16xf32, #tpu.memory_space<vmem>>
        tpu.enqueue_dma source(%dma_start3A_650 : memref<128x16xf32, #tpu.memory_space<vmem>>) target(%dma_start3A_646 : memref<128x16xf32, #tpu.memory_space<hbm>>) target_semaphore(%run_scoped3A_638 : memref<!tpu.dma_semaphore, #tpu.memory_space<semaphore_mem>>)
        %dma_wait3A_651 = arith.constant 0 : i32
        %dma_wait3A_652 = arith.constant 0 : i32
        %dma_wait3A_653 = tpu.memref_slice %arg18[%run_scoped3A, %dma_wait3A_651, %dma_wait3A_652] : memref<6x128x16xf32, #tpu.memory_space<vmem>> -> memref<1x128x16xf32, #tpu.memory_space<vmem>>
        %dma_wait3A_654 = tpu.memref_squeeze %dma_wait3A_653 : memref<1x128x16xf32, #tpu.memory_space<vmem>> -> memref<128x16xf32, #tpu.memory_space<vmem>>
        %dma_wait3A_655 = arith.constant 0 : i32
        %dma_wait3A_656 = tpu.memref_slice %arg11[%add3A_612, %dma_wait3A_655] : memref<12288x16xf32, #tpu.memory_space<hbm>> -> memref<128x16xf32, #tpu.memory_space<hbm>>
        %dma_wait3A_657 = arith.constant 0 : i32
        %dma_wait3A_658 = tpu.memref_slice %arg11[%add3A_612, %dma_wait3A_657] : memref<12288x16xf32, #tpu.memory_space<hbm>> -> memref<128x16xf32, #tpu.memory_space<hbm>>
        %dma_wait3A_659 = arith.constant 0 : i32
        %dma_wait3A_660 = arith.constant 0 : i32
        %dma_wait3A_661 = tpu.memref_slice %arg18[%run_scoped3A, %dma_wait3A_659, %dma_wait3A_660] : memref<6x128x16xf32, #tpu.memory_space<vmem>> -> memref<1x128x16xf32, #tpu.memory_space<vmem>>
        %dma_wait3A_662 = tpu.memref_squeeze %dma_wait3A_661 : memref<1x128x16xf32, #tpu.memory_space<vmem>> -> memref<128x16xf32, #tpu.memory_space<vmem>>
        tpu.wait_dma2 semaphore(%run_scoped3A_638 : memref<!tpu.dma_semaphore, #tpu.memory_space<semaphore_mem>>) src(%dma_wait3A_662 : memref<128x16xf32, #tpu.memory_space<vmem>>) dst(%dma_wait3A_658 : memref<128x16xf32, #tpu.memory_space<hbm>>)
        tpu.yield
      }) : () -> ()
      %mul3A_613 = arith.constant 768 : i32
      %mul3A_614 = arith.muli %arg1, %mul3A_613 : i32
      %add3A_615 = arith.constant 128 : i32
      %add3A_616 = arith.addi %mul3A_614, %add3A_615 : i32
      %run_scoped3A_617 = arith.constant 1 : i32
      "tpu.region"() ({
        %run_scoped3A_638 = tpu.sem_alloc : memref<!tpu.dma_semaphore, #tpu.memory_space<semaphore_mem>>
        %dma_start3A_639 = arith.constant 0 : i32
        %dma_start3A_640 = arith.constant 0 : i32
        %dma_start3A_641 = tpu.memref_slice %arg18[%run_scoped3A_617, %dma_start3A_639, %dma_start3A_640] : memref<6x128x16xf32, #tpu.memory_space<vmem>> -> memref<1x128x16xf32, #tpu.memory_space<vmem>>
        %dma_start3A_642 = tpu.memref_squeeze %dma_start3A_641 : memref<1x128x16xf32, #tpu.memory_space<vmem>> -> memref<128x16xf32, #tpu.memory_space<vmem>>
        %dma_start3A_643 = arith.constant 0 : i32
        %dma_start3A_644 = tpu.memref_slice %arg11[%add3A_616, %dma_start3A_643] : memref<12288x16xf32, #tpu.memory_space<hbm>> -> memref<128x16xf32, #tpu.memory_space<hbm>>
        %dma_start3A_645 = arith.constant 0 : i32
        %dma_start3A_646 = tpu.memref_slice %arg11[%add3A_616, %dma_start3A_645] : memref<12288x16xf32, #tpu.memory_space<hbm>> -> memref<128x16xf32, #tpu.memory_space<hbm>>
        %dma_start3A_647 = arith.constant 0 : i32
        %dma_start3A_648 = arith.constant 0 : i32
        %dma_start3A_649 = tpu.memref_slice %arg18[%run_scoped3A_617, %dma_start3A_647, %dma_start3A_648] : memref<6x128x16xf32, #tpu.memory_space<vmem>> -> memref<1x128x16xf32, #tpu.memory_space<vmem>>
        %dma_start3A_650 = tpu.memref_squeeze %dma_start3A_649 : memref<1x128x16xf32, #tpu.memory_space<vmem>> -> memref<128x16xf32, #tpu.memory_space<vmem>>
        tpu.enqueue_dma source(%dma_start3A_650 : memref<128x16xf32, #tpu.memory_space<vmem>>) target(%dma_start3A_646 : memref<128x16xf32, #tpu.memory_space<hbm>>) target_semaphore(%run_scoped3A_638 : memref<!tpu.dma_semaphore, #tpu.memory_space<semaphore_mem>>)
        %dma_wait3A_651 = arith.constant 0 : i32
        %dma_wait3A_652 = arith.constant 0 : i32
        %dma_wait3A_653 = tpu.memref_slice %arg18[%run_scoped3A_617, %dma_wait3A_651, %dma_wait3A_652] : memref<6x128x16xf32, #tpu.memory_space<vmem>> -> memref<1x128x16xf32, #tpu.memory_space<vmem>>
        %dma_wait3A_654 = tpu.memref_squeeze %dma_wait3A_653 : memref<1x128x16xf32, #tpu.memory_space<vmem>> -> memref<128x16xf32, #tpu.memory_space<vmem>>
        %dma_wait3A_655 = arith.constant 0 : i32
        %dma_wait3A_656 = tpu.memref_slice %arg11[%add3A_616, %dma_wait3A_655] : memref<12288x16xf32, #tpu.memory_space<hbm>> -> memref<128x16xf32, #tpu.memory_space<hbm>>
        %dma_wait3A_657 = arith.constant 0 : i32
        %dma_wait3A_658 = tpu.memref_slice %arg11[%add3A_616, %dma_wait3A_657] : memref<12288x16xf32, #tpu.memory_space<hbm>> -> memref<128x16xf32, #tpu.memory_space<hbm>>
        %dma_wait3A_659 = arith.constant 0 : i32
        %dma_wait3A_660 = arith.constant 0 : i32
        %dma_wait3A_661 = tpu.memref_slice %arg18[%run_scoped3A_617, %dma_wait3A_659, %dma_wait3A_660] : memref<6x128x16xf32, #tpu.memory_space<vmem>> -> memref<1x128x16xf32, #tpu.memory_space<vmem>>
        %dma_wait3A_662 = tpu.memref_squeeze %dma_wait3A_661 : memref<1x128x16xf32, #tpu.memory_space<vmem>> -> memref<128x16xf32, #tpu.memory_space<vmem>>
        tpu.wait_dma2 semaphore(%run_scoped3A_638 : memref<!tpu.dma_semaphore, #tpu.memory_space<semaphore_mem>>) src(%dma_wait3A_662 : memref<128x16xf32, #tpu.memory_space<vmem>>) dst(%dma_wait3A_658 : memref<128x16xf32, #tpu.memory_space<hbm>>)
        tpu.yield
      }) : () -> ()
      %mul3A_618 = arith.constant 768 : i32
      %mul3A_619 = arith.muli %arg1, %mul3A_618 : i32
      %add3A_620 = arith.constant 256 : i32
      %add3A_621 = arith.addi %mul3A_619, %add3A_620 : i32
      %run_scoped3A_622 = arith.constant 2 : i32
      "tpu.region"() ({
        %run_scoped3A_638 = tpu.sem_alloc : memref<!tpu.dma_semaphore, #tpu.memory_space<semaphore_mem>>
        %dma_start3A_639 = arith.constant 0 : i32
        %dma_start3A_640 = arith.constant 0 : i32
        %dma_start3A_641 = tpu.memref_slice %arg18[%run_scoped3A_622, %dma_start3A_639, %dma_start3A_640] : memref<6x128x16xf32, #tpu.memory_space<vmem>> -> memref<1x128x16xf32, #tpu.memory_space<vmem>>
        %dma_start3A_642 = tpu.memref_squeeze %dma_start3A_641 : memref<1x128x16xf32, #tpu.memory_space<vmem>> -> memref<128x16xf32, #tpu.memory_space<vmem>>
        %dma_start3A_643 = arith.constant 0 : i32
        %dma_start3A_644 = tpu.memref_slice %arg11[%add3A_621, %dma_start3A_643] : memref<12288x16xf32, #tpu.memory_space<hbm>> -> memref<128x16xf32, #tpu.memory_space<hbm>>
        %dma_start3A_645 = arith.constant 0 : i32
        %dma_start3A_646 = tpu.memref_slice %arg11[%add3A_621, %dma_start3A_645] : memref<12288x16xf32, #tpu.memory_space<hbm>> -> memref<128x16xf32, #tpu.memory_space<hbm>>
        %dma_start3A_647 = arith.constant 0 : i32
        %dma_start3A_648 = arith.constant 0 : i32
        %dma_start3A_649 = tpu.memref_slice %arg18[%run_scoped3A_622, %dma_start3A_647, %dma_start3A_648] : memref<6x128x16xf32, #tpu.memory_space<vmem>> -> memref<1x128x16xf32, #tpu.memory_space<vmem>>
        %dma_start3A_650 = tpu.memref_squeeze %dma_start3A_649 : memref<1x128x16xf32, #tpu.memory_space<vmem>> -> memref<128x16xf32, #tpu.memory_space<vmem>>
        tpu.enqueue_dma source(%dma_start3A_650 : memref<128x16xf32, #tpu.memory_space<vmem>>) target(%dma_start3A_646 : memref<128x16xf32, #tpu.memory_space<hbm>>) target_semaphore(%run_scoped3A_638 : memref<!tpu.dma_semaphore, #tpu.memory_space<semaphore_mem>>)
        %dma_wait3A_651 = arith.constant 0 : i32
        %dma_wait3A_652 = arith.constant 0 : i32
        %dma_wait3A_653 = tpu.memref_slice %arg18[%run_scoped3A_622, %dma_wait3A_651, %dma_wait3A_652] : memref<6x128x16xf32, #tpu.memory_space<vmem>> -> memref<1x128x16xf32, #tpu.memory_space<vmem>>
        %dma_wait3A_654 = tpu.memref_squeeze %dma_wait3A_653 : memref<1x128x16xf32, #tpu.memory_space<vmem>> -> memref<128x16xf32, #tpu.memory_space<vmem>>
        %dma_wait3A_655 = arith.constant 0 : i32
        %dma_wait3A_656 = tpu.memref_slice %arg11[%add3A_621, %dma_wait3A_655] : memref<12288x16xf32, #tpu.memory_space<hbm>> -> memref<128x16xf32, #tpu.memory_space<hbm>>
        %dma_wait3A_657 = arith.constant 0 : i32
        %dma_wait3A_658 = tpu.memref_slice %arg11[%add3A_621, %dma_wait3A_657] : memref<12288x16xf32, #tpu.memory_space<hbm>> -> memref<128x16xf32, #tpu.memory_space<hbm>>
        %dma_wait3A_659 = arith.constant 0 : i32
        %dma_wait3A_660 = arith.constant 0 : i32
        %dma_wait3A_661 = tpu.memref_slice %arg18[%run_scoped3A_622, %dma_wait3A_659, %dma_wait3A_660] : memref<6x128x16xf32, #tpu.memory_space<vmem>> -> memref<1x128x16xf32, #tpu.memory_space<vmem>>
        %dma_wait3A_662 = tpu.memref_squeeze %dma_wait3A_661 : memref<1x128x16xf32, #tpu.memory_space<vmem>> -> memref<128x16xf32, #tpu.memory_space<vmem>>
        tpu.wait_dma2 semaphore(%run_scoped3A_638 : memref<!tpu.dma_semaphore, #tpu.memory_space<semaphore_mem>>) src(%dma_wait3A_662 : memref<128x16xf32, #tpu.memory_space<vmem>>) dst(%dma_wait3A_658 : memref<128x16xf32, #tpu.memory_space<hbm>>)
        tpu.yield
      }) : () -> ()
      %mul3A_623 = arith.constant 768 : i32
      %mul3A_624 = arith.muli %arg1, %mul3A_623 : i32
      %add3A_625 = arith.constant 384 : i32
      %add3A_626 = arith.addi %mul3A_624, %add3A_625 : i32
      %run_scoped3A_627 = arith.constant 3 : i32
      "tpu.region"() ({
        %run_scoped3A_638 = tpu.sem_alloc : memref<!tpu.dma_semaphore, #tpu.memory_space<semaphore_mem>>
        %dma_start3A_639 = arith.constant 0 : i32
        %dma_start3A_640 = arith.constant 0 : i32
        %dma_start3A_641 = tpu.memref_slice %arg18[%run_scoped3A_627, %dma_start3A_639, %dma_start3A_640] : memref<6x128x16xf32, #tpu.memory_space<vmem>> -> memref<1x128x16xf32, #tpu.memory_space<vmem>>
        %dma_start3A_642 = tpu.memref_squeeze %dma_start3A_641 : memref<1x128x16xf32, #tpu.memory_space<vmem>> -> memref<128x16xf32, #tpu.memory_space<vmem>>
        %dma_start3A_643 = arith.constant 0 : i32
        %dma_start3A_644 = tpu.memref_slice %arg11[%add3A_626, %dma_start3A_643] : memref<12288x16xf32, #tpu.memory_space<hbm>> -> memref<128x16xf32, #tpu.memory_space<hbm>>
        %dma_start3A_645 = arith.constant 0 : i32
        %dma_start3A_646 = tpu.memref_slice %arg11[%add3A_626, %dma_start3A_645] : memref<12288x16xf32, #tpu.memory_space<hbm>> -> memref<128x16xf32, #tpu.memory_space<hbm>>
        %dma_start3A_647 = arith.constant 0 : i32
        %dma_start3A_648 = arith.constant 0 : i32
        %dma_start3A_649 = tpu.memref_slice %arg18[%run_scoped3A_627, %dma_start3A_647, %dma_start3A_648] : memref<6x128x16xf32, #tpu.memory_space<vmem>> -> memref<1x128x16xf32, #tpu.memory_space<vmem>>
        %dma_start3A_650 = tpu.memref_squeeze %dma_start3A_649 : memref<1x128x16xf32, #tpu.memory_space<vmem>> -> memref<128x16xf32, #tpu.memory_space<vmem>>
        tpu.enqueue_dma source(%dma_start3A_650 : memref<128x16xf32, #tpu.memory_space<vmem>>) target(%dma_start3A_646 : memref<128x16xf32, #tpu.memory_space<hbm>>) target_semaphore(%run_scoped3A_638 : memref<!tpu.dma_semaphore, #tpu.memory_space<semaphore_mem>>)
        %dma_wait3A_651 = arith.constant 0 : i32
        %dma_wait3A_652 = arith.constant 0 : i32
        %dma_wait3A_653 = tpu.memref_slice %arg18[%run_scoped3A_627, %dma_wait3A_651, %dma_wait3A_652] : memref<6x128x16xf32, #tpu.memory_space<vmem>> -> memref<1x128x16xf32, #tpu.memory_space<vmem>>
        %dma_wait3A_654 = tpu.memref_squeeze %dma_wait3A_653 : memref<1x128x16xf32, #tpu.memory_space<vmem>> -> memref<128x16xf32, #tpu.memory_space<vmem>>
        %dma_wait3A_655 = arith.constant 0 : i32
        %dma_wait3A_656 = tpu.memref_slice %arg11[%add3A_626, %dma_wait3A_655] : memref<12288x16xf32, #tpu.memory_space<hbm>> -> memref<128x16xf32, #tpu.memory_space<hbm>>
        %dma_wait3A_657 = arith.constant 0 : i32
        %dma_wait3A_658 = tpu.memref_slice %arg11[%add3A_626, %dma_wait3A_657] : memref<12288x16xf32, #tpu.memory_space<hbm>> -> memref<128x16xf32, #tpu.memory_space<hbm>>
        %dma_wait3A_659 = arith.constant 0 : i32
        %dma_wait3A_660 = arith.constant 0 : i32
        %dma_wait3A_661 = tpu.memref_slice %arg18[%run_scoped3A_627, %dma_wait3A_659, %dma_wait3A_660] : memref<6x128x16xf32, #tpu.memory_space<vmem>> -> memref<1x128x16xf32, #tpu.memory_space<vmem>>
        %dma_wait3A_662 = tpu.memref_squeeze %dma_wait3A_661 : memref<1x128x16xf32, #tpu.memory_space<vmem>> -> memref<128x16xf32, #tpu.memory_space<vmem>>
        tpu.wait_dma2 semaphore(%run_scoped3A_638 : memref<!tpu.dma_semaphore, #tpu.memory_space<semaphore_mem>>) src(%dma_wait3A_662 : memref<128x16xf32, #tpu.memory_space<vmem>>) dst(%dma_wait3A_658 : memref<128x16xf32, #tpu.memory_space<hbm>>)
        tpu.yield
      }) : () -> ()
      %mul3A_628 = arith.constant 768 : i32
      %mul3A_629 = arith.muli %arg1, %mul3A_628 : i32
      %add3A_630 = arith.constant 512 : i32
      %add3A_631 = arith.addi %mul3A_629, %add3A_630 : i32
      %run_scoped3A_632 = arith.constant 4 : i32
      "tpu.region"() ({
        %run_scoped3A_638 = tpu.sem_alloc : memref<!tpu.dma_semaphore, #tpu.memory_space<semaphore_mem>>
        %dma_start3A_639 = arith.constant 0 : i32
        %dma_start3A_640 = arith.constant 0 : i32
        %dma_start3A_641 = tpu.memref_slice %arg18[%run_scoped3A_632, %dma_start3A_639, %dma_start3A_640] : memref<6x128x16xf32, #tpu.memory_space<vmem>> -> memref<1x128x16xf32, #tpu.memory_space<vmem>>
        %dma_start3A_642 = tpu.memref_squeeze %dma_start3A_641 : memref<1x128x16xf32, #tpu.memory_space<vmem>> -> memref<128x16xf32, #tpu.memory_space<vmem>>
        %dma_start3A_643 = arith.constant 0 : i32
        %dma_start3A_644 = tpu.memref_slice %arg11[%add3A_631, %dma_start3A_643] : memref<12288x16xf32, #tpu.memory_space<hbm>> -> memref<128x16xf32, #tpu.memory_space<hbm>>
        %dma_start3A_645 = arith.constant 0 : i32
        %dma_start3A_646 = tpu.memref_slice %arg11[%add3A_631, %dma_start3A_645] : memref<12288x16xf32, #tpu.memory_space<hbm>> -> memref<128x16xf32, #tpu.memory_space<hbm>>
        %dma_start3A_647 = arith.constant 0 : i32
        %dma_start3A_648 = arith.constant 0 : i32
        %dma_start3A_649 = tpu.memref_slice %arg18[%run_scoped3A_632, %dma_start3A_647, %dma_start3A_648] : memref<6x128x16xf32, #tpu.memory_space<vmem>> -> memref<1x128x16xf32, #tpu.memory_space<vmem>>
        %dma_start3A_650 = tpu.memref_squeeze %dma_start3A_649 : memref<1x128x16xf32, #tpu.memory_space<vmem>> -> memref<128x16xf32, #tpu.memory_space<vmem>>
        tpu.enqueue_dma source(%dma_start3A_650 : memref<128x16xf32, #tpu.memory_space<vmem>>) target(%dma_start3A_646 : memref<128x16xf32, #tpu.memory_space<hbm>>) target_semaphore(%run_scoped3A_638 : memref<!tpu.dma_semaphore, #tpu.memory_space<semaphore_mem>>)
        %dma_wait3A_651 = arith.constant 0 : i32
        %dma_wait3A_652 = arith.constant 0 : i32
        %dma_wait3A_653 = tpu.memref_slice %arg18[%run_scoped3A_632, %dma_wait3A_651, %dma_wait3A_652] : memref<6x128x16xf32, #tpu.memory_space<vmem>> -> memref<1x128x16xf32, #tpu.memory_space<vmem>>
        %dma_wait3A_654 = tpu.memref_squeeze %dma_wait3A_653 : memref<1x128x16xf32, #tpu.memory_space<vmem>> -> memref<128x16xf32, #tpu.memory_space<vmem>>
        %dma_wait3A_655 = arith.constant 0 : i32
        %dma_wait3A_656 = tpu.memref_slice %arg11[%add3A_631, %dma_wait3A_655] : memref<12288x16xf32, #tpu.memory_space<hbm>> -> memref<128x16xf32, #tpu.memory_space<hbm>>
        %dma_wait3A_657 = arith.constant 0 : i32
        %dma_wait3A_658 = tpu.memref_slice %arg11[%add3A_631, %dma_wait3A_657] : memref<12288x16xf32, #tpu.memory_space<hbm>> -> memref<128x16xf32, #tpu.memory_space<hbm>>
        %dma_wait3A_659 = arith.constant 0 : i32
        %dma_wait3A_660 = arith.constant 0 : i32
        %dma_wait3A_661 = tpu.memref_slice %arg18[%run_scoped3A_632, %dma_wait3A_659, %dma_wait3A_660] : memref<6x128x16xf32, #tpu.memory_space<vmem>> -> memref<1x128x16xf32, #tpu.memory_space<vmem>>
        %dma_wait3A_662 = tpu.memref_squeeze %dma_wait3A_661 : memref<1x128x16xf32, #tpu.memory_space<vmem>> -> memref<128x16xf32, #tpu.memory_space<vmem>>
        tpu.wait_dma2 semaphore(%run_scoped3A_638 : memref<!tpu.dma_semaphore, #tpu.memory_space<semaphore_mem>>) src(%dma_wait3A_662 : memref<128x16xf32, #tpu.memory_space<vmem>>) dst(%dma_wait3A_658 : memref<128x16xf32, #tpu.memory_space<hbm>>)
        tpu.yield
      }) : () -> ()
      %mul3A_633 = arith.constant 768 : i32
      %mul3A_634 = arith.muli %arg1, %mul3A_633 : i32
      %add3A_635 = arith.constant 640 : i32
      %add3A_636 = arith.addi %mul3A_634, %add3A_635 : i32
      %run_scoped3A_637 = arith.constant 5 : i32
      "tpu.region"() ({
        %run_scoped3A_638 = tpu.sem_alloc : memref<!tpu.dma_semaphore, #tpu.memory_space<semaphore_mem>>
        %dma_start3A_639 = arith.constant 0 : i32
        %dma_start3A_640 = arith.constant 0 : i32
        %dma_start3A_641 = tpu.memref_slice %arg18[%run_scoped3A_637, %dma_start3A_639, %dma_start3A_640] : memref<6x128x16xf32, #tpu.memory_space<vmem>> -> memref<1x128x16xf32, #tpu.memory_space<vmem>>
        %dma_start3A_642 = tpu.memref_squeeze %dma_start3A_641 : memref<1x128x16xf32, #tpu.memory_space<vmem>> -> memref<128x16xf32, #tpu.memory_space<vmem>>
        %dma_start3A_643 = arith.constant 0 : i32
        %dma_start3A_644 = tpu.memref_slice %arg11[%add3A_636, %dma_start3A_643] : memref<12288x16xf32, #tpu.memory_space<hbm>> -> memref<128x16xf32, #tpu.memory_space<hbm>>
        %dma_start3A_645 = arith.constant 0 : i32
        %dma_start3A_646 = tpu.memref_slice %arg11[%add3A_636, %dma_start3A_645] : memref<12288x16xf32, #tpu.memory_space<hbm>> -> memref<128x16xf32, #tpu.memory_space<hbm>>
        %dma_start3A_647 = arith.constant 0 : i32
        %dma_start3A_648 = arith.constant 0 : i32
        %dma_start3A_649 = tpu.memref_slice %arg18[%run_scoped3A_637, %dma_start3A_647, %dma_start3A_648] : memref<6x128x16xf32, #tpu.memory_space<vmem>> -> memref<1x128x16xf32, #tpu.memory_space<vmem>>
        %dma_start3A_650 = tpu.memref_squeeze %dma_start3A_649 : memref<1x128x16xf32, #tpu.memory_space<vmem>> -> memref<128x16xf32, #tpu.memory_space<vmem>>
        tpu.enqueue_dma source(%dma_start3A_650 : memref<128x16xf32, #tpu.memory_space<vmem>>) target(%dma_start3A_646 : memref<128x16xf32, #tpu.memory_space<hbm>>) target_semaphore(%run_scoped3A_638 : memref<!tpu.dma_semaphore, #tpu.memory_space<semaphore_mem>>)
        %dma_wait3A_651 = arith.constant 0 : i32
        %dma_wait3A_652 = arith.constant 0 : i32
        %dma_wait3A_653 = tpu.memref_slice %arg18[%run_scoped3A_637, %dma_wait3A_651, %dma_wait3A_652] : memref<6x128x16xf32, #tpu.memory_space<vmem>> -> memref<1x128x16xf32, #tpu.memory_space<vmem>>
        %dma_wait3A_654 = tpu.memref_squeeze %dma_wait3A_653 : memref<1x128x16xf32, #tpu.memory_space<vmem>> -> memref<128x16xf32, #tpu.memory_space<vmem>>
        %dma_wait3A_655 = arith.constant 0 : i32
        %dma_wait3A_656 = tpu.memref_slice %arg11[%add3A_636, %dma_wait3A_655] : memref<12288x16xf32, #tpu.memory_space<hbm>> -> memref<128x16xf32, #tpu.memory_space<hbm>>
        %dma_wait3A_657 = arith.constant 0 : i32
        %dma_wait3A_658 = tpu.memref_slice %arg11[%add3A_636, %dma_wait3A_657] : memref<12288x16xf32, #tpu.memory_space<hbm>> -> memref<128x16xf32, #tpu.memory_space<hbm>>
        %dma_wait3A_659 = arith.constant 0 : i32
        %dma_wait3A_660 = arith.constant 0 : i32
        %dma_wait3A_661 = tpu.memref_slice %arg18[%run_scoped3A_637, %dma_wait3A_659, %dma_wait3A_660] : memref<6x128x16xf32, #tpu.memory_space<vmem>> -> memref<1x128x16xf32, #tpu.memory_space<vmem>>
        %dma_wait3A_662 = tpu.memref_squeeze %dma_wait3A_661 : memref<1x128x16xf32, #tpu.memory_space<vmem>> -> memref<128x16xf32, #tpu.memory_space<vmem>>
        tpu.wait_dma2 semaphore(%run_scoped3A_638 : memref<!tpu.dma_semaphore, #tpu.memory_space<semaphore_mem>>) src(%dma_wait3A_662 : memref<128x16xf32, #tpu.memory_space<vmem>>) dst(%dma_wait3A_658 : memref<128x16xf32, #tpu.memory_space<hbm>>)
        tpu.yield
      }) : () -> ()
    } else {
    }
    return
  }
}

module attributes {stable_mosaic.version = 14 : i64} {
  func.func @_mlp_msg_body(%arg0: i32, %arg1: memref<960x16xf32, #tpu.memory_space<vmem>>, %arg2: memref<960x32xf32, #tpu.memory_space<vmem>>, %arg3: memref<16x512xbf16, #tpu.memory_space<vmem>>, %arg4: memref<1x512xf32, #tpu.memory_space<vmem>>, %arg5: memref<512x512xbf16, #tpu.memory_space<vmem>>, %arg6: memref<1x512xf32, #tpu.memory_space<vmem>>, %arg7: memref<32x512xbf16, #tpu.memory_space<vmem>>, %arg8: memref<512x32xbf16, #tpu.memory_space<vmem>>, %arg9: memref<1x32xf32, #tpu.memory_space<vmem>>, %arg10: memref<960x32xf32, #tpu.memory_space<vmem>>) attributes {dimension_semantics = [#tpu.dimension_semantics<arbitrary>], iteration_bounds = array<i64: 128>, scalar_prefetch = 0 : i64, scratch_operands = 0 : i64, tpu.core_type = #tpu.core_type<tc>, window_params = [{transform_indices = @transform_0, window_bounds = array<i64: 960, 16>}, {transform_indices = @transform_1, window_bounds = array<i64: 960, 32>}, {pipeline_mode = #tpu.pipeline_mode<synchronous>, transform_indices = @transform_2, window_bounds = array<i64: 16, 512>}, {pipeline_mode = #tpu.pipeline_mode<synchronous>, transform_indices = @transform_3, window_bounds = array<i64: 1, 512>}, {pipeline_mode = #tpu.pipeline_mode<synchronous>, transform_indices = @transform_4, window_bounds = array<i64: 512, 512>}, {pipeline_mode = #tpu.pipeline_mode<synchronous>, transform_indices = @transform_5, window_bounds = array<i64: 1, 512>}, {pipeline_mode = #tpu.pipeline_mode<synchronous>, transform_indices = @transform_6, window_bounds = array<i64: 32, 512>}, {pipeline_mode = #tpu.pipeline_mode<synchronous>, transform_indices = @transform_7, window_bounds = array<i64: 512, 32>}, {pipeline_mode = #tpu.pipeline_mode<synchronous>, transform_indices = @transform_8, window_bounds = array<i64: 1, 32>}, {transform_indices = @transform_9, window_bounds = array<i64: 960, 32>}]} {
    %get3A = arith.constant 0 : index
    %get3A_0 = arith.constant 0 : index
    %get3A_1 = vector.load %arg1[%get3A, %get3A_0] : memref<960x16xf32, #tpu.memory_space<vmem>>, vector<960x16xf32>
    %convert_element_type3A = arith.truncf %get3A_1 : vector<960x16xf32> to vector<960x16xbf16>
    %get3A_2 = arith.constant 0 : index
    %get3A_3 = arith.constant 0 : index
    %get3A_4 = vector.load %arg3[%get3A_2, %get3A_3] : memref<16x512xbf16, #tpu.memory_space<vmem>>, vector<16x512xbf16>
    %dot_general3A = arith.constant dense<0.000000e+00> : vector<960x512xf32>
    %dot_general3A_5 = tpu.matmul %convert_element_type3A, %get3A_4, %dot_general3A {dimension_numbers = #tpu.dot_dimension_numbers<[1], [0], [0], [1], [0, 0, 1, 1], [], []>, transpose_lhs_hint = false} : vector<960x16xbf16>, vector<16x512xbf16>, vector<960x512xf32> -> vector<960x512xf32>
    %get3A_6 = arith.constant 0 : index
    %get3A_7 = arith.constant 0 : index
    %get3A_8 = vector.load %arg4[%get3A_6, %get3A_7] : memref<1x512xf32, #tpu.memory_space<vmem>>, vector<1x512xf32>
    %add3A = vector.broadcast %get3A_8 : vector<1x512xf32> to vector<960x512xf32>
    %add3A_9 = arith.addf %dot_general3A_5, %add3A : vector<960x512xf32>
    %max3A = arith.constant 0.000000e+00 : f32
    %max3A_10 = vector.broadcast %max3A : f32 to vector<960x512xf32>
    %max3A_11 = arith.maximumf %add3A_9, %max3A_10 : vector<960x512xf32>
    %convert_element_type3A_12 = arith.truncf %max3A_11 : vector<960x512xf32> to vector<960x512xbf16>
    %get3A_13 = arith.constant 0 : index
    %get3A_14 = arith.constant 0 : index
    %get3A_15 = vector.load %arg5[%get3A_13, %get3A_14] : memref<512x512xbf16, #tpu.memory_space<vmem>>, vector<512x512xbf16>
    %dot_general3A_16 = arith.constant dense<0.000000e+00> : vector<960x512xf32>
    %dot_general3A_17 = tpu.matmul %convert_element_type3A_12, %get3A_15, %dot_general3A_16 {dimension_numbers = #tpu.dot_dimension_numbers<[1], [0], [0], [1], [0, 0, 1, 1], [], []>, transpose_lhs_hint = false} : vector<960x512xbf16>, vector<512x512xbf16>, vector<960x512xf32> -> vector<960x512xf32>
    %get3A_18 = arith.constant 0 : index
    %get3A_19 = arith.constant 0 : index
    %get3A_20 = vector.load %arg6[%get3A_18, %get3A_19] : memref<1x512xf32, #tpu.memory_space<vmem>>, vector<1x512xf32>
    %add3A_21 = vector.broadcast %get3A_20 : vector<1x512xf32> to vector<960x512xf32>
    %add3A_22 = arith.addf %dot_general3A_17, %add3A_21 : vector<960x512xf32>
    %get3A_23 = arith.constant 0 : index
    %get3A_24 = arith.constant 0 : index
    %get3A_25 = vector.load %arg2[%get3A_23, %get3A_24] : memref<960x32xf32, #tpu.memory_space<vmem>>, vector<960x32xf32>
    %convert_element_type3A_26 = arith.truncf %get3A_25 : vector<960x32xf32> to vector<960x32xbf16>
    %get3A_27 = arith.constant 0 : index
    %get3A_28 = arith.constant 0 : index
    %get3A_29 = vector.load %arg7[%get3A_27, %get3A_28] : memref<32x512xbf16, #tpu.memory_space<vmem>>, vector<32x512xbf16>
    %dot_general3A_30 = arith.constant dense<0.000000e+00> : vector<960x512xf32>
    %dot_general3A_31 = tpu.matmul %convert_element_type3A_26, %get3A_29, %dot_general3A_30 {dimension_numbers = #tpu.dot_dimension_numbers<[1], [0], [0], [1], [0, 0, 1, 1], [], []>, transpose_lhs_hint = false} : vector<960x32xbf16>, vector<32x512xbf16>, vector<960x512xf32> -> vector<960x512xf32>
    %mul3A = arith.mulf %dot_general3A_31, %add3A_22 : vector<960x512xf32>
    %convert_element_type3A_32 = arith.truncf %mul3A : vector<960x512xf32> to vector<960x512xbf16>
    %get3A_33 = arith.constant 0 : index
    %get3A_34 = arith.constant 0 : index
    %get3A_35 = vector.load %arg8[%get3A_33, %get3A_34] : memref<512x32xbf16, #tpu.memory_space<vmem>>, vector<512x32xbf16>
    %dot_general3A_36 = arith.constant dense<0.000000e+00> : vector<960x32xf32>
    %dot_general3A_37 = tpu.matmul %convert_element_type3A_32, %get3A_35, %dot_general3A_36 {dimension_numbers = #tpu.dot_dimension_numbers<[1], [0], [0], [1], [0, 0, 1, 1], [], []>, transpose_lhs_hint = false} : vector<960x512xbf16>, vector<512x32xbf16>, vector<960x32xf32> -> vector<960x32xf32>
    %mul3A_38 = arith.constant 960 : i32
    %mul3A_39 = arith.muli %arg0, %mul3A_38 : i32
    %iota3A = tpu.iota {dimensions = array<i32: 0>} : vector<960x1xi32>
    %add3A_40 = vector.broadcast %mul3A_39 : i32 to vector<960x1xi32>
    %add3A_41 = arith.addi %add3A_40, %iota3A : vector<960x1xi32>
    %lt3A = arith.constant 120000 : i32
    %lt3A_42 = vector.broadcast %lt3A : i32 to vector<960x1xi32>
    %lt3A_43 = arith.cmpi slt, %add3A_41, %lt3A_42 : vector<960x1xi32>
    %convert_element_type3A_44 = arith.extui %lt3A_43 : vector<960x1xi1> to vector<960x1xi32>
    %convert_element_type3A_45 = arith.sitofp %convert_element_type3A_44 : vector<960x1xi32> to vector<960x1xf32>
    %get3A_46 = arith.constant 0 : index
    %get3A_47 = arith.constant 0 : index
    %get3A_48 = vector.load %arg9[%get3A_46, %get3A_47] : memref<1x32xf32, #tpu.memory_space<vmem>>, vector<1x32xf32>
    %add3A_49 = vector.broadcast %get3A_48 : vector<1x32xf32> to vector<960x32xf32>
    %add3A_50 = arith.addf %dot_general3A_37, %add3A_49 : vector<960x32xf32>
    %mul3A_51 = vector.broadcast %convert_element_type3A_45 : vector<960x1xf32> to vector<960x32xf32>
    %mul3A_52 = arith.mulf %add3A_50, %mul3A_51 : vector<960x32xf32>
    %swap3A = arith.constant 0 : index
    %swap3A_53 = arith.constant 0 : index
    %swap3A_54 = vector.load %arg10[%swap3A, %swap3A_53] : memref<960x32xf32, #tpu.memory_space<vmem>>, vector<960x32xf32>
    tpu.vector_store %arg10[%swap3A, %swap3A_53], %mul3A_52 {strides = array<i32>} : memref<960x32xf32, #tpu.memory_space<vmem>>, vector<960x32xf32>,
    return
  }
  func.func @transform_0(%arg0: i32) -> (i32, i32) {
    %c0_i32 = arith.constant 0 : i32
    %c0_i32_0 = arith.constant 0 : i32
    return %arg0, %c0_i32 : i32, i32
  }
  func.func @transform_1(%arg0: i32) -> (i32, i32) {
    %c0_i32 = arith.constant 0 : i32
    %c0_i32_0 = arith.constant 0 : i32
    return %arg0, %c0_i32 : i32, i32
  }
  func.func @transform_2(%arg0: i32) -> (i32, i32) {
    %c0_i32 = arith.constant 0 : i32
    %c0_i32_0 = arith.constant 0 : i32
    %c0_i32_1 = arith.constant 0 : i32
    return %c0_i32, %c0_i32_0 : i32, i32
  }
  func.func @transform_3(%arg0: i32) -> (i32, i32) {
    %c0_i32 = arith.constant 0 : i32
    %c0_i32_0 = arith.constant 0 : i32
    %c0_i32_1 = arith.constant 0 : i32
    return %c0_i32, %c0_i32_0 : i32, i32
  }
  func.func @transform_4(%arg0: i32) -> (i32, i32) {
    %c0_i32 = arith.constant 0 : i32
    %c0_i32_0 = arith.constant 0 : i32
    %c0_i32_1 = arith.constant 0 : i32
    return %c0_i32, %c0_i32_0 : i32, i32
  }
  func.func @transform_5(%arg0: i32) -> (i32, i32) {
    %c0_i32 = arith.constant 0 : i32
    %c0_i32_0 = arith.constant 0 : i32
    %c0_i32_1 = arith.constant 0 : i32
    return %c0_i32, %c0_i32_0 : i32, i32
  }
  func.func @transform_6(%arg0: i32) -> (i32, i32) {
    %c0_i32 = arith.constant 0 : i32
    %c0_i32_0 = arith.constant 0 : i32
    %c0_i32_1 = arith.constant 0 : i32
    return %c0_i32, %c0_i32_0 : i32, i32
  }
  func.func @transform_7(%arg0: i32) -> (i32, i32) {
    %c0_i32 = arith.constant 0 : i32
    %c0_i32_0 = arith.constant 0 : i32
    %c0_i32_1 = arith.constant 0 : i32
    return %c0_i32, %c0_i32_0 : i32, i32
  }
  func.func @transform_8(%arg0: i32) -> (i32, i32) {
    %c0_i32 = arith.constant 0 : i32
    %c0_i32_0 = arith.constant 0 : i32
    %c0_i32_1 = arith.constant 0 : i32
    return %c0_i32, %c0_i32_0 : i32, i32
  }
  func.func @transform_9(%arg0: i32) -> (i32, i32) {
    %c0_i32 = arith.constant 0 : i32
    %c0_i32_0 = arith.constant 0 : i32
    return %arg0, %c0_i32 : i32, i32
  }
}

module attributes {stable_mosaic.version = 14 : i64} {
  func.func @_cls_body(%arg0: memref<12288x64xf32, #tpu.memory_space<vmem>>, %arg1: memref<12288x64xf32, #tpu.memory_space<vmem>>, %arg2: memref<12288x16xf32, #tpu.memory_space<vmem>>, %arg3: memref<16x16xf32, #tpu.memory_space<vmem>>, %arg4: memref<16x16xf32, #tpu.memory_space<vmem>>, %arg5: memref<16x16xf32, #tpu.memory_space<vmem>>, %arg6: memref<1x16xf32, #tpu.memory_space<vmem>>, %arg7: memref<1x16xf32, #tpu.memory_space<vmem>>, %arg8: memref<16x3xf32, #tpu.memory_space<vmem>>, %arg9: memref<1x3xf32, #tpu.memory_space<vmem>>, %arg10: memref<12288x3xf32, #tpu.memory_space<vmem>>) attributes {dimension_semantics = [], scalar_prefetch = 0 : i64, scratch_operands = 0 : i64, tpu.core_type = #tpu.core_type<tc>} {
    %get3A = arith.constant 0 : index
    %get3A_0 = arith.constant 0 : index
    %get3A_1 = vector.load %arg0[%get3A, %get3A_0] : memref<12288x64xf32, #tpu.memory_space<vmem>>, vector<12288x64xf32>
    %slice3A = vector.extract_strided_slice %get3A_1 {offsets = [0, 0], sizes = [12288, 32], strides = [1, 1]} : vector<12288x64xf32> to vector<12288x32xf32>
    %slice3A_2 = vector.extract_strided_slice %get3A_1 {offsets = [0, 32], sizes = [12288, 32], strides = [1, 1]} : vector<12288x64xf32> to vector<12288x32xf32>
    %add3A = arith.addf %slice3A, %slice3A_2 : vector<12288x32xf32>
    %slice3A_3 = vector.extract_strided_slice %add3A {offsets = [0, 0], sizes = [12288, 16], strides = [1, 1]} : vector<12288x32xf32> to vector<12288x16xf32>
    %slice3A_4 = vector.extract_strided_slice %add3A {offsets = [0, 16], sizes = [12288, 1], strides = [1, 1]} : vector<12288x32xf32> to vector<12288x1xf32>
    %max3A = arith.constant 1.000000e+00 : f32
    %max3A_5 = vector.broadcast %max3A : f32 to vector<12288x1xf32>
    %max3A_6 = arith.maximumf %slice3A_4, %max3A_5 : vector<12288x1xf32>
    %div3A = vector.broadcast %max3A_6 : vector<12288x1xf32> to vector<12288x16xf32>
    %div3A_7 = arith.divf %slice3A_3, %div3A : vector<12288x16xf32>
    %get3A_8 = arith.constant 0 : index
    %get3A_9 = arith.constant 0 : index
    %get3A_10 = vector.load %arg6[%get3A_8, %get3A_9] : memref<1x16xf32, #tpu.memory_space<vmem>>, vector<1x16xf32>
    %add3A_11 = vector.broadcast %get3A_10 : vector<1x16xf32> to vector<12288x16xf32>
    %add3A_12 = arith.addf %div3A_7, %add3A_11 : vector<12288x16xf32>
    %max3A_13 = arith.constant 0.000000e+00 : f32
    %max3A_14 = vector.broadcast %max3A_13 : f32 to vector<12288x16xf32>
    %max3A_15 = arith.maximumf %add3A_12, %max3A_14 : vector<12288x16xf32>
    %get3A_16 = arith.constant 0 : index
    %get3A_17 = arith.constant 0 : index
    %get3A_18 = vector.load %arg1[%get3A_16, %get3A_17] : memref<12288x64xf32, #tpu.memory_space<vmem>>, vector<12288x64xf32>
    %slice3A_19 = vector.extract_strided_slice %get3A_18 {offsets = [0, 0], sizes = [12288, 32], strides = [1, 1]} : vector<12288x64xf32> to vector<12288x32xf32>
    %slice3A_20 = vector.extract_strided_slice %get3A_18 {offsets = [0, 32], sizes = [12288, 32], strides = [1, 1]} : vector<12288x64xf32> to vector<12288x32xf32>
    %add3A_21 = arith.addf %slice3A_19, %slice3A_20 : vector<12288x32xf32>
    %slice3A_22 = vector.extract_strided_slice %add3A_21 {offsets = [0, 0], sizes = [12288, 16], strides = [1, 1]} : vector<12288x32xf32> to vector<12288x16xf32>
    %slice3A_23 = vector.extract_strided_slice %add3A_21 {offsets = [0, 16], sizes = [12288, 1], strides = [1, 1]} : vector<12288x32xf32> to vector<12288x1xf32>
    %max3A_24 = arith.constant 1.000000e+00 : f32
    %max3A_25 = vector.broadcast %max3A_24 : f32 to vector<12288x1xf32>
    %max3A_26 = arith.maximumf %slice3A_23, %max3A_25 : vector<12288x1xf32>
    %div3A_27 = vector.broadcast %max3A_26 : vector<12288x1xf32> to vector<12288x16xf32>
    %div3A_28 = arith.divf %slice3A_22, %div3A_27 : vector<12288x16xf32>
    %get3A_29 = arith.constant 0 : index
    %get3A_30 = arith.constant 0 : index
    %get3A_31 = vector.load %arg6[%get3A_29, %get3A_30] : memref<1x16xf32, #tpu.memory_space<vmem>>, vector<1x16xf32>
    %add3A_32 = vector.broadcast %get3A_31 : vector<1x16xf32> to vector<12288x16xf32>
    %add3A_33 = arith.addf %div3A_28, %add3A_32 : vector<12288x16xf32>
    %max3A_34 = arith.constant 0.000000e+00 : f32
    %max3A_35 = vector.broadcast %max3A_34 : f32 to vector<12288x16xf32>
    %max3A_36 = arith.maximumf %add3A_33, %max3A_35 : vector<12288x16xf32>
    %get3A_37 = arith.constant 0 : index
    %get3A_38 = arith.constant 0 : index
    %get3A_39 = vector.load %arg3[%get3A_37, %get3A_38] : memref<16x16xf32, #tpu.memory_space<vmem>>, vector<16x16xf32>
    %dot_general3A = arith.constant dense<0.000000e+00> : vector<12288x16xf32>
    %dot_general3A_40 = tpu.matmul %max3A_15, %get3A_39, %dot_general3A {dimension_numbers = #tpu.dot_dimension_numbers<[1], [0], [0], [1], [0, 0, 1, 1], [], []>, transpose_lhs_hint = false} : vector<12288x16xf32>, vector<16x16xf32>, vector<12288x16xf32> -> vector<12288x16xf32>
    %get3A_41 = arith.constant 0 : index
    %get3A_42 = arith.constant 0 : index
    %get3A_43 = vector.load %arg4[%get3A_41, %get3A_42] : memref<16x16xf32, #tpu.memory_space<vmem>>, vector<16x16xf32>
    %dot_general3A_44 = arith.constant dense<0.000000e+00> : vector<12288x16xf32>
    %dot_general3A_45 = tpu.matmul %max3A_36, %get3A_43, %dot_general3A_44 {dimension_numbers = #tpu.dot_dimension_numbers<[1], [0], [0], [1], [0, 0, 1, 1], [], []>, transpose_lhs_hint = false} : vector<12288x16xf32>, vector<16x16xf32>, vector<12288x16xf32> -> vector<12288x16xf32>
    %add3A_46 = arith.addf %dot_general3A_40, %dot_general3A_45 : vector<12288x16xf32>
    %get3A_47 = arith.constant 0 : index
    %get3A_48 = arith.constant 0 : index
    %get3A_49 = vector.load %arg2[%get3A_47, %get3A_48] : memref<12288x16xf32, #tpu.memory_space<vmem>>, vector<12288x16xf32>
    %get3A_50 = arith.constant 0 : index
    %get3A_51 = arith.constant 0 : index
    %get3A_52 = vector.load %arg5[%get3A_50, %get3A_51] : memref<16x16xf32, #tpu.memory_space<vmem>>, vector<16x16xf32>
    %dot_general3A_53 = arith.constant dense<0.000000e+00> : vector<12288x16xf32>
    %dot_general3A_54 = tpu.matmul %get3A_49, %get3A_52, %dot_general3A_53 {dimension_numbers = #tpu.dot_dimension_numbers<[1], [0], [0], [1], [0, 0, 1, 1], [], []>, transpose_lhs_hint = false} : vector<12288x16xf32>, vector<16x16xf32>, vector<12288x16xf32> -> vector<12288x16xf32>
    %add3A_55 = arith.addf %add3A_46, %dot_general3A_54 : vector<12288x16xf32>
    %get3A_56 = arith.constant 0 : index
    %get3A_57 = arith.constant 0 : index
    %get3A_58 = vector.load %arg7[%get3A_56, %get3A_57] : memref<1x16xf32, #tpu.memory_space<vmem>>, vector<1x16xf32>
    %add3A_59 = vector.broadcast %get3A_58 : vector<1x16xf32> to vector<12288x16xf32>
    %add3A_60 = arith.addf %add3A_55, %add3A_59 : vector<12288x16xf32>
    %max3A_61 = arith.constant 0.000000e+00 : f32
    %max3A_62 = vector.broadcast %max3A_61 : f32 to vector<12288x16xf32>
    %max3A_63 = arith.maximumf %add3A_60, %max3A_62 : vector<12288x16xf32>
    %get3A_64 = arith.constant 0 : index
    %get3A_65 = arith.constant 0 : index
    %get3A_66 = vector.load %arg8[%get3A_64, %get3A_65] : memref<16x3xf32, #tpu.memory_space<vmem>>, vector<16x3xf32>
    %dot_general3A_67 = arith.constant dense<0.000000e+00> : vector<12288x3xf32>
    %dot_general3A_68 = tpu.matmul %max3A_63, %get3A_66, %dot_general3A_67 {dimension_numbers = #tpu.dot_dimension_numbers<[1], [0], [0], [1], [0, 0, 1, 1], [], []>, transpose_lhs_hint = false} : vector<12288x16xf32>, vector<16x3xf32>, vector<12288x3xf32> -> vector<12288x3xf32>
    %get3A_69 = arith.constant 0 : index
    %get3A_70 = arith.constant 0 : index
    %get3A_71 = vector.load %arg9[%get3A_69, %get3A_70] : memref<1x3xf32, #tpu.memory_space<vmem>>, vector<1x3xf32>
    %add3A_72 = vector.broadcast %get3A_71 : vector<1x3xf32> to vector<12288x3xf32>
    %add3A_73 = arith.addf %dot_general3A_68, %add3A_72 : vector<12288x3xf32>
    %swap3A = arith.constant 0 : index
    %swap3A_74 = arith.constant 0 : index
    %swap3A_75 = vector.load %arg10[%swap3A, %swap3A_74] : memref<12288x3xf32, #tpu.memory_space<vmem>>, vector<12288x3xf32>
    tpu.vector_store %arg10[%swap3A, %swap3A_74], %add3A_73 {strides = array<i32>} : memref<12288x3xf32, #tpu.memory_space<vmem>>, vector<12288x3xf32>,
    return
  }
}

</mosaic_0001>

<sc_bundles>
// kernel: kernel.6.cloned.1.call-start
scs
__scs_entry_jumppad:
0x0: {  	(pc) =	sbr.rel $0x88, $3  }
0x1: {  	(tag) =	ssettag $0x0;
	lr =	simm.s32 $0x1  }
0x2: {  	[smem:$0x3F94] =	sst lr;
	_ =	strace $0xD0000000  }
0x3: {  	_ = 	snop  }
0x4: {  	_ = 	snop  }
0x5: {  	_ = 	snop  }
0x6: {  	_ = 	snop  }
0x7: {  	_ = 	snop  }
__scs_overlays_trampoline_lowered:
0x8: {  	[smem:$0x3FA3] =	sst s0  }
0x9: {  	[smem:$0x3FA4] =	sst s1  }
0xa: {  	[smem:$0x3FA5] =	sst s2  }
0xb: {  	[smem:$0x3FA6] =	sst s3  }
0xc: {  	[smem:$0x3FA7] =	sst s4  }
0xd: {  	[smem:$0x3FA8] =	sst s5  }
0xe: {  	[smem:$0x3FA9] =	sst s6  }
0xf: {  	[smem:$0x3FAA] =	sst s7  }
0x10: {  	[smem:$0x3FAB] =	sst s8  }
0x11: {  	[smem:$0x3FAC] =	sst s9;
	s0 =	simm.s32 @!p0 $0x0  }
0x12: {  	s1 =	sld [smem:$0x3F92];
	s0 =	simm.s32 @p0 $0x1  }
0x13: {  	[smem:$0x3FAD] =	sst s0;
	s0 =	simm.s32 @!p1 $0x0  }
0x14: {  	s2 =	sld [smem:$0x3F91];
	s0 =	simm.s32 @p1 $0x1  }
0x15: {  	[smem:$0x3FAE] =	sst s0;
	s0 =	simm.s32 @!p2 $0x0  }
0x16: {  	s3 =	sld [smem:$0x3FDB];
	s0 =	simm.s32 @p2 $0x1  }
0x17: {  	s4 =	simm.s32 $0x1BF5;
	[smem:$0x3FB0] =	sst s0  }
0x18: {  	s0 =	sld [smem:$0x3F93];
	_ =	swait.ge [sflag:s4], $0x0  }
0x19: {  	s7 =	sld [smem:$0x3F94]  }
0x1a: {  	s8 =	sadd.s32 $0xFFFFE003, lr  }
0x1b: {  	s9 =	sadd.s32 $0xFFFFFEF7, lr;
	s5 =	simm.s32 $0xFFFFFFFF;
	p2 =	slt.u32 s8, $0xFFFFF086  }
0x1c: {  	p1 =	slt.u32 s9, $0xF7A;
	s5 =	simm.s32 @!p2 $0x0  }
0x1d: {  	s5 =	simm.s32 @p1 $0x1;
	p0 =	seq.s32 s7, s2  }
0x1e: {  	s7 =	smul.u32 @!p0 $0xF7A, s2;
	p2 =	seq.s32 @!p0 s5, $0x0  }
0x1f: {  	s9 =	smul.u32 $0xF7A, s1;
	s8 =	simm.s32 @!p0 $0x1BF5;
	p2 =	por !p2, p0  }
0x20: {  	[sflag:s8] =	ssyncset.s32 @!p0 $0xFFFFF086;
	s6 =	sadd.s32 @!p0 s3, s7;
	s7 =	simm.s32 @!p0 $0x108  }
0x21: {  	s3 =	sadd.s32 s3, s9;
	s6 =	sadd.s32 @!p0 $0x88, s6;
	s7 =	simm.s32 @p2 $0x1082  }
0x22: {  	[simem:s7], [sflag:s8] =	dma.local @!p0 [hbm:s6], $0xF7A  }
0x23: {  	s9 =	sor.u32 $0xD0000000, s2;
	s6 =	simm.s32 $0x108;
	_ =	swait.ge @!p0 [sflag:s8], $0x0  }
0x24: {  	s3 =	sadd.s32 $0x88, s3;
	s6 =	simm.s32 @!p1 $0x1082;
	[sflag:s4] =	ssyncset.s32 $0xFFFFF086  }
0x25: {  	[simem:s6], [sflag:s4] =	dma.local [hbm:s3], $0xF7A  }
0x26: {  	[smem:$0x3F94] =	sst s1;
	(tag) =	ssettag s2;
	_ =	strace s9  }
0x27: {  	s1 =	sld [smem:$0x3FA4]  }
0x28: {  	s2 =	sld [smem:$0x3FA5]  }
0x29: {  	s4 =	sld [smem:$0x3FA7]  }
0x2a: {  	p0 =	seq.s32 s5, $0x0;
	s5 =	sld [smem:$0x3FA8]  }
0x2b: {  	s6 =	sld [smem:$0x3FA9]  }
0x2c: {  	s7 =	sld [smem:$0x3FAA]  }
0x2d: {  	s3 =	simm.s32 $0x108;
	s8 =	sld [smem:$0x3FAB]  }
0x2e: {  	s3 =	simm.s32 @!p0 $0x1082;
	s9 =	sld [smem:$0x3FAC]  }
0x2f: {  	lr =	sadd.s32 s0, s3;
	s0 =	sld [smem:$0x3FA3]  }
0x30: {  	s3 =	sld [smem:$0x3FA6]  }
0x31: {  	[smem:$0x3FAF] =	sst s10  }
0x32: {  	s10 =	sld [smem:$0x3FAD];
	_ =	sdelay $0x3  }
0x33: {  	p0 =	seq.s32 s10, $0x1;
	s10 =	sld [smem:$0x3FAF];
	_ =	sdelay $0x3  }
0x34: {  	[smem:$0x3FAF] =	sst s10  }
0x35: {  	s10 =	sld [smem:$0x3FAE];
	_ =	sdelay $0x3  }
0x36: {  	p1 =	seq.s32 s10, $0x1;
	s10 =	sld [smem:$0x3FAF];
	_ =	sdelay $0x3  }
0x37: {  	[smem:$0x3FAF] =	sst s10  }
0x38: {  	s10 =	sld [smem:$0x3FB0]  }
0x39: {  	_ = 	snop;
	(pc) =	sbr.ind lr, $3  }
0x3a: {  	_ = 	snop  }
0x3b: {  	_ = 	snop  }
0x3c: {  	p2 =	seq.s32 s10, $0x1;
	s10 =	sld [smem:$0x3FAF]  }
0x3d: {  	_ =	shalt  }
0x3e: {  	_ =	shalt  }
0x3f: {  	_ =	shalt  }
0x40: {  	_ =	shalt  }
0x41: {  	_ =	shalt  }
0x42: {  	_ =	shalt  }
0x43: {  	_ =	shalt  }
0x44: {  	_ =	shalt  }
0x45: {  	_ =	shalt  }
0x46: {  	_ =	shalt  }
0x47: {  	_ =	shalt  }
0x48: {  	_ =	shalt  }
0x49: {  	_ =	shalt  }
0x4a: {  	_ =	shalt  }
0x4b: {  	_ =	shalt  }
0x4c: {  	_ =	shalt  }
0x4d: {  	_ =	shalt  }
0x4e: {  	_ =	shalt  }
0x4f: {  	_ =	shalt  }
0x50: {  	_ =	shalt  }
0x51: {  	_ =	shalt  }
0x52: {  	_ =	shalt  }
0x53: {  	_ =	shalt  }
0x54: {  	_ =	shalt  }
0x55: {  	_ =	shalt  }
0x56: {  	_ =	shalt  }
0x57: {  	_ =	shalt  }
0x58: {  	_ =	shalt  }
0x59: {  	_ =	shalt  }
0x5a: {  	_ =	shalt  }
0x5b: {  	_ =	shalt  }
0x5c: {  	_ =	shalt  }
0x5d: {  	_ =	shalt  }
0x5e: {  	_ =	shalt  }
0x5f: {  	_ =	shalt  }
0x60: {  	_ =	shalt  }
0x61: {  	_ =	shalt  }
0x62: {  	_ =	shalt  }
0x63: {  	_ =	shalt  }
0x64: {  	_ =	shalt  }
0x65: {  	_ =	shalt  }
0x66: {  	_ =	shalt  }
0x67: {  	_ =	shalt  }
0x68: {  	_ =	shalt  }
0x69: {  	_ =	shalt  }
0x6a: {  	_ =	shalt  }
0x6b: {  	_ =	shalt  }
0x6c: {  	_ =	shalt  }
0x6d: {  	_ =	shalt  }
0x6e: {  	_ =	shalt  }
0x6f: {  	_ =	shalt  }
0x70: {  	_ =	shalt  }
0x71: {  	_ =	shalt  }
0x72: {  	_ =	shalt  }
0x73: {  	_ =	shalt  }
0x74: {  	_ =	shalt  }
0x75: {  	_ =	shalt  }
0x76: {  	_ =	shalt  }
0x77: {  	_ =	shalt  }
0x78: {  	_ =	shalt  }
0x79: {  	_ =	shalt  }
0x7a: {  	_ =	shalt  }
0x7b: {  	_ =	shalt  }
0x7c: {  	_ =	shalt  }
0x7d: {  	_ =	shalt  }
0x7e: {  	_ =	shalt  }
0x7f: {  	_ =	shalt  }
0x80: {  	_ =	shalt  }
0x81: {  	_ =	shalt  }
0x82: {  	_ =	shalt  }
0x83: {  	_ =	shalt  }
0x84: {  	_ =	shalt  }
0x85: {  	_ =	shalt  }
0x86: {  	_ =	shalt  }
0x87: {  	_ =	shalt  }
.Lfunc_end0:
.L_simem_size_0:
called_computation_lowered:
.L_overlay_start_0:
0x88: {  	s2 =	sld [smem:$0x3FD9]  }
0x89: {  	s3 =	sld [smem:$0x3FFE];
	_ =	sdelay $0x1  }
0x8a: {  	s1 =	srdreg.scid  }
0x8b: {  	s0 =	sand.u32 $0x1, s1  }
0x8c: {  	s16 =	sshll.u32 s0, $0xA;
	s2 =	sadd.s32 s3, s2  }
0x8d: {  	s2 =	sadd.s32 s2, s16  }
0x8e: {  	[smem:$0x3FBB] =	sst s2  }
0x8f: {  	_ = 	snop  }
0x90: {  	(tm) =	ssettm $0x1  }
0x91: {  	s17 =	sld [smem:$0x3FFB];
	_ =	sdelay $0x3  }
0x92: {  	_ =	strace s17  }
0x93: {  	s2 =	sld [smem:$0x3FFC];
	_ =	sdelay $0x3  }
0x94: {  	_ =	strace s2  }
0x95: {  	s2 =	sld [smem:$0x3FFD];
	_ =	sdelay $0x3  }
0x96: {  	_ =	strace s2  }
0x97: {  	_ =	strace $0x8FFFFFFF  }
0x98: {  	s18 =	sld [smem:$0x3FDB];
	_ =	sdelay $0x1  }
0x99: {  	s19 =	simm.s32 $_scs_section_size  }
0x9a: {  	s4 =	simm.s32 $_size__tile_overlayer_lowered;
	s5 =	simm.s32 $_tile_overlayer_lowered  }
0x9b: {  	s22 =	simm.s32 $0x1BFF;
	s21 =	sshll.u32 s5, $0x1;
	s2 =	sadd.s32 s19, s18  }
0x9c: {  	s6 =	simm.s32 $0x0;
	s20 =	sshll.u32 s4, $0x1;
	s4 =	sadd.s32 s21, s2  }
0x9d: {  	[timem:s6], [sflag:s22] =	dma.local [hbm:s4], s20  }
0x9e: {  	_ =	swait.ge [sflag:s22], s20  }
0x9f: {  	s3 =	ssub.s32 $0x0, s20;
	[sflag:s22] =	ssyncset.done $0x0  }
0xa0: {  	[sflag:s22] =	ssyncadd.s32 s3;
	_ =	sdelay $0x1  }
0xa1: {  	s23 =	simm.s32 $0x1B8B  }
0xa2: {  	_ =	swait.ge [sflag:s23], $0x1  }
0xa3: {  	[sflag:s23] =	ssyncset.done $0x0  }
0xa4: {  	s25 =	simm.s32 $0x1B8E;
	s24 =	sld [smem:$0x3FFE];
	[sflag:s23] =	ssyncadd.s32 $0xFFFFFFFF  }
0xa5: {  	s26 =	simm.s32 $execute0_lowered;
	[smem:$0x3FD2] =	sst s25  }
0xa6: {  	s4 =	sshll.u32 s26, $0x1;
	_ =	strace $0x80000046;
	[dreg:$0x1] =	wrdreg $0xFFFFFFFF  }
0xa7: {  	s28 =	simm.s32 $_size_execute0_lowered;
	s2 =	sadd.s32 s2, s4;
	[dreg:$0x0] =	wrdreg $0x0  }
0xa8: {  	s4 =	sshll.u32 s28, $0x1;
	[dreg:$0x2] =	wrdreg s2  }
0xa9: {  	[dreg:$0x3] =	wrdreg s4  }
0xaa: {  	[dreg:$0x4] =	wrdreg $0xC0  }
0xab: {  	_ =	task [dreg:s6], $0x5FFFF  }
0xac: {  	[dreg:$0x1] =	wrdreg $0xFFFFFFFF  }
0xad: {  	[dreg:$0x0] =	wrdreg $0x60  }
0xae: {  	[dreg:$0x2] =	wrdreg s24  }
0xaf: {  	[dreg:$0x3] =	wrdreg $0x9  }
0xb0: {  	_ =	task.clear_ibuf [dreg:s6], $0x4FFFF;
	_ =	strace $0x90000046  }
0xb1: {  	s29 =	simm.s32 $0x9;
	_ =	strace $0x80000048  }
0xb2: {  	_ =	swait.ge [sflag:s29], $0x1  }
0xb3: {  	[sflag:s29] =	ssyncadd.s32 $0xFFFFFFFF  }
0xb4: {  	_ =	strace $0x90000048  }
0xb5: {  	_ =	sfence  }
0xb6: {  	s30 =	sld [smem:$0x0];
	_ =	sdelay $0x2  }
0xb7: {  	s31 =	sshll.u32 s1, $0xD;
	s1 =	sshrl.u32 s1, $0x2  }
0xb8: {  	s3 =	sand.u32 $0x4000, s31;
	s1 =	sadd.s32 s1, s30  }
0xb9: {  	s0 =	sor.u32 s3, s0;
	s1 =	sshll.u32 s1, $0x11  }
0xba: {  	s0 =	sor.u32 s1, s0  }
0xbb: {  	s0 =	sadd.s32 $0x8F2B, s0  }
0xbc: {  	[sflag:s0] =	ssyncadd.remote.s32 $0x1  }
0xbd: {  	_ =	sfence.sel $0xFFFF  }
0xbe: {  	[dreg:$0x0] =	wrdreg $0xFFFFFFFF;
	(pc) =	sbr.abs _section_cstart, $3  }
0xbf: {  	[dreg:$0x1] =	wrdreg $0xFFFFFFFF  }
0xc0: {  	_ =	task.clear_ibuf [dreg:s6], $0x2FFFF;
	_ =	strace $0x9FFFFFFF  }
0xc1: {  	(tm) =	ssettm $0x7FFFFFFF  }
tec
execute0_lowered:
.L_overlay_start_1:
0x0: {  	(tag) =	ssettag $0x1  }
0x1: {  	s0 =	srdreg.scid  }
0x2: {  	s17 =	stileid.u32;
	s3 =	rddreg [dreg:$0x0];
	s2 =	simm.s32 $0x0  }
0x3: {  	s12 =	simm.s32 $0x100;
	s13 =	simm.s32 $0x180;
	s14 =	simm.s32 $0x200  }
0x4: {  	s15 =	simm.s32 $0x280;
	s6 =	simm.s32 $0x80;
	[smem:$0x7FF] =	sst s2  }
0x5: {  	s16 =	simm.s32 $0x300;
	_ =	strace $0x80000047;
	[dreg:$0x6] =	wrdreg s12  }
0x6: {  	s18 =	simm.s32 $0x380;
	s8 =	simm.s32 $0x1F00;
	[dreg:$0x7] =	wrdreg s13  }
0x7: {  	s19 =	simm.s32 $0x400;
	s20 =	simm.s32 $0x480;
	[dreg:$0x8] =	wrdreg s14  }
0x8: {  	s21 =	simm.s32 $0x500;
	s22 =	simm.s32 $0x580;
	[dreg:$0x9] =	wrdreg s15  }
0x9: {  	s23 =	simm.s32 $0x600;
	s24 =	simm.s32 $0x680;
	[dreg:$0xa] =	wrdreg s16  }
0xa: {  	s25 =	simm.s32 $0x700;
	s26 =	simm.s32 $0x780;
	[dreg:$0xb] =	wrdreg s18  }
0xb: {  	s7 =	simm.s32 $0x1;
	s29 =	simm.s32 $0x800;
	[dreg:$0xc] =	wrdreg s19  }
0xc: {  	s30 =	simm.s32 $0x880;
	s31 =	simm.s32 $0x900;
	[dreg:$0xd] =	wrdreg s20  }
0xd: {  	p0 =	por $0x0, $0x0;
	s28 =	simm.s32 $0xE80;
	[dreg:$0xe] =	wrdreg s21  }
0xe: {  	s0 =	sand.u32 $0x1, s0;
	s1 =	sshll.u32 s17, $0x1;
	[dreg:$0xf] =	wrdreg s22  }
0xf: {  	s5 =	sadd.s32 $0xA200, s3;
	s1 =	sor.u32 s0, s1;
	[dreg:$0x10] =	wrdreg s23  }
0x10: {  	s0 =	ssub.s32 $0x2, s0;
	s12 =	simm.s32 $0x5F00;
	[dreg:$0x11] =	wrdreg s24  }
0x11: {  	s13 =	simm.s32 $0x6F00;
	s14 =	simm.s32 $0x7F00;
	[dreg:$0x12] =	wrdreg s25  }
0x12: {  	s15 =	simm.s32 $0x8F00;
	s16 =	simm.s32 $0x9F00;
	[dreg:$0x13] =	wrdreg s26  }
0x13: {  	s18 =	simm.s32 $0x980;
	s19 =	simm.s32 $0xA80;
	s20 =	simm.s32 $0xB00  }
0x14: {  	s21 =	simm.s32 $0xB80;
	s22 =	simm.s32 $0xC00;
	s23 =	simm.s32 $0xC80  }
0x15: {  	s24 =	simm.s32 $0xD00;
	s4 =	smul.u32 $0x1E0, s1;
	s11 =	sshrl.u32 s0, $0x1  }
0x16: {  	s25 =	simm.s32 $0xD80;
	s1 =	smul.u32 $0x3C00, s1;
	s0 =	ssub.s32 s0, s11  }
0x17: {  	s26 =	simm.s32 $0xE00;
	s4 =	sadd.s32 s4, s3;
	s0 =	smax.u32 s0, $0x1  }
0x18: {  	s1 =	sadd.s32 s1, s3;
	s4 =	sadd.s32 $0x1DC00, s4;
	p1 =	sne.s32 s0, $0x1  }
.Ltmp0:
0x19: {  	s9 =	sadd.s32 $0x21800, s1;
	[dreg:$0x2] =	wrdreg s4;
	(pc) =	sbr.rel @!p1 .LBB2_1-.Ltmp0, $4  }
0x1a: {  	s11 =	simm.s32 $0x4F00;
	s10 =	sadd.s32 $0x22C00, s1;
	[dreg:$0x3] =	wrdreg s9  }
0x1b: {  	s3 =	simm.s32 $0x2;
	s1 =	sadd.s32 $0x24000, s1;
	[dreg:$0x4] =	wrdreg s10  }
0x1c: {  	[dreg:$0x5] =	wrdreg s1;
	s4 =	simm.s32 $0xF00;
	s9 =	simm.s32 $0x2F00  }
0x1d: {  	s10 =	simm.s32 $0x3F00;
	s1 =	sadd.s32 $0xFFFFFFFF, s0;
	s0 =	rddreg [dreg:$0x2]  }
0x1e: {  	[tilespmem:s2], [sflag:$0x2] =	stream.linear.gather [hbm4b:s0+s2], $0xF00, $0x38;
	[tilespmem:$0xAF00] =	vst v63  }
0x1f: {  	_ =	swait.ge [sflag:s3], $0xF00  }
0x20: {  	[sflag:s3] =	ssyncset.done $0x0  }
0x21: {  	[sflag:s3] =	ssyncadd.s32 $0xFFFFF100  }
0x22: {  	[tilespmem:s4], [sflag:$0x1] =	stream.indirect.gather [hbm4b:s5+s6], $0x20, s2, s6, $0xb8;
	[tilespmem:$0xAF00] =	vst v63  }
0x23: {  	_ = 	snop  }
0x24: {  	[tilespmem:s8], [sflag:$0x1] =	stream.indirect.gather [hbm4b:s5+s6], $0x20, s6, s6, $0xb8;
	[tilespmem:$0xAF00] =	vst v63  }
0x25: {  	s0 =	rddreg [dreg:$0x6]  }
0x26: {  	[tilespmem:s9], [sflag:$0x1] =	stream.indirect.gather [hbm4b:s5+s6], $0x20, s0, s6, $0xb8;
	[tilespmem:$0xAF00] =	vst v63  }
0x27: {  	s17 =	smov.u32 s1;
	s1 =	rddreg [dreg:$0x7]  }
0x28: {  	[tilespmem:s10], [sflag:$0x1] =	stream.indirect.gather [hbm4b:s5+s6], $0x20, s1, s6, $0xb8;
	[tilespmem:$0xAF00] =	vst v63  }
0x29: {  	s0 =	rddreg [dreg:$0x8]  }
0x2a: {  	[tilespmem:s11], [sflag:$0x1] =	stream.indirect.gather [hbm4b:s5+s6], $0x20, s0, s6, $0xb8;
	[tilespmem:$0xAF00] =	vst v63  }
0x2b: {  	s1 =	rddreg [dreg:$0x9]  }
0x2c: {  	[tilespmem:s12], [sflag:$0x1] =	stream.indirect.gather [hbm4b:s5+s6], $0x20, s1, s6, $0xb8;
	[tilespmem:$0xAF00] =	vst v63  }
0x2d: {  	s0 =	rddreg [dreg:$0xa]  }
0x2e: {  	[tilespmem:s13], [sflag:$0x1] =	stream.indirect.gather [hbm4b:s5+s6], $0x20, s0, s6, $0xb8;
	[tilespmem:$0xAF00] =	vst v63  }
0x2f: {  	s1 =	rddreg [dreg:$0xb]  }
0x30: {  	[tilespmem:s14], [sflag:$0x1] =	stream.indirect.gather [hbm4b:s5+s6], $0x20, s1, s6, $0xb8;
	[tilespmem:$0xAF00] =	vst v63  }
0x31: {  	s0 =	rddreg [dreg:$0xc]  }
0x32: {  	[tilespmem:s15], [sflag:$0x1] =	stream.indirect.gather [hbm4b:s5+s6], $0x20, s0, s6, $0xb8;
	[tilespmem:$0xAF00] =	vst v63  }
0x33: {  	s1 =	rddreg [dreg:$0xd]  }
0x34: {  	[tilespmem:s16], [sflag:$0x1] =	stream.indirect.gather [hbm4b:s5+s6], $0x20, s1, s6, $0xb8;
	[tilespmem:$0xAF00] =	vst v63  }
0x35: {  	_ =	swait.ge [sflag:s7], $0x1000  }
0x36: {  	[sflag:s7] =	ssyncset.done $0x0  }
0x37: {  	[sflag:s7] =	ssyncadd.s32 $0xFFFFF000  }
0x38: {  	_ =	swait.ge [sflag:s7], $0x1000  }
0x39: {  	[sflag:s7] =	ssyncset.done $0x0  }
0x3a: {  	[sflag:s7] =	ssyncadd.s32 $0xFFFFF000  }
0x3b: {  	_ =	swait.ge [sflag:s7], $0x1000  }
0x3c: {  	[sflag:s7] =	ssyncset.done $0x0  }
0x3d: {  	[sflag:s7] =	ssyncadd.s32 $0xFFFFF000  }
0x3e: {  	_ =	swait.ge [sflag:s7], $0x1000  }
0x3f: {  	[sflag:s7] =	ssyncset.done $0x0  }
0x40: {  	[sflag:s7] =	ssyncadd.s32 $0xFFFFF000  }
0x41: {  	_ =	swait.ge [sflag:s7], $0x1000  }
0x42: {  	[sflag:s7] =	ssyncset.done $0x0  }
0x43: {  	[sflag:s7] =	ssyncadd.s32 $0xFFFFF000  }
0x44: {  	_ =	swait.ge [sflag:s7], $0x1000  }
0x45: {  	[sflag:s7] =	ssyncset.done $0x0  }
0x46: {  	[sflag:s7] =	ssyncadd.s32 $0xFFFFF000  }
0x47: {  	_ =	swait.ge [sflag:s7], $0x1000  }
0x48: {  	[sflag:s7] =	ssyncset.done $0x0  }
0x49: {  	[sflag:s7] =	ssyncadd.s32 $0xFFFFF000  }
0x4a: {  	_ =	swait.ge [sflag:s7], $0x1000  }
0x4b: {  	[sflag:s7] =	ssyncset.done $0x0  }
0x4c: {  	[sflag:s7] =	ssyncadd.s32 $0xFFFFF000  }
0x4d: {  	_ =	swait.ge [sflag:s7], $0x1000  }
0x4e: {  	[sflag:s7] =	ssyncset.done $0x0  }
0x4f: {  	[sflag:s7] =	ssyncadd.s32 $0xFFFFF000  }
0x50: {  	_ =	swait.ge [sflag:s7], $0x1000  }
0x51: {  	[sflag:s7] =	ssyncset.done $0x0  }
0x52: {  	s1 =	rddreg [dreg:$0x3];
	[sflag:s7] =	ssyncadd.s32 $0xFFFFF000  }
0x53: {  	[hbm4b:s1+s2] =	stream.linear.scatter [tilespmem:s4], [sflag:$0x2], $0xA000, $0x38;
	[tilespmem:$0xAF00] =	vst v63  }
0x54: {  	_ =	swait.ge [sflag:s3], $0xA000  }
0x55: {  	[sflag:s3] =	ssyncset.done $0x0  }
0x56: {  	s0 =	rddreg [dreg:$0xe];
	[sflag:s3] =	ssyncadd.s32 $0xFFFF6000  }
0x57: {  	[tilespmem:s4], [sflag:$0x1] =	stream.indirect.gather [hbm4b:s5+s6], $0x20, s0, s6, $0xb8;
	[tilespmem:$0xAF00] =	vst v63  }
0x58: {  	s1 =	rddreg [dreg:$0xf]  }
0x59: {  	[tilespmem:s8], [sflag:$0x1] =	stream.indirect.gather [hbm4b:s5+s6], $0x20, s1, s6, $0xb8;
	[tilespmem:$0xAF00] =	vst v63  }
0x5a: {  	s0 =	rddreg [dreg:$0x10]  }
0x5b: {  	[tilespmem:s9], [sflag:$0x1] =	stream.indirect.gather [hbm4b:s5+s6], $0x20, s0, s6, $0xb8;
	[tilespmem:$0xAF00] =	vst v63  }
0x5c: {  	s1 =	rddreg [dreg:$0x11]  }
0x5d: {  	[tilespmem:s10], [sflag:$0x1] =	stream.indirect.gather [hbm4b:s5+s6], $0x20, s1, s6, $0xb8;
	[tilespmem:$0xAF00] =	vst v63  }
0x5e: {  	s0 =	rddreg [dreg:$0x12]  }
0x5f: {  	[tilespmem:s11], [sflag:$0x1] =	stream.indirect.gather [hbm4b:s5+s6], $0x20, s0, s6, $0xb8;
	[tilespmem:$0xAF00] =	vst v63  }
0x60: {  	s1 =	rddreg [dreg:$0x13]  }
0x61: {  	[tilespmem:s12], [sflag:$0x1] =	stream.indirect.gather [hbm4b:s5+s6], $0x20, s1, s6, $0xb8;
	[tilespmem:$0xAF00] =	vst v63  }
0x62: {  	_ = 	snop  }
0x63: {  	[tilespmem:s13], [sflag:$0x1] =	stream.indirect.gather [hbm4b:s5+s6], $0x20, s29, s6, $0xb8;
	[tilespmem:$0xAF00] =	vst v63  }
0x64: {  	_ = 	snop  }
0x65: {  	[tilespmem:s14], [sflag:$0x1] =	stream.indirect.gather [hbm4b:s5+s6], $0x20, s30, s6, $0xb8;
	[tilespmem:$0xAF00] =	vst v63  }
0x66: {  	_ = 	snop  }
0x67: {  	[tilespmem:s15], [sflag:$0x1] =	stream.indirect.gather [hbm4b:s5+s6], $0x20, s31, s6, $0xb8;
	[tilespmem:$0xAF00] =	vst v63  }
0x68: {  	_ = 	snop  }
0x69: {  	[tilespmem:s16], [sflag:$0x1] =	stream.indirect.gather [hbm4b:s5+s6], $0x20, s18, s6, $0xb8;
	[tilespmem:$0xAF00] =	vst v63  }
0x6a: {  	_ =	swait.ge [sflag:s7], $0x1000  }
0x6b: {  	[sflag:s7] =	ssyncset.done $0x0  }
0x6c: {  	[sflag:s7] =	ssyncadd.s32 $0xFFFFF000  }
0x6d: {  	_ =	swait.ge [sflag:s7], $0x1000  }
0x6e: {  	[sflag:s7] =	ssyncset.done $0x0  }
0x6f: {  	[sflag:s7] =	ssyncadd.s32 $0xFFFFF000  }
0x70: {  	_ =	swait.ge [sflag:s7], $0x1000  }
0x71: {  	[sflag:s7] =	ssyncset.done $0x0  }
0x72: {  	[sflag:s7] =	ssyncadd.s32 $0xFFFFF000  }
0x73: {  	_ =	swait.ge [sflag:s7], $0x1000  }
0x74: {  	[sflag:s7] =	ssyncset.done $0x0  }
0x75: {  	[sflag:s7] =	ssyncadd.s32 $0xFFFFF000  }
0x76: {  	_ =	swait.ge [sflag:s7], $0x1000  }
0x77: {  	[sflag:s7] =	ssyncset.done $0x0  }
0x78: {  	[sflag:s7] =	ssyncadd.s32 $0xFFFFF000  }
0x79: {  	_ =	swait.ge [sflag:s7], $0x1000  }
0x7a: {  	[sflag:s7] =	ssyncset.done $0x0  }
0x7b: {  	[sflag:s7] =	ssyncadd.s32 $0xFFFFF000  }
0x7c: {  	_ =	swait.ge [sflag:s7], $0x1000  }
0x7d: {  	[sflag:s7] =	ssyncset.done $0x0  }
0x7e: {  	[sflag:s7] =	ssyncadd.s32 $0xFFFFF000  }
0x7f: {  	_ =	swait.ge [sflag:s7], $0x1000  }
0x80: {  	[sflag:s7] =	ssyncset.done $0x0  }
0x81: {  	[sflag:s7] =	ssyncadd.s32 $0xFFFFF000  }
0x82: {  	_ =	swait.ge [sflag:s7], $0x1000  }
0x83: {  	[sflag:s7] =	ssyncset.done $0x0  }
0x84: {  	[sflag:s7] =	ssyncadd.s32 $0xFFFFF000  }
0x85: {  	_ =	swait.ge [sflag:s7], $0x1000  }
0x86: {  	[sflag:s7] =	ssyncset.done $0x0  }
0x87: {  	s1 =	rddreg [dreg:$0x4];
	[sflag:s7] =	ssyncadd.s32 $0xFFFFF000  }
0x88: {  	[hbm4b:s1+s2] =	stream.linear.scatter [tilespmem:s4], [sflag:$0x2], $0xA000, $0x38;
	[tilespmem:$0xAF00] =	vst v63  }
0x89: {  	_ =	swait.ge [sflag:s3], $0xA000  }
0x8a: {  	[sflag:s3] =	ssyncset.done $0x0  }
0x8b: {  	s1 =	simm.s32 $0xA00;
	[sflag:s3] =	ssyncadd.s32 $0xFFFF6000  }
0x8c: {  	[tilespmem:s4], [sflag:$0x1] =	stream.indirect.gather [hbm4b:s5+s6], $0x20, s1, s6, $0xb8;
	[tilespmem:$0xAF00] =	vst v63  }
0x8d: {  	_ = 	snop  }
0x8e: {  	[tilespmem:s8], [sflag:$0x1] =	stream.indirect.gather [hbm4b:s5+s6], $0x20, s19, s6, $0xb8;
	[tilespmem:$0xAF00] =	vst v63  }
0x8f: {  	_ = 	snop  }
0x90: {  	[tilespmem:s9], [sflag:$0x1] =	stream.indirect.gather [hbm4b:s5+s6], $0x20, s20, s6, $0xb8;
	[tilespmem:$0xAF00] =	vst v63  }
0x91: {  	_ = 	snop  }
0x92: {  	[tilespmem:s10], [sflag:$0x1] =	stream.indirect.gather [hbm4b:s5+s6], $0x20, s21, s6, $0xb8;
	[tilespmem:$0xAF00] =	vst v63  }
0x93: {  	_ = 	snop  }
0x94: {  	[tilespmem:s11], [sflag:$0x1] =	stream.indirect.gather [hbm4b:s5+s6], $0x20, s22, s6, $0xb8;
	[tilespmem:$0xAF00] =	vst v63  }
0x95: {  	_ = 	snop  }
0x96: {  	[tilespmem:s12], [sflag:$0x1] =	stream.indirect.gather [hbm4b:s5+s6], $0x20, s23, s6, $0xb8;
	[tilespmem:$0xAF00] =	vst v63  }
0x97: {  	_ = 	snop  }
0x98: {  	[tilespmem:s13], [sflag:$0x1] =	stream.indirect.gather [hbm4b:s5+s6], $0x20, s24, s6, $0xb8;
	[tilespmem:$0xAF00] =	vst v63  }
0x99: {  	_ = 	snop  }
0x9a: {  	[tilespmem:s14], [sflag:$0x1] =	stream.indirect.gather [hbm4b:s5+s6], $0x20, s25, s6, $0xb8;
	[tilespmem:$0xAF00] =	vst v63  }
0x9b: {  	_ = 	snop  }
0x9c: {  	[tilespmem:s15], [sflag:$0x1] =	stream.indirect.gather [hbm4b:s5+s6], $0x20, s26, s6, $0xb8;
	[tilespmem:$0xAF00] =	vst v63  }
0x9d: {  	_ = 	snop  }
0x9e: {  	[tilespmem:s16], [sflag:$0x1] =	stream.indirect.gather [hbm4b:s5+s6], $0x20, s28, s6, $0xb8;
	[tilespmem:$0xAF00] =	vst v63  }
0x9f: {  	_ =	swait.ge [sflag:s7], $0x1000  }
0xa0: {  	[sflag:s7] =	ssyncset.done $0x0  }
0xa1: {  	[sflag:s7] =	ssyncadd.s32 $0xFFFFF000  }
0xa2: {  	_ =	swait.ge [sflag:s7], $0x1000  }
0xa3: {  	[sflag:s7] =	ssyncset.done $0x0  }
0xa4: {  	[sflag:s7] =	ssyncadd.s32 $0xFFFFF000  }
0xa5: {  	_ =	swait.ge [sflag:s7], $0x1000  }
0xa6: {  	[sflag:s7] =	ssyncset.done $0x0  }
0xa7: {  	[sflag:s7] =	ssyncadd.s32 $0xFFFFF000  }
0xa8: {  	_ =	swait.ge [sflag:s7], $0x1000  }
0xa9: {  	[sflag:s7] =	ssyncset.done $0x0  }
0xaa: {  	[sflag:s7] =	ssyncadd.s32 $0xFFFFF000  }
0xab: {  	_ =	swait.ge [sflag:s7], $0x1000  }
0xac: {  	[sflag:s7] =	ssyncset.done $0x0  }
0xad: {  	[sflag:s7] =	ssyncadd.s32 $0xFFFFF000  }
0xae: {  	_ =	swait.ge [sflag:s7], $0x1000  }
0xaf: {  	[sflag:s7] =	ssyncset.done $0x0  }
0xb0: {  	[sflag:s7] =	ssyncadd.s32 $0xFFFFF000  }
0xb1: {  	_ =	swait.ge [sflag:s7], $0x1000  }
0xb2: {  	[sflag:s7] =	ssyncset.done $0x0  }
0xb3: {  	[sflag:s7] =	ssyncadd.s32 $0xFFFFF000  }
0xb4: {  	_ =	swait.ge [sflag:s7], $0x1000  }
0xb5: {  	[sflag:s7] =	ssyncset.done $0x0  }
0xb6: {  	[sflag:s7] =	ssyncadd.s32 $0xFFFFF000  }
0xb7: {  	_ =	swait.ge [sflag:s7], $0x1000  }
0xb8: {  	[sflag:s7] =	ssyncset.done $0x0  }
0xb9: {  	[sflag:s7] =	ssyncadd.s32 $0xFFFFF000  }
0xba: {  	p1 =	sne.s32 s17, $0x1;
	_ =	swait.ge [sflag:s7], $0x1000  }
.Ltmp1:
0xbb: {  	[sflag:s7] =	ssyncset.done $0x0;
	(pc) =	sbr.rel @!p1 .LBB2_3-.Ltmp1, $4  }
0xbc: {  	s1 =	rddreg [dreg:$0x5];
	[sflag:s7] =	ssyncadd.s32 $0xFFFFF000  }
0xbd: {  	[hbm4b:s1+s2] =	stream.linear.scatter [tilespmem:s4], [sflag:$0x2], $0xA000, $0x38;
	[tilespmem:$0xAF00] =	vst v63  }
0xbe: {  	p0 =	por $0x1, $0x1;
	_ =	swait.ge [sflag:s3], $0xA000  }
0xbf: {  	s1 =	sadd.s32 $0xFFFFFFFF, s17;
	s0 =	rddreg [dreg:$0x2];
	[sflag:s3] =	ssyncset.done $0x0  }
.LBB2_4:
0xc0: {  	[sflag:s3] =	ssyncadd.s32 $0xFFFF6000  }
0xc1: {  	[tilespmem:s2], [sflag:$0x2] =	stream.linear.gather [hbm4b:s0+s2], $0xF00, $0x38;
	[tilespmem:$0xAF00] =	vst v63  }
0xc2: {  	_ =	swait.ge [sflag:s3], $0xF00  }
0xc3: {  	[sflag:s3] =	ssyncset.done $0x0  }
0xc4: {  	[sflag:s3] =	ssyncadd.s32 $0xFFFFF100  }
0xc5: {  	[tilespmem:s4], [sflag:$0x1] =	stream.indirect.gather [hbm4b:s5+s6], $0x20, s2, s6, $0xb8;
	[tilespmem:$0xAF00] =	vst v63  }
0xc6: {  	_ = 	snop  }
0xc7: {  	[tilespmem:s8], [sflag:$0x1] =	stream.indirect.gather [hbm4b:s5+s6], $0x20, s6, s6, $0xb8;
	[tilespmem:$0xAF00] =	vst v63  }
0xc8: {  	s0 =	rddreg [dreg:$0x6]  }
0xc9: {  	[tilespmem:s9], [sflag:$0x1] =	stream.indirect.gather [hbm4b:s5+s6], $0x20, s0, s6, $0xb8;
	[tilespmem:$0xAF00] =	vst v63  }
0xca: {  	s17 =	rddreg [dreg:$0x7]  }
0xcb: {  	[tilespmem:s10], [sflag:$0x1] =	stream.indirect.gather [hbm4b:s5+s6], $0x20, s17, s6, $0xb8;
	[tilespmem:$0xAF00] =	vst v63  }
0xcc: {  	s0 =	rddreg [dreg:$0x8]  }
0xcd: {  	[tilespmem:s11], [sflag:$0x1] =	stream.indirect.gather [hbm4b:s5+s6], $0x20, s0, s6, $0xb8;
	[tilespmem:$0xAF00] =	vst v63  }
0xce: {  	s17 =	rddreg [dreg:$0x9]  }
0xcf: {  	[tilespmem:s12], [sflag:$0x1] =	stream.indirect.gather [hbm4b:s5+s6], $0x20, s17, s6, $0xb8;
	[tilespmem:$0xAF00] =	vst v63  }
0xd0: {  	s0 =	rddreg [dreg:$0xa]  }
0xd1: {  	[tilespmem:s13], [sflag:$0x1] =	stream.indirect.gather [hbm4b:s5+s6], $0x20, s0, s6, $0xb8;
	[tilespmem:$0xAF00] =	vst v63  }
0xd2: {  	s17 =	rddreg [dreg:$0xb]  }
0xd3: {  	[tilespmem:s14], [sflag:$0x1] =	stream.indirect.gather [hbm4b:s5+s6], $0x20, s17, s6, $0xb8;
	[tilespmem:$0xAF00] =	vst v63  }
0xd4: {  	s0 =	rddreg [dreg:$0xc]  }
0xd5: {  	[tilespmem:s15], [sflag:$0x1] =	stream.indirect.gather [hbm4b:s5+s6], $0x20, s0, s6, $0xb8;
	[tilespmem:$0xAF00] =	vst v63  }
0xd6: {  	s17 =	rddreg [dreg:$0xd]  }
0xd7: {  	[tilespmem:s16], [sflag:$0x1] =	stream.indirect.gather [hbm4b:s5+s6], $0x20, s17, s6, $0xb8;
	[tilespmem:$0xAF00] =	vst v63  }
0xd8: {  	_ =	swait.ge [sflag:s7], $0x1000  }
0xd9: {  	[sflag:s7] =	ssyncset.done $0x0  }
0xda: {  	[sflag:s7] =	ssyncadd.s32 $0xFFFFF000  }
0xdb: {  	_ =	swait.ge [sflag:s7], $0x1000  }
0xdc: {  	[sflag:s7] =	ssyncset.done $0x0  }
0xdd: {  	[sflag:s7] =	ssyncadd.s32 $0xFFFFF000  }
0xde: {  	_ =	swait.ge [sflag:s7], $0x1000  }
0xdf: {  	[sflag:s7] =	ssyncset.done $0x0  }
0xe0: {  	[sflag:s7] =	ssyncadd.s32 $0xFFFFF000  }
0xe1: {  	_ =	swait.ge [sflag:s7], $0x1000  }
0xe2: {  	[sflag:s7] =	ssyncset.done $0x0  }
0xe3: {  	[sflag:s7] =	ssyncadd.s32 $0xFFFFF000  }
0xe4: {  	_ =	swait.ge [sflag:s7], $0x1000  }
0xe5: {  	[sflag:s7] =	ssyncset.done $0x0  }
0xe6: {  	[sflag:s7] =	ssyncadd.s32 $0xFFFFF000  }
0xe7: {  	_ =	swait.ge [sflag:s7], $0x1000  }
0xe8: {  	[sflag:s7] =	ssyncset.done $0x0  }
0xe9: {  	[sflag:s7] =	ssyncadd.s32 $0xFFFFF000  }
0xea: {  	_ =	swait.ge [sflag:s7], $0x1000  }
0xeb: {  	[sflag:s7] =	ssyncset.done $0x0  }
0xec: {  	[sflag:s7] =	ssyncadd.s32 $0xFFFFF000  }
0xed: {  	_ =	swait.ge [sflag:s7], $0x1000  }
0xee: {  	[sflag:s7] =	ssyncset.done $0x0  }
0xef: {  	[sflag:s7] =	ssyncadd.s32 $0xFFFFF000  }
0xf0: {  	_ =	swait.ge [sflag:s7], $0x1000  }
0xf1: {  	[sflag:s7] =	ssyncset.done $0x0  }
0xf2: {  	[sflag:s7] =	ssyncadd.s32 $0xFFFFF000  }
0xf3: {  	_ =	swait.ge [sflag:s7], $0x1000  }
0xf4: {  	[sflag:s7] =	ssyncset.done $0x0  }
0xf5: {  	s17 =	rddreg [dreg:$0x3];
	[sflag:s7] =	ssyncadd.s32 $0xFFFFF000  }
0xf6: {  	[hbm4b:s17+s2] =	stream.linear.scatter [tilespmem:s4], [sflag:$0x2], $0xA000, $0x38;
	[tilespmem:$0xAF00] =	vst v63  }
0xf7: {  	_ =	swait.ge [sflag:s3], $0xA000  }
0xf8: {  	[sflag:s3] =	ssyncset.done $0x0  }
0xf9: {  	s0 =	rddreg [dreg:$0xe];
	[sflag:s3] =	ssyncadd.s32 $0xFFFF6000  }
0xfa: {  	[tilespmem:s4], [sflag:$0x1] =	stream.indirect.gather [hbm4b:s5+s6], $0x20, s0, s6, $0xb8;
	[tilespmem:$0xAF00] =	vst v63  }
0xfb: {  	s17 =	rddreg [dreg:$0xf]  }
0xfc: {  	[tilespmem:s8], [sflag:$0x1] =	stream.indirect.gather [hbm4b:s5+s6], $0x20, s17, s6, $0xb8;
	[tilespmem:$0xAF00] =	vst v63  }
0xfd: {  	s0 =	rddreg [dreg:$0x10]  }
0xfe: {  	[tilespmem:s9], [sflag:$0x1] =	stream.indirect.gather [hbm4b:s5+s6], $0x20, s0, s6, $0xb8;
	[tilespmem:$0xAF00] =	vst v63  }
0xff: {  	s17 =	rddreg [dreg:$0x11]  }
0x100: {  	[tilespmem:s10], [sflag:$0x1] =	stream.indirect.gather [hbm4b:s5+s6], $0x20, s17, s6, $0xb8;
	[tilespmem:$0xAF00] =	vst v63  }
0x101: {  	s0 =	rddreg [dreg:$0x12]  }
0x102: {  	[tilespmem:s11], [sflag:$0x1] =	stream.indirect.gather [hbm4b:s5+s6], $0x20, s0, s6, $0xb8;
	[tilespmem:$0xAF00] =	vst v63  }
0x103: {  	s17 =	rddreg [dreg:$0x13]  }
0x104: {  	[tilespmem:s12], [sflag:$0x1] =	stream.indirect.gather [hbm4b:s5+s6], $0x20, s17, s6, $0xb8;
	[tilespmem:$0xAF00] =	vst v63  }
0x105: {  	_ = 	snop  }
0x106: {  	[tilespmem:s13], [sflag:$0x1] =	stream.indirect.gather [hbm4b:s5+s6], $0x20, s29, s6, $0xb8;
	[tilespmem:$0xAF00] =	vst v63  }
0x107: {  	_ = 	snop  }
0x108: {  	[tilespmem:s14], [sflag:$0x1] =	stream.indirect.gather [hbm4b:s5+s6], $0x20, s30, s6, $0xb8;
	[tilespmem:$0xAF00] =	vst v63  }
0x109: {  	_ = 	snop  }
0x10a: {  	[tilespmem:s15], [sflag:$0x1] =	stream.indirect.gather [hbm4b:s5+s6], $0x20, s31, s6, $0xb8;
	[tilespmem:$0xAF00] =	vst v63  }
0x10b: {  	_ = 	snop  }
0x10c: {  	[tilespmem:s16], [sflag:$0x1] =	stream.indirect.gather [hbm4b:s5+s6], $0x20, s18, s6, $0xb8;
	[tilespmem:$0xAF00] =	vst v63  }
0x10d: {  	_ =	swait.ge [sflag:s7], $0x1000  }
0x10e: {  	[sflag:s7] =	ssyncset.done $0x0  }
0x10f: {  	[sflag:s7] =	ssyncadd.s32 $0xFFFFF000  }
0x110: {  	_ =	swait.ge [sflag:s7], $0x1000  }
0x111: {  	[sflag:s7] =	ssyncset.done $0x0  }
0x112: {  	[sflag:s7] =	ssyncadd.s32 $0xFFFFF000  }
0x113: {  	_ =	swait.ge [sflag:s7], $0x1000  }
0x114: {  	[sflag:s7] =	ssyncset.done $0x0  }
0x115: {  	[sflag:s7] =	ssyncadd.s32 $0xFFFFF000  }
0x116: {  	_ =	swait.ge [sflag:s7], $0x1000  }
0x117: {  	[sflag:s7] =	ssyncset.done $0x0  }
0x118: {  	[sflag:s7] =	ssyncadd.s32 $0xFFFFF000  }
0x119: {  	_ =	swait.ge [sflag:s7], $0x1000  }
0x11a: {  	[sflag:s7] =	ssyncset.done $0x0  }
0x11b: {  	[sflag:s7] =	ssyncadd.s32 $0xFFFFF000  }
0x11c: {  	_ =	swait.ge [sflag:s7], $0x1000  }
0x11d: {  	[sflag:s7] =	ssyncset.done $0x0  }
0x11e: {  	[sflag:s7] =	ssyncadd.s32 $0xFFFFF000  }
0x11f: {  	_ =	swait.ge [sflag:s7], $0x1000  }
0x120: {  	[sflag:s7] =	ssyncset.done $0x0  }
0x121: {  	[sflag:s7] =	ssyncadd.s32 $0xFFFFF000  }
0x122: {  	_ =	swait.ge [sflag:s7], $0x1000  }
0x123: {  	[sflag:s7] =	ssyncset.done $0x0  }
0x124: {  	[sflag:s7] =	ssyncadd.s32 $0xFFFFF000  }
0x125: {  	_ =	swait.ge [sflag:s7], $0x1000  }
0x126: {  	[sflag:s7] =	ssyncset.done $0x0  }
0x127: {  	[sflag:s7] =	ssyncadd.s32 $0xFFFFF000  }
0x128: {  	_ =	swait.ge [sflag:s7], $0x1000  }
0x129: {  	[sflag:s7] =	ssyncset.done $0x0  }
0x12a: {  	s17 =	rddreg [dreg:$0x4];
	[sflag:s7] =	ssyncadd.s32 $0xFFFFF000  }
0x12b: {  	[hbm4b:s17+s2] =	stream.linear.scatter [tilespmem:s4], [sflag:$0x2], $0xA000, $0x38;
	[tilespmem:$0xAF00] =	vst v63  }
0x12c: {  	_ =	swait.ge [sflag:s3], $0xA000  }
0x12d: {  	[sflag:s3] =	ssyncset.done $0x0  }
0x12e: {  	s17 =	simm.s32 $0xA00;
	[sflag:s3] =	ssyncadd.s32 $0xFFFF6000  }
0x12f: {  	[tilespmem:s4], [sflag:$0x1] =	stream.indirect.gather [hbm4b:s5+s6], $0x20, s17, s6, $0xb8;
	[tilespmem:$0xAF00] =	vst v63  }
0x130: {  	_ = 	snop  }
0x131: {  	[tilespmem:s8], [sflag:$0x1] =	stream.indirect.gather [hbm4b:s5+s6], $0x20, s19, s6, $0xb8;
	[tilespmem:$0xAF00] =	vst v63  }
0x132: {  	_ = 	snop  }
0x133: {  	[tilespmem:s9], [sflag:$0x1] =	stream.indirect.gather [hbm4b:s5+s6], $0x20, s20, s6, $0xb8;
	[tilespmem:$0xAF00] =	vst v63  }
0x134: {  	_ = 	snop  }
0x135: {  	[tilespmem:s10], [sflag:$0x1] =	stream.indirect.gather [hbm4b:s5+s6], $0x20, s21, s6, $0xb8;
	[tilespmem:$0xAF00] =	vst v63  }
0x136: {  	_ = 	snop  }
0x137: {  	[tilespmem:s11], [sflag:$0x1] =	stream.indirect.gather [hbm4b:s5+s6], $0x20, s22, s6, $0xb8;
	[tilespmem:$0xAF00] =	vst v63  }
0x138: {  	_ = 	snop  }
0x139: {  	[tilespmem:s12], [sflag:$0x1] =	stream.indirect.gather [hbm4b:s5+s6], $0x20, s23, s6, $0xb8;
	[tilespmem:$0xAF00] =	vst v63  }
0x13a: {  	_ = 	snop  }
0x13b: {  	[tilespmem:s13], [sflag:$0x1] =	stream.indirect.gather [hbm4b:s5+s6], $0x20, s24, s6, $0xb8;
	[tilespmem:$0xAF00] =	vst v63  }
0x13c: {  	_ = 	snop  }
0x13d: {  	[tilespmem:s14], [sflag:$0x1] =	stream.indirect.gather [hbm4b:s5+s6], $0x20, s25, s6, $0xb8;
	[tilespmem:$0xAF00] =	vst v63  }
0x13e: {  	_ = 	snop  }
0x13f: {  	[tilespmem:s15], [sflag:$0x1] =	stream.indirect.gather [hbm4b:s5+s6], $0x20, s26, s6, $0xb8;
	[tilespmem:$0xAF00] =	vst v63  }
0x140: {  	_ = 	snop  }
0x141: {  	[tilespmem:s16], [sflag:$0x1] =	stream.indirect.gather [hbm4b:s5+s6], $0x20, s28, s6, $0xb8;
	[tilespmem:$0xAF00] =	vst v63  }
0x142: {  	_ =	swait.ge [sflag:s7], $0x1000  }
0x143: {  	[sflag:s7] =	ssyncset.done $0x0  }
0x144: {  	[sflag:s7] =	ssyncadd.s32 $0xFFFFF000  }
0x145: {  	_ =	swait.ge [sflag:s7], $0x1000  }
0x146: {  	[sflag:s7] =	ssyncset.done $0x0  }
0x147: {  	[sflag:s7] =	ssyncadd.s32 $0xFFFFF000  }
0x148: {  	_ =	swait.ge [sflag:s7], $0x1000  }
0x149: {  	[sflag:s7] =	ssyncset.done $0x0  }
0x14a: {  	[sflag:s7] =	ssyncadd.s32 $0xFFFFF000  }
0x14b: {  	_ =	swait.ge [sflag:s7], $0x1000  }
0x14c: {  	[sflag:s7] =	ssyncset.done $0x0  }
0x14d: {  	[sflag:s7] =	ssyncadd.s32 $0xFFFFF000  }
0x14e: {  	_ =	swait.ge [sflag:s7], $0x1000  }
0x14f: {  	[sflag:s7] =	ssyncset.done $0x0  }
0x150: {  	[sflag:s7] =	ssyncadd.s32 $0xFFFFF000  }
0x151: {  	_ =	swait.ge [sflag:s7], $0x1000  }
0x152: {  	[sflag:s7] =	ssyncset.done $0x0  }
0x153: {  	[sflag:s7] =	ssyncadd.s32 $0xFFFFF000  }
0x154: {  	_ =	swait.ge [sflag:s7], $0x1000  }
0x155: {  	[sflag:s7] =	ssyncset.done $0x0  }
0x156: {  	[sflag:s7] =	ssyncadd.s32 $0xFFFFF000  }
0x157: {  	_ =	swait.ge [sflag:s7], $0x1000  }
0x158: {  	[sflag:s7] =	ssyncset.done $0x0  }
0x159: {  	[sflag:s7] =	ssyncadd.s32 $0xFFFFF000  }
0x15a: {  	_ =	swait.ge [sflag:s7], $0x1000  }
0x15b: {  	[sflag:s7] =	ssyncset.done $0x0  }
0x15c: {  	[sflag:s7] =	ssyncadd.s32 $0xFFFFF000  }
0x15d: {  	p1 =	sne.s32 s1, $0x1;
	_ =	swait.ge [sflag:s7], $0x1000  }
.Ltmp2:
0x15e: {  	[sflag:s7] =	ssyncset.done $0x0;
	(pc) =	sbr.rel @p1 .LBB2_4-.Ltmp2, $4  }
0x15f: {  	s17 =	rddreg [dreg:$0x5];
	[sflag:s7] =	ssyncadd.s32 $0xFFFFF000  }
0x160: {  	[hbm4b:s17+s2] =	stream.linear.scatter [tilespmem:s4], [sflag:$0x2], $0xA000, $0x38;
	[tilespmem:$0xAF00] =	vst v63  }
0x161: {  	_ =	swait.ge [sflag:s3], $0xA000  }
0x162: {  	s1 =	sadd.s32 $0xFFFFFFFF, s1;
	s0 =	rddreg [dreg:$0x2];
	[sflag:s3] =	ssyncset.done $0x0  }
0x163: {  	s28 =	simm.s32 $0x980;
	s31 =	simm.s32 $0x900  }
0x164: {  	s30 =	simm.s32 $0x880;
	s29 =	simm.s32 $0x800;
	s26 =	simm.s32 $0xE00  }
0x165: {  	s25 =	simm.s32 $0xD80;
	s24 =	simm.s32 $0xD00;
	s23 =	simm.s32 $0xC80  }
0x166: {  	s22 =	simm.s32 $0xC00;
	s21 =	simm.s32 $0xB80;
	s20 =	simm.s32 $0xB00  }
0x167: {  	s19 =	simm.s32 $0xA80;
	s18 =	simm.s32 $0xA00;
	s17 =	stileid.u32  }
.LBB2_6:
0x168: {  	[sflag:s3] =	ssyncadd.s32 @p0 $0xFFFF6000  }
0x169: {  	[tilespmem:s2], [sflag:$0x2] =	stream.linear.gather [hbm4b:s0+s2], $0xF00, $0x38;
	[tilespmem:$0xAF00] =	vst v63  }
0x16a: {  	_ =	swait.ge [sflag:s3], $0xF00  }
0x16b: {  	[sflag:s3] =	ssyncset.done $0x0  }
0x16c: {  	[sflag:s3] =	ssyncadd.s32 $0xFFFFF100  }
0x16d: {  	[tilespmem:s4], [sflag:$0x1] =	stream.indirect.gather [hbm4b:s5+s6], $0x20, s2, s6, $0xb8;
	[tilespmem:$0xAF00] =	vst v63  }
0x16e: {  	_ = 	snop  }
0x16f: {  	[tilespmem:s8], [sflag:$0x1] =	stream.indirect.gather [hbm4b:s5+s6], $0x20, s6, s6, $0xb8;
	[tilespmem:$0xAF00] =	vst v63  }
0x170: {  	s0 =	rddreg [dreg:$0x6]  }
0x171: {  	[tilespmem:s9], [sflag:$0x1] =	stream.indirect.gather [hbm4b:s5+s6], $0x20, s0, s6, $0xb8;
	[tilespmem:$0xAF00] =	vst v63  }
0x172: {  	s1 =	rddreg [dreg:$0x7]  }
0x173: {  	[tilespmem:s10], [sflag:$0x1] =	stream.indirect.gather [hbm4b:s5+s6], $0x20, s1, s6, $0xb8;
	[tilespmem:$0xAF00] =	vst v63  }
0x174: {  	s0 =	rddreg [dreg:$0x8]  }
0x175: {  	[tilespmem:s11], [sflag:$0x1] =	stream.indirect.gather [hbm4b:s5+s6], $0x20, s0, s6, $0xb8;
	[tilespmem:$0xAF00] =	vst v63  }
0x176: {  	s1 =	rddreg [dreg:$0x9]  }
0x177: {  	[tilespmem:s12], [sflag:$0x1] =	stream.indirect.gather [hbm4b:s5+s6], $0x20, s1, s6, $0xb8;
	[tilespmem:$0xAF00] =	vst v63  }
0x178: {  	s0 =	rddreg [dreg:$0xa]  }
0x179: {  	[tilespmem:s13], [sflag:$0x1] =	stream.indirect.gather [hbm4b:s5+s6], $0x20, s0, s6, $0xb8;
	[tilespmem:$0xAF00] =	vst v63  }
0x17a: {  	s1 =	rddreg [dreg:$0xb]  }
0x17b: {  	[tilespmem:s14], [sflag:$0x1] =	stream.indirect.gather [hbm4b:s5+s6], $0x20, s1, s6, $0xb8;
	[tilespmem:$0xAF00] =	vst v63  }
0x17c: {  	s0 =	rddreg [dreg:$0xc]  }
0x17d: {  	[tilespmem:s15], [sflag:$0x1] =	stream.indirect.gather [hbm4b:s5+s6], $0x20, s0, s6, $0xb8;
	[tilespmem:$0xAF00] =	vst v63  }
0x17e: {  	s1 =	rddreg [dreg:$0xd]  }
0x17f: {  	[tilespmem:s16], [sflag:$0x1] =	stream.indirect.gather [hbm4b:s5+s6], $0x20, s1, s6, $0xb8;
	[tilespmem:$0xAF00] =	vst v63  }
0x180: {  	_ =	swait.ge [sflag:s7], $0x1000  }
0x181: {  	[sflag:s7] =	ssyncset.done $0x0  }
0x182: {  	[sflag:s7] =	ssyncadd.s32 $0xFFFFF000  }
0x183: {  	_ =	swait.ge [sflag:s7], $0x1000  }
0x184: {  	[sflag:s7] =	ssyncset.done $0x0  }
0x185: {  	[sflag:s7] =	ssyncadd.s32 $0xFFFFF000  }
0x186: {  	_ =	swait.ge [sflag:s7], $0x1000  }
0x187: {  	[sflag:s7] =	ssyncset.done $0x0  }
0x188: {  	[sflag:s7] =	ssyncadd.s32 $0xFFFFF000  }
0x189: {  	_ =	swait.ge [sflag:s7], $0x1000  }
0x18a: {  	[sflag:s7] =	ssyncset.done $0x0  }
0x18b: {  	[sflag:s7] =	ssyncadd.s32 $0xFFFFF000  }
0x18c: {  	_ =	swait.ge [sflag:s7], $0x1000  }
0x18d: {  	[sflag:s7] =	ssyncset.done $0x0  }
0x18e: {  	[sflag:s7] =	ssyncadd.s32 $0xFFFFF000  }
0x18f: {  	_ =	swait.ge [sflag:s7], $0x1000  }
0x190: {  	[sflag:s7] =	ssyncset.done $0x0  }
0x191: {  	[sflag:s7] =	ssyncadd.s32 $0xFFFFF000  }
0x192: {  	_ =	swait.ge [sflag:s7], $0x1000  }
0x193: {  	[sflag:s7] =	ssyncset.done $0x0  }
0x194: {  	[sflag:s7] =	ssyncadd.s32 $0xFFFFF000  }
0x195: {  	_ =	swait.ge [sflag:s7], $0x1000  }
0x196: {  	[sflag:s7] =	ssyncset.done $0x0  }
0x197: {  	[sflag:s7] =	ssyncadd.s32 $0xFFFFF000  }
0x198: {  	_ =	swait.ge [sflag:s7], $0x1000  }
0x199: {  	[sflag:s7] =	ssyncset.done $0x0  }
0x19a: {  	[sflag:s7] =	ssyncadd.s32 $0xFFFFF000  }
0x19b: {  	_ =	swait.ge [sflag:s7], $0x1000  }
0x19c: {  	[sflag:s7] =	ssyncset.done $0x0  }
0x19d: {  	s1 =	rddreg [dreg:$0x3];
	[sflag:s7] =	ssyncadd.s32 $0xFFFFF000  }
0x19e: {  	[hbm4b:s1+s2] =	stream.linear.scatter [tilespmem:s4], [sflag:$0x2], $0xA000, $0x38;
	[tilespmem:$0xAF00] =	vst v63  }
0x19f: {  	_ =	swait.ge [sflag:s3], $0xA000  }
0x1a0: {  	[sflag:s3] =	ssyncset.done $0x0  }
0x1a1: {  	s0 =	rddreg [dreg:$0xe];
	[sflag:s3] =	ssyncadd.s32 $0xFFFF6000  }
0x1a2: {  	[tilespmem:s4], [sflag:$0x1] =	stream.indirect.gather [hbm4b:s5+s6], $0x20, s0, s6, $0xb8;
	[tilespmem:$0xAF00] =	vst v63  }
0x1a3: {  	s1 =	rddreg [dreg:$0xf]  }
0x1a4: {  	[tilespmem:s8], [sflag:$0x1] =	stream.indirect.gather [hbm4b:s5+s6], $0x20, s1, s6, $0xb8;
	[tilespmem:$0xAF00] =	vst v63  }
0x1a5: {  	s0 =	rddreg [dreg:$0x10]  }
0x1a6: {  	[tilespmem:s9], [sflag:$0x1] =	stream.indirect.gather [hbm4b:s5+s6], $0x20, s0, s6, $0xb8;
	[tilespmem:$0xAF00] =	vst v63  }
0x1a7: {  	s1 =	rddreg [dreg:$0x11]  }
0x1a8: {  	[tilespmem:s10], [sflag:$0x1] =	stream.indirect.gather [hbm4b:s5+s6], $0x20, s1, s6, $0xb8;
	[tilespmem:$0xAF00] =	vst v63  }
0x1a9: {  	s0 =	rddreg [dreg:$0x12]  }
0x1aa: {  	[tilespmem:s11], [sflag:$0x1] =	stream.indirect.gather [hbm4b:s5+s6], $0x20, s0, s6, $0xb8;
	[tilespmem:$0xAF00] =	vst v63  }
0x1ab: {  	s1 =	rddreg [dreg:$0x13]  }
0x1ac: {  	[tilespmem:s12], [sflag:$0x1] =	stream.indirect.gather [hbm4b:s5+s6], $0x20, s1, s6, $0xb8;
	[tilespmem:$0xAF00] =	vst v63  }
0x1ad: {  	_ = 	snop  }
0x1ae: {  	[tilespmem:s13], [sflag:$0x1] =	stream.indirect.gather [hbm4b:s5+s6], $0x20, s29, s6, $0xb8;
	[tilespmem:$0xAF00] =	vst v63  }
0x1af: {  	_ = 	snop  }
0x1b0: {  	[tilespmem:s14], [sflag:$0x1] =	stream.indirect.gather [hbm4b:s5+s6], $0x20, s30, s6, $0xb8;
	[tilespmem:$0xAF00] =	vst v63  }
0x1b1: {  	_ = 	snop  }
0x1b2: {  	[tilespmem:s15], [sflag:$0x1] =	stream.indirect.gather [hbm4b:s5+s6], $0x20, s31, s6, $0xb8;
	[tilespmem:$0xAF00] =	vst v63  }
0x1b3: {  	_ = 	snop  }
0x1b4: {  	[tilespmem:s16], [sflag:$0x1] =	stream.indirect.gather [hbm4b:s5+s6], $0x20, s28, s6, $0xb8;
	[tilespmem:$0xAF00] =	vst v63  }
0x1b5: {  	_ =	swait.ge [sflag:s7], $0x1000  }
0x1b6: {  	[sflag:s7] =	ssyncset.done $0x0  }
0x1b7: {  	[sflag:s7] =	ssyncadd.s32 $0xFFFFF000  }
0x1b8: {  	_ =	swait.ge [sflag:s7], $0x1000  }
0x1b9: {  	[sflag:s7] =	ssyncset.done $0x0  }
0x1ba: {  	[sflag:s7] =	ssyncadd.s32 $0xFFFFF000  }
0x1bb: {  	_ =	swait.ge [sflag:s7], $0x1000  }
0x1bc: {  	[sflag:s7] =	ssyncset.done $0x0  }
0x1bd: {  	[sflag:s7] =	ssyncadd.s32 $0xFFFFF000  }
0x1be: {  	_ =	swait.ge [sflag:s7], $0x1000  }
0x1bf: {  	[sflag:s7] =	ssyncset.done $0x0  }
0x1c0: {  	[sflag:s7] =	ssyncadd.s32 $0xFFFFF000  }
0x1c1: {  	_ =	swait.ge [sflag:s7], $0x1000  }
0x1c2: {  	[sflag:s7] =	ssyncset.done $0x0  }
0x1c3: {  	[sflag:s7] =	ssyncadd.s32 $0xFFFFF000  }
0x1c4: {  	_ =	swait.ge [sflag:s7], $0x1000  }
0x1c5: {  	[sflag:s7] =	ssyncset.done $0x0  }
0x1c6: {  	[sflag:s7] =	ssyncadd.s32 $0xFFFFF000  }
0x1c7: {  	_ =	swait.ge [sflag:s7], $0x1000  }
0x1c8: {  	[sflag:s7] =	ssyncset.done $0x0  }
0x1c9: {  	[sflag:s7] =	ssyncadd.s32 $0xFFFFF000  }
0x1ca: {  	_ =	swait.ge [sflag:s7], $0x1000  }
0x1cb: {  	[sflag:s7] =	ssyncset.done $0x0  }
0x1cc: {  	[sflag:s7] =	ssyncadd.s32 $0xFFFFF000  }
0x1cd: {  	_ =	swait.ge [sflag:s7], $0x1000  }
0x1ce: {  	[sflag:s7] =	ssyncset.done $0x0  }
0x1cf: {  	[sflag:s7] =	ssyncadd.s32 $0xFFFFF000  }
0x1d0: {  	_ =	swait.ge [sflag:s7], $0x1000  }
0x1d1: {  	[sflag:s7] =	ssyncset.done $0x0  }
0x1d2: {  	s29 =	rddreg [dreg:$0x4];
	[sflag:s7] =	ssyncadd.s32 $0xFFFFF000  }
0x1d3: {  	[hbm4b:s29+s2] =	stream.linear.scatter [tilespmem:s4], [sflag:$0x2], $0xA000, $0x38;
	[tilespmem:$0xAF00] =	vst v63  }
0x1d4: {  	_ =	swait.ge [sflag:s3], $0xA000  }
0x1d5: {  	[sflag:s3] =	ssyncset.done $0x0  }
0x1d6: {  	[sflag:s3] =	ssyncadd.s32 $0xFFFF6000  }
0x1d7: {  	[tilespmem:s4], [sflag:$0x1] =	stream.indirect.gather [hbm4b:s5+s6], $0x20, s18, s6, $0xb8;
	[tilespmem:$0xAF00] =	vst v63  }
0x1d8: {  	_ = 	snop  }
0x1d9: {  	[tilespmem:s8], [sflag:$0x1] =	stream.indirect.gather [hbm4b:s5+s6], $0x20, s19, s6, $0xb8;
	[tilespmem:$0xAF00] =	vst v63  }
0x1da: {  	_ = 	snop  }
0x1db: {  	[tilespmem:s9], [sflag:$0x1] =	stream.indirect.gather [hbm4b:s5+s6], $0x20, s20, s6, $0xb8;
	[tilespmem:$0xAF00] =	vst v63  }
0x1dc: {  	_ = 	snop  }
0x1dd: {  	[tilespmem:s10], [sflag:$0x1] =	stream.indirect.gather [hbm4b:s5+s6], $0x20, s21, s6, $0xb8;
	[tilespmem:$0xAF00] =	vst v63  }
0x1de: {  	_ = 	snop  }
0x1df: {  	[tilespmem:s11], [sflag:$0x1] =	stream.indirect.gather [hbm4b:s5+s6], $0x20, s22, s6, $0xb8;
	[tilespmem:$0xAF00] =	vst v63  }
0x1e0: {  	_ = 	snop  }
0x1e1: {  	[tilespmem:s12], [sflag:$0x1] =	stream.indirect.gather [hbm4b:s5+s6], $0x20, s23, s6, $0xb8;
	[tilespmem:$0xAF00] =	vst v63  }
0x1e2: {  	_ = 	snop  }
0x1e3: {  	[tilespmem:s13], [sflag:$0x1] =	stream.indirect.gather [hbm4b:s5+s6], $0x20, s24, s6, $0xb8;
	[tilespmem:$0xAF00] =	vst v63  }
0x1e4: {  	_ = 	snop  }
0x1e5: {  	[tilespmem:s14], [sflag:$0x1] =	stream.indirect.gather [hbm4b:s5+s6], $0x20, s25, s6, $0xb8;
	[tilespmem:$0xAF00] =	vst v63  }
0x1e6: {  	_ = 	snop  }
0x1e7: {  	[tilespmem:s15], [sflag:$0x1] =	stream.indirect.gather [hbm4b:s5+s6], $0x20, s26, s6, $0xb8;
	[tilespmem:$0xAF00] =	vst v63  }
0x1e8: {  	s30 =	simm.s32 $0xE80  }
0x1e9: {  	[tilespmem:s16], [sflag:$0x1] =	stream.indirect.gather [hbm4b:s5+s6], $0x20, s30, s6, $0xb8;
	[tilespmem:$0xAF00] =	vst v63  }
0x1ea: {  	_ =	swait.ge [sflag:s7], $0x1000  }
0x1eb: {  	[sflag:s7] =	ssyncset.done $0x0  }
0x1ec: {  	[sflag:s7] =	ssyncadd.s32 $0xFFFFF000  }
0x1ed: {  	_ =	swait.ge [sflag:s7], $0x1000  }
0x1ee: {  	[sflag:s7] =	ssyncset.done $0x0  }
0x1ef: {  	[sflag:s7] =	ssyncadd.s32 $0xFFFFF000  }
0x1f0: {  	_ =	swait.ge [sflag:s7], $0x1000  }
0x1f1: {  	[sflag:s7] =	ssyncset.done $0x0  }
0x1f2: {  	[sflag:s7] =	ssyncadd.s32 $0xFFFFF000  }
0x1f3: {  	_ =	swait.ge [sflag:s7], $0x1000  }
0x1f4: {  	[sflag:s7] =	ssyncset.done $0x0  }
0x1f5: {  	[sflag:s7] =	ssyncadd.s32 $0xFFFFF000  }
0x1f6: {  	_ =	swait.ge [sflag:s7], $0x1000  }
0x1f7: {  	[sflag:s7] =	ssyncset.done $0x0  }
0x1f8: {  	[sflag:s7] =	ssyncadd.s32 $0xFFFFF000  }
0x1f9: {  	_ =	swait.ge [sflag:s7], $0x1000  }
0x1fa: {  	[sflag:s7] =	ssyncset.done $0x0  }
0x1fb: {  	[sflag:s7] =	ssyncadd.s32 $0xFFFFF000  }
0x1fc: {  	_ =	swait.ge [sflag:s7], $0x1000  }
0x1fd: {  	[sflag:s7] =	ssyncset.done $0x0  }
0x1fe: {  	[sflag:s7] =	ssyncadd.s32 $0xFFFFF000  }
0x1ff: {  	_ =	swait.ge [sflag:s7], $0x1000  }
0x200: {  	[sflag:s7] =	ssyncset.done $0x0  }
0x201: {  	[sflag:s7] =	ssyncadd.s32 $0xFFFFF000  }
0x202: {  	_ =	swait.ge [sflag:s7], $0x1000  }
0x203: {  	[sflag:s7] =	ssyncset.done $0x0  }
0x204: {  	[sflag:s7] =	ssyncadd.s32 $0xFFFFF000  }
0x205: {  	_ =	swait.ge [sflag:s7], $0x1000  }
0x206: {  	[sflag:s7] =	ssyncset.done $0x0  }
0x207: {  	s31 =	rddreg [dreg:$0x5];
	[sflag:s7] =	ssyncadd.s32 $0xFFFFF000  }
0x208: {  	[hbm4b:s31+s2] =	stream.linear.scatter [tilespmem:s4], [sflag:$0x2], $0xA000, $0x38;
	[tilespmem:$0xAF00] =	vst v63  }
0x209: {  	_ =	swait.ge [sflag:s3], $0xA000  }
0x20a: {  	[sflag:s3] =	ssyncset.done $0x0  }
0x20b: {  	[sflag:s3] =	ssyncadd.s32 $0xFFFF6000  }
0x20c: {  	_ =	sfence.sel $0x180000  }
0x20d: {  	[bflag:$0x0] =	sbarrier.arrive $0xFFFF  }
0x20e: {  	_ =	strace $0x90000047  }
0x20f: {  	[bflag:$0x2] =	sbarrier.arrive $0xFFFF  }
0x210: {  	p0 =	sne.s32 s17, $0x0;
	s0 =	rddreg [dreg:$0x1]  }
0x211: {  	s0 =	sadd.s32 @!p0 $0x100000, s0  }
0x212: {  	[sflag:s0] =	ssyncadd.tile.s32 @!p0 $0x1;
	_ =	shalt  }
.LBB2_1:
.Ltmp3:
0x213: {  	s28 =	simm.s32 $0x980;
	(pc) =	sbr.rel .LBB2_6-.Ltmp3, $4  }
0x214: {  	s31 =	simm.s32 $0x900;
	s30 =	simm.s32 $0x880;
	s29 =	simm.s32 $0x800  }
0x215: {  	s26 =	simm.s32 $0xE00;
	s25 =	simm.s32 $0xD80;
	s24 =	simm.s32 $0xD00  }
0x216: {  	s23 =	simm.s32 $0xC80;
	s22 =	simm.s32 $0xC00;
	s21 =	simm.s32 $0xB80  }
0x217: {  	s20 =	simm.s32 $0xB00;
	s19 =	simm.s32 $0xA80;
	s18 =	simm.s32 $0xA00  }
.LBB2_3:
.Ltmp4:
0x218: {  	s28 =	simm.s32 $0x980;
	s31 =	simm.s32 $0x900;
	(pc) =	sbr.rel .LBB2_6-.Ltmp4, $4  }
0x219: {  	s30 =	simm.s32 $0x880;
	s29 =	simm.s32 $0x800;
	s26 =	simm.s32 $0xE00  }
0x21a: {  	s25 =	simm.s32 $0xD80;
	s24 =	simm.s32 $0xD00;
	s23 =	simm.s32 $0xC80  }
0x21b: {  	s22 =	simm.s32 $0xC00;
	s21 =	simm.s32 $0xB80;
	s20 =	simm.s32 $0xB00  }
0x21c: {  	s19 =	simm.s32 $0xA80;
	s18 =	simm.s32 $0xA00;
	s17 =	stileid.u32  }
.Lfunc_end2:
_tile_overlayer_lowered:
.L_overlay_start_2:
0x21d: {  	(tag) =	ssettag $0x2  }
0x21e: {  	s0 =	rddreg [dreg:$0x0];
	s2 =	stileid.u32  }
0x21f: {  	s1 =	rddreg [dreg:$0x1];
	p0 =	sne.s32 s2, $0x0  }
0x220: {  	s3 =	rddreg [dreg:$0x2];
	[bflag:$0x3] =	sbarrier.arrive $0xFFFF;
	s2 =	simm.s32 @!p0 $0x1C02  }
0x221: {  	[timem:s3], [sflag:s2] =	dma.local @!p0 [hbm:s0], s1  }
0x222: {  	s0 =	simm.s32 @!p0 $0x2  }
0x223: {  	_ =	swait.ge @!p0 [sflag:s0], s1  }
0x224: {  	s1 =	ssub.s32 @!p0 $0x0, s1;
	[sflag:s0] =	ssyncset.done @!p0 $0x0  }
0x225: {  	[sflag:s0] =	ssyncadd.s32 @!p0 s1  }
0x226: {  	[bflag:$0x3] =	sbarrier.arrive $0xFFFF  }
0x227: {  	_ =	shalt  }

// kernel: kernel.9.cloned.1.call-start
scs
__scs_entry_jumppad:
0x0: {  	(pc) =	sbr.rel $0x88, $3  }
0x1: {  	(tag) =	ssettag $0x0;
	lr =	simm.s32 $0x1  }
0x2: {  	[smem:$0x3F94] =	sst lr;
	_ =	strace $0xD0000000  }
0x3: {  	_ = 	snop  }
0x4: {  	_ = 	snop  }
0x5: {  	_ = 	snop  }
0x6: {  	_ = 	snop  }
0x7: {  	_ = 	snop  }
__scs_overlays_trampoline_lowered:
0x8: {  	[smem:$0x3FA3] =	sst s0  }
0x9: {  	[smem:$0x3FA4] =	sst s1  }
0xa: {  	[smem:$0x3FA5] =	sst s2  }
0xb: {  	[smem:$0x3FA6] =	sst s3  }
0xc: {  	[smem:$0x3FA7] =	sst s4  }
0xd: {  	[smem:$0x3FA8] =	sst s5  }
0xe: {  	[smem:$0x3FA9] =	sst s6  }
0xf: {  	[smem:$0x3FAA] =	sst s7  }
0x10: {  	[smem:$0x3FAB] =	sst s8  }
0x11: {  	[smem:$0x3FAC] =	sst s9;
	s0 =	simm.s32 @!p0 $0x0  }
0x12: {  	s1 =	sld [smem:$0x3F92];
	s0 =	simm.s32 @p0 $0x1  }
0x13: {  	[smem:$0x3FAD] =	sst s0;
	s0 =	simm.s32 @!p1 $0x0  }
0x14: {  	s2 =	sld [smem:$0x3F91];
	s0 =	simm.s32 @p1 $0x1  }
0x15: {  	[smem:$0x3FAE] =	sst s0;
	s0 =	simm.s32 @!p2 $0x0  }
0x16: {  	s3 =	sld [smem:$0x3FDB];
	s0 =	simm.s32 @p2 $0x1  }
0x17: {  	s4 =	simm.s32 $0x1BF5;
	[smem:$0x3FB0] =	sst s0  }
0x18: {  	s0 =	sld [smem:$0x3F93];
	_ =	swait.ge [sflag:s4], $0x0  }
0x19: {  	s7 =	sld [smem:$0x3F94]  }
0x1a: {  	s8 =	sadd.s32 $0xFFFFE003, lr  }
0x1b: {  	s9 =	sadd.s32 $0xFFFFFEF7, lr;
	s5 =	simm.s32 $0xFFFFFFFF;
	p2 =	slt.u32 s8, $0xFFFFF086  }
0x1c: {  	p1 =	slt.u32 s9, $0xF7A;
	s5 =	simm.s32 @!p2 $0x0  }
0x1d: {  	s5 =	simm.s32 @p1 $0x1;
	p0 =	seq.s32 s7, s2  }
0x1e: {  	s7 =	smul.u32 @!p0 $0xF7A, s2;
	p2 =	seq.s32 @!p0 s5, $0x0  }
0x1f: {  	s9 =	smul.u32 $0xF7A, s1;
	s8 =	simm.s32 @!p0 $0x1BF5;
	p2 =	por !p2, p0  }
0x20: {  	[sflag:s8] =	ssyncset.s32 @!p0 $0xFFFFF086;
	s6 =	sadd.s32 @!p0 s3, s7;
	s7 =	simm.s32 @!p0 $0x108  }
0x21: {  	s3 =	sadd.s32 s3, s9;
	s6 =	sadd.s32 @!p0 $0x88, s6;
	s7 =	simm.s32 @p2 $0x1082  }
0x22: {  	[simem:s7], [sflag:s8] =	dma.local @!p0 [hbm:s6], $0xF7A  }
0x23: {  	s9 =	sor.u32 $0xD0000000, s2;
	s6 =	simm.s32 $0x108;
	_ =	swait.ge @!p0 [sflag:s8], $0x0  }
0x24: {  	s3 =	sadd.s32 $0x88, s3;
	s6 =	simm.s32 @!p1 $0x1082;
	[sflag:s4] =	ssyncset.s32 $0xFFFFF086  }
0x25: {  	[simem:s6], [sflag:s4] =	dma.local [hbm:s3], $0xF7A  }
0x26: {  	[smem:$0x3F94] =	sst s1;
	(tag) =	ssettag s2;
	_ =	strace s9  }
0x27: {  	s1 =	sld [smem:$0x3FA4]  }
0x28: {  	s2 =	sld [smem:$0x3FA5]  }
0x29: {  	s4 =	sld [smem:$0x3FA7]  }
0x2a: {  	p0 =	seq.s32 s5, $0x0;
	s5 =	sld [smem:$0x3FA8]  }
0x2b: {  	s6 =	sld [smem:$0x3FA9]  }
0x2c: {  	s7 =	sld [smem:$0x3FAA]  }
0x2d: {  	s3 =	simm.s32 $0x108;
	s8 =	sld [smem:$0x3FAB]  }
0x2e: {  	s3 =	simm.s32 @!p0 $0x1082;
	s9 =	sld [smem:$0x3FAC]  }
0x2f: {  	lr =	sadd.s32 s0, s3;
	s0 =	sld [smem:$0x3FA3]  }
0x30: {  	s3 =	sld [smem:$0x3FA6]  }
0x31: {  	[smem:$0x3FAF] =	sst s10  }
0x32: {  	s10 =	sld [smem:$0x3FAD];
	_ =	sdelay $0x3  }
0x33: {  	p0 =	seq.s32 s10, $0x1;
	s10 =	sld [smem:$0x3FAF];
	_ =	sdelay $0x3  }
0x34: {  	[smem:$0x3FAF] =	sst s10  }
0x35: {  	s10 =	sld [smem:$0x3FAE];
	_ =	sdelay $0x3  }
0x36: {  	p1 =	seq.s32 s10, $0x1;
	s10 =	sld [smem:$0x3FAF];
	_ =	sdelay $0x3  }
0x37: {  	[smem:$0x3FAF] =	sst s10  }
0x38: {  	s10 =	sld [smem:$0x3FB0]  }
0x39: {  	_ = 	snop;
	(pc) =	sbr.ind lr, $3  }
0x3a: {  	_ = 	snop  }
0x3b: {  	_ = 	snop  }
0x3c: {  	p2 =	seq.s32 s10, $0x1;
	s10 =	sld [smem:$0x3FAF]  }
0x3d: {  	_ =	shalt  }
0x3e: {  	_ =	shalt  }
0x3f: {  	_ =	shalt  }
0x40: {  	_ =	shalt  }
0x41: {  	_ =	shalt  }
0x42: {  	_ =	shalt  }
0x43: {  	_ =	shalt  }
0x44: {  	_ =	shalt  }
0x45: {  	_ =	shalt  }
0x46: {  	_ =	shalt  }
0x47: {  	_ =	shalt  }
0x48: {  	_ =	shalt  }
0x49: {  	_ =	shalt  }
0x4a: {  	_ =	shalt  }
0x4b: {  	_ =	shalt  }
0x4c: {  	_ =	shalt  }
0x4d: {  	_ =	shalt  }
0x4e: {  	_ =	shalt  }
0x4f: {  	_ =	shalt  }
0x50: {  	_ =	shalt  }
0x51: {  	_ =	shalt  }
0x52: {  	_ =	shalt  }
0x53: {  	_ =	shalt  }
0x54: {  	_ =	shalt  }
0x55: {  	_ =	shalt  }
0x56: {  	_ =	shalt  }
0x57: {  	_ =	shalt  }
0x58: {  	_ =	shalt  }
0x59: {  	_ =	shalt  }
0x5a: {  	_ =	shalt  }
0x5b: {  	_ =	shalt  }
0x5c: {  	_ =	shalt  }
0x5d: {  	_ =	shalt  }
0x5e: {  	_ =	shalt  }
0x5f: {  	_ =	shalt  }
0x60: {  	_ =	shalt  }
0x61: {  	_ =	shalt  }
0x62: {  	_ =	shalt  }
0x63: {  	_ =	shalt  }
0x64: {  	_ =	shalt  }
0x65: {  	_ =	shalt  }
0x66: {  	_ =	shalt  }
0x67: {  	_ =	shalt  }
0x68: {  	_ =	shalt  }
0x69: {  	_ =	shalt  }
0x6a: {  	_ =	shalt  }
0x6b: {  	_ =	shalt  }
0x6c: {  	_ =	shalt  }
0x6d: {  	_ =	shalt  }
0x6e: {  	_ =	shalt  }
0x6f: {  	_ =	shalt  }
0x70: {  	_ =	shalt  }
0x71: {  	_ =	shalt  }
0x72: {  	_ =	shalt  }
0x73: {  	_ =	shalt  }
0x74: {  	_ =	shalt  }
0x75: {  	_ =	shalt  }
0x76: {  	_ =	shalt  }
0x77: {  	_ =	shalt  }
0x78: {  	_ =	shalt  }
0x79: {  	_ =	shalt  }
0x7a: {  	_ =	shalt  }
0x7b: {  	_ =	shalt  }
0x7c: {  	_ =	shalt  }
0x7d: {  	_ =	shalt  }
0x7e: {  	_ =	shalt  }
0x7f: {  	_ =	shalt  }
0x80: {  	_ =	shalt  }
0x81: {  	_ =	shalt  }
0x82: {  	_ =	shalt  }
0x83: {  	_ =	shalt  }
0x84: {  	_ =	shalt  }
0x85: {  	_ =	shalt  }
0x86: {  	_ =	shalt  }
0x87: {  	_ =	shalt  }
.Lfunc_end0:
.L_simem_size_0:
called_computation.1_lowered:
.L_overlay_start_0:
0x88: {  	s2 =	sld [smem:$0x3FD9]  }
0x89: {  	s3 =	sld [smem:$0x3FFE];
	_ =	sdelay $0x1  }
0x8a: {  	s1 =	srdreg.scid  }
0x8b: {  	s0 =	sand.u32 $0x1, s1  }
0x8c: {  	s17 =	sshll.u32 s0, $0xA;
	s2 =	sadd.s32 s3, s2  }
0x8d: {  	s2 =	sadd.s32 s2, s17  }
0x8e: {  	[smem:$0x3FBB] =	sst s2  }
0x8f: {  	_ = 	snop  }
0x90: {  	s2 =	sld [smem:$0x3FD0];
	(tm) =	ssettm $0x1  }
0x91: {  	s18 =	sld [smem:$0x3FFB];
	_ =	sdelay $0x3  }
0x92: {  	_ =	strace s18  }
0x93: {  	s3 =	sld [smem:$0x3FFC];
	_ =	sdelay $0x3  }
0x94: {  	_ =	strace s3  }
0x95: {  	s3 =	sld [smem:$0x3FFD];
	_ =	sdelay $0x3  }
0x96: {  	_ =	strace s3  }
0x97: {  	_ =	strace $0x8FFFFFFF  }
0x98: {  	s19 =	sld [smem:$0x3FDB];
	_ =	sdelay $0x1  }
0x99: {  	s4 =	simm.s32 $_scs_section_size  }
0x9a: {  	s5 =	simm.s32 $_size__tile_overlayer_lowered;
	s6 =	simm.s32 $_tile_overlayer_lowered  }
0x9b: {  	s22 =	simm.s32 $0x1BFF;
	s21 =	sshll.u32 s6, $0x1;
	s3 =	sadd.s32 s4, s19  }
0x9c: {  	s7 =	simm.s32 $0x0;
	s20 =	sshll.u32 s5, $0x1;
	s5 =	sadd.s32 s21, s3  }
0x9d: {  	[timem:s7], [sflag:s22] =	dma.local [hbm:s5], s20  }
0x9e: {  	_ =	swait.ge [sflag:s22], s20  }
0x9f: {  	s4 =	ssub.s32 $0x0, s20;
	[sflag:s22] =	ssyncset.done $0x0  }
0xa0: {  	[sflag:s22] =	ssyncadd.s32 s4;
	_ =	sdelay $0x1  }
0xa1: {  	s23 =	simm.s32 $0x1B8B  }
0xa2: {  	_ =	swait.ge [sflag:s23], $0x1  }
0xa3: {  	[sflag:s23] =	ssyncset.done $0x0  }
0xa4: {  	s25 =	simm.s32 $0x1B8E;
	s24 =	sld [smem:$0x3FFE];
	[sflag:s23] =	ssyncadd.s32 $0xFFFFFFFF  }
0xa5: {  	s26 =	simm.s32 $execute0_lowered;
	[smem:$0x3FD2] =	sst s25  }
0xa6: {  	s5 =	sshll.u32 s26, $0x1;
	_ =	strace $0x80000049;
	[dreg:$0x1] =	wrdreg $0xFFFFFFFF  }
0xa7: {  	s28 =	simm.s32 $_size_execute0_lowered;
	s3 =	sadd.s32 s3, s5;
	[dreg:$0x0] =	wrdreg $0x0  }
0xa8: {  	s5 =	sshll.u32 s28, $0x1;
	[dreg:$0x2] =	wrdreg s3  }
0xa9: {  	[dreg:$0x3] =	wrdreg s5  }
0xaa: {  	[dreg:$0x4] =	wrdreg $0xC0  }
0xab: {  	_ =	task [dreg:s7], $0x5FFFF  }
0xac: {  	[dreg:$0x1] =	wrdreg $0xFFFFFFFF  }
0xad: {  	[dreg:$0x0] =	wrdreg $0x60  }
0xae: {  	[dreg:$0x2] =	wrdreg s24  }
0xaf: {  	[dreg:$0x3] =	wrdreg s2  }
0xb0: {  	[dreg:$0x4] =	wrdreg $0xAF000  }
0xb1: {  	[dreg:$0x5] =	wrdreg $0x9  }
0xb2: {  	_ =	task.clear_ibuf [dreg:s7], $0x6FFFF;
	_ =	strace $0x90000049  }
0xb3: {  	s29 =	simm.s32 $0x9;
	_ =	strace $0x8000004B  }
0xb4: {  	_ =	swait.ge [sflag:s29], $0x1  }
0xb5: {  	[sflag:s29] =	ssyncadd.s32 $0xFFFFFFFF  }
0xb6: {  	_ =	strace $0x9000004B  }
0xb7: {  	_ =	sfence  }
0xb8: {  	s30 =	sld [smem:$0x0];
	_ =	sdelay $0x2  }
0xb9: {  	s31 =	sshll.u32 s1, $0xD;
	s1 =	sshrl.u32 s1, $0x2  }
0xba: {  	s3 =	sand.u32 $0x4000, s31;
	s1 =	sadd.s32 s1, s30  }
0xbb: {  	s0 =	sor.u32 s3, s0;
	s1 =	sshll.u32 s1, $0x11  }
0xbc: {  	s0 =	sor.u32 s1, s0  }
0xbd: {  	s0 =	sadd.s32 $0x8F2B, s0  }
0xbe: {  	[sflag:s0] =	ssyncadd.remote.s32 $0x1  }
0xbf: {  	_ =	sfence.sel $0xFFFF  }
0xc0: {  	[dreg:$0x0] =	wrdreg $0xFFFFFFFF;
	(pc) =	sbr.abs _section_cstart, $3  }
0xc1: {  	[dreg:$0x1] =	wrdreg $0xFFFFFFFF  }
0xc2: {  	_ =	task.clear_ibuf [dreg:s7], $0x2FFFF;
	_ =	strace $0x9FFFFFFF  }
0xc3: {  	(tm) =	ssettm $0x7FFFFFFF  }
tec
execute0_lowered:
.L_overlay_start_1:
0x0: {  	(tag) =	ssettag $0x1  }
0x1: {  	s1 =	rddreg [dreg:$0x0]  }
0x2: {  	s3 =	rddreg [dreg:$0x1]  }
0x3: {  	s0 =	srdreg.scid;
	s2 =	rddreg [dreg:$0x2]  }
0x4: {  	s28 =	stileid.u32;
	s11 =	rddreg [dreg:$0x3]  }
0x5: {  	s17 =	simm.s32 $0x0;
	s0 =	sand.u32 $0x1, s0;
	s4 =	sshll.u32 s28, $0x1  }
0x6: {  	[smem:$0x7FF] =	sst s17;
	s6 =	smul.u32 $0x300, s28;
	s7 =	sadd.s32 $0xA200, s1  }
0x7: {  	s9 =	smul.u32 $0xC000, s28;
	s24 =	sadd.s32 $0x29600, s1;
	s12 =	sadd.s32 $0x11600, s1  }
0x8: {  	s4 =	sor.u32 s0, s4;
	_ =	strace $0x8000004A;
	[dreg:$0x4] =	wrdreg s7  }
0x9: {  	s23 =	sshll.u32 s0, $0x5;
	s5 =	smul.u32 $0x1E0, s4;
	s8 =	sshrl.u32 s6, $0x3  }
0xa: {  	s25 =	sor.u32 s23, s9;
	s9 =	sor.u32 $0x80, s6;
	s4 =	smul.u32 $0x3C00, s4  }
0xb: {  	s3 =	sadd.s32 s3, s8;
	s10 =	sshll.u32 s9, $0x6;
	s8 =	simm.s32 $0x16500  }
0xc: {  	s5 =	sadd.s32 s5, s1;
	[dreg:$0x5] =	wrdreg s3;
	s3 =	sshrl.u32 s25, $0x3  }
0xd: {  	s13 =	sor.u32 s23, s10;
	[dreg:$0x1e] =	wrdreg s8;
	s8 =	simm.s32 $0x800  }
0xe: {  	s10 =	sadd.s32 $0x100, s6;
	s5 =	sadd.s32 $0x2A8E00, s5;
	[smem:$0x7F0] =	sst s8  }
0xf: {  	s25 =	smul.u32 $0x600, s28;
	s26 =	sadd.s32 s24, s3;
	[dreg:$0x6] =	wrdreg s5  }
0x10: {  	s3 =	sadd.s32 s12, s3;
	[dreg:$0x7] =	wrdreg s26;
	s5 =	sshrl.u32 s13, $0x3  }
0x11: {  	[dreg:$0x8] =	wrdreg s3;
	s13 =	sshll.u32 s10, $0x6;
	s26 =	sadd.s32 $0xB600, s1  }
0x12: {  	s14 =	sadd.s32 s24, s5;
	s15 =	sor.u32 s23, s13;
	s5 =	sadd.s32 s12, s5  }
0x13: {  	s13 =	sadd.s32 $0x180, s6;
	[dreg:$0x9] =	wrdreg s14;
	s3 =	sshrl.u32 s15, $0x3  }
0x14: {  	[dreg:$0xa] =	wrdreg s5;
	s14 =	sshll.u32 s13, $0x6;
	s16 =	sadd.s32 s24, s3  }
0x15: {  	s18 =	sor.u32 s23, s14;
	s3 =	sadd.s32 s12, s3;
	s14 =	sadd.s32 $0x200, s6  }
0x16: {  	s6 =	sadd.s32 $0x280, s6;
	[dreg:$0xb] =	wrdreg s16;
	s5 =	sshrl.u32 s18, $0x3  }
0x17: {  	[dreg:$0xc] =	wrdreg s3;
	s16 =	sshll.u32 s10, $0x1;
	s10 =	simm.s32 $0x17500  }
0x18: {  	s15 =	sshll.u32 s14, $0x6;
	s19 =	sadd.s32 s24, s5;
	[smem:$0x7DF] =	sst s10  }
0x19: {  	s21 =	sshll.u32 s6, $0x6;
	s5 =	sadd.s32 s12, s5;
	[dreg:$0xd] =	wrdreg s19  }
0x1a: {  	s7 =	sor.u32 s23, s21;
	s18 =	sadd.s32 s26, s16;
	[dreg:$0xe] =	wrdreg s5  }
0x1b: {  	s21 =	sshll.u32 s14, $0x1;
	s14 =	simm.s32 $0x100;
	[dreg:$0x15] =	wrdreg s18  }
0x1c: {  	s4 =	sadd.s32 s4, s1;
	s16 =	simm.s32 $0x200;
	[smem:$0x7E2] =	sst s14  }
0x1d: {  	s20 =	sor.u32 s23, s15;
	s10 =	simm.s32 $0x900;
	[smem:$0x7E4] =	sst s16  }
0x1e: {  	s23 =	sshrl.u32 s7, $0x3;
	s7 =	sadd.s32 s26, s25;
	[smem:$0x7F2] =	sst s10  }
0x1f: {  	s25 =	sadd.s32 $0x2ACA00, s4;
	[dreg:$0x13] =	wrdreg s7  }
0x20: {  	s18 =	simm.s32 $0x280;
	[dreg:$0x19] =	wrdreg s25  }
0x21: {  	s3 =	sshrl.u32 s20, $0x3;
	s16 =	simm.s32 $0xA00;
	[smem:$0x7E5] =	sst s18  }
0x22: {  	s22 =	sadd.s32 s24, s3;
	[smem:$0x7F4] =	sst s16  }
0x23: {  	s3 =	sadd.s32 s12, s3;
	[dreg:$0xf] =	wrdreg s22  }
0x24: {  	s24 =	sadd.s32 s24, s23;
	[dreg:$0x10] =	wrdreg s3  }
0x25: {  	s19 =	sshll.u32 s13, $0x1;
	s5 =	sadd.s32 s12, s23;
	[dreg:$0x11] =	wrdreg s24  }
0x26: {  	s20 =	sadd.s32 s26, s19;
	[dreg:$0x12] =	wrdreg s5  }
0x27: {  	s23 =	sshll.u32 s6, $0x1;
	s6 =	simm.s32 $0x15D00;
	[dreg:$0x16] =	wrdreg s20  }
0x28: {  	s12 =	sshll.u32 s9, $0x1;
	s9 =	simm.s32 $0x16D00;
	[dreg:$0x1d] =	wrdreg s6  }
0x29: {  	s19 =	simm.s32 $0x300;
	[dreg:$0x1f] =	wrdreg s9  }
0x2a: {  	s31 =	simm.s32 $0x14F00;
	s25 =	simm.s32 $0x500;
	[smem:$0x7E6] =	sst s19  }
0x2b: {  	p1 =	por $0x0, $0x0;
	s18 =	simm.s32 $0xA80;
	[smem:$0x7EA] =	sst s25  }
0x2c: {  	s30 =	simm.s32 $0x15180;
	s15 =	sadd.s32 s26, s12;
	[smem:$0x7F5] =	sst s18  }
0x2d: {  	s29 =	simm.s32 $0x15480;
	s22 =	sadd.s32 s26, s21;
	[dreg:$0x14] =	wrdreg s15  }
0x2e: {  	p0 =	sne.s32 s0, $0x0;
	s24 =	sadd.s32 s26, s23;
	[dreg:$0x17] =	wrdreg s22  }
0x2f: {  	s8 =	simm.s32 $0x20;
	s26 =	sadd.s32 $0x2ADE00, s4;
	[dreg:$0x18] =	wrdreg s24  }
0x30: {  	s14 =	sadd.s32 $0x6600, s1;
	s4 =	sadd.s32 $0x2AF200, s4;
	[dreg:$0x1a] =	wrdreg s26  }
0x31: {  	s10 =	simm.s32 $0x18500;
	s5 =	simm.s32 $0x15500;
	[dreg:$0x1b] =	wrdreg s4  }
0x32: {  	s7 =	smul.u32 $0x27400, s28;
	s12 =	simm.s32 $0x17D00;
	[dreg:$0x1c] =	wrdreg s5  }
0x33: {  	s16 =	simm.s32 $0x1F00;
	s20 =	simm.s32 $0x380;
	[smem:$0x7E0] =	sst s12  }
0x34: {  	s21 =	ssub.s32 $0x2, s0;
	s6 =	simm.s32 $0x700;
	[smem:$0x7E7] =	sst s20  }
0x35: {  	s9 =	simm.s32 $0x880;
	s19 =	simm.s32 $0xB00;
	[smem:$0x7EE] =	sst s6  }
0x36: {  	s18 =	simm.s32 $0x15100;
	s25 =	simm.s32 $0xE00;
	[smem:$0x7F1] =	sst s9  }
0x37: {  	s0 =	simm.s32 $0x15000;
	s4 =	sshrl.u32 s7, $0x2;
	[smem:$0x7F6] =	sst s19  }
0x38: {  	s15 =	simm.s32 $0x180;
	s12 =	sadd.s32 $0x2A00, s1;
	[smem:$0x7FC] =	sst s25  }
0x39: {  	s22 =	simm.s32 $0x400;
	s23 =	sshrl.u32 s21, $0x1;
	[smem:$0x7E3] =	sst s15  }
0x3a: {  	s24 =	simm.s32 $0x480;
	s26 =	simm.s32 $0x580;
	[smem:$0x7E8] =	sst s22  }
0x3b: {  	s7 =	simm.s32 $0x780;
	s20 =	simm.s32 $0xB80;
	[smem:$0x7E9] =	sst s24  }
0x3c: {  	s6 =	simm.s32 $0xF00;
	s19 =	simm.s32 $0x5F00;
	[smem:$0x7EB] =	sst s26  }
0x3d: {  	s9 =	simm.s32 $0x40;
	s4 =	sadd.s32 s4, s2;
	[smem:$0x7EF] =	sst s7  }
0x3e: {  	s15 =	sadd.s32 $0x26E400, s1;
	s3 =	ssub.s32 s21, s23;
	[smem:$0x7F7] =	sst s20  }
0x3f: {  	s21 =	simm.s32 $0xC00;
	s1 =	simm.s32 $0x15080;
	s22 =	simm.s32 $0xC80  }
0x40: {  	s23 =	simm.s32 $0xD00;
	s24 =	simm.s32 $0xD80;
	s26 =	simm.s32 $0xE80  }
0x41: {  	s20 =	simm.s32 $0x7F00;
	s7 =	simm.s32 $0x19500;
	[smem:$0x7F8] =	sst s21  }
0x42: {  	s13 =	sshrl.u32 s4, $0x3;
	s5 =	smax.u32 s3, $0x1;
	[smem:$0x7F9] =	sst s22  }
0x43: {  	s3 =	simm.s32 $0x600;
	[smem:$0x7FA] =	sst s23;
	s25 =	sadd.s32 $0xFFFFFFFF, s5  }
0x44: {  	s4 =	simm.s32 $0x680;
	[smem:$0x7FB] =	sst s24;
	p2 =	sne.s32 s25, $0x0  }
.Ltmp0:
0x45: {  	[smem:$0x7FD] =	sst s26;
	s26 =	simm.s32 $0x3F00;
	(pc) =	sbr.rel @!p2 .LBB2_5-.Ltmp0, $4  }
0x46: {  	s21 =	simm.s32 $0x6F00;
	s24 =	simm.s32 $0x2;
	[smem:$0x7E1] =	sst s13  }
0x47: {  	s23 =	simm.s32 $0x1;
	[smem:$0x7EC] =	sst s3;
	s3 =	simm.s32 $0x4  }
0x48: {  	[smem:$0x7ED] =	sst s4;
	s4 =	simm.s32 $0x80;
	s13 =	simm.s32 $0x980  }
0x49: {  	s5 =	simm.s32 $0x14F80;
	[smem:$0x7F3] =	sst s13;
	s13 =	simm.s32 $0x3  }
0x4a: {  	s22 =	rddreg [dreg:$0x5]  }
0x4b: {  	[smem:$0x7DE] =	sst s25;
	s6 =	simm.s32 $0x14C00  }
0x4c: {  	[tilespmem:s6], [sflag:$0x4] =	stream.linear.gather [hbm4b:s22+s17], $0x300, $0x38;
	[tilespmem:$0x1A500] =	vst v63  }
0x4d: {  	_ =	swait.ge [sflag:s3], $0x300  }
0x4e: {  	[sflag:s3] =	ssyncset.done $0x0  }
0x4f: {  	[sflag:s3] =	ssyncadd.s32 $0xFFFFFD00  }
0x50: {  	[tilespmem:s31], [sflag:$0x1] =	stream.indirect.gather [hbm4b:s12+s4], $0x1, s6, s4, $0xb8;
	[tilespmem:$0x1A500] =	vst v63  }
0x51: {  	s17 =	simm.s32 $0x15200  }
0x52: {  	[tilespmem:s17], [sflag:$0x1] =	stream.indirect.gather [hbm4b:s14+s4], $0x1, s6, s4, $0xb8;
	[tilespmem:$0x1A500] =	vst v63  }
0x53: {  	s11 =	rddreg [dreg:$0x1c]  }
0x54: {  	[tilespmem:s11], [sflag:$0x1] =	stream.indirect.gather [hbm4b:s15+s4], $0x10, s6, s4, $0xb8;
	[tilespmem:$0x1A500] =	vst v63  }
0x55: {  	s26 =	simm.s32 $0x14C80  }
0x56: {  	[tilespmem:s5], [sflag:$0x1] =	stream.indirect.gather [hbm4b:s12+s4], $0x1, s26, s4, $0xb8;
	[tilespmem:$0x1A500] =	vst v63  }
0x57: {  	s31 =	simm.s32 $0x15280  }
0x58: {  	[tilespmem:s31], [sflag:$0x1] =	stream.indirect.gather [hbm4b:s14+s4], $0x1, s26, s4, $0xb8;
	[tilespmem:$0x1A500] =	vst v63  }
0x59: {  	s11 =	rddreg [dreg:$0x1d]  }
0x5a: {  	[tilespmem:s11], [sflag:$0x1] =	stream.indirect.gather [hbm4b:s15+s4], $0x10, s26, s4, $0xb8;
	[tilespmem:$0x1A500] =	vst v63  }
0x5b: {  	s22 =	simm.s32 $0x14D00  }
0x5c: {  	[tilespmem:s0], [sflag:$0x1] =	stream.indirect.gather [hbm4b:s12+s4], $0x1, s22, s4, $0xb8;
	[tilespmem:$0x1A500] =	vst v63  }
0x5d: {  	s11 =	simm.s32 $0x15300  }
0x5e: {  	[tilespmem:s11], [sflag:$0x1] =	stream.indirect.gather [hbm4b:s14+s4], $0x1, s22, s4, $0xb8;
	[tilespmem:$0x1A500] =	vst v63  }
0x5f: {  	s26 =	rddreg [dreg:$0x1e]  }
0x60: {  	[tilespmem:s26], [sflag:$0x1] =	stream.indirect.gather [hbm4b:s15+s4], $0x10, s22, s4, $0xb8;
	[tilespmem:$0x1A500] =	vst v63  }
0x61: {  	s26 =	simm.s32 $0x14D80  }
0x62: {  	[tilespmem:s1], [sflag:$0x1] =	stream.indirect.gather [hbm4b:s12+s4], $0x1, s26, s4, $0xb8;
	[tilespmem:$0x1A500] =	vst v63  }
0x63: {  	s11 =	simm.s32 $0x15380  }
0x64: {  	[tilespmem:s11], [sflag:$0x1] =	stream.indirect.gather [hbm4b:s14+s4], $0x1, s26, s4, $0xb8;
	[tilespmem:$0x1A500] =	vst v63  }
0x65: {  	s1 =	rddreg [dreg:$0x1f]  }
0x66: {  	[tilespmem:s1], [sflag:$0x1] =	stream.indirect.gather [hbm4b:s15+s4], $0x10, s26, s4, $0xb8;
	[tilespmem:$0x1A500] =	vst v63  }
0x67: {  	s28 =	sshll.u32 s28, $0x6;
	s26 =	simm.s32 $0x14E00  }
0x68: {  	[tilespmem:s18], [sflag:$0x1] =	stream.indirect.gather [hbm4b:s12+s4], $0x1, s26, s4, $0xb8;
	[tilespmem:$0x1A500] =	vst v63  }
0x69: {  	s28 =	sor.u32 $0x1C04, s28;
	s11 =	simm.s32 $0x15400;
	s1 =	sld [smem:$0x7DF]  }
0x6a: {  	[tilespmem:s11], [sflag:$0x1] =	stream.indirect.gather [hbm4b:s14+s4], $0x1, s26, s4, $0xb8;
	[tilespmem:$0x1A500] =	vst v63  }
0x6b: {  	[smem:$0x7DD] =	sst s28  }
0x6c: {  	[tilespmem:s1], [sflag:$0x1] =	stream.indirect.gather [hbm4b:s15+s4], $0x10, s26, s4, $0xb8;
	[tilespmem:$0x1A500] =	vst v63  }
0x6d: {  	s25 =	simm.s32 $0x14E80;
	s22 =	sld [smem:$0x7E0]  }
0x6e: {  	[tilespmem:s30], [sflag:$0x1] =	stream.indirect.gather [hbm4b:s12+s4], $0x1, s25, s4, $0xb8;
	[tilespmem:$0x1A500] =	vst v63  }
0x6f: {  	s11 =	sld [smem:$0x7E1]  }
0x70: {  	[tilespmem:s29], [sflag:$0x1] =	stream.indirect.gather [hbm4b:s14+s4], $0x1, s25, s4, $0xb8;
	[tilespmem:$0x1A500] =	vst v63  }
0x71: {  	s26 =	rddreg [dreg:$0x4]  }
0x72: {  	[tilespmem:s22], [sflag:$0x1] =	stream.indirect.gather [hbm4b:s15+s4], $0x10, s25, s4, $0xb8;
	[tilespmem:$0x1A500] =	vst v63  }
0x73: {  	[spmem:s11], [sflag:s28] =	dma.local [hbm:s26], $0x13A0  }
0x74: {  	_ =	swait.ge [sflag:s3], $0x13A0  }
0x75: {  	[sflag:s3] =	ssyncset.done $0x0  }
0x76: {  	s6 =	simm.s32 $0x0;
	s11 =	rddreg [dreg:$0x6];
	[sflag:s3] =	ssyncadd.s32 $0xFFFFEC60  }
0x77: {  	[tilespmem:s6], [sflag:$0x4] =	stream.linear.gather [hbm4b:s11+s6], $0xF00, $0x38;
	[tilespmem:$0x1A500] =	vst v63  }
0x78: {  	_ =	swait.ge [sflag:s3], $0xF00  }
0x79: {  	[sflag:s3] =	ssyncset.done $0x0  }
0x7a: {  	[sflag:s3] =	ssyncadd.s32 $0xFFFFF100  }
0x7b: {  	[bflag:$0x0] =	sbarrier.arrive $0xFFFF  }
0x7c: {  	s5 =	simm.s32 $0xF00;
	s25 =	rddreg [dreg:$0x19]  }
0x7d: {  	[tilespmem:s5], [sflag:$0x4] =	stream.linear.gather [hbm4b:s25+s6], $0xA000, $0x38;
	[tilespmem:$0x1A500] =	vst v63  }
0x7e: {  	_ =	swait.ge [sflag:s3], $0xA000  }
0x7f: {  	[sflag:s3] =	ssyncset.done $0x0  }
0x80: {  	[sflag:s3] =	ssyncadd.s32 $0xFFFF6000  }
0x81: {  	[spmem:s2] =	stream.indirect.scatter.add.f32 [tilespmem:s5], [sflag:$0x2], $0x20, s6, s4, $0xb8;
	[tilespmem:$0x1A500] =	vst v63  }
0x82: {  	s26 =	sld [smem:$0x7E2]  }
0x83: {  	[spmem:s2] =	stream.indirect.scatter.add.f32 [tilespmem:s16], [sflag:$0x2], $0x20, s4, s4, $0xb8;
	[tilespmem:$0x1A500] =	vst v63  }
0x84: {  	s28 =	sld [smem:$0x7E3];
	s16 =	simm.s32 $0x2F00  }
0x85: {  	[spmem:s2] =	stream.indirect.scatter.add.f32 [tilespmem:s16], [sflag:$0x2], $0x20, s26, s4, $0xb8;
	[tilespmem:$0x1A500] =	vst v63  }
0x86: {  	s1 =	simm.s32 $0x3F00;
	s0 =	sld [smem:$0x7E4]  }
0x87: {  	[spmem:s2] =	stream.indirect.scatter.add.f32 [tilespmem:s1], [sflag:$0x2], $0x20, s28, s4, $0xb8;
	[tilespmem:$0x1A500] =	vst v63  }
0x88: {  	s26 =	simm.s32 $0x4F00;
	s28 =	sld [smem:$0x7E5]  }
0x89: {  	[spmem:s2] =	stream.indirect.scatter.add.f32 [tilespmem:s26], [sflag:$0x2], $0x20, s0, s4, $0xb8;
	[tilespmem:$0x1A500] =	vst v63  }
0x8a: {  	s0 =	sld [smem:$0x7E6]  }
0x8b: {  	[spmem:s2] =	stream.indirect.scatter.add.f32 [tilespmem:s19], [sflag:$0x2], $0x20, s28, s4, $0xb8;
	[tilespmem:$0x1A500] =	vst v63  }
0x8c: {  	s28 =	sld [smem:$0x7E7]  }
0x8d: {  	[spmem:s2] =	stream.indirect.scatter.add.f32 [tilespmem:s21], [sflag:$0x2], $0x20, s0, s4, $0xb8;
	[tilespmem:$0x1A500] =	vst v63  }
0x8e: {  	s0 =	sld [smem:$0x7E8]  }
0x8f: {  	[spmem:s2] =	stream.indirect.scatter.add.f32 [tilespmem:s20], [sflag:$0x2], $0x20, s28, s4, $0xb8;
	[tilespmem:$0x1A500] =	vst v63  }
0x90: {  	s25 =	sld [smem:$0x7E9];
	s19 =	simm.s32 $0x8F00  }
0x91: {  	[spmem:s2] =	stream.indirect.scatter.add.f32 [tilespmem:s19], [sflag:$0x2], $0x20, s0, s4, $0xb8;
	[tilespmem:$0x1A500] =	vst v63  }
0x92: {  	s20 =	simm.s32 $0x9F00  }
0x93: {  	[spmem:s2] =	stream.indirect.scatter.add.f32 [tilespmem:s20], [sflag:$0x2], $0x20, s25, s4, $0xb8;
	[tilespmem:$0x1A500] =	vst v63  }
0x94: {  	_ =	swait.ge [sflag:s24], $0x1000  }
0x95: {  	[sflag:s24] =	ssyncset.done $0x0  }
0x96: {  	[sflag:s24] =	ssyncadd.s32 $0xFFFFF000  }
0x97: {  	_ =	swait.ge [sflag:s24], $0x1000  }
0x98: {  	[sflag:s24] =	ssyncset.done $0x0  }
0x99: {  	[sflag:s24] =	ssyncadd.s32 $0xFFFFF000  }
0x9a: {  	_ =	swait.ge [sflag:s24], $0x1000  }
0x9b: {  	[sflag:s24] =	ssyncset.done $0x0  }
0x9c: {  	[sflag:s24] =	ssyncadd.s32 $0xFFFFF000  }
0x9d: {  	_ =	swait.ge [sflag:s24], $0x1000  }
0x9e: {  	[sflag:s24] =	ssyncset.done $0x0  }
0x9f: {  	[sflag:s24] =	ssyncadd.s32 $0xFFFFF000  }
0xa0: {  	_ =	swait.ge [sflag:s24], $0x1000  }
0xa1: {  	[sflag:s24] =	ssyncset.done $0x0  }
0xa2: {  	[sflag:s24] =	ssyncadd.s32 $0xFFFFF000  }
0xa3: {  	_ =	swait.ge [sflag:s24], $0x1000  }
0xa4: {  	[sflag:s24] =	ssyncset.done $0x0  }
0xa5: {  	[sflag:s24] =	ssyncadd.s32 $0xFFFFF000  }
0xa6: {  	_ =	swait.ge [sflag:s24], $0x1000  }
0xa7: {  	[sflag:s24] =	ssyncset.done $0x0  }
0xa8: {  	[sflag:s24] =	ssyncadd.s32 $0xFFFFF000  }
0xa9: {  	_ =	swait.ge [sflag:s24], $0x1000  }
0xaa: {  	[sflag:s24] =	ssyncset.done $0x0  }
0xab: {  	[sflag:s24] =	ssyncadd.s32 $0xFFFFF000  }
0xac: {  	_ =	swait.ge [sflag:s24], $0x1000  }
0xad: {  	[sflag:s24] =	ssyncset.done $0x0  }
0xae: {  	[sflag:s24] =	ssyncadd.s32 $0xFFFFF000  }
0xaf: {  	_ =	swait.ge [sflag:s24], $0x1000  }
0xb0: {  	[sflag:s24] =	ssyncset.done $0x0  }
0xb1: {  	s25 =	rddreg [dreg:$0x1a];
	[sflag:s24] =	ssyncadd.s32 $0xFFFFF000  }
0xb2: {  	[tilespmem:s5], [sflag:$0x4] =	stream.linear.gather [hbm4b:s25+s6], $0xA000, $0x38;
	[tilespmem:$0x1A500] =	vst v63  }
0xb3: {  	_ =	swait.ge [sflag:s3], $0xA000  }
0xb4: {  	s22 =	sld [smem:$0x7EA]  }
0xb5: {  	[sflag:s3] =	ssyncset.done $0x0  }
0xb6: {  	s25 =	sld [smem:$0x7EB];
	[sflag:s3] =	ssyncadd.s32 $0xFFFF6000  }
0xb7: {  	[spmem:s2] =	stream.indirect.scatter.add.f32 [tilespmem:s5], [sflag:$0x2], $0x20, s22, s4, $0xb8;
	[tilespmem:$0x1A500] =	vst v63  }
0xb8: {  	s11 =	simm.s32 $0x1F00;
	s22 =	sld [smem:$0x7EC]  }
0xb9: {  	[spmem:s2] =	stream.indirect.scatter.add.f32 [tilespmem:s11], [sflag:$0x2], $0x20, s25, s4, $0xb8;
	[tilespmem:$0x1A500] =	vst v63  }
0xba: {  	s25 =	sld [smem:$0x7ED]  }
0xbb: {  	[spmem:s2] =	stream.indirect.scatter.add.f32 [tilespmem:s16], [sflag:$0x2], $0x20, s22, s4, $0xb8;
	[tilespmem:$0x1A500] =	vst v63  }
0xbc: {  	s22 =	sld [smem:$0x7EE]  }
0xbd: {  	[spmem:s2] =	stream.indirect.scatter.add.f32 [tilespmem:s1], [sflag:$0x2], $0x20, s25, s4, $0xb8;
	[tilespmem:$0x1A500] =	vst v63  }
0xbe: {  	s25 =	sld [smem:$0x7EF]  }
0xbf: {  	[spmem:s2] =	stream.indirect.scatter.add.f32 [tilespmem:s26], [sflag:$0x2], $0x20, s22, s4, $0xb8;
	[tilespmem:$0x1A500] =	vst v63  }
0xc0: {  	s21 =	simm.s32 $0x5F00;
	s22 =	sld [smem:$0x7F0]  }
0xc1: {  	[spmem:s2] =	stream.indirect.scatter.add.f32 [tilespmem:s21], [sflag:$0x2], $0x20, s25, s4, $0xb8;
	[tilespmem:$0x1A500] =	vst v63  }
0xc2: {  	s28 =	simm.s32 $0x6F00;
	s25 =	sld [smem:$0x7F1]  }
0xc3: {  	[spmem:s2] =	stream.indirect.scatter.add.f32 [tilespmem:s28], [sflag:$0x2], $0x20, s22, s4, $0xb8;
	[tilespmem:$0x1A500] =	vst v63  }
0xc4: {  	s0 =	simm.s32 $0x7F00;
	s22 =	sld [smem:$0x7F2]  }
0xc5: {  	[spmem:s2] =	stream.indirect.scatter.add.f32 [tilespmem:s0], [sflag:$0x2], $0x20, s25, s4, $0xb8;
	[tilespmem:$0x1A500] =	vst v63  }
0xc6: {  	s25 =	sld [smem:$0x7F3]  }
0xc7: {  	[spmem:s2] =	stream.indirect.scatter.add.f32 [tilespmem:s19], [sflag:$0x2], $0x20, s22, s4, $0xb8;
	[tilespmem:$0x1A500] =	vst v63  }
0xc8: {  	_ = 	snop  }
0xc9: {  	[spmem:s2] =	stream.indirect.scatter.add.f32 [tilespmem:s20], [sflag:$0x2], $0x20, s25, s4, $0xb8;
	[tilespmem:$0x1A500] =	vst v63  }
0xca: {  	_ =	swait.ge [sflag:s24], $0x1000  }
0xcb: {  	[sflag:s24] =	ssyncset.done $0x0  }
0xcc: {  	[sflag:s24] =	ssyncadd.s32 $0xFFFFF000  }
0xcd: {  	_ =	swait.ge [sflag:s24], $0x1000  }
0xce: {  	[sflag:s24] =	ssyncset.done $0x0  }
0xcf: {  	[sflag:s24] =	ssyncadd.s32 $0xFFFFF000  }
0xd0: {  	_ =	swait.ge [sflag:s24], $0x1000  }
0xd1: {  	[sflag:s24] =	ssyncset.done $0x0  }
0xd2: {  	[sflag:s24] =	ssyncadd.s32 $0xFFFFF000  }
0xd3: {  	_ =	swait.ge [sflag:s24], $0x1000  }
0xd4: {  	[sflag:s24] =	ssyncset.done $0x0  }
0xd5: {  	[sflag:s24] =	ssyncadd.s32 $0xFFFFF000  }
0xd6: {  	_ =	swait.ge [sflag:s24], $0x1000  }
0xd7: {  	[sflag:s24] =	ssyncset.done $0x0  }
0xd8: {  	[sflag:s24] =	ssyncadd.s32 $0xFFFFF000  }
0xd9: {  	_ =	swait.ge [sflag:s24], $0x1000  }
0xda: {  	[sflag:s24] =	ssyncset.done $0x0  }
0xdb: {  	[sflag:s24] =	ssyncadd.s32 $0xFFFFF000  }
0xdc: {  	_ =	swait.ge [sflag:s24], $0x1000  }
0xdd: {  	[sflag:s24] =	ssyncset.done $0x0  }
0xde: {  	[sflag:s24] =	ssyncadd.s32 $0xFFFFF000  }
0xdf: {  	_ =	swait.ge [sflag:s24], $0x1000  }
0xe0: {  	[sflag:s24] =	ssyncset.done $0x0  }
0xe1: {  	[sflag:s24] =	ssyncadd.s32 $0xFFFFF000  }
0xe2: {  	_ =	swait.ge [sflag:s24], $0x1000  }
0xe3: {  	[sflag:s24] =	ssyncset.done $0x0  }
0xe4: {  	[sflag:s24] =	ssyncadd.s32 $0xFFFFF000  }
0xe5: {  	_ =	swait.ge [sflag:s24], $0x1000  }
0xe6: {  	[sflag:s24] =	ssyncset.done $0x0  }
0xe7: {  	s25 =	rddreg [dreg:$0x1b];
	[sflag:s24] =	ssyncadd.s32 $0xFFFFF000  }
0xe8: {  	[tilespmem:s5], [sflag:$0x4] =	stream.linear.gather [hbm4b:s25+s6], $0xA000, $0x38;
	[tilespmem:$0x1A500] =	vst v63  }
0xe9: {  	_ =	swait.ge [sflag:s3], $0xA000  }
0xea: {  	s6 =	sld [smem:$0x7F4]  }
0xeb: {  	[sflag:s3] =	ssyncset.done $0x0  }
0xec: {  	s25 =	sld [smem:$0x7F5];
	[sflag:s3] =	ssyncadd.s32 $0xFFFF6000  }
0xed: {  	[spmem:s2] =	stream.indirect.scatter.add.f32 [tilespmem:s5], [sflag:$0x2], $0x20, s6, s4, $0xb8;
	[tilespmem:$0x1A500] =	vst v63  }
0xee: {  	s6 =	sld [smem:$0x7F6]  }
0xef: {  	[spmem:s2] =	stream.indirect.scatter.add.f32 [tilespmem:s11], [sflag:$0x2], $0x20, s25, s4, $0xb8;
	[tilespmem:$0x1A500] =	vst v63  }
0xf0: {  	s11 =	sld [smem:$0x7F7]  }
0xf1: {  	[spmem:s2] =	stream.indirect.scatter.add.f32 [tilespmem:s16], [sflag:$0x2], $0x20, s6, s4, $0xb8;
	[tilespmem:$0x1A500] =	vst v63  }
0xf2: {  	s16 =	sld [smem:$0x7F8]  }
0xf3: {  	[spmem:s2] =	stream.indirect.scatter.add.f32 [tilespmem:s1], [sflag:$0x2], $0x20, s11, s4, $0xb8;
	[tilespmem:$0x1A500] =	vst v63  }
0xf4: {  	s1 =	sld [smem:$0x7F9]  }
0xf5: {  	[spmem:s2] =	stream.indirect.scatter.add.f32 [tilespmem:s26], [sflag:$0x2], $0x20, s16, s4, $0xb8;
	[tilespmem:$0x1A500] =	vst v63  }
0xf6: {  	s5 =	sld [smem:$0x7FA]  }
0xf7: {  	[spmem:s2] =	stream.indirect.scatter.add.f32 [tilespmem:s21], [sflag:$0x2], $0x20, s1, s4, $0xb8;
	[tilespmem:$0x1A500] =	vst v63  }
0xf8: {  	s6 =	sld [smem:$0x7FB]  }
0xf9: {  	[spmem:s2] =	stream.indirect.scatter.add.f32 [tilespmem:s28], [sflag:$0x2], $0x20, s5, s4, $0xb8;
	[tilespmem:$0x1A500] =	vst v63  }
0xfa: {  	s11 =	sld [smem:$0x7FC]  }
0xfb: {  	[spmem:s2] =	stream.indirect.scatter.add.f32 [tilespmem:s0], [sflag:$0x2], $0x20, s6, s4, $0xb8;
	[tilespmem:$0x1A500] =	vst v63  }
0xfc: {  	s16 =	sld [smem:$0x7FD]  }
0xfd: {  	[spmem:s2] =	stream.indirect.scatter.add.f32 [tilespmem:s19], [sflag:$0x2], $0x20, s11, s4, $0xb8;
	[tilespmem:$0x1A500] =	vst v63  }
0xfe: {  	_ = 	snop  }
0xff: {  	[spmem:s2] =	stream.indirect.scatter.add.f32 [tilespmem:s20], [sflag:$0x2], $0x20, s16, s4, $0xb8;
	[tilespmem:$0x1A500] =	vst v63  }
0x100: {  	_ =	swait.ge [sflag:s24], $0x1000  }
0x101: {  	[sflag:s24] =	ssyncset.done $0x0  }
0x102: {  	[sflag:s24] =	ssyncadd.s32 $0xFFFFF000  }
0x103: {  	_ =	swait.ge [sflag:s24], $0x1000  }
0x104: {  	[sflag:s24] =	ssyncset.done $0x0  }
0x105: {  	[sflag:s24] =	ssyncadd.s32 $0xFFFFF000  }
0x106: {  	_ =	swait.ge [sflag:s24], $0x1000  }
0x107: {  	[sflag:s24] =	ssyncset.done $0x0  }
0x108: {  	[sflag:s24] =	ssyncadd.s32 $0xFFFFF000  }
0x109: {  	_ =	swait.ge [sflag:s24], $0x1000  }
0x10a: {  	[sflag:s24] =	ssyncset.done $0x0  }
0x10b: {  	[sflag:s24] =	ssyncadd.s32 $0xFFFFF000  }
0x10c: {  	_ =	swait.ge [sflag:s24], $0x1000  }
0x10d: {  	[sflag:s24] =	ssyncset.done $0x0  }
0x10e: {  	[sflag:s24] =	ssyncadd.s32 $0xFFFFF000  }
0x10f: {  	_ =	swait.ge [sflag:s24], $0x1000  }
0x110: {  	[sflag:s24] =	ssyncset.done $0x0  }
0x111: {  	[sflag:s24] =	ssyncadd.s32 $0xFFFFF000  }
0x112: {  	_ =	swait.ge [sflag:s24], $0x1000  }
0x113: {  	[sflag:s24] =	ssyncset.done $0x0  }
0x114: {  	[sflag:s24] =	ssyncadd.s32 $0xFFFFF000  }
0x115: {  	_ =	swait.ge [sflag:s24], $0x1000  }
0x116: {  	[sflag:s24] =	ssyncset.done $0x0  }
0x117: {  	[sflag:s24] =	ssyncadd.s32 $0xFFFFF000  }
0x118: {  	_ =	swait.ge [sflag:s24], $0x1000  }
0x119: {  	[sflag:s24] =	ssyncset.done $0x0  }
0x11a: {  	[sflag:s24] =	ssyncadd.s32 $0xFFFFF000  }
0x11b: {  	_ =	swait.ge [sflag:s24], $0x1000  }
0x11c: {  	[sflag:s24] =	ssyncset.done $0x0  }
0x11d: {  	[sflag:s24] =	ssyncadd.s32 $0xFFFFF000  }
0x11e: {  	_ =	swait.ge [sflag:s23], $0x80  }
0x11f: {  	[sflag:s23] =	ssyncset.done $0x0  }
0x120: {  	[sflag:s23] =	ssyncadd.s32 $0xFFFFFF80  }
0x121: {  	_ =	swait.ge [sflag:s23], $0x80  }
0x122: {  	[sflag:s23] =	ssyncset.done $0x0  }
0x123: {  	[sflag:s23] =	ssyncadd.s32 $0xFFFFFF80  }
0x124: {  	_ =	swait.ge [sflag:s23], $0x800  }
0x125: {  	[sflag:s23] =	ssyncset.done $0x0  }
0x126: {  	[sflag:s23] =	ssyncadd.s32 $0xFFFFF800  }
0x127: {  	_ =	swait.ge [sflag:s23], $0x80  }
0x128: {  	[sflag:s23] =	ssyncset.done $0x0  }
0x129: {  	[sflag:s23] =	ssyncadd.s32 $0xFFFFFF80  }
0x12a: {  	_ =	swait.ge [sflag:s23], $0x80  }
0x12b: {  	[sflag:s23] =	ssyncset.done $0x0  }
0x12c: {  	[sflag:s23] =	ssyncadd.s32 $0xFFFFFF80  }
0x12d: {  	_ =	swait.ge [sflag:s23], $0x800  }
0x12e: {  	[sflag:s23] =	ssyncset.done $0x0  }
0x12f: {  	[sflag:s23] =	ssyncadd.s32 $0xFFFFF800  }
0x130: {  	_ =	swait.ge [sflag:s23], $0x80  }
0x131: {  	[sflag:s23] =	ssyncset.done $0x0  }
0x132: {  	[sflag:s23] =	ssyncadd.s32 $0xFFFFFF80  }
0x133: {  	_ =	swait.ge [sflag:s23], $0x80  }
0x134: {  	[sflag:s23] =	ssyncset.done $0x0  }
0x135: {  	[sflag:s23] =	ssyncadd.s32 $0xFFFFFF80  }
0x136: {  	_ =	swait.ge [sflag:s23], $0x800  }
0x137: {  	[sflag:s23] =	ssyncset.done $0x0  }
0x138: {  	[sflag:s23] =	ssyncadd.s32 $0xFFFFF800  }
0x139: {  	_ =	swait.ge [sflag:s23], $0x80  }
0x13a: {  	[sflag:s23] =	ssyncset.done $0x0  }
0x13b: {  	[sflag:s23] =	ssyncadd.s32 $0xFFFFFF80  }
0x13c: {  	_ =	swait.ge [sflag:s23], $0x80  }
0x13d: {  	[sflag:s23] =	ssyncset.done $0x0  }
0x13e: {  	[sflag:s23] =	ssyncadd.s32 $0xFFFFFF80  }
0x13f: {  	_ =	swait.ge [sflag:s23], $0x800  }
0x140: {  	[sflag:s23] =	ssyncset.done $0x0  }
0x141: {  	[sflag:s23] =	ssyncadd.s32 $0xFFFFF800  }
0x142: {  	_ =	swait.ge [sflag:s23], $0x80  }
0x143: {  	[sflag:s23] =	ssyncset.done $0x0  }
0x144: {  	[sflag:s23] =	ssyncadd.s32 $0xFFFFFF80  }
0x145: {  	_ =	swait.ge [sflag:s23], $0x80  }
0x146: {  	[sflag:s23] =	ssyncset.done $0x0  }
0x147: {  	[sflag:s23] =	ssyncadd.s32 $0xFFFFFF80  }
0x148: {  	_ =	swait.ge [sflag:s23], $0x800  }
0x149: {  	[sflag:s23] =	ssyncset.done $0x0  }
0x14a: {  	[sflag:s23] =	ssyncadd.s32 $0xFFFFF800  }
0x14b: {  	_ =	swait.ge [sflag:s23], $0x80  }
0x14c: {  	[sflag:s23] =	ssyncset.done $0x0  }
0x14d: {  	[sflag:s23] =	ssyncadd.s32 $0xFFFFFF80  }
0x14e: {  	_ =	swait.ge [sflag:s23], $0x80  }
0x14f: {  	[sflag:s23] =	ssyncset.done $0x0  }
0x150: {  	[sflag:s23] =	ssyncadd.s32 $0xFFFFFF80  }
0x151: {  	_ =	swait.ge [sflag:s23], $0x800  }
0x152: {  	[sflag:s23] =	ssyncset.done $0x0  }
0x153: {  	[sflag:s23] =	ssyncadd.s32 $0xFFFFF800  }
0x154: {  	s19 =	simm.s32 $0x14F00;
	[bflag:$0x0] =	sbarrier.arrive $0xFFFF  }
0x155: {  	[tilespmem:s10], [sflag:$0x3] =	stream.indirect.gather [spmem:s2], $0x20, s19, s4, $0xb8;
	[tilespmem:$0x1A500] =	vst v63  }
0x156: {  	_ = 	snop  }
0x157: {  	[tilespmem:s7], [sflag:$0x3] =	stream.indirect.gather [spmem:s2], $0x20, s17, s4, $0xb8;
	[tilespmem:$0x1A500] =	vst v63  }
0x158: {  	_ =	swait.ge [sflag:s13], $0x1000  }
0x159: {  	[sflag:s13] =	ssyncset.done $0x0  }
0x15a: {  	[sflag:s13] =	ssyncadd.s32 $0xFFFFF000  }
0x15b: {  	_ =	swait.ge [sflag:s13], $0x1000  }
0x15c: {  	[sflag:s13] =	ssyncset.done $0x0  }
0x15d: {  	s20 =	rddreg [dreg:$0x7];
	[sflag:s13] =	ssyncadd.s32 $0xFFFFF000  }
0x15e: {  	[hbm4b:s20+s8] =	stream.strided.scatter [tilespmem:s10], [sflag:$0x4], $0x1000, s9, s8, $0x38;
	[tilespmem:$0x1A500] =	vst v63  }
0x15f: {  	_ =	swait.ge [sflag:s3], $0x1000  }
0x160: {  	[sflag:s3] =	ssyncset.done $0x0  }
0x161: {  	s21 =	rddreg [dreg:$0x8];
	[sflag:s3] =	ssyncadd.s32 $0xFFFFF000  }
0x162: {  	[hbm4b:s21+s8] =	stream.strided.scatter [tilespmem:s7], [sflag:$0x4], $0x1000, s9, s8, $0x38;
	[tilespmem:$0x1A500] =	vst v63  }
0x163: {  	_ =	swait.ge [sflag:s3], $0x1000  }
0x164: {  	[sflag:s3] =	ssyncset.done $0x0  }
0x165: {  	s25 =	simm.s32 $0x14F80;
	[sflag:s3] =	ssyncadd.s32 $0xFFFFF000  }
0x166: {  	[tilespmem:s10], [sflag:$0x3] =	stream.indirect.gather [spmem:s2], $0x20, s25, s4, $0xb8;
	[tilespmem:$0x1A500] =	vst v63  }
0x167: {  	_ = 	snop  }
0x168: {  	[tilespmem:s7], [sflag:$0x3] =	stream.indirect.gather [spmem:s2], $0x20, s31, s4, $0xb8;
	[tilespmem:$0x1A500] =	vst v63  }
0x169: {  	_ =	swait.ge [sflag:s13], $0x1000  }
0x16a: {  	[sflag:s13] =	ssyncset.done $0x0  }
0x16b: {  	[sflag:s13] =	ssyncadd.s32 $0xFFFFF000  }
0x16c: {  	_ =	swait.ge [sflag:s13], $0x1000  }
0x16d: {  	[sflag:s13] =	ssyncset.done $0x0  }
0x16e: {  	s26 =	rddreg [dreg:$0x9];
	[sflag:s13] =	ssyncadd.s32 $0xFFFFF000  }
0x16f: {  	[hbm4b:s26+s8] =	stream.strided.scatter [tilespmem:s10], [sflag:$0x4], $0x1000, s9, s8, $0x38;
	[tilespmem:$0x1A500] =	vst v63  }
0x170: {  	_ =	swait.ge [sflag:s3], $0x1000  }
0x171: {  	[sflag:s3] =	ssyncset.done $0x0  }
0x172: {  	s28 =	rddreg [dreg:$0xa];
	[sflag:s3] =	ssyncadd.s32 $0xFFFFF000  }
0x173: {  	[hbm4b:s28+s8] =	stream.strided.scatter [tilespmem:s7], [sflag:$0x4], $0x1000, s9, s8, $0x38;
	[tilespmem:$0x1A500] =	vst v63  }
0x174: {  	_ =	swait.ge [sflag:s3], $0x1000  }
0x175: {  	[sflag:s3] =	ssyncset.done $0x0  }
0x176: {  	s31 =	simm.s32 $0x15000;
	[sflag:s3] =	ssyncadd.s32 $0xFFFFF000  }
0x177: {  	[tilespmem:s10], [sflag:$0x3] =	stream.indirect.gather [spmem:s2], $0x20, s31, s4, $0xb8;
	[tilespmem:$0x1A500] =	vst v63  }
0x178: {  	s1 =	simm.s32 $0x15300  }
0x179: {  	[tilespmem:s7], [sflag:$0x3] =	stream.indirect.gather [spmem:s2], $0x20, s1, s4, $0xb8;
	[tilespmem:$0x1A500] =	vst v63  }
0x17a: {  	_ =	swait.ge [sflag:s13], $0x1000  }
0x17b: {  	[sflag:s13] =	ssyncset.done $0x0  }
0x17c: {  	[sflag:s13] =	ssyncadd.s32 $0xFFFFF000  }
0x17d: {  	_ =	swait.ge [sflag:s13], $0x1000  }
0x17e: {  	[sflag:s13] =	ssyncset.done $0x0  }
0x17f: {  	s5 =	rddreg [dreg:$0xb];
	[sflag:s13] =	ssyncadd.s32 $0xFFFFF000  }
0x180: {  	[hbm4b:s5+s8] =	stream.strided.scatter [tilespmem:s10], [sflag:$0x4], $0x1000, s9, s8, $0x38;
	[tilespmem:$0x1A500] =	vst v63  }
0x181: {  	_ =	swait.ge [sflag:s3], $0x1000  }
0x182: {  	[sflag:s3] =	ssyncset.done $0x0  }
0x183: {  	s6 =	rddreg [dreg:$0xc];
	[sflag:s3] =	ssyncadd.s32 $0xFFFFF000  }
0x184: {  	[hbm4b:s6+s8] =	stream.strided.scatter [tilespmem:s7], [sflag:$0x4], $0x1000, s9, s8, $0x38;
	[tilespmem:$0x1A500] =	vst v63  }
0x185: {  	_ =	swait.ge [sflag:s3], $0x1000  }
0x186: {  	[sflag:s3] =	ssyncset.done $0x0  }
0x187: {  	s11 =	simm.s32 $0x15080;
	[sflag:s3] =	ssyncadd.s32 $0xFFFFF000  }
0x188: {  	[tilespmem:s10], [sflag:$0x3] =	stream.indirect.gather [spmem:s2], $0x20, s11, s4, $0xb8;
	[tilespmem:$0x1A500] =	vst v63  }
0x189: {  	s16 =	simm.s32 $0x15380  }
0x18a: {  	[tilespmem:s7], [sflag:$0x3] =	stream.indirect.gather [spmem:s2], $0x20, s16, s4, $0xb8;
	[tilespmem:$0x1A500] =	vst v63  }
0x18b: {  	_ =	swait.ge [sflag:s13], $0x1000  }
0x18c: {  	[sflag:s13] =	ssyncset.done $0x0  }
0x18d: {  	[sflag:s13] =	ssyncadd.s32 $0xFFFFF000  }
0x18e: {  	_ =	swait.ge [sflag:s13], $0x1000  }
0x18f: {  	[sflag:s13] =	ssyncset.done $0x0  }
0x190: {  	s17 =	rddreg [dreg:$0xd];
	[sflag:s13] =	ssyncadd.s32 $0xFFFFF000  }
0x191: {  	[hbm4b:s17+s8] =	stream.strided.scatter [tilespmem:s10], [sflag:$0x4], $0x1000, s9, s8, $0x38;
	[tilespmem:$0x1A500] =	vst v63  }
0x192: {  	_ =	swait.ge [sflag:s3], $0x1000  }
0x193: {  	[sflag:s3] =	ssyncset.done $0x0  }
0x194: {  	s19 =	rddreg [dreg:$0xe];
	[sflag:s3] =	ssyncadd.s32 $0xFFFFF000  }
0x195: {  	[hbm4b:s19+s8] =	stream.strided.scatter [tilespmem:s7], [sflag:$0x4], $0x1000, s9, s8, $0x38;
	[tilespmem:$0x1A500] =	vst v63  }
0x196: {  	_ =	swait.ge [sflag:s3], $0x1000  }
0x197: {  	[sflag:s3] =	ssyncset.done $0x0  }
0x198: {  	[sflag:s3] =	ssyncadd.s32 $0xFFFFF000  }
0x199: {  	[tilespmem:s10], [sflag:$0x3] =	stream.indirect.gather [spmem:s2], $0x20, s18, s4, $0xb8;
	[tilespmem:$0x1A500] =	vst v63  }
0x19a: {  	s20 =	simm.s32 $0x15400  }
0x19b: {  	[tilespmem:s7], [sflag:$0x3] =	stream.indirect.gather [spmem:s2], $0x20, s20, s4, $0xb8;
	[tilespmem:$0x1A500] =	vst v63  }
0x19c: {  	_ =	swait.ge [sflag:s13], $0x1000  }
0x19d: {  	[sflag:s13] =	ssyncset.done $0x0  }
0x19e: {  	[sflag:s13] =	ssyncadd.s32 $0xFFFFF000  }
0x19f: {  	_ =	swait.ge [sflag:s13], $0x1000  }
0x1a0: {  	[sflag:s13] =	ssyncset.done $0x0  }
0x1a1: {  	s21 =	rddreg [dreg:$0xf];
	[sflag:s13] =	ssyncadd.s32 $0xFFFFF000  }
0x1a2: {  	[hbm4b:s21+s8] =	stream.strided.scatter [tilespmem:s10], [sflag:$0x4], $0x1000, s9, s8, $0x38;
	[tilespmem:$0x1A500] =	vst v63  }
0x1a3: {  	_ =	swait.ge [sflag:s3], $0x1000  }
0x1a4: {  	[sflag:s3] =	ssyncset.done $0x0  }
0x1a5: {  	s25 =	rddreg [dreg:$0x10];
	[sflag:s3] =	ssyncadd.s32 $0xFFFFF000  }
0x1a6: {  	[hbm4b:s25+s8] =	stream.strided.scatter [tilespmem:s7], [sflag:$0x4], $0x1000, s9, s8, $0x38;
	[tilespmem:$0x1A500] =	vst v63  }
0x1a7: {  	_ =	swait.ge [sflag:s3], $0x1000  }
0x1a8: {  	[sflag:s3] =	ssyncset.done $0x0  }
0x1a9: {  	[sflag:s3] =	ssyncadd.s32 $0xFFFFF000  }
0x1aa: {  	[tilespmem:s10], [sflag:$0x3] =	stream.indirect.gather [spmem:s2], $0x20, s30, s4, $0xb8;
	[tilespmem:$0x1A500] =	vst v63  }
0x1ab: {  	_ = 	snop  }
0x1ac: {  	[tilespmem:s7], [sflag:$0x3] =	stream.indirect.gather [spmem:s2], $0x20, s29, s4, $0xb8;
	[tilespmem:$0x1A500] =	vst v63  }
0x1ad: {  	_ =	swait.ge [sflag:s13], $0x1000  }
0x1ae: {  	[sflag:s13] =	ssyncset.done $0x0  }
0x1af: {  	[sflag:s13] =	ssyncadd.s32 $0xFFFFF000  }
0x1b0: {  	_ =	swait.ge [sflag:s13], $0x1000  }
0x1b1: {  	[sflag:s13] =	ssyncset.done $0x0  }
0x1b2: {  	s26 =	rddreg [dreg:$0x11];
	[sflag:s13] =	ssyncadd.s32 $0xFFFFF000  }
0x1b3: {  	[hbm4b:s26+s8] =	stream.strided.scatter [tilespmem:s10], [sflag:$0x4], $0x1000, s9, s8, $0x38;
	[tilespmem:$0x1A500] =	vst v63  }
0x1b4: {  	_ =	swait.ge [sflag:s3], $0x1000  }
0x1b5: {  	[sflag:s3] =	ssyncset.done $0x0  }
0x1b6: {  	s28 =	rddreg [dreg:$0x12];
	[sflag:s3] =	ssyncadd.s32 $0xFFFFF000  }
0x1b7: {  	[hbm4b:s28+s8] =	stream.strided.scatter [tilespmem:s7], [sflag:$0x4], $0x1000, s9, s8, $0x38;
	[tilespmem:$0x1A500] =	vst v63  }
0x1b8: {  	_ =	swait.ge [sflag:s3], $0x1000  }
0x1b9: {  	s22 =	simm.s32 @!p0 $0x4;
	s0 =	simm.s32 @!p0 $0x15500;
	[sflag:s3] =	ssyncset.done $0x0  }
0x1ba: {  	s25 =	simm.s32 @!p0 $0x0;
	s26 =	rddreg [dreg:$0x13];
	[sflag:s3] =	ssyncadd.s32 $0xFFFFF000  }
0x1bb: {  	[hbm4b:s26+s25] =	stream.linear.scatter @!p0 [tilespmem:s0], [sflag:$0x4], $0x800, $0x38;
	[tilespmem:$0x1A500] =	vst v63  }
0x1bc: {  	_ =	swait.ge @!p0 [sflag:s22], $0x800  }
0x1bd: {  	[sflag:s22] =	ssyncset.done @!p0 $0x0  }
0x1be: {  	s0 =	simm.s32 @!p0 $0x15D00;
	s26 =	rddreg [dreg:$0x14];
	[sflag:s22] =	ssyncadd.s32 @!p0 $0xFFFFF800  }
0x1bf: {  	[hbm4b:s26+s25] =	stream.linear.scatter @!p0 [tilespmem:s0], [sflag:$0x4], $0x800, $0x38;
	[tilespmem:$0x1A500] =	vst v63  }
0x1c0: {  	_ =	swait.ge @!p0 [sflag:s22], $0x800  }
0x1c1: {  	[sflag:s22] =	ssyncset.done @!p0 $0x0  }
0x1c2: {  	s0 =	simm.s32 @!p0 $0x16500;
	s26 =	rddreg [dreg:$0x15];
	[sflag:s22] =	ssyncadd.s32 @!p0 $0xFFFFF800  }
0x1c3: {  	[hbm4b:s26+s25] =	stream.linear.scatter @!p0 [tilespmem:s0], [sflag:$0x4], $0x800, $0x38;
	[tilespmem:$0x1A500] =	vst v63  }
0x1c4: {  	_ =	swait.ge @!p0 [sflag:s22], $0x800  }
0x1c5: {  	[sflag:s22] =	ssyncset.done @!p0 $0x0  }
0x1c6: {  	s0 =	simm.s32 @!p0 $0x16D00;
	s26 =	rddreg [dreg:$0x16];
	[sflag:s22] =	ssyncadd.s32 @!p0 $0xFFFFF800  }
0x1c7: {  	[hbm4b:s26+s25] =	stream.linear.scatter @!p0 [tilespmem:s0], [sflag:$0x4], $0x800, $0x38;
	[tilespmem:$0x1A500] =	vst v63  }
0x1c8: {  	_ =	swait.ge @!p0 [sflag:s22], $0x800  }
0x1c9: {  	[sflag:s22] =	ssyncset.done @!p0 $0x0  }
0x1ca: {  	s0 =	simm.s32 @!p0 $0x17500;
	s26 =	rddreg [dreg:$0x17];
	[sflag:s22] =	ssyncadd.s32 @!p0 $0xFFFFF800  }
0x1cb: {  	[hbm4b:s26+s25] =	stream.linear.scatter @!p0 [tilespmem:s0], [sflag:$0x4], $0x800, $0x38;
	[tilespmem:$0x1A500] =	vst v63  }
0x1cc: {  	_ =	swait.ge @!p0 [sflag:s22], $0x800  }
0x1cd: {  	[sflag:s22] =	ssyncset.done @!p0 $0x0;
	s31 =	sld [smem:$0x7DE]  }
0x1ce: {  	s0 =	simm.s32 @!p0 $0x17D00;
	s26 =	rddreg [dreg:$0x18];
	[sflag:s22] =	ssyncadd.s32 @!p0 $0xFFFFF800  }
0x1cf: {  	[hbm4b:s26+s25] =	stream.linear.scatter @!p0 [tilespmem:s0], [sflag:$0x4], $0x800, $0x38;
	[tilespmem:$0x1A500] =	vst v63  }
0x1d0: {  	s26 =	sadd.s32 $0xFFFFFFFF, s31  }
0x1d1: {  	p2 =	sne.s32 s26, $0x0  }
.Ltmp1:
0x1d2: {  	_ = 	snop;
	(pc) =	sbr.rel @!p2 .LBB2_6-.Ltmp1, $2  }
0x1d3: {  	_ =	sdelay $0x2  }
0x1d4: {  	p1 =	por $0x1, $0x1;
	_ =	swait.ge @!p0 [sflag:s22], $0x800  }
0x1d5: {  	s5 =	simm.s32 $0x0  }
0x1d6: {  	s6 =	simm.s32 $0x1F00;
	s21 =	simm.s32 $0x4F00;
	s17 =	simm.s32 $0x6F00  }
0x1d7: {  	s11 =	simm.s32 $0x7F00;
	s19 =	simm.s32 $0x8F00;
	s20 =	simm.s32 $0x9F00  }
.LBB2_3:
0x1d8: {  	[sflag:s22] =	ssyncset.done @!p0 $0x0  }
0x1d9: {  	s28 =	rddreg [dreg:$0x5];
	s0 =	simm.s32 $0x14C00;
	[sflag:s22] =	ssyncadd.s32 @!p0 $0xFFFFF800  }
0x1da: {  	[tilespmem:s0], [sflag:$0x4] =	stream.linear.gather [hbm4b:s28+s5], $0x300, $0x38;
	[tilespmem:$0x1A500] =	vst v63  }
0x1db: {  	_ =	swait.ge [sflag:s3], $0x300  }
0x1dc: {  	[sflag:s3] =	ssyncset.done $0x0  }
0x1dd: {  	s1 =	simm.s32 $0x14F00;
	[sflag:s3] =	ssyncadd.s32 $0xFFFFFD00  }
0x1de: {  	[tilespmem:s1], [sflag:$0x1] =	stream.indirect.gather [hbm4b:s12+s4], $0x1, s0, s4, $0xb8;
	[tilespmem:$0x1A500] =	vst v63  }
0x1df: {  	s16 =	simm.s32 $0x15200  }
0x1e0: {  	[tilespmem:s16], [sflag:$0x1] =	stream.indirect.gather [hbm4b:s14+s4], $0x1, s0, s4, $0xb8;
	[tilespmem:$0x1A500] =	vst v63  }
0x1e1: {  	s31 =	rddreg [dreg:$0x1c]  }
0x1e2: {  	[tilespmem:s31], [sflag:$0x1] =	stream.indirect.gather [hbm4b:s15+s4], $0x10, s0, s4, $0xb8;
	[tilespmem:$0x1A500] =	vst v63  }
0x1e3: {  	s28 =	simm.s32 $0x14F80;
	s0 =	simm.s32 $0x14C80  }
0x1e4: {  	[tilespmem:s28], [sflag:$0x1] =	stream.indirect.gather [hbm4b:s12+s4], $0x1, s0, s4, $0xb8;
	[tilespmem:$0x1A500] =	vst v63  }
0x1e5: {  	s16 =	simm.s32 $0x15280  }
0x1e6: {  	[tilespmem:s16], [sflag:$0x1] =	stream.indirect.gather [hbm4b:s14+s4], $0x1, s0, s4, $0xb8;
	[tilespmem:$0x1A500] =	vst v63  }
0x1e7: {  	s31 =	rddreg [dreg:$0x1d]  }
0x1e8: {  	[tilespmem:s31], [sflag:$0x1] =	stream.indirect.gather [hbm4b:s15+s4], $0x10, s0, s4, $0xb8;
	[tilespmem:$0x1A500] =	vst v63  }
0x1e9: {  	s28 =	simm.s32 $0x15000;
	s0 =	simm.s32 $0x14D00  }
0x1ea: {  	[tilespmem:s28], [sflag:$0x1] =	stream.indirect.gather [hbm4b:s12+s4], $0x1, s0, s4, $0xb8;
	[tilespmem:$0x1A500] =	vst v63  }
0x1eb: {  	s16 =	simm.s32 $0x15300  }
0x1ec: {  	[tilespmem:s16], [sflag:$0x1] =	stream.indirect.gather [hbm4b:s14+s4], $0x1, s0, s4, $0xb8;
	[tilespmem:$0x1A500] =	vst v63  }
0x1ed: {  	s31 =	rddreg [dreg:$0x1e]  }
0x1ee: {  	[tilespmem:s31], [sflag:$0x1] =	stream.indirect.gather [hbm4b:s15+s4], $0x10, s0, s4, $0xb8;
	[tilespmem:$0x1A500] =	vst v63  }
0x1ef: {  	s1 =	simm.s32 $0x14D80;
	s28 =	simm.s32 $0x15080  }
0x1f0: {  	[tilespmem:s28], [sflag:$0x1] =	stream.indirect.gather [hbm4b:s12+s4], $0x1, s1, s4, $0xb8;
	[tilespmem:$0x1A500] =	vst v63  }
0x1f1: {  	s16 =	simm.s32 $0x15380  }
0x1f2: {  	[tilespmem:s16], [sflag:$0x1] =	stream.indirect.gather [hbm4b:s14+s4], $0x1, s1, s4, $0xb8;
	[tilespmem:$0x1A500] =	vst v63  }
0x1f3: {  	s31 =	rddreg [dreg:$0x1f]  }
0x1f4: {  	[tilespmem:s31], [sflag:$0x1] =	stream.indirect.gather [hbm4b:s15+s4], $0x10, s1, s4, $0xb8;
	[tilespmem:$0x1A500] =	vst v63  }
0x1f5: {  	s16 =	simm.s32 $0x14E00  }
0x1f6: {  	[tilespmem:s18], [sflag:$0x1] =	stream.indirect.gather [hbm4b:s12+s4], $0x1, s16, s4, $0xb8;
	[tilespmem:$0x1A500] =	vst v63  }
0x1f7: {  	s31 =	simm.s32 $0x15400;
	s18 =	sld [smem:$0x7DF]  }
0x1f8: {  	[tilespmem:s31], [sflag:$0x1] =	stream.indirect.gather [hbm4b:s14+s4], $0x1, s16, s4, $0xb8;
	[tilespmem:$0x1A500] =	vst v63  }
0x1f9: {  	_ = 	snop  }
0x1fa: {  	[tilespmem:s18], [sflag:$0x1] =	stream.indirect.gather [hbm4b:s15+s4], $0x10, s16, s4, $0xb8;
	[tilespmem:$0x1A500] =	vst v63  }
0x1fb: {  	s29 =	sld [smem:$0x7E1];
	s1 =	simm.s32 $0x14E80  }
0x1fc: {  	[tilespmem:s30], [sflag:$0x1] =	stream.indirect.gather [hbm4b:s12+s4], $0x1, s1, s4, $0xb8;
	[tilespmem:$0x1A500] =	vst v63  }
0x1fd: {  	s31 =	simm.s32 $0x15480;
	s30 =	sld [smem:$0x7E0]  }
0x1fe: {  	[tilespmem:s31], [sflag:$0x1] =	stream.indirect.gather [hbm4b:s14+s4], $0x1, s1, s4, $0xb8;
	[tilespmem:$0x1A500] =	vst v63  }
0x1ff: {  	s31 =	sld [smem:$0x7DD]  }
0x200: {  	s0 =	rddreg [dreg:$0x4]  }
0x201: {  	[tilespmem:s30], [sflag:$0x1] =	stream.indirect.gather [hbm4b:s15+s4], $0x10, s1, s4, $0xb8;
	[tilespmem:$0x1A500] =	vst v63  }
0x202: {  	[spmem:s29], [sflag:s31] =	dma.local [hbm:s0], $0x13A0  }
0x203: {  	_ =	swait.ge [sflag:s3], $0x13A0  }
0x204: {  	[sflag:s3] =	ssyncset.done $0x0  }
0x205: {  	s1 =	rddreg [dreg:$0x6];
	[sflag:s3] =	ssyncadd.s32 $0xFFFFEC60  }
0x206: {  	[tilespmem:s5], [sflag:$0x4] =	stream.linear.gather [hbm4b:s1+s5], $0xF00, $0x38;
	[tilespmem:$0x1A500] =	vst v63  }
0x207: {  	_ =	swait.ge [sflag:s3], $0xF00  }
0x208: {  	[sflag:s3] =	ssyncset.done $0x0  }
0x209: {  	[sflag:s3] =	ssyncadd.s32 $0xFFFFF100  }
0x20a: {  	[bflag:$0x0] =	sbarrier.arrive $0xFFFF  }
0x20b: {  	s0 =	simm.s32 $0xF00;
	s16 =	rddreg [dreg:$0x19]  }
0x20c: {  	[tilespmem:s0], [sflag:$0x4] =	stream.linear.gather [hbm4b:s16+s5], $0xA000, $0x38;
	[tilespmem:$0x1A500] =	vst v63  }
0x20d: {  	_ =	swait.ge [sflag:s3], $0xA000  }
0x20e: {  	[sflag:s3] =	ssyncset.done $0x0  }
0x20f: {  	[sflag:s3] =	ssyncadd.s32 $0xFFFF6000  }
0x210: {  	[spmem:s2] =	stream.indirect.scatter.add.f32 [tilespmem:s0], [sflag:$0x2], $0x20, s5, s4, $0xb8;
	[tilespmem:$0x1A500] =	vst v63  }
0x211: {  	s31 =	sld [smem:$0x7E2]  }
0x212: {  	[spmem:s2] =	stream.indirect.scatter.add.f32 [tilespmem:s6], [sflag:$0x2], $0x20, s4, s4, $0xb8;
	[tilespmem:$0x1A500] =	vst v63  }
0x213: {  	s16 =	simm.s32 $0x2F00;
	s29 =	sld [smem:$0x7E3]  }
0x214: {  	[spmem:s2] =	stream.indirect.scatter.add.f32 [tilespmem:s16], [sflag:$0x2], $0x20, s31, s4, $0xb8;
	[tilespmem:$0x1A500] =	vst v63  }
0x215: {  	s1 =	simm.s32 $0x3F00;
	s30 =	sld [smem:$0x7E4]  }
0x216: {  	[spmem:s2] =	stream.indirect.scatter.add.f32 [tilespmem:s1], [sflag:$0x2], $0x20, s29, s4, $0xb8;
	[tilespmem:$0x1A500] =	vst v63  }
0x217: {  	s28 =	sld [smem:$0x7E5]  }
0x218: {  	[spmem:s2] =	stream.indirect.scatter.add.f32 [tilespmem:s21], [sflag:$0x2], $0x20, s30, s4, $0xb8;
	[tilespmem:$0x1A500] =	vst v63  }
0x219: {  	s31 =	simm.s32 $0x5F00;
	s29 =	sld [smem:$0x7E6]  }
0x21a: {  	[spmem:s2] =	stream.indirect.scatter.add.f32 [tilespmem:s31], [sflag:$0x2], $0x20, s28, s4, $0xb8;
	[tilespmem:$0x1A500] =	vst v63  }
0x21b: {  	s30 =	sld [smem:$0x7E7]  }
0x21c: {  	[spmem:s2] =	stream.indirect.scatter.add.f32 [tilespmem:s17], [sflag:$0x2], $0x20, s29, s4, $0xb8;
	[tilespmem:$0x1A500] =	vst v63  }
0x21d: {  	s28 =	sld [smem:$0x7E8]  }
0x21e: {  	[spmem:s2] =	stream.indirect.scatter.add.f32 [tilespmem:s11], [sflag:$0x2], $0x20, s30, s4, $0xb8;
	[tilespmem:$0x1A500] =	vst v63  }
0x21f: {  	s29 =	sld [smem:$0x7E9]  }
0x220: {  	[spmem:s2] =	stream.indirect.scatter.add.f32 [tilespmem:s19], [sflag:$0x2], $0x20, s28, s4, $0xb8;
	[tilespmem:$0x1A500] =	vst v63  }
0x221: {  	_ = 	snop  }
0x222: {  	[spmem:s2] =	stream.indirect.scatter.add.f32 [tilespmem:s20], [sflag:$0x2], $0x20, s29, s4, $0xb8;
	[tilespmem:$0x1A500] =	vst v63  }
0x223: {  	_ =	swait.ge [sflag:s24], $0x1000  }
0x224: {  	[sflag:s24] =	ssyncset.done $0x0  }
0x225: {  	[sflag:s24] =	ssyncadd.s32 $0xFFFFF000  }
0x226: {  	_ =	swait.ge [sflag:s24], $0x1000  }
0x227: {  	[sflag:s24] =	ssyncset.done $0x0  }
0x228: {  	[sflag:s24] =	ssyncadd.s32 $0xFFFFF000  }
0x229: {  	_ =	swait.ge [sflag:s24], $0x1000  }
0x22a: {  	[sflag:s24] =	ssyncset.done $0x0  }
0x22b: {  	[sflag:s24] =	ssyncadd.s32 $0xFFFFF000  }
0x22c: {  	_ =	swait.ge [sflag:s24], $0x1000  }
0x22d: {  	[sflag:s24] =	ssyncset.done $0x0  }
0x22e: {  	[sflag:s24] =	ssyncadd.s32 $0xFFFFF000  }
0x22f: {  	_ =	swait.ge [sflag:s24], $0x1000  }
0x230: {  	[sflag:s24] =	ssyncset.done $0x0  }
0x231: {  	[sflag:s24] =	ssyncadd.s32 $0xFFFFF000  }
0x232: {  	_ =	swait.ge [sflag:s24], $0x1000  }
0x233: {  	[sflag:s24] =	ssyncset.done $0x0  }
0x234: {  	[sflag:s24] =	ssyncadd.s32 $0xFFFFF000  }
0x235: {  	_ =	swait.ge [sflag:s24], $0x1000  }
0x236: {  	[sflag:s24] =	ssyncset.done $0x0  }
0x237: {  	[sflag:s24] =	ssyncadd.s32 $0xFFFFF000  }
0x238: {  	_ =	swait.ge [sflag:s24], $0x1000  }
0x239: {  	[sflag:s24] =	ssyncset.done $0x0  }
0x23a: {  	[sflag:s24] =	ssyncadd.s32 $0xFFFFF000  }
0x23b: {  	_ =	swait.ge [sflag:s24], $0x1000  }
0x23c: {  	[sflag:s24] =	ssyncset.done $0x0  }
0x23d: {  	[sflag:s24] =	ssyncadd.s32 $0xFFFFF000  }
0x23e: {  	_ =	swait.ge [sflag:s24], $0x1000  }
0x23f: {  	[sflag:s24] =	ssyncset.done $0x0  }
0x240: {  	s28 =	rddreg [dreg:$0x1a];
	[sflag:s24] =	ssyncadd.s32 $0xFFFFF000  }
0x241: {  	[tilespmem:s0], [sflag:$0x4] =	stream.linear.gather [hbm4b:s28+s5], $0xA000, $0x38;
	[tilespmem:$0x1A500] =	vst v63  }
0x242: {  	_ =	swait.ge [sflag:s3], $0xA000  }
0x243: {  	s28 =	sld [smem:$0x7EA]  }
0x244: {  	[sflag:s3] =	ssyncset.done $0x0  }
0x245: {  	s29 =	sld [smem:$0x7EB];
	[sflag:s3] =	ssyncadd.s32 $0xFFFF6000  }
0x246: {  	[spmem:s2] =	stream.indirect.scatter.add.f32 [tilespmem:s0], [sflag:$0x2], $0x20, s28, s4, $0xb8;
	[tilespmem:$0x1A500] =	vst v63  }
0x247: {  	s30 =	sld [smem:$0x7EC]  }
0x248: {  	[spmem:s2] =	stream.indirect.scatter.add.f32 [tilespmem:s6], [sflag:$0x2], $0x20, s29, s4, $0xb8;
	[tilespmem:$0x1A500] =	vst v63  }
0x249: {  	s28 =	sld [smem:$0x7ED]  }
0x24a: {  	[spmem:s2] =	stream.indirect.scatter.add.f32 [tilespmem:s16], [sflag:$0x2], $0x20, s30, s4, $0xb8;
	[tilespmem:$0x1A500] =	vst v63  }
0x24b: {  	s29 =	sld [smem:$0x7EE]  }
0x24c: {  	[spmem:s2] =	stream.indirect.scatter.add.f32 [tilespmem:s1], [sflag:$0x2], $0x20, s28, s4, $0xb8;
	[tilespmem:$0x1A500] =	vst v63  }
0x24d: {  	s30 =	sld [smem:$0x7EF]  }
0x24e: {  	[spmem:s2] =	stream.indirect.scatter.add.f32 [tilespmem:s21], [sflag:$0x2], $0x20, s29, s4, $0xb8;
	[tilespmem:$0x1A500] =	vst v63  }
0x24f: {  	s28 =	sld [smem:$0x7F0]  }
0x250: {  	[spmem:s2] =	stream.indirect.scatter.add.f32 [tilespmem:s31], [sflag:$0x2], $0x20, s30, s4, $0xb8;
	[tilespmem:$0x1A500] =	vst v63  }
0x251: {  	s29 =	sld [smem:$0x7F1]  }
0x252: {  	[spmem:s2] =	stream.indirect.scatter.add.f32 [tilespmem:s17], [sflag:$0x2], $0x20, s28, s4, $0xb8;
	[tilespmem:$0x1A500] =	vst v63  }
0x253: {  	s30 =	sld [smem:$0x7F2]  }
0x254: {  	[spmem:s2] =	stream.indirect.scatter.add.f32 [tilespmem:s11], [sflag:$0x2], $0x20, s29, s4, $0xb8;
	[tilespmem:$0x1A500] =	vst v63  }
0x255: {  	s28 =	sld [smem:$0x7F3]  }
0x256: {  	[spmem:s2] =	stream.indirect.scatter.add.f32 [tilespmem:s19], [sflag:$0x2], $0x20, s30, s4, $0xb8;
	[tilespmem:$0x1A500] =	vst v63  }
0x257: {  	_ = 	snop  }
0x258: {  	[spmem:s2] =	stream.indirect.scatter.add.f32 [tilespmem:s20], [sflag:$0x2], $0x20, s28, s4, $0xb8;
	[tilespmem:$0x1A500] =	vst v63  }
0x259: {  	_ =	swait.ge [sflag:s24], $0x1000  }
0x25a: {  	[sflag:s24] =	ssyncset.done $0x0  }
0x25b: {  	[sflag:s24] =	ssyncadd.s32 $0xFFFFF000  }
0x25c: {  	_ =	swait.ge [sflag:s24], $0x1000  }
0x25d: {  	[sflag:s24] =	ssyncset.done $0x0  }
0x25e: {  	[sflag:s24] =	ssyncadd.s32 $0xFFFFF000  }
0x25f: {  	_ =	swait.ge [sflag:s24], $0x1000  }
0x260: {  	[sflag:s24] =	ssyncset.done $0x0  }
0x261: {  	[sflag:s24] =	ssyncadd.s32 $0xFFFFF000  }
0x262: {  	_ =	swait.ge [sflag:s24], $0x1000  }
0x263: {  	[sflag:s24] =	ssyncset.done $0x0  }
0x264: {  	[sflag:s24] =	ssyncadd.s32 $0xFFFFF000  }
0x265: {  	_ =	swait.ge [sflag:s24], $0x1000  }
0x266: {  	[sflag:s24] =	ssyncset.done $0x0  }
0x267: {  	[sflag:s24] =	ssyncadd.s32 $0xFFFFF000  }
0x268: {  	_ =	swait.ge [sflag:s24], $0x1000  }
0x269: {  	[sflag:s24] =	ssyncset.done $0x0  }
0x26a: {  	[sflag:s24] =	ssyncadd.s32 $0xFFFFF000  }
0x26b: {  	_ =	swait.ge [sflag:s24], $0x1000  }
0x26c: {  	[sflag:s24] =	ssyncset.done $0x0  }
0x26d: {  	[sflag:s24] =	ssyncadd.s32 $0xFFFFF000  }
0x26e: {  	_ =	swait.ge [sflag:s24], $0x1000  }
0x26f: {  	[sflag:s24] =	ssyncset.done $0x0  }
0x270: {  	[sflag:s24] =	ssyncadd.s32 $0xFFFFF000  }
0x271: {  	_ =	swait.ge [sflag:s24], $0x1000  }
0x272: {  	[sflag:s24] =	ssyncset.done $0x0  }
0x273: {  	[sflag:s24] =	ssyncadd.s32 $0xFFFFF000  }
0x274: {  	_ =	swait.ge [sflag:s24], $0x1000  }
0x275: {  	[sflag:s24] =	ssyncset.done $0x0  }
0x276: {  	s28 =	rddreg [dreg:$0x1b];
	[sflag:s24] =	ssyncadd.s32 $0xFFFFF000  }
0x277: {  	[tilespmem:s0], [sflag:$0x4] =	stream.linear.gather [hbm4b:s28+s5], $0xA000, $0x38;
	[tilespmem:$0x1A500] =	vst v63  }
0x278: {  	_ =	swait.ge [sflag:s3], $0xA000  }
0x279: {  	s28 =	sld [smem:$0x7F4]  }
0x27a: {  	[sflag:s3] =	ssyncset.done $0x0  }
0x27b: {  	s29 =	sld [smem:$0x7F5];
	[sflag:s3] =	ssyncadd.s32 $0xFFFF6000  }
0x27c: {  	[spmem:s2] =	stream.indirect.scatter.add.f32 [tilespmem:s0], [sflag:$0x2], $0x20, s28, s4, $0xb8;
	[tilespmem:$0x1A500] =	vst v63  }
0x27d: {  	s30 =	sld [smem:$0x7F6]  }
0x27e: {  	[spmem:s2] =	stream.indirect.scatter.add.f32 [tilespmem:s6], [sflag:$0x2], $0x20, s29, s4, $0xb8;
	[tilespmem:$0x1A500] =	vst v63  }
0x27f: {  	s0 =	sld [smem:$0x7F7]  }
0x280: {  	[spmem:s2] =	stream.indirect.scatter.add.f32 [tilespmem:s16], [sflag:$0x2], $0x20, s30, s4, $0xb8;
	[tilespmem:$0x1A500] =	vst v63  }
0x281: {  	s29 =	sld [smem:$0x7F8]  }
0x282: {  	[spmem:s2] =	stream.indirect.scatter.add.f32 [tilespmem:s1], [sflag:$0x2], $0x20, s0, s4, $0xb8;
	[tilespmem:$0x1A500] =	vst v63  }
0x283: {  	s30 =	sld [smem:$0x7F9]  }
0x284: {  	[spmem:s2] =	stream.indirect.scatter.add.f32 [tilespmem:s21], [sflag:$0x2], $0x20, s29, s4, $0xb8;
	[tilespmem:$0x1A500] =	vst v63  }
0x285: {  	s1 =	sld [smem:$0x7FA]  }
0x286: {  	[spmem:s2] =	stream.indirect.scatter.add.f32 [tilespmem:s31], [sflag:$0x2], $0x20, s30, s4, $0xb8;
	[tilespmem:$0x1A500] =	vst v63  }
0x287: {  	s29 =	sld [smem:$0x7FB]  }
0x288: {  	[spmem:s2] =	stream.indirect.scatter.add.f32 [tilespmem:s17], [sflag:$0x2], $0x20, s1, s4, $0xb8;
	[tilespmem:$0x1A500] =	vst v63  }
0x289: {  	s30 =	sld [smem:$0x7FC]  }
0x28a: {  	[spmem:s2] =	stream.indirect.scatter.add.f32 [tilespmem:s11], [sflag:$0x2], $0x20, s29, s4, $0xb8;
	[tilespmem:$0x1A500] =	vst v63  }
0x28b: {  	s16 =	sld [smem:$0x7FD]  }
0x28c: {  	[spmem:s2] =	stream.indirect.scatter.add.f32 [tilespmem:s19], [sflag:$0x2], $0x20, s30, s4, $0xb8;
	[tilespmem:$0x1A500] =	vst v63  }
0x28d: {  	_ = 	snop  }
0x28e: {  	[spmem:s2] =	stream.indirect.scatter.add.f32 [tilespmem:s20], [sflag:$0x2], $0x20, s16, s4, $0xb8;
	[tilespmem:$0x1A500] =	vst v63  }
0x28f: {  	_ =	swait.ge [sflag:s24], $0x1000  }
0x290: {  	[sflag:s24] =	ssyncset.done $0x0  }
0x291: {  	[sflag:s24] =	ssyncadd.s32 $0xFFFFF000  }
0x292: {  	_ =	swait.ge [sflag:s24], $0x1000  }
0x293: {  	[sflag:s24] =	ssyncset.done $0x0  }
0x294: {  	[sflag:s24] =	ssyncadd.s32 $0xFFFFF000  }
0x295: {  	_ =	swait.ge [sflag:s24], $0x1000  }
0x296: {  	[sflag:s24] =	ssyncset.done $0x0  }
0x297: {  	[sflag:s24] =	ssyncadd.s32 $0xFFFFF000  }
0x298: {  	_ =	swait.ge [sflag:s24], $0x1000  }
0x299: {  	[sflag:s24] =	ssyncset.done $0x0  }
0x29a: {  	[sflag:s24] =	ssyncadd.s32 $0xFFFFF000  }
0x29b: {  	_ =	swait.ge [sflag:s24], $0x1000  }
0x29c: {  	[sflag:s24] =	ssyncset.done $0x0  }
0x29d: {  	[sflag:s24] =	ssyncadd.s32 $0xFFFFF000  }
0x29e: {  	_ =	swait.ge [sflag:s24], $0x1000  }
0x29f: {  	[sflag:s24] =	ssyncset.done $0x0  }
0x2a0: {  	[sflag:s24] =	ssyncadd.s32 $0xFFFFF000  }
0x2a1: {  	_ =	swait.ge [sflag:s24], $0x1000  }
0x2a2: {  	[sflag:s24] =	ssyncset.done $0x0  }
0x2a3: {  	[sflag:s24] =	ssyncadd.s32 $0xFFFFF000  }
0x2a4: {  	_ =	swait.ge [sflag:s24], $0x1000  }
0x2a5: {  	[sflag:s24] =	ssyncset.done $0x0  }
0x2a6: {  	[sflag:s24] =	ssyncadd.s32 $0xFFFFF000  }
0x2a7: {  	_ =	swait.ge [sflag:s24], $0x1000  }
0x2a8: {  	[sflag:s24] =	ssyncset.done $0x0  }
0x2a9: {  	[sflag:s24] =	ssyncadd.s32 $0xFFFFF000  }
0x2aa: {  	_ =	swait.ge [sflag:s24], $0x1000  }
0x2ab: {  	[sflag:s24] =	ssyncset.done $0x0  }
0x2ac: {  	[sflag:s24] =	ssyncadd.s32 $0xFFFFF000  }
0x2ad: {  	_ =	swait.ge [sflag:s23], $0x80  }
0x2ae: {  	[sflag:s23] =	ssyncset.done $0x0  }
0x2af: {  	[sflag:s23] =	ssyncadd.s32 $0xFFFFFF80  }
0x2b0: {  	_ =	swait.ge [sflag:s23], $0x80  }
0x2b1: {  	[sflag:s23] =	ssyncset.done $0x0  }
0x2b2: {  	[sflag:s23] =	ssyncadd.s32 $0xFFFFFF80  }
0x2b3: {  	_ =	swait.ge [sflag:s23], $0x800  }
0x2b4: {  	[sflag:s23] =	ssyncset.done $0x0  }
0x2b5: {  	[sflag:s23] =	ssyncadd.s32 $0xFFFFF800  }
0x2b6: {  	_ =	swait.ge [sflag:s23], $0x80  }
0x2b7: {  	[sflag:s23] =	ssyncset.done $0x0  }
0x2b8: {  	[sflag:s23] =	ssyncadd.s32 $0xFFFFFF80  }
0x2b9: {  	_ =	swait.ge [sflag:s23], $0x80  }
0x2ba: {  	[sflag:s23] =	ssyncset.done $0x0  }
0x2bb: {  	[sflag:s23] =	ssyncadd.s32 $0xFFFFFF80  }
0x2bc: {  	_ =	swait.ge [sflag:s23], $0x800  }
0x2bd: {  	[sflag:s23] =	ssyncset.done $0x0  }
0x2be: {  	[sflag:s23] =	ssyncadd.s32 $0xFFFFF800  }
0x2bf: {  	_ =	swait.ge [sflag:s23], $0x80  }
0x2c0: {  	[sflag:s23] =	ssyncset.done $0x0  }
0x2c1: {  	[sflag:s23] =	ssyncadd.s32 $0xFFFFFF80  }
0x2c2: {  	_ =	swait.ge [sflag:s23], $0x80  }
0x2c3: {  	[sflag:s23] =	ssyncset.done $0x0  }
0x2c4: {  	[sflag:s23] =	ssyncadd.s32 $0xFFFFFF80  }
0x2c5: {  	_ =	swait.ge [sflag:s23], $0x800  }
0x2c6: {  	[sflag:s23] =	ssyncset.done $0x0  }
0x2c7: {  	[sflag:s23] =	ssyncadd.s32 $0xFFFFF800  }
0x2c8: {  	_ =	swait.ge [sflag:s23], $0x80  }
0x2c9: {  	[sflag:s23] =	ssyncset.done $0x0  }
0x2ca: {  	[sflag:s23] =	ssyncadd.s32 $0xFFFFFF80  }
0x2cb: {  	_ =	swait.ge [sflag:s23], $0x80  }
0x2cc: {  	[sflag:s23] =	ssyncset.done $0x0  }
0x2cd: {  	[sflag:s23] =	ssyncadd.s32 $0xFFFFFF80  }
0x2ce: {  	_ =	swait.ge [sflag:s23], $0x800  }
0x2cf: {  	[sflag:s23] =	ssyncset.done $0x0  }
0x2d0: {  	[sflag:s23] =	ssyncadd.s32 $0xFFFFF800  }
0x2d1: {  	_ =	swait.ge [sflag:s23], $0x80  }
0x2d2: {  	[sflag:s23] =	ssyncset.done $0x0  }
0x2d3: {  	[sflag:s23] =	ssyncadd.s32 $0xFFFFFF80  }
0x2d4: {  	_ =	swait.ge [sflag:s23], $0x80  }
0x2d5: {  	[sflag:s23] =	ssyncset.done $0x0  }
0x2d6: {  	[sflag:s23] =	ssyncadd.s32 $0xFFFFFF80  }
0x2d7: {  	_ =	swait.ge [sflag:s23], $0x800  }
0x2d8: {  	[sflag:s23] =	ssyncset.done $0x0  }
0x2d9: {  	[sflag:s23] =	ssyncadd.s32 $0xFFFFF800  }
0x2da: {  	_ =	swait.ge [sflag:s23], $0x80  }
0x2db: {  	[sflag:s23] =	ssyncset.done $0x0  }
0x2dc: {  	[sflag:s23] =	ssyncadd.s32 $0xFFFFFF80  }
0x2dd: {  	_ =	swait.ge [sflag:s23], $0x80  }
0x2de: {  	[sflag:s23] =	ssyncset.done $0x0  }
0x2df: {  	[sflag:s23] =	ssyncadd.s32 $0xFFFFFF80  }
0x2e0: {  	_ =	swait.ge [sflag:s23], $0x800  }
0x2e1: {  	[sflag:s23] =	ssyncset.done $0x0  }
0x2e2: {  	[sflag:s23] =	ssyncadd.s32 $0xFFFFF800  }
0x2e3: {  	s28 =	simm.s32 $0x14F00;
	[bflag:$0x0] =	sbarrier.arrive $0xFFFF  }
0x2e4: {  	[tilespmem:s10], [sflag:$0x3] =	stream.indirect.gather [spmem:s2], $0x20, s28, s4, $0xb8;
	[tilespmem:$0x1A500] =	vst v63  }
0x2e5: {  	s31 =	simm.s32 $0x15200  }
0x2e6: {  	[tilespmem:s7], [sflag:$0x3] =	stream.indirect.gather [spmem:s2], $0x20, s31, s4, $0xb8;
	[tilespmem:$0x1A500] =	vst v63  }
0x2e7: {  	_ =	swait.ge [sflag:s13], $0x1000  }
0x2e8: {  	[sflag:s13] =	ssyncset.done $0x0  }
0x2e9: {  	[sflag:s13] =	ssyncadd.s32 $0xFFFFF000  }
0x2ea: {  	_ =	swait.ge [sflag:s13], $0x1000  }
0x2eb: {  	[sflag:s13] =	ssyncset.done $0x0  }
0x2ec: {  	s1 =	rddreg [dreg:$0x7];
	[sflag:s13] =	ssyncadd.s32 $0xFFFFF000  }
0x2ed: {  	[hbm4b:s1+s8] =	stream.strided.scatter [tilespmem:s10], [sflag:$0x4], $0x1000, s9, s8, $0x38;
	[tilespmem:$0x1A500] =	vst v63  }
0x2ee: {  	_ =	swait.ge [sflag:s3], $0x1000  }
0x2ef: {  	[sflag:s3] =	ssyncset.done $0x0  }
0x2f0: {  	s16 =	rddreg [dreg:$0x8];
	[sflag:s3] =	ssyncadd.s32 $0xFFFFF000  }
0x2f1: {  	[hbm4b:s16+s8] =	stream.strided.scatter [tilespmem:s7], [sflag:$0x4], $0x1000, s9, s8, $0x38;
	[tilespmem:$0x1A500] =	vst v63  }
0x2f2: {  	_ =	swait.ge [sflag:s3], $0x1000  }
0x2f3: {  	[sflag:s3] =	ssyncset.done $0x0  }
0x2f4: {  	s28 =	simm.s32 $0x14F80;
	[sflag:s3] =	ssyncadd.s32 $0xFFFFF000  }
0x2f5: {  	[tilespmem:s10], [sflag:$0x3] =	stream.indirect.gather [spmem:s2], $0x20, s28, s4, $0xb8;
	[tilespmem:$0x1A500] =	vst v63  }
0x2f6: {  	s31 =	simm.s32 $0x15280  }
0x2f7: {  	[tilespmem:s7], [sflag:$0x3] =	stream.indirect.gather [spmem:s2], $0x20, s31, s4, $0xb8;
	[tilespmem:$0x1A500] =	vst v63  }
0x2f8: {  	_ =	swait.ge [sflag:s13], $0x1000  }
0x2f9: {  	[sflag:s13] =	ssyncset.done $0x0  }
0x2fa: {  	[sflag:s13] =	ssyncadd.s32 $0xFFFFF000  }
0x2fb: {  	_ =	swait.ge [sflag:s13], $0x1000  }
0x2fc: {  	[sflag:s13] =	ssyncset.done $0x0  }
0x2fd: {  	s1 =	rddreg [dreg:$0x9];
	[sflag:s13] =	ssyncadd.s32 $0xFFFFF000  }
0x2fe: {  	[hbm4b:s1+s8] =	stream.strided.scatter [tilespmem:s10], [sflag:$0x4], $0x1000, s9, s8, $0x38;
	[tilespmem:$0x1A500] =	vst v63  }
0x2ff: {  	_ =	swait.ge [sflag:s3], $0x1000  }
0x300: {  	[sflag:s3] =	ssyncset.done $0x0  }
0x301: {  	s16 =	rddreg [dreg:$0xa];
	[sflag:s3] =	ssyncadd.s32 $0xFFFFF000  }
0x302: {  	[hbm4b:s16+s8] =	stream.strided.scatter [tilespmem:s7], [sflag:$0x4], $0x1000, s9, s8, $0x38;
	[tilespmem:$0x1A500] =	vst v63  }
0x303: {  	_ =	swait.ge [sflag:s3], $0x1000  }
0x304: {  	[sflag:s3] =	ssyncset.done $0x0  }
0x305: {  	s28 =	simm.s32 $0x15000;
	[sflag:s3] =	ssyncadd.s32 $0xFFFFF000  }
0x306: {  	[tilespmem:s10], [sflag:$0x3] =	stream.indirect.gather [spmem:s2], $0x20, s28, s4, $0xb8;
	[tilespmem:$0x1A500] =	vst v63  }
0x307: {  	s31 =	simm.s32 $0x15300  }
0x308: {  	[tilespmem:s7], [sflag:$0x3] =	stream.indirect.gather [spmem:s2], $0x20, s31, s4, $0xb8;
	[tilespmem:$0x1A500] =	vst v63  }
0x309: {  	_ =	swait.ge [sflag:s13], $0x1000  }
0x30a: {  	[sflag:s13] =	ssyncset.done $0x0  }
0x30b: {  	[sflag:s13] =	ssyncadd.s32 $0xFFFFF000  }
0x30c: {  	_ =	swait.ge [sflag:s13], $0x1000  }
0x30d: {  	[sflag:s13] =	ssyncset.done $0x0  }
0x30e: {  	s1 =	rddreg [dreg:$0xb];
	[sflag:s13] =	ssyncadd.s32 $0xFFFFF000  }
0x30f: {  	[hbm4b:s1+s8] =	stream.strided.scatter [tilespmem:s10], [sflag:$0x4], $0x1000, s9, s8, $0x38;
	[tilespmem:$0x1A500] =	vst v63  }
0x310: {  	_ =	swait.ge [sflag:s3], $0x1000  }
0x311: {  	[sflag:s3] =	ssyncset.done $0x0  }
0x312: {  	s16 =	rddreg [dreg:$0xc];
	[sflag:s3] =	ssyncadd.s32 $0xFFFFF000  }
0x313: {  	[hbm4b:s16+s8] =	stream.strided.scatter [tilespmem:s7], [sflag:$0x4], $0x1000, s9, s8, $0x38;
	[tilespmem:$0x1A500] =	vst v63  }
0x314: {  	_ =	swait.ge [sflag:s3], $0x1000  }
0x315: {  	[sflag:s3] =	ssyncset.done $0x0  }
0x316: {  	s28 =	simm.s32 $0x15080;
	[sflag:s3] =	ssyncadd.s32 $0xFFFFF000  }
0x317: {  	[tilespmem:s10], [sflag:$0x3] =	stream.indirect.gather [spmem:s2], $0x20, s28, s4, $0xb8;
	[tilespmem:$0x1A500] =	vst v63  }
0x318: {  	s31 =	simm.s32 $0x15380  }
0x319: {  	[tilespmem:s7], [sflag:$0x3] =	stream.indirect.gather [spmem:s2], $0x20, s31, s4, $0xb8;
	[tilespmem:$0x1A500] =	vst v63  }
0x31a: {  	_ =	swait.ge [sflag:s13], $0x1000  }
0x31b: {  	[sflag:s13] =	ssyncset.done $0x0  }
0x31c: {  	[sflag:s13] =	ssyncadd.s32 $0xFFFFF000  }
0x31d: {  	_ =	swait.ge [sflag:s13], $0x1000  }
0x31e: {  	[sflag:s13] =	ssyncset.done $0x0  }
0x31f: {  	s1 =	rddreg [dreg:$0xd];
	[sflag:s13] =	ssyncadd.s32 $0xFFFFF000  }
0x320: {  	[hbm4b:s1+s8] =	stream.strided.scatter [tilespmem:s10], [sflag:$0x4], $0x1000, s9, s8, $0x38;
	[tilespmem:$0x1A500] =	vst v63  }
0x321: {  	_ =	swait.ge [sflag:s3], $0x1000  }
0x322: {  	[sflag:s3] =	ssyncset.done $0x0  }
0x323: {  	s16 =	rddreg [dreg:$0xe];
	[sflag:s3] =	ssyncadd.s32 $0xFFFFF000  }
0x324: {  	[hbm4b:s16+s8] =	stream.strided.scatter [tilespmem:s7], [sflag:$0x4], $0x1000, s9, s8, $0x38;
	[tilespmem:$0x1A500] =	vst v63  }
0x325: {  	_ =	swait.ge [sflag:s3], $0x1000  }
0x326: {  	[sflag:s3] =	ssyncset.done $0x0  }
0x327: {  	s18 =	simm.s32 $0x15100;
	[sflag:s3] =	ssyncadd.s32 $0xFFFFF000  }
0x328: {  	[tilespmem:s10], [sflag:$0x3] =	stream.indirect.gather [spmem:s2], $0x20, s18, s4, $0xb8;
	[tilespmem:$0x1A500] =	vst v63  }
0x329: {  	s31 =	simm.s32 $0x15400  }
0x32a: {  	[tilespmem:s7], [sflag:$0x3] =	stream.indirect.gather [spmem:s2], $0x20, s31, s4, $0xb8;
	[tilespmem:$0x1A500] =	vst v63  }
0x32b: {  	_ =	swait.ge [sflag:s13], $0x1000  }
0x32c: {  	[sflag:s13] =	ssyncset.done $0x0  }
0x32d: {  	[sflag:s13] =	ssyncadd.s32 $0xFFFFF000  }
0x32e: {  	_ =	swait.ge [sflag:s13], $0x1000  }
0x32f: {  	[sflag:s13] =	ssyncset.done $0x0  }
0x330: {  	s0 =	rddreg [dreg:$0xf];
	[sflag:s13] =	ssyncadd.s32 $0xFFFFF000  }
0x331: {  	[hbm4b:s0+s8] =	stream.strided.scatter [tilespmem:s10], [sflag:$0x4], $0x1000, s9, s8, $0x38;
	[tilespmem:$0x1A500] =	vst v63  }
0x332: {  	_ =	swait.ge [sflag:s3], $0x1000  }
0x333: {  	[sflag:s3] =	ssyncset.done $0x0  }
0x334: {  	s1 =	rddreg [dreg:$0x10];
	[sflag:s3] =	ssyncadd.s32 $0xFFFFF000  }
0x335: {  	[hbm4b:s1+s8] =	stream.strided.scatter [tilespmem:s7], [sflag:$0x4], $0x1000, s9, s8, $0x38;
	[tilespmem:$0x1A500] =	vst v63  }
0x336: {  	_ =	swait.ge [sflag:s3], $0x1000  }
0x337: {  	[sflag:s3] =	ssyncset.done $0x0  }
0x338: {  	s30 =	simm.s32 $0x15180;
	[sflag:s3] =	ssyncadd.s32 $0xFFFFF000  }
0x339: {  	[tilespmem:s10], [sflag:$0x3] =	stream.indirect.gather [spmem:s2], $0x20, s30, s4, $0xb8;
	[tilespmem:$0x1A500] =	vst v63  }
0x33a: {  	s29 =	simm.s32 $0x15480  }
0x33b: {  	[tilespmem:s7], [sflag:$0x3] =	stream.indirect.gather [spmem:s2], $0x20, s29, s4, $0xb8;
	[tilespmem:$0x1A500] =	vst v63  }
0x33c: {  	_ =	swait.ge [sflag:s13], $0x1000  }
0x33d: {  	[sflag:s13] =	ssyncset.done $0x0  }
0x33e: {  	[sflag:s13] =	ssyncadd.s32 $0xFFFFF000  }
0x33f: {  	_ =	swait.ge [sflag:s13], $0x1000  }
0x340: {  	[sflag:s13] =	ssyncset.done $0x0  }
0x341: {  	s16 =	rddreg [dreg:$0x11];
	[sflag:s13] =	ssyncadd.s32 $0xFFFFF000  }
0x342: {  	[hbm4b:s16+s8] =	stream.strided.scatter [tilespmem:s10], [sflag:$0x4], $0x1000, s9, s8, $0x38;
	[tilespmem:$0x1A500] =	vst v63  }
0x343: {  	_ =	swait.ge [sflag:s3], $0x1000  }
0x344: {  	[sflag:s3] =	ssyncset.done $0x0  }
0x345: {  	s31 =	rddreg [dreg:$0x12];
	[sflag:s3] =	ssyncadd.s32 $0xFFFFF000  }
0x346: {  	[hbm4b:s31+s8] =	stream.strided.scatter [tilespmem:s7], [sflag:$0x4], $0x1000, s9, s8, $0x38;
	[tilespmem:$0x1A500] =	vst v63  }
0x347: {  	_ =	swait.ge [sflag:s3], $0x1000  }
0x348: {  	[sflag:s3] =	ssyncset.done $0x0  }
0x349: {  	s0 =	simm.s32 @!p0 $0x15500;
	s28 =	rddreg [dreg:$0x13];
	[sflag:s3] =	ssyncadd.s32 $0xFFFFF000  }
0x34a: {  	[hbm4b:s28+s25] =	stream.linear.scatter @!p0 [tilespmem:s0], [sflag:$0x4], $0x800, $0x38;
	[tilespmem:$0x1A500] =	vst v63  }
0x34b: {  	_ =	swait.ge @!p0 [sflag:s22], $0x800  }
0x34c: {  	[sflag:s22] =	ssyncset.done @!p0 $0x0  }
0x34d: {  	s0 =	simm.s32 @!p0 $0x15D00;
	s28 =	rddreg [dreg:$0x14];
	[sflag:s22] =	ssyncadd.s32 @!p0 $0xFFFFF800  }
0x34e: {  	[hbm4b:s28+s25] =	stream.linear.scatter @!p0 [tilespmem:s0], [sflag:$0x4], $0x800, $0x38;
	[tilespmem:$0x1A500] =	vst v63  }
0x34f: {  	_ =	swait.ge @!p0 [sflag:s22], $0x800  }
0x350: {  	[sflag:s22] =	ssyncset.done @!p0 $0x0  }
0x351: {  	s0 =	simm.s32 @!p0 $0x16500;
	s28 =	rddreg [dreg:$0x15];
	[sflag:s22] =	ssyncadd.s32 @!p0 $0xFFFFF800  }
0x352: {  	[hbm4b:s28+s25] =	stream.linear.scatter @!p0 [tilespmem:s0], [sflag:$0x4], $0x800, $0x38;
	[tilespmem:$0x1A500] =	vst v63  }
0x353: {  	_ =	swait.ge @!p0 [sflag:s22], $0x800  }
0x354: {  	[sflag:s22] =	ssyncset.done @!p0 $0x0  }
0x355: {  	s0 =	simm.s32 @!p0 $0x16D00;
	s28 =	rddreg [dreg:$0x16];
	[sflag:s22] =	ssyncadd.s32 @!p0 $0xFFFFF800  }
0x356: {  	[hbm4b:s28+s25] =	stream.linear.scatter @!p0 [tilespmem:s0], [sflag:$0x4], $0x800, $0x38;
	[tilespmem:$0x1A500] =	vst v63  }
0x357: {  	s26 =	sadd.s32 $0xFFFFFFFF, s26;
	_ =	swait.ge @!p0 [sflag:s22], $0x800  }
0x358: {  	p2 =	sne.s32 s26, $0x0;
	[sflag:s22] =	ssyncset.done @!p0 $0x0  }
0x359: {  	s0 =	simm.s32 @!p0 $0x17500;
	s28 =	rddreg [dreg:$0x17];
	[sflag:s22] =	ssyncadd.s32 @!p0 $0xFFFFF800  }
0x35a: {  	[hbm4b:s28+s25] =	stream.linear.scatter @!p0 [tilespmem:s0], [sflag:$0x4], $0x800, $0x38;
	[tilespmem:$0x1A500] =	vst v63  }
.Ltmp2:
0x35b: {  	_ =	swait.ge @!p0 [sflag:s22], $0x800;
	(pc) =	sbr.rel @p2 .LBB2_3-.Ltmp2, $4  }
0x35c: {  	[sflag:s22] =	ssyncset.done @!p0 $0x0  }
0x35d: {  	s0 =	simm.s32 @!p0 $0x17D00;
	s28 =	rddreg [dreg:$0x18];
	[sflag:s22] =	ssyncadd.s32 @!p0 $0xFFFFF800  }
0x35e: {  	[hbm4b:s28+s25] =	stream.linear.scatter @!p0 [tilespmem:s0], [sflag:$0x4], $0x800, $0x38;
	[tilespmem:$0x1A500] =	vst v63  }
0x35f: {  	_ =	swait.ge @!p0 [sflag:s22], $0x800  }
0x360: {  	s28 =	stileid.u32;
	s11 =	rddreg [dreg:$0x3]  }
0x361: {  	s1 =	simm.s32 $0x15080;
	s0 =	simm.s32 $0x15000;
	s5 =	simm.s32 $0x14F80  }
0x362: {  	s31 =	simm.s32 $0x14F00;
	s20 =	simm.s32 $0x7F00;
	s21 =	simm.s32 $0x6F00  }
0x363: {  	s26 =	simm.s32 $0x3F00;
	s17 =	simm.s32 $0x0;
	s6 =	simm.s32 $0xF00  }
.LBB2_5:
0x364: {  	p1 =	por p0, !p1  }
0x365: {  	[sflag:s22] =	ssyncset.done @!p1 $0x0  }
0x366: {  	s25 =	rddreg [dreg:$0x5];
	s16 =	simm.s32 $0x14C00;
	[sflag:s22] =	ssyncadd.s32 @!p1 $0xFFFFF800  }
0x367: {  	[tilespmem:s16], [sflag:$0x4] =	stream.linear.gather [hbm4b:s25+s17], $0x300, $0x38;
	[tilespmem:$0x1A500] =	vst v63  }
0x368: {  	_ =	swait.ge [sflag:s3], $0x300  }
0x369: {  	[sflag:s3] =	ssyncset.done $0x0  }
0x36a: {  	[sflag:s3] =	ssyncadd.s32 $0xFFFFFD00  }
0x36b: {  	[tilespmem:s31], [sflag:$0x1] =	stream.indirect.gather [hbm4b:s12+s4], $0x1, s16, s4, $0xb8;
	[tilespmem:$0x1A500] =	vst v63  }
0x36c: {  	s19 =	simm.s32 $0x15200  }
0x36d: {  	[tilespmem:s19], [sflag:$0x1] =	stream.indirect.gather [hbm4b:s14+s4], $0x1, s16, s4, $0xb8;
	[tilespmem:$0x1A500] =	vst v63  }
0x36e: {  	s31 =	rddreg [dreg:$0x1c]  }
0x36f: {  	[tilespmem:s31], [sflag:$0x1] =	stream.indirect.gather [hbm4b:s15+s4], $0x10, s16, s4, $0xb8;
	[tilespmem:$0x1A500] =	vst v63  }
0x370: {  	s16 =	simm.s32 $0x14C80  }
0x371: {  	[tilespmem:s5], [sflag:$0x1] =	stream.indirect.gather [hbm4b:s12+s4], $0x1, s16, s4, $0xb8;
	[tilespmem:$0x1A500] =	vst v63  }
0x372: {  	s25 =	simm.s32 $0x15280  }
0x373: {  	[tilespmem:s25], [sflag:$0x1] =	stream.indirect.gather [hbm4b:s14+s4], $0x1, s16, s4, $0xb8;
	[tilespmem:$0x1A500] =	vst v63  }
0x374: {  	s31 =	rddreg [dreg:$0x1d]  }
0x375: {  	[tilespmem:s31], [sflag:$0x1] =	stream.indirect.gather [hbm4b:s15+s4], $0x10, s16, s4, $0xb8;
	[tilespmem:$0x1A500] =	vst v63  }
0x376: {  	s16 =	simm.s32 $0x14D00  }
0x377: {  	[tilespmem:s0], [sflag:$0x1] =	stream.indirect.gather [hbm4b:s12+s4], $0x1, s16, s4, $0xb8;
	[tilespmem:$0x1A500] =	vst v63  }
0x378: {  	s22 =	simm.s32 $0x15300  }
0x379: {  	[tilespmem:s22], [sflag:$0x1] =	stream.indirect.gather [hbm4b:s14+s4], $0x1, s16, s4, $0xb8;
	[tilespmem:$0x1A500] =	vst v63  }
0x37a: {  	s0 =	rddreg [dreg:$0x1e]  }
0x37b: {  	[tilespmem:s0], [sflag:$0x1] =	stream.indirect.gather [hbm4b:s15+s4], $0x10, s16, s4, $0xb8;
	[tilespmem:$0x1A500] =	vst v63  }
0x37c: {  	s0 =	simm.s32 $0x14D80  }
0x37d: {  	[tilespmem:s1], [sflag:$0x1] =	stream.indirect.gather [hbm4b:s12+s4], $0x1, s0, s4, $0xb8;
	[tilespmem:$0x1A500] =	vst v63  }
0x37e: {  	s31 =	simm.s32 $0x15380  }
0x37f: {  	[tilespmem:s31], [sflag:$0x1] =	stream.indirect.gather [hbm4b:s14+s4], $0x1, s0, s4, $0xb8;
	[tilespmem:$0x1A500] =	vst v63  }
0x380: {  	s16 =	rddreg [dreg:$0x1f]  }
0x381: {  	[tilespmem:s16], [sflag:$0x1] =	stream.indirect.gather [hbm4b:s15+s4], $0x10, s0, s4, $0xb8;
	[tilespmem:$0x1A500] =	vst v63  }
0x382: {  	s0 =	simm.s32 $0x14E00  }
0x383: {  	[tilespmem:s18], [sflag:$0x1] =	stream.indirect.gather [hbm4b:s12+s4], $0x1, s0, s4, $0xb8;
	[tilespmem:$0x1A500] =	vst v63  }
0x384: {  	s1 =	simm.s32 $0x15400;
	s16 =	sld [smem:$0x7DF]  }
0x385: {  	[tilespmem:s1], [sflag:$0x1] =	stream.indirect.gather [hbm4b:s14+s4], $0x1, s0, s4, $0xb8;
	[tilespmem:$0x1A500] =	vst v63  }
0x386: {  	_ = 	snop  }
0x387: {  	[tilespmem:s16], [sflag:$0x1] =	stream.indirect.gather [hbm4b:s15+s4], $0x10, s0, s4, $0xb8;
	[tilespmem:$0x1A500] =	vst v63  }
0x388: {  	s1 =	simm.s32 $0x14E80  }
0x389: {  	[tilespmem:s30], [sflag:$0x1] =	stream.indirect.gather [hbm4b:s12+s4], $0x1, s1, s4, $0xb8;
	[tilespmem:$0x1A500] =	vst v63  }
0x38a: {  	s16 =	sld [smem:$0x7E0]  }
0x38b: {  	[tilespmem:s29], [sflag:$0x1] =	stream.indirect.gather [hbm4b:s14+s4], $0x1, s1, s4, $0xb8;
	[tilespmem:$0x1A500] =	vst v63  }
0x38c: {  	s0 =	sld [smem:$0x7E1]  }
0x38d: {  	[tilespmem:s16], [sflag:$0x1] =	stream.indirect.gather [hbm4b:s15+s4], $0x10, s1, s4, $0xb8;
	[tilespmem:$0x1A500] =	vst v63  }
0x38e: {  	s16 =	sshll.u32 s28, $0x6  }
0x38f: {  	s1 =	rddreg [dreg:$0x4];
	s15 =	sor.u32 $0x1C04, s16  }
0x390: {  	[spmem:s0], [sflag:s15] =	dma.local [hbm:s1], $0x13A0  }
0x391: {  	_ =	swait.ge [sflag:s3], $0x13A0  }
0x392: {  	[sflag:s3] =	ssyncset.done $0x0  }
0x393: {  	s0 =	rddreg [dreg:$0x6];
	[sflag:s3] =	ssyncadd.s32 $0xFFFFEC60  }
0x394: {  	[tilespmem:s17], [sflag:$0x4] =	stream.linear.gather [hbm4b:s0+s17], $0xF00, $0x38;
	[tilespmem:$0x1A500] =	vst v63  }
0x395: {  	_ =	swait.ge [sflag:s3], $0xF00  }
0x396: {  	[sflag:s3] =	ssyncset.done $0x0  }
0x397: {  	[sflag:s3] =	ssyncadd.s32 $0xFFFFF100  }
0x398: {  	[bflag:$0x0] =	sbarrier.arrive $0xFFFF  }
0x399: {  	s1 =	rddreg [dreg:$0x19]  }
0x39a: {  	[tilespmem:s6], [sflag:$0x4] =	stream.linear.gather [hbm4b:s1+s17], $0xA000, $0x38;
	[tilespmem:$0x1A500] =	vst v63  }
0x39b: {  	_ =	swait.ge [sflag:s3], $0xA000  }
0x39c: {  	[sflag:s3] =	ssyncset.done $0x0  }
0x39d: {  	[sflag:s3] =	ssyncadd.s32 $0xFFFF6000  }
0x39e: {  	[spmem:s2] =	stream.indirect.scatter.add.f32 [tilespmem:s6], [sflag:$0x2], $0x20, s17, s4, $0xb8;
	[tilespmem:$0x1A500] =	vst v63  }
0x39f: {  	s5 =	simm.s32 $0x1F00;
	s14 =	sld [smem:$0x7E2]  }
0x3a0: {  	[spmem:s2] =	stream.indirect.scatter.add.f32 [tilespmem:s5], [sflag:$0x2], $0x20, s4, s4, $0xb8;
	[tilespmem:$0x1A500] =	vst v63  }
0x3a1: {  	s0 =	simm.s32 $0x2F00;
	s15 =	sld [smem:$0x7E3]  }
0x3a2: {  	[spmem:s2] =	stream.indirect.scatter.add.f32 [tilespmem:s0], [sflag:$0x2], $0x20, s14, s4, $0xb8;
	[tilespmem:$0x1A500] =	vst v63  }
0x3a3: {  	s16 =	sld [smem:$0x7E4]  }
0x3a4: {  	[spmem:s2] =	stream.indirect.scatter.add.f32 [tilespmem:s26], [sflag:$0x2], $0x20, s15, s4, $0xb8;
	[tilespmem:$0x1A500] =	vst v63  }
0x3a5: {  	s15 =	sld [smem:$0x7E5];
	s26 =	simm.s32 $0x4F00  }
0x3a6: {  	[spmem:s2] =	stream.indirect.scatter.add.f32 [tilespmem:s26], [sflag:$0x2], $0x20, s16, s4, $0xb8;
	[tilespmem:$0x1A500] =	vst v63  }
0x3a7: {  	s31 =	simm.s32 $0x5F00;
	s16 =	sld [smem:$0x7E6]  }
0x3a8: {  	[spmem:s2] =	stream.indirect.scatter.add.f32 [tilespmem:s31], [sflag:$0x2], $0x20, s15, s4, $0xb8;
	[tilespmem:$0x1A500] =	vst v63  }
0x3a9: {  	s15 =	sld [smem:$0x7E7]  }
0x3aa: {  	[spmem:s2] =	stream.indirect.scatter.add.f32 [tilespmem:s21], [sflag:$0x2], $0x20, s16, s4, $0xb8;
	[tilespmem:$0x1A500] =	vst v63  }
0x3ab: {  	s16 =	sld [smem:$0x7E8]  }
0x3ac: {  	[spmem:s2] =	stream.indirect.scatter.add.f32 [tilespmem:s20], [sflag:$0x2], $0x20, s15, s4, $0xb8;
	[tilespmem:$0x1A500] =	vst v63  }
0x3ad: {  	s14 =	sld [smem:$0x7E9];
	s15 =	simm.s32 $0x8F00  }
0x3ae: {  	[spmem:s2] =	stream.indirect.scatter.add.f32 [tilespmem:s15], [sflag:$0x2], $0x20, s16, s4, $0xb8;
	[tilespmem:$0x1A500] =	vst v63  }
0x3af: {  	s16 =	simm.s32 $0x9F00  }
0x3b0: {  	[spmem:s2] =	stream.indirect.scatter.add.f32 [tilespmem:s16], [sflag:$0x2], $0x20, s14, s4, $0xb8;
	[tilespmem:$0x1A500] =	vst v63  }
0x3b1: {  	_ =	swait.ge [sflag:s24], $0x1000  }
0x3b2: {  	[sflag:s24] =	ssyncset.done $0x0  }
0x3b3: {  	[sflag:s24] =	ssyncadd.s32 $0xFFFFF000  }
0x3b4: {  	_ =	swait.ge [sflag:s24], $0x1000  }
0x3b5: {  	[sflag:s24] =	ssyncset.done $0x0  }
0x3b6: {  	[sflag:s24] =	ssyncadd.s32 $0xFFFFF000  }
0x3b7: {  	_ =	swait.ge [sflag:s24], $0x1000  }
0x3b8: {  	[sflag:s24] =	ssyncset.done $0x0  }
0x3b9: {  	[sflag:s24] =	ssyncadd.s32 $0xFFFFF000  }
0x3ba: {  	_ =	swait.ge [sflag:s24], $0x1000  }
0x3bb: {  	[sflag:s24] =	ssyncset.done $0x0  }
0x3bc: {  	[sflag:s24] =	ssyncadd.s32 $0xFFFFF000  }
0x3bd: {  	_ =	swait.ge [sflag:s24], $0x1000  }
0x3be: {  	[sflag:s24] =	ssyncset.done $0x0  }
0x3bf: {  	[sflag:s24] =	ssyncadd.s32 $0xFFFFF000  }
0x3c0: {  	_ =	swait.ge [sflag:s24], $0x1000  }
0x3c1: {  	[sflag:s24] =	ssyncset.done $0x0  }
0x3c2: {  	[sflag:s24] =	ssyncadd.s32 $0xFFFFF000  }
0x3c3: {  	_ =	swait.ge [sflag:s24], $0x1000  }
0x3c4: {  	[sflag:s24] =	ssyncset.done $0x0  }
0x3c5: {  	[sflag:s24] =	ssyncadd.s32 $0xFFFFF000  }
0x3c6: {  	_ =	swait.ge [sflag:s24], $0x1000  }
0x3c7: {  	[sflag:s24] =	ssyncset.done $0x0  }
0x3c8: {  	[sflag:s24] =	ssyncadd.s32 $0xFFFFF000  }
0x3c9: {  	_ =	swait.ge [sflag:s24], $0x1000  }
0x3ca: {  	[sflag:s24] =	ssyncset.done $0x0  }
0x3cb: {  	[sflag:s24] =	ssyncadd.s32 $0xFFFFF000  }
0x3cc: {  	_ =	swait.ge [sflag:s24], $0x1000  }
0x3cd: {  	[sflag:s24] =	ssyncset.done $0x0  }
0x3ce: {  	s14 =	rddreg [dreg:$0x1a];
	[sflag:s24] =	ssyncadd.s32 $0xFFFFF000  }
0x3cf: {  	[tilespmem:s6], [sflag:$0x4] =	stream.linear.gather [hbm4b:s14+s17], $0xA000, $0x38;
	[tilespmem:$0x1A500] =	vst v63  }
0x3d0: {  	_ =	swait.ge [sflag:s3], $0xA000  }
0x3d1: {  	s12 =	sld [smem:$0x7EA]  }
0x3d2: {  	[sflag:s3] =	ssyncset.done $0x0  }
0x3d3: {  	s14 =	sld [smem:$0x7EB];
	[sflag:s3] =	ssyncadd.s32 $0xFFFF6000  }
0x3d4: {  	[spmem:s2] =	stream.indirect.scatter.add.f32 [tilespmem:s6], [sflag:$0x2], $0x20, s12, s4, $0xb8;
	[tilespmem:$0x1A500] =	vst v63  }
0x3d5: {  	s12 =	sld [smem:$0x7EC]  }
0x3d6: {  	[spmem:s2] =	stream.indirect.scatter.add.f32 [tilespmem:s5], [sflag:$0x2], $0x20, s14, s4, $0xb8;
	[tilespmem:$0x1A500] =	vst v63  }
0x3d7: {  	s14 =	sld [smem:$0x7ED]  }
0x3d8: {  	[spmem:s2] =	stream.indirect.scatter.add.f32 [tilespmem:s0], [sflag:$0x2], $0x20, s12, s4, $0xb8;
	[tilespmem:$0x1A500] =	vst v63  }
0x3d9: {  	s1 =	simm.s32 $0x3F00;
	s12 =	sld [smem:$0x7EE]  }
0x3da: {  	[spmem:s2] =	stream.indirect.scatter.add.f32 [tilespmem:s1], [sflag:$0x2], $0x20, s14, s4, $0xb8;
	[tilespmem:$0x1A500] =	vst v63  }
0x3db: {  	s14 =	sld [smem:$0x7EF]  }
0x3dc: {  	[spmem:s2] =	stream.indirect.scatter.add.f32 [tilespmem:s26], [sflag:$0x2], $0x20, s12, s4, $0xb8;
	[tilespmem:$0x1A500] =	vst v63  }
0x3dd: {  	s12 =	sld [smem:$0x7F0]  }
0x3de: {  	[spmem:s2] =	stream.indirect.scatter.add.f32 [tilespmem:s31], [sflag:$0x2], $0x20, s14, s4, $0xb8;
	[tilespmem:$0x1A500] =	vst v63  }
0x3df: {  	s14 =	sld [smem:$0x7F1]  }
0x3e0: {  	[spmem:s2] =	stream.indirect.scatter.add.f32 [tilespmem:s21], [sflag:$0x2], $0x20, s12, s4, $0xb8;
	[tilespmem:$0x1A500] =	vst v63  }
0x3e1: {  	s12 =	sld [smem:$0x7F2]  }
0x3e2: {  	[spmem:s2] =	stream.indirect.scatter.add.f32 [tilespmem:s20], [sflag:$0x2], $0x20, s14, s4, $0xb8;
	[tilespmem:$0x1A500] =	vst v63  }
0x3e3: {  	s14 =	sld [smem:$0x7F3]  }
0x3e4: {  	[spmem:s2] =	stream.indirect.scatter.add.f32 [tilespmem:s15], [sflag:$0x2], $0x20, s12, s4, $0xb8;
	[tilespmem:$0x1A500] =	vst v63  }
0x3e5: {  	_ = 	snop  }
0x3e6: {  	[spmem:s2] =	stream.indirect.scatter.add.f32 [tilespmem:s16], [sflag:$0x2], $0x20, s14, s4, $0xb8;
	[tilespmem:$0x1A500] =	vst v63  }
0x3e7: {  	_ =	swait.ge [sflag:s24], $0x1000  }
0x3e8: {  	[sflag:s24] =	ssyncset.done $0x0  }
0x3e9: {  	[sflag:s24] =	ssyncadd.s32 $0xFFFFF000  }
0x3ea: {  	_ =	swait.ge [sflag:s24], $0x1000  }
0x3eb: {  	[sflag:s24] =	ssyncset.done $0x0  }
0x3ec: {  	[sflag:s24] =	ssyncadd.s32 $0xFFFFF000  }
0x3ed: {  	_ =	swait.ge [sflag:s24], $0x1000  }
0x3ee: {  	[sflag:s24] =	ssyncset.done $0x0  }
0x3ef: {  	[sflag:s24] =	ssyncadd.s32 $0xFFFFF000  }
0x3f0: {  	_ =	swait.ge [sflag:s24], $0x1000  }
0x3f1: {  	[sflag:s24] =	ssyncset.done $0x0  }
0x3f2: {  	[sflag:s24] =	ssyncadd.s32 $0xFFFFF000  }
0x3f3: {  	_ =	swait.ge [sflag:s24], $0x1000  }
0x3f4: {  	[sflag:s24] =	ssyncset.done $0x0  }
0x3f5: {  	[sflag:s24] =	ssyncadd.s32 $0xFFFFF000  }
0x3f6: {  	_ =	swait.ge [sflag:s24], $0x1000  }
0x3f7: {  	[sflag:s24] =	ssyncset.done $0x0  }
0x3f8: {  	[sflag:s24] =	ssyncadd.s32 $0xFFFFF000  }
0x3f9: {  	_ =	swait.ge [sflag:s24], $0x1000  }
0x3fa: {  	[sflag:s24] =	ssyncset.done $0x0  }
0x3fb: {  	[sflag:s24] =	ssyncadd.s32 $0xFFFFF000  }
0x3fc: {  	_ =	swait.ge [sflag:s24], $0x1000  }
0x3fd: {  	[sflag:s24] =	ssyncset.done $0x0  }
0x3fe: {  	[sflag:s24] =	ssyncadd.s32 $0xFFFFF000  }
0x3ff: {  	_ =	swait.ge [sflag:s24], $0x1000  }
0x400: {  	[sflag:s24] =	ssyncset.done $0x0  }
0x401: {  	[sflag:s24] =	ssyncadd.s32 $0xFFFFF000  }
0x402: {  	_ =	swait.ge [sflag:s24], $0x1000  }
0x403: {  	[sflag:s24] =	ssyncset.done $0x0  }
0x404: {  	s14 =	rddreg [dreg:$0x1b];
	[sflag:s24] =	ssyncadd.s32 $0xFFFFF000  }
0x405: {  	[tilespmem:s6], [sflag:$0x4] =	stream.linear.gather [hbm4b:s14+s17], $0xA000, $0x38;
	[tilespmem:$0x1A500] =	vst v63  }
0x406: {  	_ =	swait.ge [sflag:s3], $0xA000  }
0x407: {  	s12 =	sld [smem:$0x7F4]  }
0x408: {  	[sflag:s3] =	ssyncset.done $0x0  }
0x409: {  	s17 =	sld [smem:$0x7F5];
	[sflag:s3] =	ssyncadd.s32 $0xFFFF6000  }
0x40a: {  	[spmem:s2] =	stream.indirect.scatter.add.f32 [tilespmem:s6], [sflag:$0x2], $0x20, s12, s4, $0xb8;
	[tilespmem:$0x1A500] =	vst v63  }
0x40b: {  	s14 =	sld [smem:$0x7F6]  }
0x40c: {  	[spmem:s2] =	stream.indirect.scatter.add.f32 [tilespmem:s5], [sflag:$0x2], $0x20, s17, s4, $0xb8;
	[tilespmem:$0x1A500] =	vst v63  }
0x40d: {  	s17 =	sld [smem:$0x7F7]  }
0x40e: {  	[spmem:s2] =	stream.indirect.scatter.add.f32 [tilespmem:s0], [sflag:$0x2], $0x20, s14, s4, $0xb8;
	[tilespmem:$0x1A500] =	vst v63  }
0x40f: {  	s14 =	sld [smem:$0x7F8]  }
0x410: {  	[spmem:s2] =	stream.indirect.scatter.add.f32 [tilespmem:s1], [sflag:$0x2], $0x20, s17, s4, $0xb8;
	[tilespmem:$0x1A500] =	vst v63  }
0x411: {  	s17 =	sld [smem:$0x7F9]  }
0x412: {  	[spmem:s2] =	stream.indirect.scatter.add.f32 [tilespmem:s26], [sflag:$0x2], $0x20, s14, s4, $0xb8;
	[tilespmem:$0x1A500] =	vst v63  }
0x413: {  	s14 =	sld [smem:$0x7FA]  }
0x414: {  	[spmem:s2] =	stream.indirect.scatter.add.f32 [tilespmem:s31], [sflag:$0x2], $0x20, s17, s4, $0xb8;
	[tilespmem:$0x1A500] =	vst v63  }
0x415: {  	s17 =	sld [smem:$0x7FB]  }
0x416: {  	[spmem:s2] =	stream.indirect.scatter.add.f32 [tilespmem:s21], [sflag:$0x2], $0x20, s14, s4, $0xb8;
	[tilespmem:$0x1A500] =	vst v63  }
0x417: {  	s26 =	sld [smem:$0x7FC]  }
0x418: {  	[spmem:s2] =	stream.indirect.scatter.add.f32 [tilespmem:s20], [sflag:$0x2], $0x20, s17, s4, $0xb8;
	[tilespmem:$0x1A500] =	vst v63  }
0x419: {  	s31 =	sld [smem:$0x7FD]  }
0x41a: {  	[spmem:s2] =	stream.indirect.scatter.add.f32 [tilespmem:s15], [sflag:$0x2], $0x20, s26, s4, $0xb8;
	[tilespmem:$0x1A500] =	vst v63  }
0x41b: {  	_ = 	snop  }
0x41c: {  	[spmem:s2] =	stream.indirect.scatter.add.f32 [tilespmem:s16], [sflag:$0x2], $0x20, s31, s4, $0xb8;
	[tilespmem:$0x1A500] =	vst v63  }
0x41d: {  	_ =	swait.ge [sflag:s24], $0x1000  }
0x41e: {  	[sflag:s24] =	ssyncset.done $0x0  }
0x41f: {  	[sflag:s24] =	ssyncadd.s32 $0xFFFFF000  }
0x420: {  	_ =	swait.ge [sflag:s24], $0x1000  }
0x421: {  	[sflag:s24] =	ssyncset.done $0x0  }
0x422: {  	[sflag:s24] =	ssyncadd.s32 $0xFFFFF000  }
0x423: {  	_ =	swait.ge [sflag:s24], $0x1000  }
0x424: {  	[sflag:s24] =	ssyncset.done $0x0  }
0x425: {  	[sflag:s24] =	ssyncadd.s32 $0xFFFFF000  }
0x426: {  	_ =	swait.ge [sflag:s24], $0x1000  }
0x427: {  	[sflag:s24] =	ssyncset.done $0x0  }
0x428: {  	[sflag:s24] =	ssyncadd.s32 $0xFFFFF000  }
0x429: {  	_ =	swait.ge [sflag:s24], $0x1000  }
0x42a: {  	[sflag:s24] =	ssyncset.done $0x0  }
0x42b: {  	[sflag:s24] =	ssyncadd.s32 $0xFFFFF000  }
0x42c: {  	_ =	swait.ge [sflag:s24], $0x1000  }
0x42d: {  	[sflag:s24] =	ssyncset.done $0x0  }
0x42e: {  	[sflag:s24] =	ssyncadd.s32 $0xFFFFF000  }
0x42f: {  	_ =	swait.ge [sflag:s24], $0x1000  }
0x430: {  	[sflag:s24] =	ssyncset.done $0x0  }
0x431: {  	[sflag:s24] =	ssyncadd.s32 $0xFFFFF000  }
0x432: {  	_ =	swait.ge [sflag:s24], $0x1000  }
0x433: {  	[sflag:s24] =	ssyncset.done $0x0  }
0x434: {  	[sflag:s24] =	ssyncadd.s32 $0xFFFFF000  }
0x435: {  	_ =	swait.ge [sflag:s24], $0x1000  }
0x436: {  	[sflag:s24] =	ssyncset.done $0x0  }
0x437: {  	[sflag:s24] =	ssyncadd.s32 $0xFFFFF000  }
0x438: {  	_ =	swait.ge [sflag:s24], $0x1000  }
0x439: {  	[sflag:s24] =	ssyncset.done $0x0  }
0x43a: {  	[sflag:s24] =	ssyncadd.s32 $0xFFFFF000  }
0x43b: {  	_ =	swait.ge [sflag:s23], $0x80  }
0x43c: {  	[sflag:s23] =	ssyncset.done $0x0  }
0x43d: {  	[sflag:s23] =	ssyncadd.s32 $0xFFFFFF80  }
0x43e: {  	_ =	swait.ge [sflag:s23], $0x80  }
0x43f: {  	[sflag:s23] =	ssyncset.done $0x0  }
0x440: {  	[sflag:s23] =	ssyncadd.s32 $0xFFFFFF80  }
0x441: {  	_ =	swait.ge [sflag:s23], $0x800  }
0x442: {  	[sflag:s23] =	ssyncset.done $0x0  }
0x443: {  	[sflag:s23] =	ssyncadd.s32 $0xFFFFF800  }
0x444: {  	_ =	swait.ge [sflag:s23], $0x80  }
0x445: {  	[sflag:s23] =	ssyncset.done $0x0  }
0x446: {  	[sflag:s23] =	ssyncadd.s32 $0xFFFFFF80  }
0x447: {  	_ =	swait.ge [sflag:s23], $0x80  }
0x448: {  	[sflag:s23] =	ssyncset.done $0x0  }
0x449: {  	[sflag:s23] =	ssyncadd.s32 $0xFFFFFF80  }
0x44a: {  	_ =	swait.ge [sflag:s23], $0x800  }
0x44b: {  	[sflag:s23] =	ssyncset.done $0x0  }
0x44c: {  	[sflag:s23] =	ssyncadd.s32 $0xFFFFF800  }
0x44d: {  	_ =	swait.ge [sflag:s23], $0x80  }
0x44e: {  	[sflag:s23] =	ssyncset.done $0x0  }
0x44f: {  	[sflag:s23] =	ssyncadd.s32 $0xFFFFFF80  }
0x450: {  	_ =	swait.ge [sflag:s23], $0x80  }
0x451: {  	[sflag:s23] =	ssyncset.done $0x0  }
0x452: {  	[sflag:s23] =	ssyncadd.s32 $0xFFFFFF80  }
0x453: {  	_ =	swait.ge [sflag:s23], $0x800  }
0x454: {  	[sflag:s23] =	ssyncset.done $0x0  }
0x455: {  	[sflag:s23] =	ssyncadd.s32 $0xFFFFF800  }
0x456: {  	_ =	swait.ge [sflag:s23], $0x80  }
0x457: {  	[sflag:s23] =	ssyncset.done $0x0  }
0x458: {  	[sflag:s23] =	ssyncadd.s32 $0xFFFFFF80  }
0x459: {  	_ =	swait.ge [sflag:s23], $0x80  }
0x45a: {  	[sflag:s23] =	ssyncset.done $0x0  }
0x45b: {  	[sflag:s23] =	ssyncadd.s32 $0xFFFFFF80  }
0x45c: {  	_ =	swait.ge [sflag:s23], $0x800  }
0x45d: {  	[sflag:s23] =	ssyncset.done $0x0  }
0x45e: {  	[sflag:s23] =	ssyncadd.s32 $0xFFFFF800  }
0x45f: {  	_ =	swait.ge [sflag:s23], $0x80  }
0x460: {  	[sflag:s23] =	ssyncset.done $0x0  }
0x461: {  	[sflag:s23] =	ssyncadd.s32 $0xFFFFFF80  }
0x462: {  	_ =	swait.ge [sflag:s23], $0x80  }
0x463: {  	[sflag:s23] =	ssyncset.done $0x0  }
0x464: {  	[sflag:s23] =	ssyncadd.s32 $0xFFFFFF80  }
0x465: {  	_ =	swait.ge [sflag:s23], $0x800  }
0x466: {  	[sflag:s23] =	ssyncset.done $0x0  }
0x467: {  	[sflag:s23] =	ssyncadd.s32 $0xFFFFF800  }
0x468: {  	_ =	swait.ge [sflag:s23], $0x80  }
0x469: {  	[sflag:s23] =	ssyncset.done $0x0  }
0x46a: {  	[sflag:s23] =	ssyncadd.s32 $0xFFFFFF80  }
0x46b: {  	_ =	swait.ge [sflag:s23], $0x80  }
0x46c: {  	[sflag:s23] =	ssyncset.done $0x0  }
0x46d: {  	[sflag:s23] =	ssyncadd.s32 $0xFFFFFF80  }
0x46e: {  	_ =	swait.ge [sflag:s23], $0x800  }
0x46f: {  	[sflag:s23] =	ssyncset.done $0x0  }
0x470: {  	[sflag:s23] =	ssyncadd.s32 $0xFFFFF800  }
0x471: {  	s1 =	simm.s32 $0x14F00;
	[bflag:$0x0] =	sbarrier.arrive $0xFFFF  }
0x472: {  	[tilespmem:s10], [sflag:$0x3] =	stream.indirect.gather [spmem:s2], $0x20, s1, s4, $0xb8;
	[tilespmem:$0x1A500] =	vst v63  }
0x473: {  	_ = 	snop  }
0x474: {  	[tilespmem:s7], [sflag:$0x3] =	stream.indirect.gather [spmem:s2], $0x20, s19, s4, $0xb8;
	[tilespmem:$0x1A500] =	vst v63  }
0x475: {  	_ =	swait.ge [sflag:s13], $0x1000  }
0x476: {  	[sflag:s13] =	ssyncset.done $0x0  }
0x477: {  	[sflag:s13] =	ssyncadd.s32 $0xFFFFF000  }
0x478: {  	_ =	swait.ge [sflag:s13], $0x1000  }
0x479: {  	[sflag:s13] =	ssyncset.done $0x0  }
0x47a: {  	s14 =	rddreg [dreg:$0x7];
	[sflag:s13] =	ssyncadd.s32 $0xFFFFF000  }
0x47b: {  	[hbm4b:s14+s8] =	stream.strided.scatter [tilespmem:s10], [sflag:$0x4], $0x1000, s9, s8, $0x38;
	[tilespmem:$0x1A500] =	vst v63  }
0x47c: {  	_ =	swait.ge [sflag:s3], $0x1000  }
0x47d: {  	[sflag:s3] =	ssyncset.done $0x0  }
0x47e: {  	s15 =	rddreg [dreg:$0x8];
	[sflag:s3] =	ssyncadd.s32 $0xFFFFF000  }
0x47f: {  	[hbm4b:s15+s8] =	stream.strided.scatter [tilespmem:s7], [sflag:$0x4], $0x1000, s9, s8, $0x38;
	[tilespmem:$0x1A500] =	vst v63  }
0x480: {  	_ =	swait.ge [sflag:s3], $0x1000  }
0x481: {  	[sflag:s3] =	ssyncset.done $0x0  }
0x482: {  	s12 =	simm.s32 $0x14F80;
	[sflag:s3] =	ssyncadd.s32 $0xFFFFF000  }
0x483: {  	[tilespmem:s10], [sflag:$0x3] =	stream.indirect.gather [spmem:s2], $0x20, s12, s4, $0xb8;
	[tilespmem:$0x1A500] =	vst v63  }
0x484: {  	_ = 	snop  }
0x485: {  	[tilespmem:s7], [sflag:$0x3] =	stream.indirect.gather [spmem:s2], $0x20, s25, s4, $0xb8;
	[tilespmem:$0x1A500] =	vst v63  }
0x486: {  	_ =	swait.ge [sflag:s13], $0x1000  }
0x487: {  	[sflag:s13] =	ssyncset.done $0x0  }
0x488: {  	[sflag:s13] =	ssyncadd.s32 $0xFFFFF000  }
0x489: {  	_ =	swait.ge [sflag:s13], $0x1000  }
0x48a: {  	[sflag:s13] =	ssyncset.done $0x0  }
0x48b: {  	s16 =	rddreg [dreg:$0x9];
	[sflag:s13] =	ssyncadd.s32 $0xFFFFF000  }
0x48c: {  	[hbm4b:s16+s8] =	stream.strided.scatter [tilespmem:s10], [sflag:$0x4], $0x1000, s9, s8, $0x38;
	[tilespmem:$0x1A500] =	vst v63  }
0x48d: {  	_ =	swait.ge [sflag:s3], $0x1000  }
0x48e: {  	[sflag:s3] =	ssyncset.done $0x0  }
0x48f: {  	s17 =	rddreg [dreg:$0xa];
	[sflag:s3] =	ssyncadd.s32 $0xFFFFF000  }
0x490: {  	[hbm4b:s17+s8] =	stream.strided.scatter [tilespmem:s7], [sflag:$0x4], $0x1000, s9, s8, $0x38;
	[tilespmem:$0x1A500] =	vst v63  }
0x491: {  	_ =	swait.ge [sflag:s3], $0x1000  }
0x492: {  	[sflag:s3] =	ssyncset.done $0x0  }
0x493: {  	s6 =	simm.s32 $0x15000;
	[sflag:s3] =	ssyncadd.s32 $0xFFFFF000  }
0x494: {  	[tilespmem:s10], [sflag:$0x3] =	stream.indirect.gather [spmem:s2], $0x20, s6, s4, $0xb8;
	[tilespmem:$0x1A500] =	vst v63  }
0x495: {  	_ = 	snop  }
0x496: {  	[tilespmem:s7], [sflag:$0x3] =	stream.indirect.gather [spmem:s2], $0x20, s22, s4, $0xb8;
	[tilespmem:$0x1A500] =	vst v63  }
0x497: {  	_ =	swait.ge [sflag:s13], $0x1000  }
0x498: {  	[sflag:s13] =	ssyncset.done $0x0  }
0x499: {  	[sflag:s13] =	ssyncadd.s32 $0xFFFFF000  }
0x49a: {  	_ =	swait.ge [sflag:s13], $0x1000  }
0x49b: {  	[sflag:s13] =	ssyncset.done $0x0  }
0x49c: {  	s19 =	rddreg [dreg:$0xb];
	[sflag:s13] =	ssyncadd.s32 $0xFFFFF000  }
0x49d: {  	[hbm4b:s19+s8] =	stream.strided.scatter [tilespmem:s10], [sflag:$0x4], $0x1000, s9, s8, $0x38;
	[tilespmem:$0x1A500] =	vst v63  }
0x49e: {  	_ =	swait.ge [sflag:s3], $0x1000  }
0x49f: {  	[sflag:s3] =	ssyncset.done $0x0  }
0x4a0: {  	s20 =	rddreg [dreg:$0xc];
	[sflag:s3] =	ssyncadd.s32 $0xFFFFF000  }
0x4a1: {  	[hbm4b:s20+s8] =	stream.strided.scatter [tilespmem:s7], [sflag:$0x4], $0x1000, s9, s8, $0x38;
	[tilespmem:$0x1A500] =	vst v63  }
0x4a2: {  	_ =	swait.ge [sflag:s3], $0x1000  }
0x4a3: {  	[sflag:s3] =	ssyncset.done $0x0  }
0x4a4: {  	s5 =	simm.s32 $0x15080;
	[sflag:s3] =	ssyncadd.s32 $0xFFFFF000  }
0x4a5: {  	[tilespmem:s10], [sflag:$0x3] =	stream.indirect.gather [spmem:s2], $0x20, s5, s4, $0xb8;
	[tilespmem:$0x1A500] =	vst v63  }
0x4a6: {  	s21 =	simm.s32 $0x15380  }
0x4a7: {  	[tilespmem:s7], [sflag:$0x3] =	stream.indirect.gather [spmem:s2], $0x20, s21, s4, $0xb8;
	[tilespmem:$0x1A500] =	vst v63  }
0x4a8: {  	_ =	swait.ge [sflag:s13], $0x1000  }
0x4a9: {  	[sflag:s13] =	ssyncset.done $0x0  }
0x4aa: {  	[sflag:s13] =	ssyncadd.s32 $0xFFFFF000  }
0x4ab: {  	_ =	swait.ge [sflag:s13], $0x1000  }
0x4ac: {  	[sflag:s13] =	ssyncset.done $0x0  }
0x4ad: {  	s22 =	rddreg [dreg:$0xd];
	[sflag:s13] =	ssyncadd.s32 $0xFFFFF000  }
0x4ae: {  	[hbm4b:s22+s8] =	stream.strided.scatter [tilespmem:s10], [sflag:$0x4], $0x1000, s9, s8, $0x38;
	[tilespmem:$0x1A500] =	vst v63  }
0x4af: {  	_ =	swait.ge [sflag:s3], $0x1000  }
0x4b0: {  	[sflag:s3] =	ssyncset.done $0x0  }
0x4b1: {  	s23 =	rddreg [dreg:$0xe];
	[sflag:s3] =	ssyncadd.s32 $0xFFFFF000  }
0x4b2: {  	[hbm4b:s23+s8] =	stream.strided.scatter [tilespmem:s7], [sflag:$0x4], $0x1000, s9, s8, $0x38;
	[tilespmem:$0x1A500] =	vst v63  }
0x4b3: {  	_ =	swait.ge [sflag:s3], $0x1000  }
0x4b4: {  	[sflag:s3] =	ssyncset.done $0x0  }
0x4b5: {  	[sflag:s3] =	ssyncadd.s32 $0xFFFFF000  }
0x4b6: {  	[tilespmem:s10], [sflag:$0x3] =	stream.indirect.gather [spmem:s2], $0x20, s18, s4, $0xb8;
	[tilespmem:$0x1A500] =	vst v63  }
0x4b7: {  	s24 =	simm.s32 $0x15400  }
0x4b8: {  	[tilespmem:s7], [sflag:$0x3] =	stream.indirect.gather [spmem:s2], $0x20, s24, s4, $0xb8;
	[tilespmem:$0x1A500] =	vst v63  }
0x4b9: {  	_ =	swait.ge [sflag:s13], $0x1000  }
0x4ba: {  	[sflag:s13] =	ssyncset.done $0x0  }
0x4bb: {  	[sflag:s13] =	ssyncadd.s32 $0xFFFFF000  }
0x4bc: {  	_ =	swait.ge [sflag:s13], $0x1000  }
0x4bd: {  	[sflag:s13] =	ssyncset.done $0x0  }
0x4be: {  	s25 =	rddreg [dreg:$0xf];
	[sflag:s13] =	ssyncadd.s32 $0xFFFFF000  }
0x4bf: {  	[hbm4b:s25+s8] =	stream.strided.scatter [tilespmem:s10], [sflag:$0x4], $0x1000, s9, s8, $0x38;
	[tilespmem:$0x1A500] =	vst v63  }
0x4c0: {  	_ =	swait.ge [sflag:s3], $0x1000  }
0x4c1: {  	[sflag:s3] =	ssyncset.done $0x0  }
0x4c2: {  	s26 =	rddreg [dreg:$0x10];
	[sflag:s3] =	ssyncadd.s32 $0xFFFFF000  }
0x4c3: {  	[hbm4b:s26+s8] =	stream.strided.scatter [tilespmem:s7], [sflag:$0x4], $0x1000, s9, s8, $0x38;
	[tilespmem:$0x1A500] =	vst v63  }
0x4c4: {  	_ =	swait.ge [sflag:s3], $0x1000  }
0x4c5: {  	[sflag:s3] =	ssyncset.done $0x0  }
0x4c6: {  	[sflag:s3] =	ssyncadd.s32 $0xFFFFF000  }
0x4c7: {  	[tilespmem:s10], [sflag:$0x3] =	stream.indirect.gather [spmem:s2], $0x20, s30, s4, $0xb8;
	[tilespmem:$0x1A500] =	vst v63  }
0x4c8: {  	_ = 	snop  }
0x4c9: {  	[tilespmem:s7], [sflag:$0x3] =	stream.indirect.gather [spmem:s2], $0x20, s29, s4, $0xb8;
	[tilespmem:$0x1A500] =	vst v63  }
0x4ca: {  	_ =	swait.ge [sflag:s13], $0x1000  }
0x4cb: {  	[sflag:s13] =	ssyncset.done $0x0  }
0x4cc: {  	[sflag:s13] =	ssyncadd.s32 $0xFFFFF000  }
0x4cd: {  	_ =	swait.ge [sflag:s13], $0x1000  }
0x4ce: {  	[sflag:s13] =	ssyncset.done $0x0  }
0x4cf: {  	s30 =	rddreg [dreg:$0x11];
	[sflag:s13] =	ssyncadd.s32 $0xFFFFF000  }
0x4d0: {  	[hbm4b:s30+s8] =	stream.strided.scatter [tilespmem:s10], [sflag:$0x4], $0x1000, s9, s8, $0x38;
	[tilespmem:$0x1A500] =	vst v63  }
0x4d1: {  	_ =	swait.ge [sflag:s3], $0x1000  }
0x4d2: {  	[sflag:s3] =	ssyncset.done $0x0  }
0x4d3: {  	s31 =	rddreg [dreg:$0x12];
	[sflag:s3] =	ssyncadd.s32 $0xFFFFF000  }
0x4d4: {  	[hbm4b:s31+s8] =	stream.strided.scatter [tilespmem:s7], [sflag:$0x4], $0x1000, s9, s8, $0x38;
	[tilespmem:$0x1A500] =	vst v63  }
0x4d5: {  	_ =	swait.ge [sflag:s3], $0x1000  }
0x4d6: {  	s1 =	simm.s32 @!p0 $0x0;
	s2 =	simm.s32 @!p0 $0x15500;
	[sflag:s3] =	ssyncset.done $0x0  }
0x4d7: {  	s0 =	rddreg [dreg:$0x13];
	[sflag:s3] =	ssyncadd.s32 $0xFFFFF000;
	s3 =	simm.s32 @!p0 $0x4  }
0x4d8: {  	[hbm4b:s0+s1] =	stream.linear.scatter @!p0 [tilespmem:s2], [sflag:$0x4], $0x800, $0x38;
	[tilespmem:$0x1A500] =	vst v63  }
0x4d9: {  	_ =	swait.ge @!p0 [sflag:s3], $0x800  }
0x4da: {  	[sflag:s3] =	ssyncset.done @!p0 $0x0  }
0x4db: {  	s2 =	simm.s32 @!p0 $0x15D00;
	s0 =	rddreg [dreg:$0x14];
	[sflag:s3] =	ssyncadd.s32 @!p0 $0xFFFFF800  }
0x4dc: {  	[hbm4b:s0+s1] =	stream.linear.scatter @!p0 [tilespmem:s2], [sflag:$0x4], $0x800, $0x38;
	[tilespmem:$0x1A500] =	vst v63  }
0x4dd: {  	_ =	swait.ge @!p0 [sflag:s3], $0x800  }
0x4de: {  	[sflag:s3] =	ssyncset.done @!p0 $0x0  }
0x4df: {  	s2 =	simm.s32 @!p0 $0x16500;
	s0 =	rddreg [dreg:$0x15];
	[sflag:s3] =	ssyncadd.s32 @!p0 $0xFFFFF800  }
0x4e0: {  	[hbm4b:s0+s1] =	stream.linear.scatter @!p0 [tilespmem:s2], [sflag:$0x4], $0x800, $0x38;
	[tilespmem:$0x1A500] =	vst v63  }
0x4e1: {  	_ =	swait.ge @!p0 [sflag:s3], $0x800  }
0x4e2: {  	[sflag:s3] =	ssyncset.done @!p0 $0x0  }
0x4e3: {  	s2 =	simm.s32 @!p0 $0x16D00;
	s0 =	rddreg [dreg:$0x16];
	[sflag:s3] =	ssyncadd.s32 @!p0 $0xFFFFF800  }
0x4e4: {  	[hbm4b:s0+s1] =	stream.linear.scatter @!p0 [tilespmem:s2], [sflag:$0x4], $0x800, $0x38;
	[tilespmem:$0x1A500] =	vst v63  }
0x4e5: {  	_ =	swait.ge @!p0 [sflag:s3], $0x800  }
0x4e6: {  	[sflag:s3] =	ssyncset.done @!p0 $0x0  }
0x4e7: {  	s2 =	simm.s32 @!p0 $0x17500;
	s0 =	rddreg [dreg:$0x17];
	[sflag:s3] =	ssyncadd.s32 @!p0 $0xFFFFF800  }
0x4e8: {  	[hbm4b:s0+s1] =	stream.linear.scatter @!p0 [tilespmem:s2], [sflag:$0x4], $0x800, $0x38;
	[tilespmem:$0x1A500] =	vst v63  }
0x4e9: {  	_ =	swait.ge @!p0 [sflag:s3], $0x800  }
0x4ea: {  	[sflag:s3] =	ssyncset.done @!p0 $0x0  }
0x4eb: {  	s2 =	simm.s32 @!p0 $0x17D00;
	s0 =	rddreg [dreg:$0x18];
	[sflag:s3] =	ssyncadd.s32 @!p0 $0xFFFFF800  }
0x4ec: {  	[hbm4b:s0+s1] =	stream.linear.scatter @!p0 [tilespmem:s2], [sflag:$0x4], $0x800, $0x38;
	[tilespmem:$0x1A500] =	vst v63  }
0x4ed: {  	_ =	swait.ge @!p0 [sflag:s3], $0x800  }
0x4ee: {  	[sflag:s3] =	ssyncset.done @!p0 $0x0  }
0x4ef: {  	[sflag:s3] =	ssyncadd.s32 @!p0 $0xFFFFF800  }
0x4f0: {  	_ =	sfence.sel $0x180000  }
0x4f1: {  	[bflag:$0x0] =	sbarrier.arrive $0xFFFF  }
0x4f2: {  	p0 =	sne.s32 s28, $0x0;
	_ =	strace $0x9000004A  }
0x4f3: {  	s0 =	sadd.s32 @!p0 $0x100000, s11;
	[bflag:$0x2] =	sbarrier.arrive $0xFFFF  }
0x4f4: {  	[sflag:s0] =	ssyncadd.tile.s32 @!p0 $0x1;
	_ =	shalt  }
.LBB2_6:
.Ltmp3:
0x4f5: {  	(pc) =	sbr.rel .LBB2_5-.Ltmp3, $4  }
0x4f6: {  	s28 =	stileid.u32;
	s11 =	rddreg [dreg:$0x3]  }
0x4f7: {  	s1 =	simm.s32 $0x15080;
	s0 =	simm.s32 $0x15000;
	s5 =	simm.s32 $0x14F80  }
0x4f8: {  	s31 =	simm.s32 $0x14F00;
	s20 =	simm.s32 $0x7F00;
	s21 =	simm.s32 $0x6F00  }
0x4f9: {  	s26 =	simm.s32 $0x3F00;
	s17 =	simm.s32 $0x0;
	s6 =	simm.s32 $0xF00  }
.Lfunc_end2:
_tile_overlayer_lowered:
.L_overlay_start_2:
0x4fa: {  	(tag) =	ssettag $0x2  }
0x4fb: {  	s0 =	rddreg [dreg:$0x0];
	s2 =	stileid.u32  }
0x4fc: {  	s1 =	rddreg [dreg:$0x1];
	p0 =	sne.s32 s2, $0x0  }
0x4fd: {  	s3 =	rddreg [dreg:$0x2];
	[bflag:$0x3] =	sbarrier.arrive $0xFFFF;
	s2 =	simm.s32 @!p0 $0x1C04  }
0x4fe: {  	[timem:s3], [sflag:s2] =	dma.local @!p0 [hbm:s0], s1  }
0x4ff: {  	s0 =	simm.s32 @!p0 $0x4  }
0x500: {  	_ =	swait.ge @!p0 [sflag:s0], s1  }
0x501: {  	s1 =	ssub.s32 @!p0 $0x0, s1;
	[sflag:s0] =	ssyncset.done @!p0 $0x0  }
0x502: {  	[sflag:s0] =	ssyncadd.s32 @!p0 s1  }
0x503: {  	[bflag:$0x3] =	sbarrier.arrive $0xFFFF  }
0x504: {  	_ =	shalt  }

</sc_bundles>
